<compile_context>
chip_gen: v7x
topology: tpu7x:2x2x1
jax: 0.10.2.dev20260603
libtpu: 0.0.44.dev20260713+nightly
codegen_flags: <defaults>
</compile_context>

<pallas_src>
import functools

import jax
import jax.numpy as jnp
from jax import lax
from jax.experimental import pallas as pl
from jax.experimental.pallas import tpu as pltpu
from jax.experimental.pallas import tpu_sc as plsc

H = 768
L = 12
NH = 12
DH = 64
E = 8
F1 = 24
F2 = 32
NDH = 64
NLAB = 7
B = 2
S = 512
T = B * S

_NC = 2
_NS = 16
_NW = _NC * _NS
_TPW = T // _NW
_NTAB = 9


def _sc_gather(word, pos, xe, ye, he, we, tte, idx):
    mesh = plsc.VectorSubcoreMesh(core_axis_name="c", subcore_axis_name="s")

    hw = _TPW // 2

    @functools.partial(
        pl.kernel,
        mesh=mesh,
        out_type=jax.ShapeDtypeStruct((_NTAB, T, H), jnp.float32),
        scratch_types=[
            pltpu.VMEM((_NTAB, hw), jnp.int32),
            pltpu.VMEM((_NTAB, hw, H), jnp.float32),
            pltpu.SemaphoreType.DMA,
            pltpu.SemaphoreType.DMA,
        ],
    )
    def k(word_h, pos_h, xe_h, ye_h, he_h, we_h, tte_h, idx_h, out_h,
          idx_v, rows_v, gsem, wsem):
        wid = lax.axis_index("s") * _NC + lax.axis_index("c")
        tables = [word_h, pos_h, xe_h, ye_h, xe_h, ye_h, he_h, we_h, tte_h]
        for half in range(2):
            base = wid * _TPW + half * hw
            for j in range(_NTAB):
                pltpu.sync_copy(idx_h.at[j, pl.ds(base, hw)], idx_v.at[j])
            gathers = [
                pltpu.async_copy(tab.at[idx_v.at[j]], rows_v.at[j], gsem)
                for j, tab in enumerate(tables)
            ]
            for g in gathers:
                g.wait()
            writes = [
                pltpu.async_copy(rows_v.at[j], out_h.at[j, pl.ds(base, hw)],
                                 wsem)
                for j in range(_NTAB)
            ]
            for w in writes:
                w.wait()

    return k(word, pos, xe, ye, he, we, tte, idx)


def _ln(x, g, b):
    m = jnp.mean(x, -1, keepdims=True)
    v = jnp.mean((x - m) * (x - m), -1, keepdims=True)
    return (x - m) / jnp.sqrt(v + 1e-12) * g + b


def _embsum_body(embg_ref, lnw_ref, out_ref):
    acc = embg_ref[0:T, :]
    for j in range(1, _NTAB):
        acc = acc + embg_ref[j * T:(j + 1) * T, :]
    g = lnw_ref[0:1, :]
    b = lnw_ref[1:2, :]
    out_ref[:, :] = _ln(acc, g, b)


def _embsum(emb9, ln_eb):
    return pl.pallas_call(
        _embsum_body,
        out_shape=jax.ShapeDtypeStruct((T, H), jnp.float32),
        compiler_params=pltpu.CompilerParams(
            vmem_limit_bytes=100 * 1024 * 1024),
    )(emb9, ln_eb)


def _dot(a, b):
    return jnp.dot(a, b, preferred_element_type=jnp.float32)


def _softmax_lanes(x):
    m = jnp.max(x, -1, keepdims=True)
    e = jnp.exp(x - m)
    return e / jnp.sum(e, -1, keepdims=True)


def _cdot(a, b, adim):
    return lax.dot_general(a, b, (((adim,), (0,)), ((), ())),
                           preferred_element_type=jnp.float32)


_CH = 256


def _nd_expert(x, w1, b1, w2, b2, w3, b3, w4, b4, bo):
    z = x.reshape(_CH, F1, F2)
    z = _cdot(z, w1, 2) + b1.reshape(1, 1, NDH)
    z = jnp.swapaxes(z, 1, 2)
    z = _cdot(z, w2, 2) + b2.reshape(1, 1, NDH)
    z = jax.nn.gelu(z)
    z = jnp.swapaxes(z, 1, 2)
    z = _cdot(z, w3, 2) + b3.reshape(1, 1, F2)
    z = jnp.swapaxes(z, 1, 2)
    z = _cdot(z, w4, 2) + b4.reshape(1, 1, F1)
    return z.reshape(_CH, H) + bo.reshape(1, H)


def _layers_body(h0_ref, mb_ref, wqkv_ref, bqkv_ref, wo_ref, bo_ref,
                 lnp_ref, gw_ref, gb_ref, e0w_ref, e0b_ref,
                 w1_ref, b1_ref, w2_ref, b2_ref, w3_ref, b3_ref,
                 w4_ref, b4_ref, ndbo_ref, outw_ref, outb_ref,
                 clsw_ref, clsb_ref, logits_ref, h_s, ctx_s, qkv_s):
    l = pl.program_id(0)

    @pl.when(l == 0)
    def _init():
        h_s[:, :] = h0_ref[:, :]

    x = h_s[:, :]

    qkv_s[:, :] = _dot(x, wqkv_ref[0]) + bqkv_ref[0]
    for bi in range(B):
        r0 = bi * S
        for hh in range(NH):
            q = qkv_s[r0:r0 + S, hh * DH:(hh + 1) * DH]
            k = qkv_s[r0:r0 + S, H + hh * DH:H + (hh + 1) * DH]
            v = qkv_s[r0:r0 + S, 2 * H + hh * DH:2 * H + (hh + 1) * DH]
            s = lax.dot_general(q, k, (((1,), (1,)), ((), ())),
                                preferred_element_type=jnp.float32)
            s = s * (1.0 / 8.0) + mb_ref[bi:bi + 1, :]
            p = _softmax_lanes(s)
            ctx_s[r0:r0 + S, hh * DH:(hh + 1) * DH] = _dot(p, v)
    attn = _dot(ctx_s[:, :], wo_ref[0]) + bo_ref[0]
    lnp = lnp_ref[0]
    x = _ln(x + attn, lnp[0:1, :], lnp[1:2, :])

    gl = _dot(x, gw_ref[0]) + gb_ref[0]
    li = lax.broadcasted_iota(jnp.int32, (T, 128), 1)
    gl = jnp.where(li < E, gl, -1e30)
    gates = _softmax_lanes(gl)
    m1 = jnp.max(gates, -1, keepdims=True)
    i1 = jnp.min(jnp.where(gates >= m1, li, 128), -1, keepdims=True)
    g2 = jnp.where(li == i1, -1.0, gates)
    m2 = jnp.max(g2, -1, keepdims=True)
    i2 = jnp.min(jnp.where(g2 >= m2, li, 128), -1, keepdims=True)
    den = m1 + m2 + 1e-9
    v1 = m1 / den
    v2 = m2 / den

    def ew(e):
        return (jnp.where(i1 == e, v1, 0.0) + jnp.where(i2 == e, v2, 0.0))

    out0 = jax.nn.gelu(_dot(x, e0w_ref[0]) + e0b_ref[0])
    w0 = ew(0)
    chunks = []
    for c in range(T // _CH):
        r = slice(c * _CH, (c + 1) * _CH)
        xc = x[r, :]

        def expert_step(e, acc_c, r=r, xc=xc):
            nde = _nd_expert(
                xc,
                w1_ref[0, e], b1_ref[0, e, :],
                w2_ref[0, e], b2_ref[0, e, :],
                w3_ref[0, e], b3_ref[0, e, :],
                w4_ref[0, e], b4_ref[0, e, :],
                ndbo_ref[0, e, :])
            return acc_c + ew(e + 1)[r, :] * nde

        acc_c = lax.fori_loop(0, E - 1, expert_step,
                              w0[r, :] * out0[r, :])
        chunks.append(acc_c)
    acc = jnp.concatenate(chunks, axis=0)

    inter = jax.nn.gelu(acc)
    out = _dot(inter, outw_ref[0]) + outb_ref[0]
    h = _ln(x + out, lnp[2:3, :], lnp[3:4, :])
    h_s[:, :] = h

    @pl.when(l == L - 1)
    def _cls():
        logits_ref[:, :] = _dot(h, clsw_ref[:, :]) + clsb_ref[:, :]


def _run_layers(h0, mb, stk):
    def cb(shape):
        return pl.BlockSpec(shape, lambda l: tuple(0 for _ in shape))

    def lb(shape):
        return pl.BlockSpec((1,) + shape,
                            lambda l: (l,) + tuple(0 for _ in shape))

    in_specs = [
        cb((T, H)),
        cb((8, S)),
        lb((H, 3 * H)),
        lb((1, 3 * H)),
        lb((H, H)),
        lb((1, H)),
        lb((4, H)),
        lb((H, 128)),
        lb((1, 128)),
        lb((H, H)),
        lb((1, H)),
        lb((E - 1, F2, NDH)),
        lb((E - 1, NDH)),
        lb((E - 1, F1, NDH)),
        lb((E - 1, NDH)),
        lb((E - 1, NDH, F2)),
        lb((E - 1, F2)),
        lb((E - 1, NDH, F1)),
        lb((E - 1, F1)),
        lb((E - 1, H)),
        lb((H, H)),
        lb((1, H)),
        cb((H, 128)),
        cb((1, 128)),
    ]
    return pl.pallas_call(
        _layers_body,
        grid=(L,),
        in_specs=in_specs,
        out_specs=pl.BlockSpec((T, 128), lambda l: (0, 0)),
        out_shape=jax.ShapeDtypeStruct((T, 128), jnp.float32),
        scratch_shapes=[
            pltpu.VMEM((T, H), jnp.float32),
            pltpu.VMEM((T, H), jnp.float32),
            pltpu.VMEM((T, 3 * H), jnp.float32),
        ],
        compiler_params=pltpu.CompilerParams(
            dimension_semantics=("arbitrary",),
            vmem_limit_bytes=128 * 1024 * 1024),
    )(h0, mb, *stk)


def _stack_weights(p):
    ls = p["layers"]
    j = jnp.arange(H)
    perm = (j % F1) * F2 + j // F1

    def st(name):
        return jnp.stack([lp[name] for lp in ls])

    def stb(name, width):
        return jnp.stack([lp[name].reshape(1, width) for lp in ls])

    def nd(name):
        return jnp.stack([jnp.stack([x[name] for x in lp["nd"]]) for lp in ls])

    def ndb(name):
        return jnp.stack(
            [jnp.stack([x[name] for x in lp["nd"]]) for lp in ls])

    wqkv = jnp.stack(
        [jnp.concatenate([lp["wq"], lp["wk"], lp["wv"]], 1) for lp in ls])
    bqkv = jnp.stack(
        [jnp.concatenate([lp["bq"], lp["bk"], lp["bv"]])[None] for lp in ls])
    lnp = jnp.stack([
        jnp.stack([lp["attn_ln_g"], lp["attn_ln_b"],
                   lp["out_ln_g"], lp["out_ln_b"]]) for lp in ls])
    gw = jnp.zeros((L, H, 128), jnp.float32).at[:, :, :E].set(st("gate_w"))
    gb = jnp.zeros((L, 1, 128), jnp.float32).at[:, 0, :E].set(st("gate_b"))
    clsw = jnp.zeros((H, 128), jnp.float32).at[:, :NLAB].set(p["cls_w"])
    clsb = jnp.zeros((1, 128), jnp.float32).at[0, :NLAB].set(p["cls_b"])
    return [
        wqkv, bqkv, st("wo"), stb("bo", H), lnp, gw, gb,
        st("e0_w")[:, :, perm], stb("e0_b", H)[:, :, perm],
        nd("w1"), ndb("b1"), nd("w2"), ndb("b2"),
        nd("w3"), ndb("b3"), nd("w4"), ndb("b4"), ndb("bo")[:, :, perm],
        st("out_w")[:, perm, :], stb("out_b", H), clsw, clsb,
    ]


def kernel(input_ids, attention_mask, token_type_ids, bbox, params):
    ids = input_ids.reshape(-1).astype(jnp.int32)
    pos = jnp.broadcast_to(
        jnp.arange(S, dtype=jnp.int32)[None], (B, S)).reshape(-1)
    b0 = bbox[..., 0].reshape(-1)
    b1 = bbox[..., 1].reshape(-1)
    b2 = bbox[..., 2].reshape(-1)
    b3 = bbox[..., 3].reshape(-1)
    hh = jnp.clip(b3 - b1, 0, 1023)
    ww = jnp.clip(b2 - b0, 0, 1023)
    tt = token_type_ids.reshape(-1).astype(jnp.int32)
    idx = jnp.stack([ids, pos, b0, b1, b2, b3, hh, ww, tt]).astype(jnp.int32)

    emb9 = _sc_gather(params["word_emb"], params["pos_emb"],
                      params["x_emb"], params["y_emb"],
                      params["h_emb"], params["w_emb"],
                      params["tt_emb"], idx)

    ln_eb = jnp.stack([params["emb_ln_g"], params["emb_ln_b"]])
    h0 = _embsum(emb9.reshape(_NTAB * T, H), ln_eb)

    mb = jnp.zeros((8, S), jnp.float32).at[:B].set(
        (1.0 - attention_mask.astype(jnp.float32)) * -10000.0)

    logits = _run_layers(h0, mb, _stack_weights(params))
    return logits[:, :NLAB].reshape(B, S, NLAB)

# --- scband reference (transcript-rebuilt; emitter-appended) ---
"""Pipeline reference for scband-layout-mo-nd-efor-token-classification-19121194402300 (READ-ONLY COPY).

The authoritative reference and input builder live on the scoring server;
editing this copy changes nothing except your own understanding.
"""

import jax, jax.numpy as jnp
import numpy as np

H=768; L=12; NH=12; DH=64; E=8; TOPK=2
VOCAB=30522; MAXPOS=512; COORD=1024; NDH=64; NLAB=7
F1=24; F2=32

def _nx(key, cnt, shape, s=0.02):
    cnt[0]+=1
    return jax.random.normal(jax.random.fold_in(key,cnt[0]), shape, jnp.float32)*s

def _init_params(key):
    cnt=[0]
    nx=lambda sh: _nx(key,cnt,sh)
    p={'word_emb':nx((VOCAB,H)),'pos_emb':nx((MAXPOS,H)),'x_emb':nx((COORD,H)),'y_emb':nx((COORD,H)),'h_emb':nx((COORD,H)),'w_emb':nx((COORD,H)),'tt_emb':nx((2,H)),'emb_ln_g':jnp.ones((H,)),'emb_ln_b':jnp.zeros((H,)),'cls_w':nx((H,NLAB)),'cls_b':jnp.zeros((NLAB,)),'layers':[]}
    for _ in range(L):
        lp={'wq':nx((H,H)),'bq':jnp.zeros((H,)),'wk':nx((H,H)),'bk':jnp.zeros((H,)),'wv':nx((H,H)),'bv':jnp.zeros((H,)),'wo':nx((H,H)),'bo':jnp.zeros((H,)),'attn_ln_g':jnp.ones((H,)),'attn_ln_b':jnp.zeros((H,)),'gate_w':nx((H,E)),'gate_b':jnp.zeros((E,)),'e0_w':nx((H,H)),'e0_b':jnp.zeros((H,)),'out_w':nx((H,H)),'out_b':jnp.zeros((H,)),'out_ln_g':jnp.ones((H,)),'out_ln_b':jnp.zeros((H,)),'nd':[]}
        for _ in range(E-1):
            lp['nd'].append({'w1':nx((F2,NDH)),'b1':jnp.zeros((NDH,)),'w2':nx((F1,NDH)),'b2':jnp.zeros((NDH,)),'w3':nx((NDH,F2)),'b3':jnp.zeros((F2,)),'w4':nx((NDH,F1)),'b4':jnp.zeros((F1,)),'bo':jnp.zeros((H,))})
        p['layers'].append(lp)
    return p

def _ln(x,g,b):
    m=jnp.mean(x,-1,keepdims=True); v=jnp.var(x,-1,keepdims=True)
    return (x-m)/jnp.sqrt(v+1e-12)*g+b

def _ndffn(t,nd):
    T=t.shape[0]
    z=t.reshape(T,F1,F2)
    z=jnp.einsum('tab,bc->tac',z,nd['w1'])+nd['b1']
    z=jnp.einsum('tan,ad->tdn',z,nd['w2'])+nd['b2'][None,:,None]
    z=jax.nn.gelu(z)
    z=jnp.einsum('tdn,nc->tdc',z,nd['w3'])+nd['b3']
    z=jnp.einsum('tdc,da->tac',z,nd['w4'])+nd['b4'][None,:,None]
    return z.reshape(T,H)+nd['bo']

def _forward(params,input_ids,attention_mask,token_type_ids,bbox):
    B,S=input_ids.shape
    pos=jnp.arange(S)
    emb=(params['word_emb'][input_ids]+params['pos_emb'][pos][None]
         +params['x_emb'][bbox[...,0]]+params['y_emb'][bbox[...,1]]
         +params['x_emb'][bbox[...,2]]+params['y_emb'][bbox[...,3]]
         +params['h_emb'][jnp.clip(bbox[...,3]-bbox[...,1],0,COORD-1)]
         +params['w_emb'][jnp.clip(bbox[...,2]-bbox[...,0],0,COORD-1)]
         +params['tt_emb'][token_type_ids])
    h=_ln(emb,params['emb_ln_g'],params['emb_ln_b'])
    ext=(1.0-attention_mask.astype(jnp.float32))[:,None,None,:]*-10000.0
    stacked=jax.tree_util.tree_map(lambda *xs: jnp.stack(xs), *params['layers'])
    def _layer(h, lp):
        q=(h@lp['wq']+lp['bq']).reshape(B,S,NH,DH).transpose(0,2,1,3)
        k=(h@lp['wk']+lp['bk']).reshape(B,S,NH,DH).transpose(0,2,1,3)
        v=(h@lp['wv']+lp['bv']).reshape(B,S,NH,DH).transpose(0,2,1,3)
        att=jax.nn.softmax(jnp.einsum('bhqd,bhkd->bhqk',q,k)/np.sqrt(DH)+ext,-1)
        ctx=jnp.einsum('bhqk,bhkd->bhqd',att,v).transpose(0,2,1,3).reshape(B,S,H)
        h=_ln(h+ctx@lp['wo']+lp['bo'],lp['attn_ln_g'],lp['attn_ln_b'])
        t=h.reshape(B*S,H)
        gates=jax.nn.softmax(t@lp['gate_w']+lp['gate_b'],-1)
        topv,topi=jax.lax.top_k(gates,TOPK)
        topv=topv/(jnp.sum(topv,-1,keepdims=True)+1e-9)
        w=jnp.sum(jax.nn.one_hot(topi,E)*topv[...,None],axis=1)
        outs=[jax.nn.gelu(t@lp['e0_w']+lp['e0_b'])]
        for nd in lp['nd']:
            outs.append(_ndffn(t,nd))
        eo=jnp.stack(outs,0)
        moe=jnp.einsum('te,eth->th',w,eo)
        inter=jax.nn.gelu(moe)
        out=(inter@lp['out_w']+lp['out_b']).reshape(B,S,H)
        h=_ln(h+out,lp['out_ln_g'],lp['out_ln_b'])
        return h, None
    h,_=jax.lax.scan(_layer,h,stacked)
    return h@params['cls_w']+params['cls_b']

def setup_inputs():
    key=jax.random.key(0)
    B,S=2,512
    return {'input_ids':jax.random.randint(jax.random.fold_in(key,101),(B,S),0,VOCAB,dtype=jnp.int32),
            'attention_mask':jnp.ones((B,S),jnp.int32),
            'token_type_ids':jnp.zeros((B,S),jnp.int32),
            'bbox':jax.random.randint(jax.random.fold_in(key,102),(B,S,4),0,1000,dtype=jnp.int32),
            'params':_init_params(jax.random.fold_in(key,103))}

def reference(input_ids,attention_mask,token_type_ids,bbox,params):
    return _forward(params,input_ids,attention_mask,token_type_ids,bbox)

if __name__ == "__main__":
    import jax
    _d = setup_inputs()
    print(jax.jit(kernel)(*tuple(_d.values())))

</pallas_src>

<mosaic_0001>
#map = affine_map<(d0, d1) -> (0, 0)>
#map1 = affine_map<(d0, d1) -> (0, 0, 0)>
module attributes {stable_mosaic.version = 14 : i64} {
  func.func @k(%arg0: i32, %arg1: i32, %arg2: memref<30522x768xf32, #tpu.memory_space<hbm>>, %arg3: memref<512x768xf32, #tpu.memory_space<hbm>>, %arg4: memref<1024x768xf32, #tpu.memory_space<hbm>>, %arg5: memref<1024x768xf32, #tpu.memory_space<hbm>>, %arg6: memref<1024x768xf32, #tpu.memory_space<hbm>>, %arg7: memref<1024x768xf32, #tpu.memory_space<hbm>>, %arg8: memref<2x768xf32, #tpu.memory_space<hbm>>, %arg9: memref<9x1024xi32, #tpu.memory_space<hbm>>, %arg10: memref<9x1024x768xf32, #tpu.memory_space<hbm>>, %arg11: memref<9x16xi32, #tpu.memory_space<vmem>>, %arg12: memref<9x16x768xf32, #tpu.memory_space<vmem>>, %arg13: memref<!tpu.dma_semaphore, #tpu.memory_space<semaphore_mem>>, %arg14: memref<!tpu.dma_semaphore, #tpu.memory_space<semaphore_mem>>) attributes {dimension_semantics = [#tpu.dimension_semantics<core_parallel>, #tpu.dimension_semantics<subcore_parallel>], iteration_bounds = array<i64: 2, 16>, scalar_prefetch = 0 : i64, scratch_operands = 4 : i64, tpu.core_type = #tpu.core_type<sc_vector_subcore>, window_params = [{transform_indices = #map}, {transform_indices = #map}, {transform_indices = #map}, {transform_indices = #map}, {transform_indices = #map}, {transform_indices = #map}, {transform_indices = #map}, {transform_indices = #map}, {transform_indices = #map1}]} {
    %mul3A = arith.constant 2 : i32
    %mul3A_0 = arith.muli %arg1, %mul3A : i32
    %add3A = arith.addi %mul3A_0, %arg0 : i32
    %mul3A_1 = arith.constant 32 : i32
    %mul3A_2 = arith.muli %add3A, %mul3A_1 : i32
    %add3A_3 = arith.constant 0 : i32
    %add3A_4 = arith.addi %mul3A_2, %add3A_3 : i32
    %run_scoped3A = arith.constant 0 : i32
    %run_scoped3A_5 = arith.constant 0 : i32
    "tpu.region"() ({
      %run_scoped3A_1050 = tpu.sem_alloc : memref<!tpu.dma_semaphore, #tpu.memory_space<semaphore_mem>>
      %dma_start3A_1051 = arith.constant 0 : i32
      %dma_start3A_1052 = tpu.memref_slice %arg11[%run_scoped3A_5, %dma_start3A_1051] : memref<9x16xi32, #tpu.memory_space<vmem>> -> memref<1x16xi32, #tpu.memory_space<vmem>>
      %dma_start3A_1053 = tpu.memref_squeeze %dma_start3A_1052 : memref<1x16xi32, #tpu.memory_space<vmem>> -> memref<16xi32, #tpu.memory_space<vmem>>
      %dma_start3A_1054 = tpu.memref_slice %arg9[%run_scoped3A, %add3A_4] : memref<9x1024xi32, #tpu.memory_space<hbm>> -> memref<1x16xi32, #tpu.memory_space<hbm>>
      %dma_start3A_1055 = tpu.memref_squeeze %dma_start3A_1054 : memref<1x16xi32, #tpu.memory_space<hbm>> -> memref<16xi32, #tpu.memory_space<hbm>>
      %dma_start3A_1056 = arith.constant 0 : i32
      %dma_start3A_1057 = tpu.memref_slice %arg11[%run_scoped3A_5, %dma_start3A_1056] : memref<9x16xi32, #tpu.memory_space<vmem>> -> memref<1x16xi32, #tpu.memory_space<vmem>>
      %dma_start3A_1058 = tpu.memref_squeeze %dma_start3A_1057 : memref<1x16xi32, #tpu.memory_space<vmem>> -> memref<16xi32, #tpu.memory_space<vmem>>
      %dma_start3A_1059 = tpu.memref_slice %arg9[%run_scoped3A, %add3A_4] : memref<9x1024xi32, #tpu.memory_space<hbm>> -> memref<1x16xi32, #tpu.memory_space<hbm>>
      %dma_start3A_1060 = tpu.memref_squeeze %dma_start3A_1059 : memref<1x16xi32, #tpu.memory_space<hbm>> -> memref<16xi32, #tpu.memory_space<hbm>>
      tpu.enqueue_dma source(%dma_start3A_1060 : memref<16xi32, #tpu.memory_space<hbm>>) target(%dma_start3A_1058 : memref<16xi32, #tpu.memory_space<vmem>>) target_semaphore(%run_scoped3A_1050 : memref<!tpu.dma_semaphore, #tpu.memory_space<semaphore_mem>>)
      %dma_wait3A_1061 = arith.constant 0 : i32
      %dma_wait3A_1062 = tpu.memref_slice %arg11[%run_scoped3A_5, %dma_wait3A_1061] : memref<9x16xi32, #tpu.memory_space<vmem>> -> memref<1x16xi32, #tpu.memory_space<vmem>>
      %dma_wait3A_1063 = tpu.memref_squeeze %dma_wait3A_1062 : memref<1x16xi32, #tpu.memory_space<vmem>> -> memref<16xi32, #tpu.memory_space<vmem>>
      %dma_wait3A_1064 = tpu.memref_slice %arg9[%run_scoped3A, %add3A_4] : memref<9x1024xi32, #tpu.memory_space<hbm>> -> memref<1x16xi32, #tpu.memory_space<hbm>>
      %dma_wait3A_1065 = tpu.memref_squeeze %dma_wait3A_1064 : memref<1x16xi32, #tpu.memory_space<hbm>> -> memref<16xi32, #tpu.memory_space<hbm>>
      %dma_wait3A_1066 = arith.constant 0 : i32
      %dma_wait3A_1067 = tpu.memref_slice %arg11[%run_scoped3A_5, %dma_wait3A_1066] : memref<9x16xi32, #tpu.memory_space<vmem>> -> memref<1x16xi32, #tpu.memory_space<vmem>>
      %dma_wait3A_1068 = tpu.memref_squeeze %dma_wait3A_1067 : memref<1x16xi32, #tpu.memory_space<vmem>> -> memref<16xi32, #tpu.memory_space<vmem>>
      %dma_wait3A_1069 = tpu.memref_slice %arg9[%run_scoped3A, %add3A_4] : memref<9x1024xi32, #tpu.memory_space<hbm>> -> memref<1x16xi32, #tpu.memory_space<hbm>>
      %dma_wait3A_1070 = tpu.memref_squeeze %dma_wait3A_1069 : memref<1x16xi32, #tpu.memory_space<hbm>> -> memref<16xi32, #tpu.memory_space<hbm>>
      tpu.wait_dma2 semaphore(%run_scoped3A_1050 : memref<!tpu.dma_semaphore, #tpu.memory_space<semaphore_mem>>) src(%dma_wait3A_1070 : memref<16xi32, #tpu.memory_space<hbm>>) dst(%dma_wait3A_1068 : memref<16xi32, #tpu.memory_space<vmem>>)
      tpu.yield
    }) : () -> ()
    %run_scoped3A_6 = arith.constant 1 : i32
    %run_scoped3A_7 = arith.constant 1 : i32
    "tpu.region"() ({
      %run_scoped3A_1050 = tpu.sem_alloc : memref<!tpu.dma_semaphore, #tpu.memory_space<semaphore_mem>>
      %dma_start3A_1051 = arith.constant 0 : i32
      %dma_start3A_1052 = tpu.memref_slice %arg11[%run_scoped3A_7, %dma_start3A_1051] : memref<9x16xi32, #tpu.memory_space<vmem>> -> memref<1x16xi32, #tpu.memory_space<vmem>>
      %dma_start3A_1053 = tpu.memref_squeeze %dma_start3A_1052 : memref<1x16xi32, #tpu.memory_space<vmem>> -> memref<16xi32, #tpu.memory_space<vmem>>
      %dma_start3A_1054 = tpu.memref_slice %arg9[%run_scoped3A_6, %add3A_4] : memref<9x1024xi32, #tpu.memory_space<hbm>> -> memref<1x16xi32, #tpu.memory_space<hbm>>
      %dma_start3A_1055 = tpu.memref_squeeze %dma_start3A_1054 : memref<1x16xi32, #tpu.memory_space<hbm>> -> memref<16xi32, #tpu.memory_space<hbm>>
      %dma_start3A_1056 = arith.constant 0 : i32
      %dma_start3A_1057 = tpu.memref_slice %arg11[%run_scoped3A_7, %dma_start3A_1056] : memref<9x16xi32, #tpu.memory_space<vmem>> -> memref<1x16xi32, #tpu.memory_space<vmem>>
      %dma_start3A_1058 = tpu.memref_squeeze %dma_start3A_1057 : memref<1x16xi32, #tpu.memory_space<vmem>> -> memref<16xi32, #tpu.memory_space<vmem>>
      %dma_start3A_1059 = tpu.memref_slice %arg9[%run_scoped3A_6, %add3A_4] : memref<9x1024xi32, #tpu.memory_space<hbm>> -> memref<1x16xi32, #tpu.memory_space<hbm>>
      %dma_start3A_1060 = tpu.memref_squeeze %dma_start3A_1059 : memref<1x16xi32, #tpu.memory_space<hbm>> -> memref<16xi32, #tpu.memory_space<hbm>>
      tpu.enqueue_dma source(%dma_start3A_1060 : memref<16xi32, #tpu.memory_space<hbm>>) target(%dma_start3A_1058 : memref<16xi32, #tpu.memory_space<vmem>>) target_semaphore(%run_scoped3A_1050 : memref<!tpu.dma_semaphore, #tpu.memory_space<semaphore_mem>>)
      %dma_wait3A_1061 = arith.constant 0 : i32
      %dma_wait3A_1062 = tpu.memref_slice %arg11[%run_scoped3A_7, %dma_wait3A_1061] : memref<9x16xi32, #tpu.memory_space<vmem>> -> memref<1x16xi32, #tpu.memory_space<vmem>>
      %dma_wait3A_1063 = tpu.memref_squeeze %dma_wait3A_1062 : memref<1x16xi32, #tpu.memory_space<vmem>> -> memref<16xi32, #tpu.memory_space<vmem>>
      %dma_wait3A_1064 = tpu.memref_slice %arg9[%run_scoped3A_6, %add3A_4] : memref<9x1024xi32, #tpu.memory_space<hbm>> -> memref<1x16xi32, #tpu.memory_space<hbm>>
      %dma_wait3A_1065 = tpu.memref_squeeze %dma_wait3A_1064 : memref<1x16xi32, #tpu.memory_space<hbm>> -> memref<16xi32, #tpu.memory_space<hbm>>
      %dma_wait3A_1066 = arith.constant 0 : i32
      %dma_wait3A_1067 = tpu.memref_slice %arg11[%run_scoped3A_7, %dma_wait3A_1066] : memref<9x16xi32, #tpu.memory_space<vmem>> -> memref<1x16xi32, #tpu.memory_space<vmem>>
      %dma_wait3A_1068 = tpu.memref_squeeze %dma_wait3A_1067 : memref<1x16xi32, #tpu.memory_space<vmem>> -> memref<16xi32, #tpu.memory_space<vmem>>
      %dma_wait3A_1069 = tpu.memref_slice %arg9[%run_scoped3A_6, %add3A_4] : memref<9x1024xi32, #tpu.memory_space<hbm>> -> memref<1x16xi32, #tpu.memory_space<hbm>>
      %dma_wait3A_1070 = tpu.memref_squeeze %dma_wait3A_1069 : memref<1x16xi32, #tpu.memory_space<hbm>> -> memref<16xi32, #tpu.memory_space<hbm>>
      tpu.wait_dma2 semaphore(%run_scoped3A_1050 : memref<!tpu.dma_semaphore, #tpu.memory_space<semaphore_mem>>) src(%dma_wait3A_1070 : memref<16xi32, #tpu.memory_space<hbm>>) dst(%dma_wait3A_1068 : memref<16xi32, #tpu.memory_space<vmem>>)
      tpu.yield
    }) : () -> ()
    %run_scoped3A_8 = arith.constant 2 : i32
    %run_scoped3A_9 = arith.constant 2 : i32
    "tpu.region"() ({
      %run_scoped3A_1050 = tpu.sem_alloc : memref<!tpu.dma_semaphore, #tpu.memory_space<semaphore_mem>>
      %dma_start3A_1051 = arith.constant 0 : i32
      %dma_start3A_1052 = tpu.memref_slice %arg11[%run_scoped3A_9, %dma_start3A_1051] : memref<9x16xi32, #tpu.memory_space<vmem>> -> memref<1x16xi32, #tpu.memory_space<vmem>>
      %dma_start3A_1053 = tpu.memref_squeeze %dma_start3A_1052 : memref<1x16xi32, #tpu.memory_space<vmem>> -> memref<16xi32, #tpu.memory_space<vmem>>
      %dma_start3A_1054 = tpu.memref_slice %arg9[%run_scoped3A_8, %add3A_4] : memref<9x1024xi32, #tpu.memory_space<hbm>> -> memref<1x16xi32, #tpu.memory_space<hbm>>
      %dma_start3A_1055 = tpu.memref_squeeze %dma_start3A_1054 : memref<1x16xi32, #tpu.memory_space<hbm>> -> memref<16xi32, #tpu.memory_space<hbm>>
      %dma_start3A_1056 = arith.constant 0 : i32
      %dma_start3A_1057 = tpu.memref_slice %arg11[%run_scoped3A_9, %dma_start3A_1056] : memref<9x16xi32, #tpu.memory_space<vmem>> -> memref<1x16xi32, #tpu.memory_space<vmem>>
      %dma_start3A_1058 = tpu.memref_squeeze %dma_start3A_1057 : memref<1x16xi32, #tpu.memory_space<vmem>> -> memref<16xi32, #tpu.memory_space<vmem>>
      %dma_start3A_1059 = tpu.memref_slice %arg9[%run_scoped3A_8, %add3A_4] : memref<9x1024xi32, #tpu.memory_space<hbm>> -> memref<1x16xi32, #tpu.memory_space<hbm>>
      %dma_start3A_1060 = tpu.memref_squeeze %dma_start3A_1059 : memref<1x16xi32, #tpu.memory_space<hbm>> -> memref<16xi32, #tpu.memory_space<hbm>>
      tpu.enqueue_dma source(%dma_start3A_1060 : memref<16xi32, #tpu.memory_space<hbm>>) target(%dma_start3A_1058 : memref<16xi32, #tpu.memory_space<vmem>>) target_semaphore(%run_scoped3A_1050 : memref<!tpu.dma_semaphore, #tpu.memory_space<semaphore_mem>>)
      %dma_wait3A_1061 = arith.constant 0 : i32
      %dma_wait3A_1062 = tpu.memref_slice %arg11[%run_scoped3A_9, %dma_wait3A_1061] : memref<9x16xi32, #tpu.memory_space<vmem>> -> memref<1x16xi32, #tpu.memory_space<vmem>>
      %dma_wait3A_1063 = tpu.memref_squeeze %dma_wait3A_1062 : memref<1x16xi32, #tpu.memory_space<vmem>> -> memref<16xi32, #tpu.memory_space<vmem>>
      %dma_wait3A_1064 = tpu.memref_slice %arg9[%run_scoped3A_8, %add3A_4] : memref<9x1024xi32, #tpu.memory_space<hbm>> -> memref<1x16xi32, #tpu.memory_space<hbm>>
      %dma_wait3A_1065 = tpu.memref_squeeze %dma_wait3A_1064 : memref<1x16xi32, #tpu.memory_space<hbm>> -> memref<16xi32, #tpu.memory_space<hbm>>
      %dma_wait3A_1066 = arith.constant 0 : i32
      %dma_wait3A_1067 = tpu.memref_slice %arg11[%run_scoped3A_9, %dma_wait3A_1066] : memref<9x16xi32, #tpu.memory_space<vmem>> -> memref<1x16xi32, #tpu.memory_space<vmem>>
      %dma_wait3A_1068 = tpu.memref_squeeze %dma_wait3A_1067 : memref<1x16xi32, #tpu.memory_space<vmem>> -> memref<16xi32, #tpu.memory_space<vmem>>
      %dma_wait3A_1069 = tpu.memref_slice %arg9[%run_scoped3A_8, %add3A_4] : memref<9x1024xi32, #tpu.memory_space<hbm>> -> memref<1x16xi32, #tpu.memory_space<hbm>>
      %dma_wait3A_1070 = tpu.memref_squeeze %dma_wait3A_1069 : memref<1x16xi32, #tpu.memory_space<hbm>> -> memref<16xi32, #tpu.memory_space<hbm>>
      tpu.wait_dma2 semaphore(%run_scoped3A_1050 : memref<!tpu.dma_semaphore, #tpu.memory_space<semaphore_mem>>) src(%dma_wait3A_1070 : memref<16xi32, #tpu.memory_space<hbm>>) dst(%dma_wait3A_1068 : memref<16xi32, #tpu.memory_space<vmem>>)
      tpu.yield
    }) : () -> ()
    %run_scoped3A_10 = arith.constant 3 : i32
    %run_scoped3A_11 = arith.constant 3 : i32
    "tpu.region"() ({
      %run_scoped3A_1050 = tpu.sem_alloc : memref<!tpu.dma_semaphore, #tpu.memory_space<semaphore_mem>>
      %dma_start3A_1051 = arith.constant 0 : i32
      %dma_start3A_1052 = tpu.memref_slice %arg11[%run_scoped3A_11, %dma_start3A_1051] : memref<9x16xi32, #tpu.memory_space<vmem>> -> memref<1x16xi32, #tpu.memory_space<vmem>>
      %dma_start3A_1053 = tpu.memref_squeeze %dma_start3A_1052 : memref<1x16xi32, #tpu.memory_space<vmem>> -> memref<16xi32, #tpu.memory_space<vmem>>
      %dma_start3A_1054 = tpu.memref_slice %arg9[%run_scoped3A_10, %add3A_4] : memref<9x1024xi32, #tpu.memory_space<hbm>> -> memref<1x16xi32, #tpu.memory_space<hbm>>
      %dma_start3A_1055 = tpu.memref_squeeze %dma_start3A_1054 : memref<1x16xi32, #tpu.memory_space<hbm>> -> memref<16xi32, #tpu.memory_space<hbm>>
      %dma_start3A_1056 = arith.constant 0 : i32
      %dma_start3A_1057 = tpu.memref_slice %arg11[%run_scoped3A_11, %dma_start3A_1056] : memref<9x16xi32, #tpu.memory_space<vmem>> -> memref<1x16xi32, #tpu.memory_space<vmem>>
      %dma_start3A_1058 = tpu.memref_squeeze %dma_start3A_1057 : memref<1x16xi32, #tpu.memory_space<vmem>> -> memref<16xi32, #tpu.memory_space<vmem>>
      %dma_start3A_1059 = tpu.memref_slice %arg9[%run_scoped3A_10, %add3A_4] : memref<9x1024xi32, #tpu.memory_space<hbm>> -> memref<1x16xi32, #tpu.memory_space<hbm>>
      %dma_start3A_1060 = tpu.memref_squeeze %dma_start3A_1059 : memref<1x16xi32, #tpu.memory_space<hbm>> -> memref<16xi32, #tpu.memory_space<hbm>>
      tpu.enqueue_dma source(%dma_start3A_1060 : memref<16xi32, #tpu.memory_space<hbm>>) target(%dma_start3A_1058 : memref<16xi32, #tpu.memory_space<vmem>>) target_semaphore(%run_scoped3A_1050 : memref<!tpu.dma_semaphore, #tpu.memory_space<semaphore_mem>>)
      %dma_wait3A_1061 = arith.constant 0 : i32
      %dma_wait3A_1062 = tpu.memref_slice %arg11[%run_scoped3A_11, %dma_wait3A_1061] : memref<9x16xi32, #tpu.memory_space<vmem>> -> memref<1x16xi32, #tpu.memory_space<vmem>>
      %dma_wait3A_1063 = tpu.memref_squeeze %dma_wait3A_1062 : memref<1x16xi32, #tpu.memory_space<vmem>> -> memref<16xi32, #tpu.memory_space<vmem>>
      %dma_wait3A_1064 = tpu.memref_slice %arg9[%run_scoped3A_10, %add3A_4] : memref<9x1024xi32, #tpu.memory_space<hbm>> -> memref<1x16xi32, #tpu.memory_space<hbm>>
      %dma_wait3A_1065 = tpu.memref_squeeze %dma_wait3A_1064 : memref<1x16xi32, #tpu.memory_space<hbm>> -> memref<16xi32, #tpu.memory_space<hbm>>
      %dma_wait3A_1066 = arith.constant 0 : i32
      %dma_wait3A_1067 = tpu.memref_slice %arg11[%run_scoped3A_11, %dma_wait3A_1066] : memref<9x16xi32, #tpu.memory_space<vmem>> -> memref<1x16xi32, #tpu.memory_space<vmem>>
      %dma_wait3A_1068 = tpu.memref_squeeze %dma_wait3A_1067 : memref<1x16xi32, #tpu.memory_space<vmem>> -> memref<16xi32, #tpu.memory_space<vmem>>
      %dma_wait3A_1069 = tpu.memref_slice %arg9[%run_scoped3A_10, %add3A_4] : memref<9x1024xi32, #tpu.memory_space<hbm>> -> memref<1x16xi32, #tpu.memory_space<hbm>>
      %dma_wait3A_1070 = tpu.memref_squeeze %dma_wait3A_1069 : memref<1x16xi32, #tpu.memory_space<hbm>> -> memref<16xi32, #tpu.memory_space<hbm>>
      tpu.wait_dma2 semaphore(%run_scoped3A_1050 : memref<!tpu.dma_semaphore, #tpu.memory_space<semaphore_mem>>) src(%dma_wait3A_1070 : memref<16xi32, #tpu.memory_space<hbm>>) dst(%dma_wait3A_1068 : memref<16xi32, #tpu.memory_space<vmem>>)
      tpu.yield
    }) : () -> ()
    %run_scoped3A_12 = arith.constant 4 : i32
    %run_scoped3A_13 = arith.constant 4 : i32
    "tpu.region"() ({
      %run_scoped3A_1050 = tpu.sem_alloc : memref<!tpu.dma_semaphore, #tpu.memory_space<semaphore_mem>>
      %dma_start3A_1051 = arith.constant 0 : i32
      %dma_start3A_1052 = tpu.memref_slice %arg11[%run_scoped3A_13, %dma_start3A_1051] : memref<9x16xi32, #tpu.memory_space<vmem>> -> memref<1x16xi32, #tpu.memory_space<vmem>>
      %dma_start3A_1053 = tpu.memref_squeeze %dma_start3A_1052 : memref<1x16xi32, #tpu.memory_space<vmem>> -> memref<16xi32, #tpu.memory_space<vmem>>
      %dma_start3A_1054 = tpu.memref_slice %arg9[%run_scoped3A_12, %add3A_4] : memref<9x1024xi32, #tpu.memory_space<hbm>> -> memref<1x16xi32, #tpu.memory_space<hbm>>
      %dma_start3A_1055 = tpu.memref_squeeze %dma_start3A_1054 : memref<1x16xi32, #tpu.memory_space<hbm>> -> memref<16xi32, #tpu.memory_space<hbm>>
      %dma_start3A_1056 = arith.constant 0 : i32
      %dma_start3A_1057 = tpu.memref_slice %arg11[%run_scoped3A_13, %dma_start3A_1056] : memref<9x16xi32, #tpu.memory_space<vmem>> -> memref<1x16xi32, #tpu.memory_space<vmem>>
      %dma_start3A_1058 = tpu.memref_squeeze %dma_start3A_1057 : memref<1x16xi32, #tpu.memory_space<vmem>> -> memref<16xi32, #tpu.memory_space<vmem>>
      %dma_start3A_1059 = tpu.memref_slice %arg9[%run_scoped3A_12, %add3A_4] : memref<9x1024xi32, #tpu.memory_space<hbm>> -> memref<1x16xi32, #tpu.memory_space<hbm>>
      %dma_start3A_1060 = tpu.memref_squeeze %dma_start3A_1059 : memref<1x16xi32, #tpu.memory_space<hbm>> -> memref<16xi32, #tpu.memory_space<hbm>>
      tpu.enqueue_dma source(%dma_start3A_1060 : memref<16xi32, #tpu.memory_space<hbm>>) target(%dma_start3A_1058 : memref<16xi32, #tpu.memory_space<vmem>>) target_semaphore(%run_scoped3A_1050 : memref<!tpu.dma_semaphore, #tpu.memory_space<semaphore_mem>>)
      %dma_wait3A_1061 = arith.constant 0 : i32
      %dma_wait3A_1062 = tpu.memref_slice %arg11[%run_scoped3A_13, %dma_wait3A_1061] : memref<9x16xi32, #tpu.memory_space<vmem>> -> memref<1x16xi32, #tpu.memory_space<vmem>>
      %dma_wait3A_1063 = tpu.memref_squeeze %dma_wait3A_1062 : memref<1x16xi32, #tpu.memory_space<vmem>> -> memref<16xi32, #tpu.memory_space<vmem>>
      %dma_wait3A_1064 = tpu.memref_slice %arg9[%run_scoped3A_12, %add3A_4] : memref<9x1024xi32, #tpu.memory_space<hbm>> -> memref<1x16xi32, #tpu.memory_space<hbm>>
      %dma_wait3A_1065 = tpu.memref_squeeze %dma_wait3A_1064 : memref<1x16xi32, #tpu.memory_space<hbm>> -> memref<16xi32, #tpu.memory_space<hbm>>
      %dma_wait3A_1066 = arith.constant 0 : i32
      %dma_wait3A_1067 = tpu.memref_slice %arg11[%run_scoped3A_13, %dma_wait3A_1066] : memref<9x16xi32, #tpu.memory_space<vmem>> -> memref<1x16xi32, #tpu.memory_space<vmem>>
      %dma_wait3A_1068 = tpu.memref_squeeze %dma_wait3A_1067 : memref<1x16xi32, #tpu.memory_space<vmem>> -> memref<16xi32, #tpu.memory_space<vmem>>
      %dma_wait3A_1069 = tpu.memref_slice %arg9[%run_scoped3A_12, %add3A_4] : memref<9x1024xi32, #tpu.memory_space<hbm>> -> memref<1x16xi32, #tpu.memory_space<hbm>>
      %dma_wait3A_1070 = tpu.memref_squeeze %dma_wait3A_1069 : memref<1x16xi32, #tpu.memory_space<hbm>> -> memref<16xi32, #tpu.memory_space<hbm>>
      tpu.wait_dma2 semaphore(%run_scoped3A_1050 : memref<!tpu.dma_semaphore, #tpu.memory_space<semaphore_mem>>) src(%dma_wait3A_1070 : memref<16xi32, #tpu.memory_space<hbm>>) dst(%dma_wait3A_1068 : memref<16xi32, #tpu.memory_space<vmem>>)
      tpu.yield
    }) : () -> ()
    %run_scoped3A_14 = arith.constant 5 : i32
    %run_scoped3A_15 = arith.constant 5 : i32
    "tpu.region"() ({
      %run_scoped3A_1050 = tpu.sem_alloc : memref<!tpu.dma_semaphore, #tpu.memory_space<semaphore_mem>>
      %dma_start3A_1051 = arith.constant 0 : i32
      %dma_start3A_1052 = tpu.memref_slice %arg11[%run_scoped3A_15, %dma_start3A_1051] : memref<9x16xi32, #tpu.memory_space<vmem>> -> memref<1x16xi32, #tpu.memory_space<vmem>>
      %dma_start3A_1053 = tpu.memref_squeeze %dma_start3A_1052 : memref<1x16xi32, #tpu.memory_space<vmem>> -> memref<16xi32, #tpu.memory_space<vmem>>
      %dma_start3A_1054 = tpu.memref_slice %arg9[%run_scoped3A_14, %add3A_4] : memref<9x1024xi32, #tpu.memory_space<hbm>> -> memref<1x16xi32, #tpu.memory_space<hbm>>
      %dma_start3A_1055 = tpu.memref_squeeze %dma_start3A_1054 : memref<1x16xi32, #tpu.memory_space<hbm>> -> memref<16xi32, #tpu.memory_space<hbm>>
      %dma_start3A_1056 = arith.constant 0 : i32
      %dma_start3A_1057 = tpu.memref_slice %arg11[%run_scoped3A_15, %dma_start3A_1056] : memref<9x16xi32, #tpu.memory_space<vmem>> -> memref<1x16xi32, #tpu.memory_space<vmem>>
      %dma_start3A_1058 = tpu.memref_squeeze %dma_start3A_1057 : memref<1x16xi32, #tpu.memory_space<vmem>> -> memref<16xi32, #tpu.memory_space<vmem>>
      %dma_start3A_1059 = tpu.memref_slice %arg9[%run_scoped3A_14, %add3A_4] : memref<9x1024xi32, #tpu.memory_space<hbm>> -> memref<1x16xi32, #tpu.memory_space<hbm>>
      %dma_start3A_1060 = tpu.memref_squeeze %dma_start3A_1059 : memref<1x16xi32, #tpu.memory_space<hbm>> -> memref<16xi32, #tpu.memory_space<hbm>>
      tpu.enqueue_dma source(%dma_start3A_1060 : memref<16xi32, #tpu.memory_space<hbm>>) target(%dma_start3A_1058 : memref<16xi32, #tpu.memory_space<vmem>>) target_semaphore(%run_scoped3A_1050 : memref<!tpu.dma_semaphore, #tpu.memory_space<semaphore_mem>>)
      %dma_wait3A_1061 = arith.constant 0 : i32
      %dma_wait3A_1062 = tpu.memref_slice %arg11[%run_scoped3A_15, %dma_wait3A_1061] : memref<9x16xi32, #tpu.memory_space<vmem>> -> memref<1x16xi32, #tpu.memory_space<vmem>>
      %dma_wait3A_1063 = tpu.memref_squeeze %dma_wait3A_1062 : memref<1x16xi32, #tpu.memory_space<vmem>> -> memref<16xi32, #tpu.memory_space<vmem>>
      %dma_wait3A_1064 = tpu.memref_slice %arg9[%run_scoped3A_14, %add3A_4] : memref<9x1024xi32, #tpu.memory_space<hbm>> -> memref<1x16xi32, #tpu.memory_space<hbm>>
      %dma_wait3A_1065 = tpu.memref_squeeze %dma_wait3A_1064 : memref<1x16xi32, #tpu.memory_space<hbm>> -> memref<16xi32, #tpu.memory_space<hbm>>
      %dma_wait3A_1066 = arith.constant 0 : i32
      %dma_wait3A_1067 = tpu.memref_slice %arg11[%run_scoped3A_15, %dma_wait3A_1066] : memref<9x16xi32, #tpu.memory_space<vmem>> -> memref<1x16xi32, #tpu.memory_space<vmem>>
      %dma_wait3A_1068 = tpu.memref_squeeze %dma_wait3A_1067 : memref<1x16xi32, #tpu.memory_space<vmem>> -> memref<16xi32, #tpu.memory_space<vmem>>
      %dma_wait3A_1069 = tpu.memref_slice %arg9[%run_scoped3A_14, %add3A_4] : memref<9x1024xi32, #tpu.memory_space<hbm>> -> memref<1x16xi32, #tpu.memory_space<hbm>>
      %dma_wait3A_1070 = tpu.memref_squeeze %dma_wait3A_1069 : memref<1x16xi32, #tpu.memory_space<hbm>> -> memref<16xi32, #tpu.memory_space<hbm>>
      tpu.wait_dma2 semaphore(%run_scoped3A_1050 : memref<!tpu.dma_semaphore, #tpu.memory_space<semaphore_mem>>) src(%dma_wait3A_1070 : memref<16xi32, #tpu.memory_space<hbm>>) dst(%dma_wait3A_1068 : memref<16xi32, #tpu.memory_space<vmem>>)
      tpu.yield
    }) : () -> ()
    %run_scoped3A_16 = arith.constant 6 : i32
    %run_scoped3A_17 = arith.constant 6 : i32
    "tpu.region"() ({
      %run_scoped3A_1050 = tpu.sem_alloc : memref<!tpu.dma_semaphore, #tpu.memory_space<semaphore_mem>>
      %dma_start3A_1051 = arith.constant 0 : i32
      %dma_start3A_1052 = tpu.memref_slice %arg11[%run_scoped3A_17, %dma_start3A_1051] : memref<9x16xi32, #tpu.memory_space<vmem>> -> memref<1x16xi32, #tpu.memory_space<vmem>>
      %dma_start3A_1053 = tpu.memref_squeeze %dma_start3A_1052 : memref<1x16xi32, #tpu.memory_space<vmem>> -> memref<16xi32, #tpu.memory_space<vmem>>
      %dma_start3A_1054 = tpu.memref_slice %arg9[%run_scoped3A_16, %add3A_4] : memref<9x1024xi32, #tpu.memory_space<hbm>> -> memref<1x16xi32, #tpu.memory_space<hbm>>
      %dma_start3A_1055 = tpu.memref_squeeze %dma_start3A_1054 : memref<1x16xi32, #tpu.memory_space<hbm>> -> memref<16xi32, #tpu.memory_space<hbm>>
      %dma_start3A_1056 = arith.constant 0 : i32
      %dma_start3A_1057 = tpu.memref_slice %arg11[%run_scoped3A_17, %dma_start3A_1056] : memref<9x16xi32, #tpu.memory_space<vmem>> -> memref<1x16xi32, #tpu.memory_space<vmem>>
      %dma_start3A_1058 = tpu.memref_squeeze %dma_start3A_1057 : memref<1x16xi32, #tpu.memory_space<vmem>> -> memref<16xi32, #tpu.memory_space<vmem>>
      %dma_start3A_1059 = tpu.memref_slice %arg9[%run_scoped3A_16, %add3A_4] : memref<9x1024xi32, #tpu.memory_space<hbm>> -> memref<1x16xi32, #tpu.memory_space<hbm>>
      %dma_start3A_1060 = tpu.memref_squeeze %dma_start3A_1059 : memref<1x16xi32, #tpu.memory_space<hbm>> -> memref<16xi32, #tpu.memory_space<hbm>>
      tpu.enqueue_dma source(%dma_start3A_1060 : memref<16xi32, #tpu.memory_space<hbm>>) target(%dma_start3A_1058 : memref<16xi32, #tpu.memory_space<vmem>>) target_semaphore(%run_scoped3A_1050 : memref<!tpu.dma_semaphore, #tpu.memory_space<semaphore_mem>>)
      %dma_wait3A_1061 = arith.constant 0 : i32
      %dma_wait3A_1062 = tpu.memref_slice %arg11[%run_scoped3A_17, %dma_wait3A_1061] : memref<9x16xi32, #tpu.memory_space<vmem>> -> memref<1x16xi32, #tpu.memory_space<vmem>>
      %dma_wait3A_1063 = tpu.memref_squeeze %dma_wait3A_1062 : memref<1x16xi32, #tpu.memory_space<vmem>> -> memref<16xi32, #tpu.memory_space<vmem>>
      %dma_wait3A_1064 = tpu.memref_slice %arg9[%run_scoped3A_16, %add3A_4] : memref<9x1024xi32, #tpu.memory_space<hbm>> -> memref<1x16xi32, #tpu.memory_space<hbm>>
      %dma_wait3A_1065 = tpu.memref_squeeze %dma_wait3A_1064 : memref<1x16xi32, #tpu.memory_space<hbm>> -> memref<16xi32, #tpu.memory_space<hbm>>
      %dma_wait3A_1066 = arith.constant 0 : i32
      %dma_wait3A_1067 = tpu.memref_slice %arg11[%run_scoped3A_17, %dma_wait3A_1066] : memref<9x16xi32, #tpu.memory_space<vmem>> -> memref<1x16xi32, #tpu.memory_space<vmem>>
      %dma_wait3A_1068 = tpu.memref_squeeze %dma_wait3A_1067 : memref<1x16xi32, #tpu.memory_space<vmem>> -> memref<16xi32, #tpu.memory_space<vmem>>
      %dma_wait3A_1069 = tpu.memref_slice %arg9[%run_scoped3A_16, %add3A_4] : memref<9x1024xi32, #tpu.memory_space<hbm>> -> memref<1x16xi32, #tpu.memory_space<hbm>>
      %dma_wait3A_1070 = tpu.memref_squeeze %dma_wait3A_1069 : memref<1x16xi32, #tpu.memory_space<hbm>> -> memref<16xi32, #tpu.memory_space<hbm>>
      tpu.wait_dma2 semaphore(%run_scoped3A_1050 : memref<!tpu.dma_semaphore, #tpu.memory_space<semaphore_mem>>) src(%dma_wait3A_1070 : memref<16xi32, #tpu.memory_space<hbm>>) dst(%dma_wait3A_1068 : memref<16xi32, #tpu.memory_space<vmem>>)
      tpu.yield
    }) : () -> ()
    %run_scoped3A_18 = arith.constant 7 : i32
    %run_scoped3A_19 = arith.constant 7 : i32
    "tpu.region"() ({
      %run_scoped3A_1050 = tpu.sem_alloc : memref<!tpu.dma_semaphore, #tpu.memory_space<semaphore_mem>>
      %dma_start3A_1051 = arith.constant 0 : i32
      %dma_start3A_1052 = tpu.memref_slice %arg11[%run_scoped3A_19, %dma_start3A_1051] : memref<9x16xi32, #tpu.memory_space<vmem>> -> memref<1x16xi32, #tpu.memory_space<vmem>>
      %dma_start3A_1053 = tpu.memref_squeeze %dma_start3A_1052 : memref<1x16xi32, #tpu.memory_space<vmem>> -> memref<16xi32, #tpu.memory_space<vmem>>
      %dma_start3A_1054 = tpu.memref_slice %arg9[%run_scoped3A_18, %add3A_4] : memref<9x1024xi32, #tpu.memory_space<hbm>> -> memref<1x16xi32, #tpu.memory_space<hbm>>
      %dma_start3A_1055 = tpu.memref_squeeze %dma_start3A_1054 : memref<1x16xi32, #tpu.memory_space<hbm>> -> memref<16xi32, #tpu.memory_space<hbm>>
      %dma_start3A_1056 = arith.constant 0 : i32
      %dma_start3A_1057 = tpu.memref_slice %arg11[%run_scoped3A_19, %dma_start3A_1056] : memref<9x16xi32, #tpu.memory_space<vmem>> -> memref<1x16xi32, #tpu.memory_space<vmem>>
      %dma_start3A_1058 = tpu.memref_squeeze %dma_start3A_1057 : memref<1x16xi32, #tpu.memory_space<vmem>> -> memref<16xi32, #tpu.memory_space<vmem>>
      %dma_start3A_1059 = tpu.memref_slice %arg9[%run_scoped3A_18, %add3A_4] : memref<9x1024xi32, #tpu.memory_space<hbm>> -> memref<1x16xi32, #tpu.memory_space<hbm>>
      %dma_start3A_1060 = tpu.memref_squeeze %dma_start3A_1059 : memref<1x16xi32, #tpu.memory_space<hbm>> -> memref<16xi32, #tpu.memory_space<hbm>>
      tpu.enqueue_dma source(%dma_start3A_1060 : memref<16xi32, #tpu.memory_space<hbm>>) target(%dma_start3A_1058 : memref<16xi32, #tpu.memory_space<vmem>>) target_semaphore(%run_scoped3A_1050 : memref<!tpu.dma_semaphore, #tpu.memory_space<semaphore_mem>>)
      %dma_wait3A_1061 = arith.constant 0 : i32
      %dma_wait3A_1062 = tpu.memref_slice %arg11[%run_scoped3A_19, %dma_wait3A_1061] : memref<9x16xi32, #tpu.memory_space<vmem>> -> memref<1x16xi32, #tpu.memory_space<vmem>>
      %dma_wait3A_1063 = tpu.memref_squeeze %dma_wait3A_1062 : memref<1x16xi32, #tpu.memory_space<vmem>> -> memref<16xi32, #tpu.memory_space<vmem>>
      %dma_wait3A_1064 = tpu.memref_slice %arg9[%run_scoped3A_18, %add3A_4] : memref<9x1024xi32, #tpu.memory_space<hbm>> -> memref<1x16xi32, #tpu.memory_space<hbm>>
      %dma_wait3A_1065 = tpu.memref_squeeze %dma_wait3A_1064 : memref<1x16xi32, #tpu.memory_space<hbm>> -> memref<16xi32, #tpu.memory_space<hbm>>
      %dma_wait3A_1066 = arith.constant 0 : i32
      %dma_wait3A_1067 = tpu.memref_slice %arg11[%run_scoped3A_19, %dma_wait3A_1066] : memref<9x16xi32, #tpu.memory_space<vmem>> -> memref<1x16xi32, #tpu.memory_space<vmem>>
      %dma_wait3A_1068 = tpu.memref_squeeze %dma_wait3A_1067 : memref<1x16xi32, #tpu.memory_space<vmem>> -> memref<16xi32, #tpu.memory_space<vmem>>
      %dma_wait3A_1069 = tpu.memref_slice %arg9[%run_scoped3A_18, %add3A_4] : memref<9x1024xi32, #tpu.memory_space<hbm>> -> memref<1x16xi32, #tpu.memory_space<hbm>>
      %dma_wait3A_1070 = tpu.memref_squeeze %dma_wait3A_1069 : memref<1x16xi32, #tpu.memory_space<hbm>> -> memref<16xi32, #tpu.memory_space<hbm>>
      tpu.wait_dma2 semaphore(%run_scoped3A_1050 : memref<!tpu.dma_semaphore, #tpu.memory_space<semaphore_mem>>) src(%dma_wait3A_1070 : memref<16xi32, #tpu.memory_space<hbm>>) dst(%dma_wait3A_1068 : memref<16xi32, #tpu.memory_space<vmem>>)
      tpu.yield
    }) : () -> ()
    %run_scoped3A_20 = arith.constant 8 : i32
    %run_scoped3A_21 = arith.constant 8 : i32
    "tpu.region"() ({
      %run_scoped3A_1050 = tpu.sem_alloc : memref<!tpu.dma_semaphore, #tpu.memory_space<semaphore_mem>>
      %dma_start3A_1051 = arith.constant 0 : i32
      %dma_start3A_1052 = tpu.memref_slice %arg11[%run_scoped3A_21, %dma_start3A_1051] : memref<9x16xi32, #tpu.memory_space<vmem>> -> memref<1x16xi32, #tpu.memory_space<vmem>>
      %dma_start3A_1053 = tpu.memref_squeeze %dma_start3A_1052 : memref<1x16xi32, #tpu.memory_space<vmem>> -> memref<16xi32, #tpu.memory_space<vmem>>
      %dma_start3A_1054 = tpu.memref_slice %arg9[%run_scoped3A_20, %add3A_4] : memref<9x1024xi32, #tpu.memory_space<hbm>> -> memref<1x16xi32, #tpu.memory_space<hbm>>
      %dma_start3A_1055 = tpu.memref_squeeze %dma_start3A_1054 : memref<1x16xi32, #tpu.memory_space<hbm>> -> memref<16xi32, #tpu.memory_space<hbm>>
      %dma_start3A_1056 = arith.constant 0 : i32
      %dma_start3A_1057 = tpu.memref_slice %arg11[%run_scoped3A_21, %dma_start3A_1056] : memref<9x16xi32, #tpu.memory_space<vmem>> -> memref<1x16xi32, #tpu.memory_space<vmem>>
      %dma_start3A_1058 = tpu.memref_squeeze %dma_start3A_1057 : memref<1x16xi32, #tpu.memory_space<vmem>> -> memref<16xi32, #tpu.memory_space<vmem>>
      %dma_start3A_1059 = tpu.memref_slice %arg9[%run_scoped3A_20, %add3A_4] : memref<9x1024xi32, #tpu.memory_space<hbm>> -> memref<1x16xi32, #tpu.memory_space<hbm>>
      %dma_start3A_1060 = tpu.memref_squeeze %dma_start3A_1059 : memref<1x16xi32, #tpu.memory_space<hbm>> -> memref<16xi32, #tpu.memory_space<hbm>>
      tpu.enqueue_dma source(%dma_start3A_1060 : memref<16xi32, #tpu.memory_space<hbm>>) target(%dma_start3A_1058 : memref<16xi32, #tpu.memory_space<vmem>>) target_semaphore(%run_scoped3A_1050 : memref<!tpu.dma_semaphore, #tpu.memory_space<semaphore_mem>>)
      %dma_wait3A_1061 = arith.constant 0 : i32
      %dma_wait3A_1062 = tpu.memref_slice %arg11[%run_scoped3A_21, %dma_wait3A_1061] : memref<9x16xi32, #tpu.memory_space<vmem>> -> memref<1x16xi32, #tpu.memory_space<vmem>>
      %dma_wait3A_1063 = tpu.memref_squeeze %dma_wait3A_1062 : memref<1x16xi32, #tpu.memory_space<vmem>> -> memref<16xi32, #tpu.memory_space<vmem>>
      %dma_wait3A_1064 = tpu.memref_slice %arg9[%run_scoped3A_20, %add3A_4] : memref<9x1024xi32, #tpu.memory_space<hbm>> -> memref<1x16xi32, #tpu.memory_space<hbm>>
      %dma_wait3A_1065 = tpu.memref_squeeze %dma_wait3A_1064 : memref<1x16xi32, #tpu.memory_space<hbm>> -> memref<16xi32, #tpu.memory_space<hbm>>
      %dma_wait3A_1066 = arith.constant 0 : i32
      %dma_wait3A_1067 = tpu.memref_slice %arg11[%run_scoped3A_21, %dma_wait3A_1066] : memref<9x16xi32, #tpu.memory_space<vmem>> -> memref<1x16xi32, #tpu.memory_space<vmem>>
      %dma_wait3A_1068 = tpu.memref_squeeze %dma_wait3A_1067 : memref<1x16xi32, #tpu.memory_space<vmem>> -> memref<16xi32, #tpu.memory_space<vmem>>
      %dma_wait3A_1069 = tpu.memref_slice %arg9[%run_scoped3A_20, %add3A_4] : memref<9x1024xi32, #tpu.memory_space<hbm>> -> memref<1x16xi32, #tpu.memory_space<hbm>>
      %dma_wait3A_1070 = tpu.memref_squeeze %dma_wait3A_1069 : memref<1x16xi32, #tpu.memory_space<hbm>> -> memref<16xi32, #tpu.memory_space<hbm>>
      tpu.wait_dma2 semaphore(%run_scoped3A_1050 : memref<!tpu.dma_semaphore, #tpu.memory_space<semaphore_mem>>) src(%dma_wait3A_1070 : memref<16xi32, #tpu.memory_space<hbm>>) dst(%dma_wait3A_1068 : memref<16xi32, #tpu.memory_space<vmem>>)
      tpu.yield
    }) : () -> ()
    %dma_start3A = arith.constant 0 : i32
    %dma_start3A_22 = arith.constant 0 : i32
    %dma_start3A_23 = arith.constant 0 : i32
    %dma_start3A_24 = arith.constant 0 : i32
    %dma_start3A_25 = tpu.memref_slice %arg12[%dma_start3A_22, %dma_start3A_23, %dma_start3A_24] : memref<9x16x768xf32, #tpu.memory_space<vmem>> -> memref<1x16x768xf32, #tpu.memory_space<vmem>>
    %dma_start3A_26 = tpu.memref_squeeze %dma_start3A_25 : memref<1x16x768xf32, #tpu.memory_space<vmem>> -> memref<16x768xf32, #tpu.memory_space<vmem>>
    %dma_start3A_27 = arith.constant 0 : i32
    %dma_start3A_28 = tpu.memref_slice %arg11[%dma_start3A, %dma_start3A_27] : memref<9x16xi32, #tpu.memory_space<vmem>> -> memref<1x16xi32, #tpu.memory_space<vmem>>
    %dma_start3A_29 = tpu.memref_squeeze %dma_start3A_28 : memref<1x16xi32, #tpu.memory_space<vmem>> -> memref<16xi32, #tpu.memory_space<vmem>>
    %dma_start3A_30 = arith.constant 0 : i32
    %dma_start3A_31 = arith.constant 0 : i32
    %dma_start3A_32 = tpu.memref_slice %arg2[%dma_start3A_30, %dma_start3A_31] : memref<30522x768xf32, #tpu.memory_space<hbm>> -> memref<30522x768xf32, #tpu.memory_space<hbm>>
    tpu.enqueue_indirect_dma source(%dma_start3A_32 : memref<30522x768xf32, #tpu.memory_space<hbm>>) target(%dma_start3A_26 : memref<16x768xf32, #tpu.memory_space<vmem>>) offsets(%dma_start3A_29 : memref<16xi32, #tpu.memory_space<vmem>>) semaphore(%arg13 : memref<!tpu.dma_semaphore, #tpu.memory_space<semaphore_mem>>)
    %dma_start3A_33 = arith.constant 1 : i32
    %dma_start3A_34 = arith.constant 1 : i32
    %dma_start3A_35 = arith.constant 0 : i32
    %dma_start3A_36 = arith.constant 0 : i32
    %dma_start3A_37 = tpu.memref_slice %arg12[%dma_start3A_34, %dma_start3A_35, %dma_start3A_36] : memref<9x16x768xf32, #tpu.memory_space<vmem>> -> memref<1x16x768xf32, #tpu.memory_space<vmem>>
    %dma_start3A_38 = tpu.memref_squeeze %dma_start3A_37 : memref<1x16x768xf32, #tpu.memory_space<vmem>> -> memref<16x768xf32, #tpu.memory_space<vmem>>
    %dma_start3A_39 = arith.constant 0 : i32
    %dma_start3A_40 = tpu.memref_slice %arg11[%dma_start3A_33, %dma_start3A_39] : memref<9x16xi32, #tpu.memory_space<vmem>> -> memref<1x16xi32, #tpu.memory_space<vmem>>
    %dma_start3A_41 = tpu.memref_squeeze %dma_start3A_40 : memref<1x16xi32, #tpu.memory_space<vmem>> -> memref<16xi32, #tpu.memory_space<vmem>>
    %dma_start3A_42 = arith.constant 0 : i32
    %dma_start3A_43 = arith.constant 0 : i32
    %dma_start3A_44 = tpu.memref_slice %arg3[%dma_start3A_42, %dma_start3A_43] : memref<512x768xf32, #tpu.memory_space<hbm>> -> memref<512x768xf32, #tpu.memory_space<hbm>>
    tpu.enqueue_indirect_dma source(%dma_start3A_44 : memref<512x768xf32, #tpu.memory_space<hbm>>) target(%dma_start3A_38 : memref<16x768xf32, #tpu.memory_space<vmem>>) offsets(%dma_start3A_41 : memref<16xi32, #tpu.memory_space<vmem>>) semaphore(%arg13 : memref<!tpu.dma_semaphore, #tpu.memory_space<semaphore_mem>>)
    %dma_start3A_45 = arith.constant 2 : i32
    %dma_start3A_46 = arith.constant 2 : i32
    %dma_start3A_47 = arith.constant 0 : i32
    %dma_start3A_48 = arith.constant 0 : i32
    %dma_start3A_49 = tpu.memref_slice %arg12[%dma_start3A_46, %dma_start3A_47, %dma_start3A_48] : memref<9x16x768xf32, #tpu.memory_space<vmem>> -> memref<1x16x768xf32, #tpu.memory_space<vmem>>
    %dma_start3A_50 = tpu.memref_squeeze %dma_start3A_49 : memref<1x16x768xf32, #tpu.memory_space<vmem>> -> memref<16x768xf32, #tpu.memory_space<vmem>>
    %dma_start3A_51 = arith.constant 0 : i32
    %dma_start3A_52 = tpu.memref_slice %arg11[%dma_start3A_45, %dma_start3A_51] : memref<9x16xi32, #tpu.memory_space<vmem>> -> memref<1x16xi32, #tpu.memory_space<vmem>>
    %dma_start3A_53 = tpu.memref_squeeze %dma_start3A_52 : memref<1x16xi32, #tpu.memory_space<vmem>> -> memref<16xi32, #tpu.memory_space<vmem>>
    %dma_start3A_54 = arith.constant 0 : i32
    %dma_start3A_55 = arith.constant 0 : i32
    %dma_start3A_56 = tpu.memref_slice %arg4[%dma_start3A_54, %dma_start3A_55] : memref<1024x768xf32, #tpu.memory_space<hbm>> -> memref<1024x768xf32, #tpu.memory_space<hbm>>
    tpu.enqueue_indirect_dma source(%dma_start3A_56 : memref<1024x768xf32, #tpu.memory_space<hbm>>) target(%dma_start3A_50 : memref<16x768xf32, #tpu.memory_space<vmem>>) offsets(%dma_start3A_53 : memref<16xi32, #tpu.memory_space<vmem>>) semaphore(%arg13 : memref<!tpu.dma_semaphore, #tpu.memory_space<semaphore_mem>>)
    %dma_start3A_57 = arith.constant 3 : i32
    %dma_start3A_58 = arith.constant 3 : i32
    %dma_start3A_59 = arith.constant 0 : i32
    %dma_start3A_60 = arith.constant 0 : i32
    %dma_start3A_61 = tpu.memref_slice %arg12[%dma_start3A_58, %dma_start3A_59, %dma_start3A_60] : memref<9x16x768xf32, #tpu.memory_space<vmem>> -> memref<1x16x768xf32, #tpu.memory_space<vmem>>
    %dma_start3A_62 = tpu.memref_squeeze %dma_start3A_61 : memref<1x16x768xf32, #tpu.memory_space<vmem>> -> memref<16x768xf32, #tpu.memory_space<vmem>>
    %dma_start3A_63 = arith.constant 0 : i32
    %dma_start3A_64 = tpu.memref_slice %arg11[%dma_start3A_57, %dma_start3A_63] : memref<9x16xi32, #tpu.memory_space<vmem>> -> memref<1x16xi32, #tpu.memory_space<vmem>>
    %dma_start3A_65 = tpu.memref_squeeze %dma_start3A_64 : memref<1x16xi32, #tpu.memory_space<vmem>> -> memref<16xi32, #tpu.memory_space<vmem>>
    %dma_start3A_66 = arith.constant 0 : i32
    %dma_start3A_67 = arith.constant 0 : i32
    %dma_start3A_68 = tpu.memref_slice %arg5[%dma_start3A_66, %dma_start3A_67] : memref<1024x768xf32, #tpu.memory_space<hbm>> -> memref<1024x768xf32, #tpu.memory_space<hbm>>
    tpu.enqueue_indirect_dma source(%dma_start3A_68 : memref<1024x768xf32, #tpu.memory_space<hbm>>) target(%dma_start3A_62 : memref<16x768xf32, #tpu.memory_space<vmem>>) offsets(%dma_start3A_65 : memref<16xi32, #tpu.memory_space<vmem>>) semaphore(%arg13 : memref<!tpu.dma_semaphore, #tpu.memory_space<semaphore_mem>>)
    %dma_start3A_69 = arith.constant 4 : i32
    %dma_start3A_70 = arith.constant 4 : i32
    %dma_start3A_71 = arith.constant 0 : i32
    %dma_start3A_72 = arith.constant 0 : i32
    %dma_start3A_73 = tpu.memref_slice %arg12[%dma_start3A_70, %dma_start3A_71, %dma_start3A_72] : memref<9x16x768xf32, #tpu.memory_space<vmem>> -> memref<1x16x768xf32, #tpu.memory_space<vmem>>
    %dma_start3A_74 = tpu.memref_squeeze %dma_start3A_73 : memref<1x16x768xf32, #tpu.memory_space<vmem>> -> memref<16x768xf32, #tpu.memory_space<vmem>>
    %dma_start3A_75 = arith.constant 0 : i32
    %dma_start3A_76 = tpu.memref_slice %arg11[%dma_start3A_69, %dma_start3A_75] : memref<9x16xi32, #tpu.memory_space<vmem>> -> memref<1x16xi32, #tpu.memory_space<vmem>>
    %dma_start3A_77 = tpu.memref_squeeze %dma_start3A_76 : memref<1x16xi32, #tpu.memory_space<vmem>> -> memref<16xi32, #tpu.memory_space<vmem>>
    %dma_start3A_78 = arith.constant 0 : i32
    %dma_start3A_79 = arith.constant 0 : i32
    %dma_start3A_80 = tpu.memref_slice %arg4[%dma_start3A_78, %dma_start3A_79] : memref<1024x768xf32, #tpu.memory_space<hbm>> -> memref<1024x768xf32, #tpu.memory_space<hbm>>
    tpu.enqueue_indirect_dma source(%dma_start3A_80 : memref<1024x768xf32, #tpu.memory_space<hbm>>) target(%dma_start3A_74 : memref<16x768xf32, #tpu.memory_space<vmem>>) offsets(%dma_start3A_77 : memref<16xi32, #tpu.memory_space<vmem>>) semaphore(%arg13 : memref<!tpu.dma_semaphore, #tpu.memory_space<semaphore_mem>>)
    %dma_start3A_81 = arith.constant 5 : i32
    %dma_start3A_82 = arith.constant 5 : i32
    %dma_start3A_83 = arith.constant 0 : i32
    %dma_start3A_84 = arith.constant 0 : i32
    %dma_start3A_85 = tpu.memref_slice %arg12[%dma_start3A_82, %dma_start3A_83, %dma_start3A_84] : memref<9x16x768xf32, #tpu.memory_space<vmem>> -> memref<1x16x768xf32, #tpu.memory_space<vmem>>
    %dma_start3A_86 = tpu.memref_squeeze %dma_start3A_85 : memref<1x16x768xf32, #tpu.memory_space<vmem>> -> memref<16x768xf32, #tpu.memory_space<vmem>>
    %dma_start3A_87 = arith.constant 0 : i32
    %dma_start3A_88 = tpu.memref_slice %arg11[%dma_start3A_81, %dma_start3A_87] : memref<9x16xi32, #tpu.memory_space<vmem>> -> memref<1x16xi32, #tpu.memory_space<vmem>>
    %dma_start3A_89 = tpu.memref_squeeze %dma_start3A_88 : memref<1x16xi32, #tpu.memory_space<vmem>> -> memref<16xi32, #tpu.memory_space<vmem>>
    %dma_start3A_90 = arith.constant 0 : i32
    %dma_start3A_91 = arith.constant 0 : i32
    %dma_start3A_92 = tpu.memref_slice %arg5[%dma_start3A_90, %dma_start3A_91] : memref<1024x768xf32, #tpu.memory_space<hbm>> -> memref<1024x768xf32, #tpu.memory_space<hbm>>
    tpu.enqueue_indirect_dma source(%dma_start3A_92 : memref<1024x768xf32, #tpu.memory_space<hbm>>) target(%dma_start3A_86 : memref<16x768xf32, #tpu.memory_space<vmem>>) offsets(%dma_start3A_89 : memref<16xi32, #tpu.memory_space<vmem>>) semaphore(%arg13 : memref<!tpu.dma_semaphore, #tpu.memory_space<semaphore_mem>>)
    %dma_start3A_93 = arith.constant 6 : i32
    %dma_start3A_94 = arith.constant 6 : i32
    %dma_start3A_95 = arith.constant 0 : i32
    %dma_start3A_96 = arith.constant 0 : i32
    %dma_start3A_97 = tpu.memref_slice %arg12[%dma_start3A_94, %dma_start3A_95, %dma_start3A_96] : memref<9x16x768xf32, #tpu.memory_space<vmem>> -> memref<1x16x768xf32, #tpu.memory_space<vmem>>
    %dma_start3A_98 = tpu.memref_squeeze %dma_start3A_97 : memref<1x16x768xf32, #tpu.memory_space<vmem>> -> memref<16x768xf32, #tpu.memory_space<vmem>>
    %dma_start3A_99 = arith.constant 0 : i32
    %dma_start3A_100 = tpu.memref_slice %arg11[%dma_start3A_93, %dma_start3A_99] : memref<9x16xi32, #tpu.memory_space<vmem>> -> memref<1x16xi32, #tpu.memory_space<vmem>>
    %dma_start3A_101 = tpu.memref_squeeze %dma_start3A_100 : memref<1x16xi32, #tpu.memory_space<vmem>> -> memref<16xi32, #tpu.memory_space<vmem>>
    %dma_start3A_102 = arith.constant 0 : i32
    %dma_start3A_103 = arith.constant 0 : i32
    %dma_start3A_104 = tpu.memref_slice %arg6[%dma_start3A_102, %dma_start3A_103] : memref<1024x768xf32, #tpu.memory_space<hbm>> -> memref<1024x768xf32, #tpu.memory_space<hbm>>
    tpu.enqueue_indirect_dma source(%dma_start3A_104 : memref<1024x768xf32, #tpu.memory_space<hbm>>) target(%dma_start3A_98 : memref<16x768xf32, #tpu.memory_space<vmem>>) offsets(%dma_start3A_101 : memref<16xi32, #tpu.memory_space<vmem>>) semaphore(%arg13 : memref<!tpu.dma_semaphore, #tpu.memory_space<semaphore_mem>>)
    %dma_start3A_105 = arith.constant 7 : i32
    %dma_start3A_106 = arith.constant 7 : i32
    %dma_start3A_107 = arith.constant 0 : i32
    %dma_start3A_108 = arith.constant 0 : i32
    %dma_start3A_109 = tpu.memref_slice %arg12[%dma_start3A_106, %dma_start3A_107, %dma_start3A_108] : memref<9x16x768xf32, #tpu.memory_space<vmem>> -> memref<1x16x768xf32, #tpu.memory_space<vmem>>
    %dma_start3A_110 = tpu.memref_squeeze %dma_start3A_109 : memref<1x16x768xf32, #tpu.memory_space<vmem>> -> memref<16x768xf32, #tpu.memory_space<vmem>>
    %dma_start3A_111 = arith.constant 0 : i32
    %dma_start3A_112 = tpu.memref_slice %arg11[%dma_start3A_105, %dma_start3A_111] : memref<9x16xi32, #tpu.memory_space<vmem>> -> memref<1x16xi32, #tpu.memory_space<vmem>>
    %dma_start3A_113 = tpu.memref_squeeze %dma_start3A_112 : memref<1x16xi32, #tpu.memory_space<vmem>> -> memref<16xi32, #tpu.memory_space<vmem>>
    %dma_start3A_114 = arith.constant 0 : i32
    %dma_start3A_115 = arith.constant 0 : i32
    %dma_start3A_116 = tpu.memref_slice %arg7[%dma_start3A_114, %dma_start3A_115] : memref<1024x768xf32, #tpu.memory_space<hbm>> -> memref<1024x768xf32, #tpu.memory_space<hbm>>
    tpu.enqueue_indirect_dma source(%dma_start3A_116 : memref<1024x768xf32, #tpu.memory_space<hbm>>) target(%dma_start3A_110 : memref<16x768xf32, #tpu.memory_space<vmem>>) offsets(%dma_start3A_113 : memref<16xi32, #tpu.memory_space<vmem>>) semaphore(%arg13 : memref<!tpu.dma_semaphore, #tpu.memory_space<semaphore_mem>>)
    %dma_start3A_117 = arith.constant 8 : i32
    %dma_start3A_118 = arith.constant 8 : i32
    %dma_start3A_119 = arith.constant 0 : i32
    %dma_start3A_120 = arith.constant 0 : i32
    %dma_start3A_121 = tpu.memref_slice %arg12[%dma_start3A_118, %dma_start3A_119, %dma_start3A_120] : memref<9x16x768xf32, #tpu.memory_space<vmem>> -> memref<1x16x768xf32, #tpu.memory_space<vmem>>
    %dma_start3A_122 = tpu.memref_squeeze %dma_start3A_121 : memref<1x16x768xf32, #tpu.memory_space<vmem>> -> memref<16x768xf32, #tpu.memory_space<vmem>>
    %dma_start3A_123 = arith.constant 0 : i32
    %dma_start3A_124 = tpu.memref_slice %arg11[%dma_start3A_117, %dma_start3A_123] : memref<9x16xi32, #tpu.memory_space<vmem>> -> memref<1x16xi32, #tpu.memory_space<vmem>>
    %dma_start3A_125 = tpu.memref_squeeze %dma_start3A_124 : memref<1x16xi32, #tpu.memory_space<vmem>> -> memref<16xi32, #tpu.memory_space<vmem>>
    %dma_start3A_126 = arith.constant 0 : i32
    %dma_start3A_127 = arith.constant 0 : i32
    %dma_start3A_128 = tpu.memref_slice %arg8[%dma_start3A_126, %dma_start3A_127] : memref<2x768xf32, #tpu.memory_space<hbm>> -> memref<2x768xf32, #tpu.memory_space<hbm>>
    tpu.enqueue_indirect_dma source(%dma_start3A_128 : memref<2x768xf32, #tpu.memory_space<hbm>>) target(%dma_start3A_122 : memref<16x768xf32, #tpu.memory_space<vmem>>) offsets(%dma_start3A_125 : memref<16xi32, #tpu.memory_space<vmem>>) semaphore(%arg13 : memref<!tpu.dma_semaphore, #tpu.memory_space<semaphore_mem>>)
    %dma_wait3A = arith.constant 0 : i32
    %dma_wait3A_129 = arith.constant 0 : i32
    %dma_wait3A_130 = arith.constant 0 : i32
    %dma_wait3A_131 = arith.constant 0 : i32
    %dma_wait3A_132 = tpu.memref_slice %arg12[%dma_wait3A_129, %dma_wait3A_130, %dma_wait3A_131] : memref<9x16x768xf32, #tpu.memory_space<vmem>> -> memref<1x16x768xf32, #tpu.memory_space<vmem>>
    %dma_wait3A_133 = tpu.memref_squeeze %dma_wait3A_132 : memref<1x16x768xf32, #tpu.memory_space<vmem>> -> memref<16x768xf32, #tpu.memory_space<vmem>>
    %dma_wait3A_134 = arith.constant 0 : i32
    %dma_wait3A_135 = tpu.memref_slice %arg11[%dma_wait3A, %dma_wait3A_134] : memref<9x16xi32, #tpu.memory_space<vmem>> -> memref<1x16xi32, #tpu.memory_space<vmem>>
    %dma_wait3A_136 = tpu.memref_squeeze %dma_wait3A_135 : memref<1x16xi32, #tpu.memory_space<vmem>> -> memref<16xi32, #tpu.memory_space<vmem>>
    %dma_wait3A_137 = arith.constant 0 : i32
    %dma_wait3A_138 = arith.constant 0 : i32
    %dma_wait3A_139 = tpu.memref_slice %arg2[%dma_wait3A_137, %dma_wait3A_138] : memref<30522x768xf32, #tpu.memory_space<hbm>> -> memref<30522x768xf32, #tpu.memory_space<hbm>>
    tpu.wait_indirect_dma semaphore(%arg13 : memref<!tpu.dma_semaphore, #tpu.memory_space<semaphore_mem>>) src(%dma_wait3A_139 : memref<30522x768xf32, #tpu.memory_space<hbm>>) dst(%dma_wait3A_133 : memref<16x768xf32, #tpu.memory_space<vmem>>)
    %dma_wait3A_140 = arith.constant 1 : i32
    %dma_wait3A_141 = arith.constant 1 : i32
    %dma_wait3A_142 = arith.constant 0 : i32
    %dma_wait3A_143 = arith.constant 0 : i32
    %dma_wait3A_144 = tpu.memref_slice %arg12[%dma_wait3A_141, %dma_wait3A_142, %dma_wait3A_143] : memref<9x16x768xf32, #tpu.memory_space<vmem>> -> memref<1x16x768xf32, #tpu.memory_space<vmem>>
    %dma_wait3A_145 = tpu.memref_squeeze %dma_wait3A_144 : memref<1x16x768xf32, #tpu.memory_space<vmem>> -> memref<16x768xf32, #tpu.memory_space<vmem>>
    %dma_wait3A_146 = arith.constant 0 : i32
    %dma_wait3A_147 = tpu.memref_slice %arg11[%dma_wait3A_140, %dma_wait3A_146] : memref<9x16xi32, #tpu.memory_space<vmem>> -> memref<1x16xi32, #tpu.memory_space<vmem>>
    %dma_wait3A_148 = tpu.memref_squeeze %dma_wait3A_147 : memref<1x16xi32, #tpu.memory_space<vmem>> -> memref<16xi32, #tpu.memory_space<vmem>>
    %dma_wait3A_149 = arith.constant 0 : i32
    %dma_wait3A_150 = arith.constant 0 : i32
    %dma_wait3A_151 = tpu.memref_slice %arg3[%dma_wait3A_149, %dma_wait3A_150] : memref<512x768xf32, #tpu.memory_space<hbm>> -> memref<512x768xf32, #tpu.memory_space<hbm>>
    tpu.wait_indirect_dma semaphore(%arg13 : memref<!tpu.dma_semaphore, #tpu.memory_space<semaphore_mem>>) src(%dma_wait3A_151 : memref<512x768xf32, #tpu.memory_space<hbm>>) dst(%dma_wait3A_145 : memref<16x768xf32, #tpu.memory_space<vmem>>)
    %dma_wait3A_152 = arith.constant 2 : i32
    %dma_wait3A_153 = arith.constant 2 : i32
    %dma_wait3A_154 = arith.constant 0 : i32
    %dma_wait3A_155 = arith.constant 0 : i32
    %dma_wait3A_156 = tpu.memref_slice %arg12[%dma_wait3A_153, %dma_wait3A_154, %dma_wait3A_155] : memref<9x16x768xf32, #tpu.memory_space<vmem>> -> memref<1x16x768xf32, #tpu.memory_space<vmem>>
    %dma_wait3A_157 = tpu.memref_squeeze %dma_wait3A_156 : memref<1x16x768xf32, #tpu.memory_space<vmem>> -> memref<16x768xf32, #tpu.memory_space<vmem>>
    %dma_wait3A_158 = arith.constant 0 : i32
    %dma_wait3A_159 = tpu.memref_slice %arg11[%dma_wait3A_152, %dma_wait3A_158] : memref<9x16xi32, #tpu.memory_space<vmem>> -> memref<1x16xi32, #tpu.memory_space<vmem>>
    %dma_wait3A_160 = tpu.memref_squeeze %dma_wait3A_159 : memref<1x16xi32, #tpu.memory_space<vmem>> -> memref<16xi32, #tpu.memory_space<vmem>>
    %dma_wait3A_161 = arith.constant 0 : i32
    %dma_wait3A_162 = arith.constant 0 : i32
    %dma_wait3A_163 = tpu.memref_slice %arg4[%dma_wait3A_161, %dma_wait3A_162] : memref<1024x768xf32, #tpu.memory_space<hbm>> -> memref<1024x768xf32, #tpu.memory_space<hbm>>
    tpu.wait_indirect_dma semaphore(%arg13 : memref<!tpu.dma_semaphore, #tpu.memory_space<semaphore_mem>>) src(%dma_wait3A_163 : memref<1024x768xf32, #tpu.memory_space<hbm>>) dst(%dma_wait3A_157 : memref<16x768xf32, #tpu.memory_space<vmem>>)
    %dma_wait3A_164 = arith.constant 3 : i32
    %dma_wait3A_165 = arith.constant 3 : i32
    %dma_wait3A_166 = arith.constant 0 : i32
    %dma_wait3A_167 = arith.constant 0 : i32
    %dma_wait3A_168 = tpu.memref_slice %arg12[%dma_wait3A_165, %dma_wait3A_166, %dma_wait3A_167] : memref<9x16x768xf32, #tpu.memory_space<vmem>> -> memref<1x16x768xf32, #tpu.memory_space<vmem>>
    %dma_wait3A_169 = tpu.memref_squeeze %dma_wait3A_168 : memref<1x16x768xf32, #tpu.memory_space<vmem>> -> memref<16x768xf32, #tpu.memory_space<vmem>>
    %dma_wait3A_170 = arith.constant 0 : i32
    %dma_wait3A_171 = tpu.memref_slice %arg11[%dma_wait3A_164, %dma_wait3A_170] : memref<9x16xi32, #tpu.memory_space<vmem>> -> memref<1x16xi32, #tpu.memory_space<vmem>>
    %dma_wait3A_172 = tpu.memref_squeeze %dma_wait3A_171 : memref<1x16xi32, #tpu.memory_space<vmem>> -> memref<16xi32, #tpu.memory_space<vmem>>
    %dma_wait3A_173 = arith.constant 0 : i32
    %dma_wait3A_174 = arith.constant 0 : i32
    %dma_wait3A_175 = tpu.memref_slice %arg5[%dma_wait3A_173, %dma_wait3A_174] : memref<1024x768xf32, #tpu.memory_space<hbm>> -> memref<1024x768xf32, #tpu.memory_space<hbm>>
    tpu.wait_indirect_dma semaphore(%arg13 : memref<!tpu.dma_semaphore, #tpu.memory_space<semaphore_mem>>) src(%dma_wait3A_175 : memref<1024x768xf32, #tpu.memory_space<hbm>>) dst(%dma_wait3A_169 : memref<16x768xf32, #tpu.memory_space<vmem>>)
    %dma_wait3A_176 = arith.constant 4 : i32
    %dma_wait3A_177 = arith.constant 4 : i32
    %dma_wait3A_178 = arith.constant 0 : i32
    %dma_wait3A_179 = arith.constant 0 : i32
    %dma_wait3A_180 = tpu.memref_slice %arg12[%dma_wait3A_177, %dma_wait3A_178, %dma_wait3A_179] : memref<9x16x768xf32, #tpu.memory_space<vmem>> -> memref<1x16x768xf32, #tpu.memory_space<vmem>>
    %dma_wait3A_181 = tpu.memref_squeeze %dma_wait3A_180 : memref<1x16x768xf32, #tpu.memory_space<vmem>> -> memref<16x768xf32, #tpu.memory_space<vmem>>
    %dma_wait3A_182 = arith.constant 0 : i32
    %dma_wait3A_183 = tpu.memref_slice %arg11[%dma_wait3A_176, %dma_wait3A_182] : memref<9x16xi32, #tpu.memory_space<vmem>> -> memref<1x16xi32, #tpu.memory_space<vmem>>
    %dma_wait3A_184 = tpu.memref_squeeze %dma_wait3A_183 : memref<1x16xi32, #tpu.memory_space<vmem>> -> memref<16xi32, #tpu.memory_space<vmem>>
    %dma_wait3A_185 = arith.constant 0 : i32
    %dma_wait3A_186 = arith.constant 0 : i32
    %dma_wait3A_187 = tpu.memref_slice %arg4[%dma_wait3A_185, %dma_wait3A_186] : memref<1024x768xf32, #tpu.memory_space<hbm>> -> memref<1024x768xf32, #tpu.memory_space<hbm>>
    tpu.wait_indirect_dma semaphore(%arg13 : memref<!tpu.dma_semaphore, #tpu.memory_space<semaphore_mem>>) src(%dma_wait3A_187 : memref<1024x768xf32, #tpu.memory_space<hbm>>) dst(%dma_wait3A_181 : memref<16x768xf32, #tpu.memory_space<vmem>>)
    %dma_wait3A_188 = arith.constant 5 : i32
    %dma_wait3A_189 = arith.constant 5 : i32
    %dma_wait3A_190 = arith.constant 0 : i32
    %dma_wait3A_191 = arith.constant 0 : i32
    %dma_wait3A_192 = tpu.memref_slice %arg12[%dma_wait3A_189, %dma_wait3A_190, %dma_wait3A_191] : memref<9x16x768xf32, #tpu.memory_space<vmem>> -> memref<1x16x768xf32, #tpu.memory_space<vmem>>
    %dma_wait3A_193 = tpu.memref_squeeze %dma_wait3A_192 : memref<1x16x768xf32, #tpu.memory_space<vmem>> -> memref<16x768xf32, #tpu.memory_space<vmem>>
    %dma_wait3A_194 = arith.constant 0 : i32
    %dma_wait3A_195 = tpu.memref_slice %arg11[%dma_wait3A_188, %dma_wait3A_194] : memref<9x16xi32, #tpu.memory_space<vmem>> -> memref<1x16xi32, #tpu.memory_space<vmem>>
    %dma_wait3A_196 = tpu.memref_squeeze %dma_wait3A_195 : memref<1x16xi32, #tpu.memory_space<vmem>> -> memref<16xi32, #tpu.memory_space<vmem>>
    %dma_wait3A_197 = arith.constant 0 : i32
    %dma_wait3A_198 = arith.constant 0 : i32
    %dma_wait3A_199 = tpu.memref_slice %arg5[%dma_wait3A_197, %dma_wait3A_198] : memref<1024x768xf32, #tpu.memory_space<hbm>> -> memref<1024x768xf32, #tpu.memory_space<hbm>>
    tpu.wait_indirect_dma semaphore(%arg13 : memref<!tpu.dma_semaphore, #tpu.memory_space<semaphore_mem>>) src(%dma_wait3A_199 : memref<1024x768xf32, #tpu.memory_space<hbm>>) dst(%dma_wait3A_193 : memref<16x768xf32, #tpu.memory_space<vmem>>)
    %dma_wait3A_200 = arith.constant 6 : i32
    %dma_wait3A_201 = arith.constant 6 : i32
    %dma_wait3A_202 = arith.constant 0 : i32
    %dma_wait3A_203 = arith.constant 0 : i32
    %dma_wait3A_204 = tpu.memref_slice %arg12[%dma_wait3A_201, %dma_wait3A_202, %dma_wait3A_203] : memref<9x16x768xf32, #tpu.memory_space<vmem>> -> memref<1x16x768xf32, #tpu.memory_space<vmem>>
    %dma_wait3A_205 = tpu.memref_squeeze %dma_wait3A_204 : memref<1x16x768xf32, #tpu.memory_space<vmem>> -> memref<16x768xf32, #tpu.memory_space<vmem>>
    %dma_wait3A_206 = arith.constant 0 : i32
    %dma_wait3A_207 = tpu.memref_slice %arg11[%dma_wait3A_200, %dma_wait3A_206] : memref<9x16xi32, #tpu.memory_space<vmem>> -> memref<1x16xi32, #tpu.memory_space<vmem>>
    %dma_wait3A_208 = tpu.memref_squeeze %dma_wait3A_207 : memref<1x16xi32, #tpu.memory_space<vmem>> -> memref<16xi32, #tpu.memory_space<vmem>>
    %dma_wait3A_209 = arith.constant 0 : i32
    %dma_wait3A_210 = arith.constant 0 : i32
    %dma_wait3A_211 = tpu.memref_slice %arg6[%dma_wait3A_209, %dma_wait3A_210] : memref<1024x768xf32, #tpu.memory_space<hbm>> -> memref<1024x768xf32, #tpu.memory_space<hbm>>
    tpu.wait_indirect_dma semaphore(%arg13 : memref<!tpu.dma_semaphore, #tpu.memory_space<semaphore_mem>>) src(%dma_wait3A_211 : memref<1024x768xf32, #tpu.memory_space<hbm>>) dst(%dma_wait3A_205 : memref<16x768xf32, #tpu.memory_space<vmem>>)
    %dma_wait3A_212 = arith.constant 7 : i32
    %dma_wait3A_213 = arith.constant 7 : i32
    %dma_wait3A_214 = arith.constant 0 : i32
    %dma_wait3A_215 = arith.constant 0 : i32
    %dma_wait3A_216 = tpu.memref_slice %arg12[%dma_wait3A_213, %dma_wait3A_214, %dma_wait3A_215] : memref<9x16x768xf32, #tpu.memory_space<vmem>> -> memref<1x16x768xf32, #tpu.memory_space<vmem>>
    %dma_wait3A_217 = tpu.memref_squeeze %dma_wait3A_216 : memref<1x16x768xf32, #tpu.memory_space<vmem>> -> memref<16x768xf32, #tpu.memory_space<vmem>>
    %dma_wait3A_218 = arith.constant 0 : i32
    %dma_wait3A_219 = tpu.memref_slice %arg11[%dma_wait3A_212, %dma_wait3A_218] : memref<9x16xi32, #tpu.memory_space<vmem>> -> memref<1x16xi32, #tpu.memory_space<vmem>>
    %dma_wait3A_220 = tpu.memref_squeeze %dma_wait3A_219 : memref<1x16xi32, #tpu.memory_space<vmem>> -> memref<16xi32, #tpu.memory_space<vmem>>
    %dma_wait3A_221 = arith.constant 0 : i32
    %dma_wait3A_222 = arith.constant 0 : i32
    %dma_wait3A_223 = tpu.memref_slice %arg7[%dma_wait3A_221, %dma_wait3A_222] : memref<1024x768xf32, #tpu.memory_space<hbm>> -> memref<1024x768xf32, #tpu.memory_space<hbm>>
    tpu.wait_indirect_dma semaphore(%arg13 : memref<!tpu.dma_semaphore, #tpu.memory_space<semaphore_mem>>) src(%dma_wait3A_223 : memref<1024x768xf32, #tpu.memory_space<hbm>>) dst(%dma_wait3A_217 : memref<16x768xf32, #tpu.memory_space<vmem>>)
    %dma_wait3A_224 = arith.constant 8 : i32
    %dma_wait3A_225 = arith.constant 8 : i32
    %dma_wait3A_226 = arith.constant 0 : i32
    %dma_wait3A_227 = arith.constant 0 : i32
    %dma_wait3A_228 = tpu.memref_slice %arg12[%dma_wait3A_225, %dma_wait3A_226, %dma_wait3A_227] : memref<9x16x768xf32, #tpu.memory_space<vmem>> -> memref<1x16x768xf32, #tpu.memory_space<vmem>>
    %dma_wait3A_229 = tpu.memref_squeeze %dma_wait3A_228 : memref<1x16x768xf32, #tpu.memory_space<vmem>> -> memref<16x768xf32, #tpu.memory_space<vmem>>
    %dma_wait3A_230 = arith.constant 0 : i32
    %dma_wait3A_231 = tpu.memref_slice %arg11[%dma_wait3A_224, %dma_wait3A_230] : memref<9x16xi32, #tpu.memory_space<vmem>> -> memref<1x16xi32, #tpu.memory_space<vmem>>
    %dma_wait3A_232 = tpu.memref_squeeze %dma_wait3A_231 : memref<1x16xi32, #tpu.memory_space<vmem>> -> memref<16xi32, #tpu.memory_space<vmem>>
    %dma_wait3A_233 = arith.constant 0 : i32
    %dma_wait3A_234 = arith.constant 0 : i32
    %dma_wait3A_235 = tpu.memref_slice %arg8[%dma_wait3A_233, %dma_wait3A_234] : memref<2x768xf32, #tpu.memory_space<hbm>> -> memref<2x768xf32, #tpu.memory_space<hbm>>
    tpu.wait_indirect_dma semaphore(%arg13 : memref<!tpu.dma_semaphore, #tpu.memory_space<semaphore_mem>>) src(%dma_wait3A_235 : memref<2x768xf32, #tpu.memory_space<hbm>>) dst(%dma_wait3A_229 : memref<16x768xf32, #tpu.memory_space<vmem>>)
    %dma_start3A_236 = arith.constant 0 : i32
    %dma_start3A_237 = arith.constant 0 : i32
    %dma_start3A_238 = arith.constant 0 : i32
    %dma_start3A_239 = arith.constant 0 : i32
    %dma_start3A_240 = tpu.memref_slice %arg12[%dma_start3A_236, %dma_start3A_238, %dma_start3A_239] : memref<9x16x768xf32, #tpu.memory_space<vmem>> -> memref<1x16x768xf32, #tpu.memory_space<vmem>>
    %dma_start3A_241 = tpu.memref_squeeze %dma_start3A_240 : memref<1x16x768xf32, #tpu.memory_space<vmem>> -> memref<16x768xf32, #tpu.memory_space<vmem>>
    %dma_start3A_242 = arith.constant 0 : i32
    %dma_start3A_243 = tpu.memref_slice %arg10[%dma_start3A_237, %add3A_4, %dma_start3A_242] : memref<9x1024x768xf32, #tpu.memory_space<hbm>> -> memref<1x16x768xf32, #tpu.memory_space<hbm>>
    %dma_start3A_244 = tpu.memref_squeeze %dma_start3A_243 : memref<1x16x768xf32, #tpu.memory_space<hbm>> -> memref<16x768xf32, #tpu.memory_space<hbm>>
    %dma_start3A_245 = arith.constant 0 : i32
    %dma_start3A_246 = tpu.memref_slice %arg10[%dma_start3A_237, %add3A_4, %dma_start3A_245] : memref<9x1024x768xf32, #tpu.memory_space<hbm>> -> memref<1x16x768xf32, #tpu.memory_space<hbm>>
    %dma_start3A_247 = tpu.memref_squeeze %dma_start3A_246 : memref<1x16x768xf32, #tpu.memory_space<hbm>> -> memref<16x768xf32, #tpu.memory_space<hbm>>
    %dma_start3A_248 = arith.constant 0 : i32
    %dma_start3A_249 = arith.constant 0 : i32
    %dma_start3A_250 = tpu.memref_slice %arg12[%dma_start3A_236, %dma_start3A_248, %dma_start3A_249] : memref<9x16x768xf32, #tpu.memory_space<vmem>> -> memref<1x16x768xf32, #tpu.memory_space<vmem>>
    %dma_start3A_251 = tpu.memref_squeeze %dma_start3A_250 : memref<1x16x768xf32, #tpu.memory_space<vmem>> -> memref<16x768xf32, #tpu.memory_space<vmem>>
    tpu.enqueue_dma source(%dma_start3A_251 : memref<16x768xf32, #tpu.memory_space<vmem>>) target(%dma_start3A_247 : memref<16x768xf32, #tpu.memory_space<hbm>>) target_semaphore(%arg14 : memref<!tpu.dma_semaphore, #tpu.memory_space<semaphore_mem>>)
    %dma_start3A_252 = arith.constant 1 : i32
    %dma_start3A_253 = arith.constant 1 : i32
    %dma_start3A_254 = arith.constant 0 : i32
    %dma_start3A_255 = arith.constant 0 : i32
    %dma_start3A_256 = tpu.memref_slice %arg12[%dma_start3A_252, %dma_start3A_254, %dma_start3A_255] : memref<9x16x768xf32, #tpu.memory_space<vmem>> -> memref<1x16x768xf32, #tpu.memory_space<vmem>>
    %dma_start3A_257 = tpu.memref_squeeze %dma_start3A_256 : memref<1x16x768xf32, #tpu.memory_space<vmem>> -> memref<16x768xf32, #tpu.memory_space<vmem>>
    %dma_start3A_258 = arith.constant 0 : i32
    %dma_start3A_259 = tpu.memref_slice %arg10[%dma_start3A_253, %add3A_4, %dma_start3A_258] : memref<9x1024x768xf32, #tpu.memory_space<hbm>> -> memref<1x16x768xf32, #tpu.memory_space<hbm>>
    %dma_start3A_260 = tpu.memref_squeeze %dma_start3A_259 : memref<1x16x768xf32, #tpu.memory_space<hbm>> -> memref<16x768xf32, #tpu.memory_space<hbm>>
    %dma_start3A_261 = arith.constant 0 : i32
    %dma_start3A_262 = tpu.memref_slice %arg10[%dma_start3A_253, %add3A_4, %dma_start3A_261] : memref<9x1024x768xf32, #tpu.memory_space<hbm>> -> memref<1x16x768xf32, #tpu.memory_space<hbm>>
    %dma_start3A_263 = tpu.memref_squeeze %dma_start3A_262 : memref<1x16x768xf32, #tpu.memory_space<hbm>> -> memref<16x768xf32, #tpu.memory_space<hbm>>
    %dma_start3A_264 = arith.constant 0 : i32
    %dma_start3A_265 = arith.constant 0 : i32
    %dma_start3A_266 = tpu.memref_slice %arg12[%dma_start3A_252, %dma_start3A_264, %dma_start3A_265] : memref<9x16x768xf32, #tpu.memory_space<vmem>> -> memref<1x16x768xf32, #tpu.memory_space<vmem>>
    %dma_start3A_267 = tpu.memref_squeeze %dma_start3A_266 : memref<1x16x768xf32, #tpu.memory_space<vmem>> -> memref<16x768xf32, #tpu.memory_space<vmem>>
    tpu.enqueue_dma source(%dma_start3A_267 : memref<16x768xf32, #tpu.memory_space<vmem>>) target(%dma_start3A_263 : memref<16x768xf32, #tpu.memory_space<hbm>>) target_semaphore(%arg14 : memref<!tpu.dma_semaphore, #tpu.memory_space<semaphore_mem>>)
    %dma_start3A_268 = arith.constant 2 : i32
    %dma_start3A_269 = arith.constant 2 : i32
    %dma_start3A_270 = arith.constant 0 : i32
    %dma_start3A_271 = arith.constant 0 : i32
    %dma_start3A_272 = tpu.memref_slice %arg12[%dma_start3A_268, %dma_start3A_270, %dma_start3A_271] : memref<9x16x768xf32, #tpu.memory_space<vmem>> -> memref<1x16x768xf32, #tpu.memory_space<vmem>>
    %dma_start3A_273 = tpu.memref_squeeze %dma_start3A_272 : memref<1x16x768xf32, #tpu.memory_space<vmem>> -> memref<16x768xf32, #tpu.memory_space<vmem>>
    %dma_start3A_274 = arith.constant 0 : i32
    %dma_start3A_275 = tpu.memref_slice %arg10[%dma_start3A_269, %add3A_4, %dma_start3A_274] : memref<9x1024x768xf32, #tpu.memory_space<hbm>> -> memref<1x16x768xf32, #tpu.memory_space<hbm>>
    %dma_start3A_276 = tpu.memref_squeeze %dma_start3A_275 : memref<1x16x768xf32, #tpu.memory_space<hbm>> -> memref<16x768xf32, #tpu.memory_space<hbm>>
    %dma_start3A_277 = arith.constant 0 : i32
    %dma_start3A_278 = tpu.memref_slice %arg10[%dma_start3A_269, %add3A_4, %dma_start3A_277] : memref<9x1024x768xf32, #tpu.memory_space<hbm>> -> memref<1x16x768xf32, #tpu.memory_space<hbm>>
    %dma_start3A_279 = tpu.memref_squeeze %dma_start3A_278 : memref<1x16x768xf32, #tpu.memory_space<hbm>> -> memref<16x768xf32, #tpu.memory_space<hbm>>
    %dma_start3A_280 = arith.constant 0 : i32
    %dma_start3A_281 = arith.constant 0 : i32
    %dma_start3A_282 = tpu.memref_slice %arg12[%dma_start3A_268, %dma_start3A_280, %dma_start3A_281] : memref<9x16x768xf32, #tpu.memory_space<vmem>> -> memref<1x16x768xf32, #tpu.memory_space<vmem>>
    %dma_start3A_283 = tpu.memref_squeeze %dma_start3A_282 : memref<1x16x768xf32, #tpu.memory_space<vmem>> -> memref<16x768xf32, #tpu.memory_space<vmem>>
    tpu.enqueue_dma source(%dma_start3A_283 : memref<16x768xf32, #tpu.memory_space<vmem>>) target(%dma_start3A_279 : memref<16x768xf32, #tpu.memory_space<hbm>>) target_semaphore(%arg14 : memref<!tpu.dma_semaphore, #tpu.memory_space<semaphore_mem>>)
    %dma_start3A_284 = arith.constant 3 : i32
    %dma_start3A_285 = arith.constant 3 : i32
    %dma_start3A_286 = arith.constant 0 : i32
    %dma_start3A_287 = arith.constant 0 : i32
    %dma_start3A_288 = tpu.memref_slice %arg12[%dma_start3A_284, %dma_start3A_286, %dma_start3A_287] : memref<9x16x768xf32, #tpu.memory_space<vmem>> -> memref<1x16x768xf32, #tpu.memory_space<vmem>>
    %dma_start3A_289 = tpu.memref_squeeze %dma_start3A_288 : memref<1x16x768xf32, #tpu.memory_space<vmem>> -> memref<16x768xf32, #tpu.memory_space<vmem>>
    %dma_start3A_290 = arith.constant 0 : i32
    %dma_start3A_291 = tpu.memref_slice %arg10[%dma_start3A_285, %add3A_4, %dma_start3A_290] : memref<9x1024x768xf32, #tpu.memory_space<hbm>> -> memref<1x16x768xf32, #tpu.memory_space<hbm>>
    %dma_start3A_292 = tpu.memref_squeeze %dma_start3A_291 : memref<1x16x768xf32, #tpu.memory_space<hbm>> -> memref<16x768xf32, #tpu.memory_space<hbm>>
    %dma_start3A_293 = arith.constant 0 : i32
    %dma_start3A_294 = tpu.memref_slice %arg10[%dma_start3A_285, %add3A_4, %dma_start3A_293] : memref<9x1024x768xf32, #tpu.memory_space<hbm>> -> memref<1x16x768xf32, #tpu.memory_space<hbm>>
    %dma_start3A_295 = tpu.memref_squeeze %dma_start3A_294 : memref<1x16x768xf32, #tpu.memory_space<hbm>> -> memref<16x768xf32, #tpu.memory_space<hbm>>
    %dma_start3A_296 = arith.constant 0 : i32
    %dma_start3A_297 = arith.constant 0 : i32
    %dma_start3A_298 = tpu.memref_slice %arg12[%dma_start3A_284, %dma_start3A_296, %dma_start3A_297] : memref<9x16x768xf32, #tpu.memory_space<vmem>> -> memref<1x16x768xf32, #tpu.memory_space<vmem>>
    %dma_start3A_299 = tpu.memref_squeeze %dma_start3A_298 : memref<1x16x768xf32, #tpu.memory_space<vmem>> -> memref<16x768xf32, #tpu.memory_space<vmem>>
    tpu.enqueue_dma source(%dma_start3A_299 : memref<16x768xf32, #tpu.memory_space<vmem>>) target(%dma_start3A_295 : memref<16x768xf32, #tpu.memory_space<hbm>>) target_semaphore(%arg14 : memref<!tpu.dma_semaphore, #tpu.memory_space<semaphore_mem>>)
    %dma_start3A_300 = arith.constant 4 : i32
    %dma_start3A_301 = arith.constant 4 : i32
    %dma_start3A_302 = arith.constant 0 : i32
    %dma_start3A_303 = arith.constant 0 : i32
    %dma_start3A_304 = tpu.memref_slice %arg12[%dma_start3A_300, %dma_start3A_302, %dma_start3A_303] : memref<9x16x768xf32, #tpu.memory_space<vmem>> -> memref<1x16x768xf32, #tpu.memory_space<vmem>>
    %dma_start3A_305 = tpu.memref_squeeze %dma_start3A_304 : memref<1x16x768xf32, #tpu.memory_space<vmem>> -> memref<16x768xf32, #tpu.memory_space<vmem>>
    %dma_start3A_306 = arith.constant 0 : i32
    %dma_start3A_307 = tpu.memref_slice %arg10[%dma_start3A_301, %add3A_4, %dma_start3A_306] : memref<9x1024x768xf32, #tpu.memory_space<hbm>> -> memref<1x16x768xf32, #tpu.memory_space<hbm>>
    %dma_start3A_308 = tpu.memref_squeeze %dma_start3A_307 : memref<1x16x768xf32, #tpu.memory_space<hbm>> -> memref<16x768xf32, #tpu.memory_space<hbm>>
    %dma_start3A_309 = arith.constant 0 : i32
    %dma_start3A_310 = tpu.memref_slice %arg10[%dma_start3A_301, %add3A_4, %dma_start3A_309] : memref<9x1024x768xf32, #tpu.memory_space<hbm>> -> memref<1x16x768xf32, #tpu.memory_space<hbm>>
    %dma_start3A_311 = tpu.memref_squeeze %dma_start3A_310 : memref<1x16x768xf32, #tpu.memory_space<hbm>> -> memref<16x768xf32, #tpu.memory_space<hbm>>
    %dma_start3A_312 = arith.constant 0 : i32
    %dma_start3A_313 = arith.constant 0 : i32
    %dma_start3A_314 = tpu.memref_slice %arg12[%dma_start3A_300, %dma_start3A_312, %dma_start3A_313] : memref<9x16x768xf32, #tpu.memory_space<vmem>> -> memref<1x16x768xf32, #tpu.memory_space<vmem>>
    %dma_start3A_315 = tpu.memref_squeeze %dma_start3A_314 : memref<1x16x768xf32, #tpu.memory_space<vmem>> -> memref<16x768xf32, #tpu.memory_space<vmem>>
    tpu.enqueue_dma source(%dma_start3A_315 : memref<16x768xf32, #tpu.memory_space<vmem>>) target(%dma_start3A_311 : memref<16x768xf32, #tpu.memory_space<hbm>>) target_semaphore(%arg14 : memref<!tpu.dma_semaphore, #tpu.memory_space<semaphore_mem>>)
    %dma_start3A_316 = arith.constant 5 : i32
    %dma_start3A_317 = arith.constant 5 : i32
    %dma_start3A_318 = arith.constant 0 : i32
    %dma_start3A_319 = arith.constant 0 : i32
    %dma_start3A_320 = tpu.memref_slice %arg12[%dma_start3A_316, %dma_start3A_318, %dma_start3A_319] : memref<9x16x768xf32, #tpu.memory_space<vmem>> -> memref<1x16x768xf32, #tpu.memory_space<vmem>>
    %dma_start3A_321 = tpu.memref_squeeze %dma_start3A_320 : memref<1x16x768xf32, #tpu.memory_space<vmem>> -> memref<16x768xf32, #tpu.memory_space<vmem>>
    %dma_start3A_322 = arith.constant 0 : i32
    %dma_start3A_323 = tpu.memref_slice %arg10[%dma_start3A_317, %add3A_4, %dma_start3A_322] : memref<9x1024x768xf32, #tpu.memory_space<hbm>> -> memref<1x16x768xf32, #tpu.memory_space<hbm>>
    %dma_start3A_324 = tpu.memref_squeeze %dma_start3A_323 : memref<1x16x768xf32, #tpu.memory_space<hbm>> -> memref<16x768xf32, #tpu.memory_space<hbm>>
    %dma_start3A_325 = arith.constant 0 : i32
    %dma_start3A_326 = tpu.memref_slice %arg10[%dma_start3A_317, %add3A_4, %dma_start3A_325] : memref<9x1024x768xf32, #tpu.memory_space<hbm>> -> memref<1x16x768xf32, #tpu.memory_space<hbm>>
    %dma_start3A_327 = tpu.memref_squeeze %dma_start3A_326 : memref<1x16x768xf32, #tpu.memory_space<hbm>> -> memref<16x768xf32, #tpu.memory_space<hbm>>
    %dma_start3A_328 = arith.constant 0 : i32
    %dma_start3A_329 = arith.constant 0 : i32
    %dma_start3A_330 = tpu.memref_slice %arg12[%dma_start3A_316, %dma_start3A_328, %dma_start3A_329] : memref<9x16x768xf32, #tpu.memory_space<vmem>> -> memref<1x16x768xf32, #tpu.memory_space<vmem>>
    %dma_start3A_331 = tpu.memref_squeeze %dma_start3A_330 : memref<1x16x768xf32, #tpu.memory_space<vmem>> -> memref<16x768xf32, #tpu.memory_space<vmem>>
    tpu.enqueue_dma source(%dma_start3A_331 : memref<16x768xf32, #tpu.memory_space<vmem>>) target(%dma_start3A_327 : memref<16x768xf32, #tpu.memory_space<hbm>>) target_semaphore(%arg14 : memref<!tpu.dma_semaphore, #tpu.memory_space<semaphore_mem>>)
    %dma_start3A_332 = arith.constant 6 : i32
    %dma_start3A_333 = arith.constant 6 : i32
    %dma_start3A_334 = arith.constant 0 : i32
    %dma_start3A_335 = arith.constant 0 : i32
    %dma_start3A_336 = tpu.memref_slice %arg12[%dma_start3A_332, %dma_start3A_334, %dma_start3A_335] : memref<9x16x768xf32, #tpu.memory_space<vmem>> -> memref<1x16x768xf32, #tpu.memory_space<vmem>>
    %dma_start3A_337 = tpu.memref_squeeze %dma_start3A_336 : memref<1x16x768xf32, #tpu.memory_space<vmem>> -> memref<16x768xf32, #tpu.memory_space<vmem>>
    %dma_start3A_338 = arith.constant 0 : i32
    %dma_start3A_339 = tpu.memref_slice %arg10[%dma_start3A_333, %add3A_4, %dma_start3A_338] : memref<9x1024x768xf32, #tpu.memory_space<hbm>> -> memref<1x16x768xf32, #tpu.memory_space<hbm>>
    %dma_start3A_340 = tpu.memref_squeeze %dma_start3A_339 : memref<1x16x768xf32, #tpu.memory_space<hbm>> -> memref<16x768xf32, #tpu.memory_space<hbm>>
    %dma_start3A_341 = arith.constant 0 : i32
    %dma_start3A_342 = tpu.memref_slice %arg10[%dma_start3A_333, %add3A_4, %dma_start3A_341] : memref<9x1024x768xf32, #tpu.memory_space<hbm>> -> memref<1x16x768xf32, #tpu.memory_space<hbm>>
    %dma_start3A_343 = tpu.memref_squeeze %dma_start3A_342 : memref<1x16x768xf32, #tpu.memory_space<hbm>> -> memref<16x768xf32, #tpu.memory_space<hbm>>
    %dma_start3A_344 = arith.constant 0 : i32
    %dma_start3A_345 = arith.constant 0 : i32
    %dma_start3A_346 = tpu.memref_slice %arg12[%dma_start3A_332, %dma_start3A_344, %dma_start3A_345] : memref<9x16x768xf32, #tpu.memory_space<vmem>> -> memref<1x16x768xf32, #tpu.memory_space<vmem>>
    %dma_start3A_347 = tpu.memref_squeeze %dma_start3A_346 : memref<1x16x768xf32, #tpu.memory_space<vmem>> -> memref<16x768xf32, #tpu.memory_space<vmem>>
    tpu.enqueue_dma source(%dma_start3A_347 : memref<16x768xf32, #tpu.memory_space<vmem>>) target(%dma_start3A_343 : memref<16x768xf32, #tpu.memory_space<hbm>>) target_semaphore(%arg14 : memref<!tpu.dma_semaphore, #tpu.memory_space<semaphore_mem>>)
    %dma_start3A_348 = arith.constant 7 : i32
    %dma_start3A_349 = arith.constant 7 : i32
    %dma_start3A_350 = arith.constant 0 : i32
    %dma_start3A_351 = arith.constant 0 : i32
    %dma_start3A_352 = tpu.memref_slice %arg12[%dma_start3A_348, %dma_start3A_350, %dma_start3A_351] : memref<9x16x768xf32, #tpu.memory_space<vmem>> -> memref<1x16x768xf32, #tpu.memory_space<vmem>>
    %dma_start3A_353 = tpu.memref_squeeze %dma_start3A_352 : memref<1x16x768xf32, #tpu.memory_space<vmem>> -> memref<16x768xf32, #tpu.memory_space<vmem>>
    %dma_start3A_354 = arith.constant 0 : i32
    %dma_start3A_355 = tpu.memref_slice %arg10[%dma_start3A_349, %add3A_4, %dma_start3A_354] : memref<9x1024x768xf32, #tpu.memory_space<hbm>> -> memref<1x16x768xf32, #tpu.memory_space<hbm>>
    %dma_start3A_356 = tpu.memref_squeeze %dma_start3A_355 : memref<1x16x768xf32, #tpu.memory_space<hbm>> -> memref<16x768xf32, #tpu.memory_space<hbm>>
    %dma_start3A_357 = arith.constant 0 : i32
    %dma_start3A_358 = tpu.memref_slice %arg10[%dma_start3A_349, %add3A_4, %dma_start3A_357] : memref<9x1024x768xf32, #tpu.memory_space<hbm>> -> memref<1x16x768xf32, #tpu.memory_space<hbm>>
    %dma_start3A_359 = tpu.memref_squeeze %dma_start3A_358 : memref<1x16x768xf32, #tpu.memory_space<hbm>> -> memref<16x768xf32, #tpu.memory_space<hbm>>
    %dma_start3A_360 = arith.constant 0 : i32
    %dma_start3A_361 = arith.constant 0 : i32
    %dma_start3A_362 = tpu.memref_slice %arg12[%dma_start3A_348, %dma_start3A_360, %dma_start3A_361] : memref<9x16x768xf32, #tpu.memory_space<vmem>> -> memref<1x16x768xf32, #tpu.memory_space<vmem>>
    %dma_start3A_363 = tpu.memref_squeeze %dma_start3A_362 : memref<1x16x768xf32, #tpu.memory_space<vmem>> -> memref<16x768xf32, #tpu.memory_space<vmem>>
    tpu.enqueue_dma source(%dma_start3A_363 : memref<16x768xf32, #tpu.memory_space<vmem>>) target(%dma_start3A_359 : memref<16x768xf32, #tpu.memory_space<hbm>>) target_semaphore(%arg14 : memref<!tpu.dma_semaphore, #tpu.memory_space<semaphore_mem>>)
    %dma_start3A_364 = arith.constant 8 : i32
    %dma_start3A_365 = arith.constant 8 : i32
    %dma_start3A_366 = arith.constant 0 : i32
    %dma_start3A_367 = arith.constant 0 : i32
    %dma_start3A_368 = tpu.memref_slice %arg12[%dma_start3A_364, %dma_start3A_366, %dma_start3A_367] : memref<9x16x768xf32, #tpu.memory_space<vmem>> -> memref<1x16x768xf32, #tpu.memory_space<vmem>>
    %dma_start3A_369 = tpu.memref_squeeze %dma_start3A_368 : memref<1x16x768xf32, #tpu.memory_space<vmem>> -> memref<16x768xf32, #tpu.memory_space<vmem>>
    %dma_start3A_370 = arith.constant 0 : i32
    %dma_start3A_371 = tpu.memref_slice %arg10[%dma_start3A_365, %add3A_4, %dma_start3A_370] : memref<9x1024x768xf32, #tpu.memory_space<hbm>> -> memref<1x16x768xf32, #tpu.memory_space<hbm>>
    %dma_start3A_372 = tpu.memref_squeeze %dma_start3A_371 : memref<1x16x768xf32, #tpu.memory_space<hbm>> -> memref<16x768xf32, #tpu.memory_space<hbm>>
    %dma_start3A_373 = arith.constant 0 : i32
    %dma_start3A_374 = tpu.memref_slice %arg10[%dma_start3A_365, %add3A_4, %dma_start3A_373] : memref<9x1024x768xf32, #tpu.memory_space<hbm>> -> memref<1x16x768xf32, #tpu.memory_space<hbm>>
    %dma_start3A_375 = tpu.memref_squeeze %dma_start3A_374 : memref<1x16x768xf32, #tpu.memory_space<hbm>> -> memref<16x768xf32, #tpu.memory_space<hbm>>
    %dma_start3A_376 = arith.constant 0 : i32
    %dma_start3A_377 = arith.constant 0 : i32
    %dma_start3A_378 = tpu.memref_slice %arg12[%dma_start3A_364, %dma_start3A_376, %dma_start3A_377] : memref<9x16x768xf32, #tpu.memory_space<vmem>> -> memref<1x16x768xf32, #tpu.memory_space<vmem>>
    %dma_start3A_379 = tpu.memref_squeeze %dma_start3A_378 : memref<1x16x768xf32, #tpu.memory_space<vmem>> -> memref<16x768xf32, #tpu.memory_space<vmem>>
    tpu.enqueue_dma source(%dma_start3A_379 : memref<16x768xf32, #tpu.memory_space<vmem>>) target(%dma_start3A_375 : memref<16x768xf32, #tpu.memory_space<hbm>>) target_semaphore(%arg14 : memref<!tpu.dma_semaphore, #tpu.memory_space<semaphore_mem>>)
    %dma_wait3A_380 = arith.constant 0 : i32
    %dma_wait3A_381 = arith.constant 0 : i32
    %dma_wait3A_382 = arith.constant 0 : i32
    %dma_wait3A_383 = arith.constant 0 : i32
    %dma_wait3A_384 = tpu.memref_slice %arg12[%dma_wait3A_380, %dma_wait3A_382, %dma_wait3A_383] : memref<9x16x768xf32, #tpu.memory_space<vmem>> -> memref<1x16x768xf32, #tpu.memory_space<vmem>>
    %dma_wait3A_385 = tpu.memref_squeeze %dma_wait3A_384 : memref<1x16x768xf32, #tpu.memory_space<vmem>> -> memref<16x768xf32, #tpu.memory_space<vmem>>
    %dma_wait3A_386 = arith.constant 0 : i32
    %dma_wait3A_387 = tpu.memref_slice %arg10[%dma_wait3A_381, %add3A_4, %dma_wait3A_386] : memref<9x1024x768xf32, #tpu.memory_space<hbm>> -> memref<1x16x768xf32, #tpu.memory_space<hbm>>
    %dma_wait3A_388 = tpu.memref_squeeze %dma_wait3A_387 : memref<1x16x768xf32, #tpu.memory_space<hbm>> -> memref<16x768xf32, #tpu.memory_space<hbm>>
    %dma_wait3A_389 = arith.constant 0 : i32
    %dma_wait3A_390 = tpu.memref_slice %arg10[%dma_wait3A_381, %add3A_4, %dma_wait3A_389] : memref<9x1024x768xf32, #tpu.memory_space<hbm>> -> memref<1x16x768xf32, #tpu.memory_space<hbm>>
    %dma_wait3A_391 = tpu.memref_squeeze %dma_wait3A_390 : memref<1x16x768xf32, #tpu.memory_space<hbm>> -> memref<16x768xf32, #tpu.memory_space<hbm>>
    %dma_wait3A_392 = arith.constant 0 : i32
    %dma_wait3A_393 = arith.constant 0 : i32
    %dma_wait3A_394 = tpu.memref_slice %arg12[%dma_wait3A_380, %dma_wait3A_392, %dma_wait3A_393] : memref<9x16x768xf32, #tpu.memory_space<vmem>> -> memref<1x16x768xf32, #tpu.memory_space<vmem>>
    %dma_wait3A_395 = tpu.memref_squeeze %dma_wait3A_394 : memref<1x16x768xf32, #tpu.memory_space<vmem>> -> memref<16x768xf32, #tpu.memory_space<vmem>>
    tpu.wait_dma2 semaphore(%arg14 : memref<!tpu.dma_semaphore, #tpu.memory_space<semaphore_mem>>) src(%dma_wait3A_395 : memref<16x768xf32, #tpu.memory_space<vmem>>) dst(%dma_wait3A_391 : memref<16x768xf32, #tpu.memory_space<hbm>>)
    %dma_wait3A_396 = arith.constant 1 : i32
    %dma_wait3A_397 = arith.constant 1 : i32
    %dma_wait3A_398 = arith.constant 0 : i32
    %dma_wait3A_399 = arith.constant 0 : i32
    %dma_wait3A_400 = tpu.memref_slice %arg12[%dma_wait3A_396, %dma_wait3A_398, %dma_wait3A_399] : memref<9x16x768xf32, #tpu.memory_space<vmem>> -> memref<1x16x768xf32, #tpu.memory_space<vmem>>
    %dma_wait3A_401 = tpu.memref_squeeze %dma_wait3A_400 : memref<1x16x768xf32, #tpu.memory_space<vmem>> -> memref<16x768xf32, #tpu.memory_space<vmem>>
    %dma_wait3A_402 = arith.constant 0 : i32
    %dma_wait3A_403 = tpu.memref_slice %arg10[%dma_wait3A_397, %add3A_4, %dma_wait3A_402] : memref<9x1024x768xf32, #tpu.memory_space<hbm>> -> memref<1x16x768xf32, #tpu.memory_space<hbm>>
    %dma_wait3A_404 = tpu.memref_squeeze %dma_wait3A_403 : memref<1x16x768xf32, #tpu.memory_space<hbm>> -> memref<16x768xf32, #tpu.memory_space<hbm>>
    %dma_wait3A_405 = arith.constant 0 : i32
    %dma_wait3A_406 = tpu.memref_slice %arg10[%dma_wait3A_397, %add3A_4, %dma_wait3A_405] : memref<9x1024x768xf32, #tpu.memory_space<hbm>> -> memref<1x16x768xf32, #tpu.memory_space<hbm>>
    %dma_wait3A_407 = tpu.memref_squeeze %dma_wait3A_406 : memref<1x16x768xf32, #tpu.memory_space<hbm>> -> memref<16x768xf32, #tpu.memory_space<hbm>>
    %dma_wait3A_408 = arith.constant 0 : i32
    %dma_wait3A_409 = arith.constant 0 : i32
    %dma_wait3A_410 = tpu.memref_slice %arg12[%dma_wait3A_396, %dma_wait3A_408, %dma_wait3A_409] : memref<9x16x768xf32, #tpu.memory_space<vmem>> -> memref<1x16x768xf32, #tpu.memory_space<vmem>>
    %dma_wait3A_411 = tpu.memref_squeeze %dma_wait3A_410 : memref<1x16x768xf32, #tpu.memory_space<vmem>> -> memref<16x768xf32, #tpu.memory_space<vmem>>
    tpu.wait_dma2 semaphore(%arg14 : memref<!tpu.dma_semaphore, #tpu.memory_space<semaphore_mem>>) src(%dma_wait3A_411 : memref<16x768xf32, #tpu.memory_space<vmem>>) dst(%dma_wait3A_407 : memref<16x768xf32, #tpu.memory_space<hbm>>)
    %dma_wait3A_412 = arith.constant 2 : i32
    %dma_wait3A_413 = arith.constant 2 : i32
    %dma_wait3A_414 = arith.constant 0 : i32
    %dma_wait3A_415 = arith.constant 0 : i32
    %dma_wait3A_416 = tpu.memref_slice %arg12[%dma_wait3A_412, %dma_wait3A_414, %dma_wait3A_415] : memref<9x16x768xf32, #tpu.memory_space<vmem>> -> memref<1x16x768xf32, #tpu.memory_space<vmem>>
    %dma_wait3A_417 = tpu.memref_squeeze %dma_wait3A_416 : memref<1x16x768xf32, #tpu.memory_space<vmem>> -> memref<16x768xf32, #tpu.memory_space<vmem>>
    %dma_wait3A_418 = arith.constant 0 : i32
    %dma_wait3A_419 = tpu.memref_slice %arg10[%dma_wait3A_413, %add3A_4, %dma_wait3A_418] : memref<9x1024x768xf32, #tpu.memory_space<hbm>> -> memref<1x16x768xf32, #tpu.memory_space<hbm>>
    %dma_wait3A_420 = tpu.memref_squeeze %dma_wait3A_419 : memref<1x16x768xf32, #tpu.memory_space<hbm>> -> memref<16x768xf32, #tpu.memory_space<hbm>>
    %dma_wait3A_421 = arith.constant 0 : i32
    %dma_wait3A_422 = tpu.memref_slice %arg10[%dma_wait3A_413, %add3A_4, %dma_wait3A_421] : memref<9x1024x768xf32, #tpu.memory_space<hbm>> -> memref<1x16x768xf32, #tpu.memory_space<hbm>>
    %dma_wait3A_423 = tpu.memref_squeeze %dma_wait3A_422 : memref<1x16x768xf32, #tpu.memory_space<hbm>> -> memref<16x768xf32, #tpu.memory_space<hbm>>
    %dma_wait3A_424 = arith.constant 0 : i32
    %dma_wait3A_425 = arith.constant 0 : i32
    %dma_wait3A_426 = tpu.memref_slice %arg12[%dma_wait3A_412, %dma_wait3A_424, %dma_wait3A_425] : memref<9x16x768xf32, #tpu.memory_space<vmem>> -> memref<1x16x768xf32, #tpu.memory_space<vmem>>
    %dma_wait3A_427 = tpu.memref_squeeze %dma_wait3A_426 : memref<1x16x768xf32, #tpu.memory_space<vmem>> -> memref<16x768xf32, #tpu.memory_space<vmem>>
    tpu.wait_dma2 semaphore(%arg14 : memref<!tpu.dma_semaphore, #tpu.memory_space<semaphore_mem>>) src(%dma_wait3A_427 : memref<16x768xf32, #tpu.memory_space<vmem>>) dst(%dma_wait3A_423 : memref<16x768xf32, #tpu.memory_space<hbm>>)
    %dma_wait3A_428 = arith.constant 3 : i32
    %dma_wait3A_429 = arith.constant 3 : i32
    %dma_wait3A_430 = arith.constant 0 : i32
    %dma_wait3A_431 = arith.constant 0 : i32
    %dma_wait3A_432 = tpu.memref_slice %arg12[%dma_wait3A_428, %dma_wait3A_430, %dma_wait3A_431] : memref<9x16x768xf32, #tpu.memory_space<vmem>> -> memref<1x16x768xf32, #tpu.memory_space<vmem>>
    %dma_wait3A_433 = tpu.memref_squeeze %dma_wait3A_432 : memref<1x16x768xf32, #tpu.memory_space<vmem>> -> memref<16x768xf32, #tpu.memory_space<vmem>>
    %dma_wait3A_434 = arith.constant 0 : i32
    %dma_wait3A_435 = tpu.memref_slice %arg10[%dma_wait3A_429, %add3A_4, %dma_wait3A_434] : memref<9x1024x768xf32, #tpu.memory_space<hbm>> -> memref<1x16x768xf32, #tpu.memory_space<hbm>>
    %dma_wait3A_436 = tpu.memref_squeeze %dma_wait3A_435 : memref<1x16x768xf32, #tpu.memory_space<hbm>> -> memref<16x768xf32, #tpu.memory_space<hbm>>
    %dma_wait3A_437 = arith.constant 0 : i32
    %dma_wait3A_438 = tpu.memref_slice %arg10[%dma_wait3A_429, %add3A_4, %dma_wait3A_437] : memref<9x1024x768xf32, #tpu.memory_space<hbm>> -> memref<1x16x768xf32, #tpu.memory_space<hbm>>
    %dma_wait3A_439 = tpu.memref_squeeze %dma_wait3A_438 : memref<1x16x768xf32, #tpu.memory_space<hbm>> -> memref<16x768xf32, #tpu.memory_space<hbm>>
    %dma_wait3A_440 = arith.constant 0 : i32
    %dma_wait3A_441 = arith.constant 0 : i32
    %dma_wait3A_442 = tpu.memref_slice %arg12[%dma_wait3A_428, %dma_wait3A_440, %dma_wait3A_441] : memref<9x16x768xf32, #tpu.memory_space<vmem>> -> memref<1x16x768xf32, #tpu.memory_space<vmem>>
    %dma_wait3A_443 = tpu.memref_squeeze %dma_wait3A_442 : memref<1x16x768xf32, #tpu.memory_space<vmem>> -> memref<16x768xf32, #tpu.memory_space<vmem>>
    tpu.wait_dma2 semaphore(%arg14 : memref<!tpu.dma_semaphore, #tpu.memory_space<semaphore_mem>>) src(%dma_wait3A_443 : memref<16x768xf32, #tpu.memory_space<vmem>>) dst(%dma_wait3A_439 : memref<16x768xf32, #tpu.memory_space<hbm>>)
    %dma_wait3A_444 = arith.constant 4 : i32
    %dma_wait3A_445 = arith.constant 4 : i32
    %dma_wait3A_446 = arith.constant 0 : i32
    %dma_wait3A_447 = arith.constant 0 : i32
    %dma_wait3A_448 = tpu.memref_slice %arg12[%dma_wait3A_444, %dma_wait3A_446, %dma_wait3A_447] : memref<9x16x768xf32, #tpu.memory_space<vmem>> -> memref<1x16x768xf32, #tpu.memory_space<vmem>>
    %dma_wait3A_449 = tpu.memref_squeeze %dma_wait3A_448 : memref<1x16x768xf32, #tpu.memory_space<vmem>> -> memref<16x768xf32, #tpu.memory_space<vmem>>
    %dma_wait3A_450 = arith.constant 0 : i32
    %dma_wait3A_451 = tpu.memref_slice %arg10[%dma_wait3A_445, %add3A_4, %dma_wait3A_450] : memref<9x1024x768xf32, #tpu.memory_space<hbm>> -> memref<1x16x768xf32, #tpu.memory_space<hbm>>
    %dma_wait3A_452 = tpu.memref_squeeze %dma_wait3A_451 : memref<1x16x768xf32, #tpu.memory_space<hbm>> -> memref<16x768xf32, #tpu.memory_space<hbm>>
    %dma_wait3A_453 = arith.constant 0 : i32
    %dma_wait3A_454 = tpu.memref_slice %arg10[%dma_wait3A_445, %add3A_4, %dma_wait3A_453] : memref<9x1024x768xf32, #tpu.memory_space<hbm>> -> memref<1x16x768xf32, #tpu.memory_space<hbm>>
    %dma_wait3A_455 = tpu.memref_squeeze %dma_wait3A_454 : memref<1x16x768xf32, #tpu.memory_space<hbm>> -> memref<16x768xf32, #tpu.memory_space<hbm>>
    %dma_wait3A_456 = arith.constant 0 : i32
    %dma_wait3A_457 = arith.constant 0 : i32
    %dma_wait3A_458 = tpu.memref_slice %arg12[%dma_wait3A_444, %dma_wait3A_456, %dma_wait3A_457] : memref<9x16x768xf32, #tpu.memory_space<vmem>> -> memref<1x16x768xf32, #tpu.memory_space<vmem>>
    %dma_wait3A_459 = tpu.memref_squeeze %dma_wait3A_458 : memref<1x16x768xf32, #tpu.memory_space<vmem>> -> memref<16x768xf32, #tpu.memory_space<vmem>>
    tpu.wait_dma2 semaphore(%arg14 : memref<!tpu.dma_semaphore, #tpu.memory_space<semaphore_mem>>) src(%dma_wait3A_459 : memref<16x768xf32, #tpu.memory_space<vmem>>) dst(%dma_wait3A_455 : memref<16x768xf32, #tpu.memory_space<hbm>>)
    %dma_wait3A_460 = arith.constant 5 : i32
    %dma_wait3A_461 = arith.constant 5 : i32
    %dma_wait3A_462 = arith.constant 0 : i32
    %dma_wait3A_463 = arith.constant 0 : i32
    %dma_wait3A_464 = tpu.memref_slice %arg12[%dma_wait3A_460, %dma_wait3A_462, %dma_wait3A_463] : memref<9x16x768xf32, #tpu.memory_space<vmem>> -> memref<1x16x768xf32, #tpu.memory_space<vmem>>
    %dma_wait3A_465 = tpu.memref_squeeze %dma_wait3A_464 : memref<1x16x768xf32, #tpu.memory_space<vmem>> -> memref<16x768xf32, #tpu.memory_space<vmem>>
    %dma_wait3A_466 = arith.constant 0 : i32
    %dma_wait3A_467 = tpu.memref_slice %arg10[%dma_wait3A_461, %add3A_4, %dma_wait3A_466] : memref<9x1024x768xf32, #tpu.memory_space<hbm>> -> memref<1x16x768xf32, #tpu.memory_space<hbm>>
    %dma_wait3A_468 = tpu.memref_squeeze %dma_wait3A_467 : memref<1x16x768xf32, #tpu.memory_space<hbm>> -> memref<16x768xf32, #tpu.memory_space<hbm>>
    %dma_wait3A_469 = arith.constant 0 : i32
    %dma_wait3A_470 = tpu.memref_slice %arg10[%dma_wait3A_461, %add3A_4, %dma_wait3A_469] : memref<9x1024x768xf32, #tpu.memory_space<hbm>> -> memref<1x16x768xf32, #tpu.memory_space<hbm>>
    %dma_wait3A_471 = tpu.memref_squeeze %dma_wait3A_470 : memref<1x16x768xf32, #tpu.memory_space<hbm>> -> memref<16x768xf32, #tpu.memory_space<hbm>>
    %dma_wait3A_472 = arith.constant 0 : i32
    %dma_wait3A_473 = arith.constant 0 : i32
    %dma_wait3A_474 = tpu.memref_slice %arg12[%dma_wait3A_460, %dma_wait3A_472, %dma_wait3A_473] : memref<9x16x768xf32, #tpu.memory_space<vmem>> -> memref<1x16x768xf32, #tpu.memory_space<vmem>>
    %dma_wait3A_475 = tpu.memref_squeeze %dma_wait3A_474 : memref<1x16x768xf32, #tpu.memory_space<vmem>> -> memref<16x768xf32, #tpu.memory_space<vmem>>
    tpu.wait_dma2 semaphore(%arg14 : memref<!tpu.dma_semaphore, #tpu.memory_space<semaphore_mem>>) src(%dma_wait3A_475 : memref<16x768xf32, #tpu.memory_space<vmem>>) dst(%dma_wait3A_471 : memref<16x768xf32, #tpu.memory_space<hbm>>)
    %dma_wait3A_476 = arith.constant 6 : i32
    %dma_wait3A_477 = arith.constant 6 : i32
    %dma_wait3A_478 = arith.constant 0 : i32
    %dma_wait3A_479 = arith.constant 0 : i32
    %dma_wait3A_480 = tpu.memref_slice %arg12[%dma_wait3A_476, %dma_wait3A_478, %dma_wait3A_479] : memref<9x16x768xf32, #tpu.memory_space<vmem>> -> memref<1x16x768xf32, #tpu.memory_space<vmem>>
    %dma_wait3A_481 = tpu.memref_squeeze %dma_wait3A_480 : memref<1x16x768xf32, #tpu.memory_space<vmem>> -> memref<16x768xf32, #tpu.memory_space<vmem>>
    %dma_wait3A_482 = arith.constant 0 : i32
    %dma_wait3A_483 = tpu.memref_slice %arg10[%dma_wait3A_477, %add3A_4, %dma_wait3A_482] : memref<9x1024x768xf32, #tpu.memory_space<hbm>> -> memref<1x16x768xf32, #tpu.memory_space<hbm>>
    %dma_wait3A_484 = tpu.memref_squeeze %dma_wait3A_483 : memref<1x16x768xf32, #tpu.memory_space<hbm>> -> memref<16x768xf32, #tpu.memory_space<hbm>>
    %dma_wait3A_485 = arith.constant 0 : i32
    %dma_wait3A_486 = tpu.memref_slice %arg10[%dma_wait3A_477, %add3A_4, %dma_wait3A_485] : memref<9x1024x768xf32, #tpu.memory_space<hbm>> -> memref<1x16x768xf32, #tpu.memory_space<hbm>>
    %dma_wait3A_487 = tpu.memref_squeeze %dma_wait3A_486 : memref<1x16x768xf32, #tpu.memory_space<hbm>> -> memref<16x768xf32, #tpu.memory_space<hbm>>
    %dma_wait3A_488 = arith.constant 0 : i32
    %dma_wait3A_489 = arith.constant 0 : i32
    %dma_wait3A_490 = tpu.memref_slice %arg12[%dma_wait3A_476, %dma_wait3A_488, %dma_wait3A_489] : memref<9x16x768xf32, #tpu.memory_space<vmem>> -> memref<1x16x768xf32, #tpu.memory_space<vmem>>
    %dma_wait3A_491 = tpu.memref_squeeze %dma_wait3A_490 : memref<1x16x768xf32, #tpu.memory_space<vmem>> -> memref<16x768xf32, #tpu.memory_space<vmem>>
    tpu.wait_dma2 semaphore(%arg14 : memref<!tpu.dma_semaphore, #tpu.memory_space<semaphore_mem>>) src(%dma_wait3A_491 : memref<16x768xf32, #tpu.memory_space<vmem>>) dst(%dma_wait3A_487 : memref<16x768xf32, #tpu.memory_space<hbm>>)
    %dma_wait3A_492 = arith.constant 7 : i32
    %dma_wait3A_493 = arith.constant 7 : i32
    %dma_wait3A_494 = arith.constant 0 : i32
    %dma_wait3A_495 = arith.constant 0 : i32
    %dma_wait3A_496 = tpu.memref_slice %arg12[%dma_wait3A_492, %dma_wait3A_494, %dma_wait3A_495] : memref<9x16x768xf32, #tpu.memory_space<vmem>> -> memref<1x16x768xf32, #tpu.memory_space<vmem>>
    %dma_wait3A_497 = tpu.memref_squeeze %dma_wait3A_496 : memref<1x16x768xf32, #tpu.memory_space<vmem>> -> memref<16x768xf32, #tpu.memory_space<vmem>>
    %dma_wait3A_498 = arith.constant 0 : i32
    %dma_wait3A_499 = tpu.memref_slice %arg10[%dma_wait3A_493, %add3A_4, %dma_wait3A_498] : memref<9x1024x768xf32, #tpu.memory_space<hbm>> -> memref<1x16x768xf32, #tpu.memory_space<hbm>>
    %dma_wait3A_500 = tpu.memref_squeeze %dma_wait3A_499 : memref<1x16x768xf32, #tpu.memory_space<hbm>> -> memref<16x768xf32, #tpu.memory_space<hbm>>
    %dma_wait3A_501 = arith.constant 0 : i32
    %dma_wait3A_502 = tpu.memref_slice %arg10[%dma_wait3A_493, %add3A_4, %dma_wait3A_501] : memref<9x1024x768xf32, #tpu.memory_space<hbm>> -> memref<1x16x768xf32, #tpu.memory_space<hbm>>
    %dma_wait3A_503 = tpu.memref_squeeze %dma_wait3A_502 : memref<1x16x768xf32, #tpu.memory_space<hbm>> -> memref<16x768xf32, #tpu.memory_space<hbm>>
    %dma_wait3A_504 = arith.constant 0 : i32
    %dma_wait3A_505 = arith.constant 0 : i32
    %dma_wait3A_506 = tpu.memref_slice %arg12[%dma_wait3A_492, %dma_wait3A_504, %dma_wait3A_505] : memref<9x16x768xf32, #tpu.memory_space<vmem>> -> memref<1x16x768xf32, #tpu.memory_space<vmem>>
    %dma_wait3A_507 = tpu.memref_squeeze %dma_wait3A_506 : memref<1x16x768xf32, #tpu.memory_space<vmem>> -> memref<16x768xf32, #tpu.memory_space<vmem>>
    tpu.wait_dma2 semaphore(%arg14 : memref<!tpu.dma_semaphore, #tpu.memory_space<semaphore_mem>>) src(%dma_wait3A_507 : memref<16x768xf32, #tpu.memory_space<vmem>>) dst(%dma_wait3A_503 : memref<16x768xf32, #tpu.memory_space<hbm>>)
    %dma_wait3A_508 = arith.constant 8 : i32
    %dma_wait3A_509 = arith.constant 8 : i32
    %dma_wait3A_510 = arith.constant 0 : i32
    %dma_wait3A_511 = arith.constant 0 : i32
    %dma_wait3A_512 = tpu.memref_slice %arg12[%dma_wait3A_508, %dma_wait3A_510, %dma_wait3A_511] : memref<9x16x768xf32, #tpu.memory_space<vmem>> -> memref<1x16x768xf32, #tpu.memory_space<vmem>>
    %dma_wait3A_513 = tpu.memref_squeeze %dma_wait3A_512 : memref<1x16x768xf32, #tpu.memory_space<vmem>> -> memref<16x768xf32, #tpu.memory_space<vmem>>
    %dma_wait3A_514 = arith.constant 0 : i32
    %dma_wait3A_515 = tpu.memref_slice %arg10[%dma_wait3A_509, %add3A_4, %dma_wait3A_514] : memref<9x1024x768xf32, #tpu.memory_space<hbm>> -> memref<1x16x768xf32, #tpu.memory_space<hbm>>
    %dma_wait3A_516 = tpu.memref_squeeze %dma_wait3A_515 : memref<1x16x768xf32, #tpu.memory_space<hbm>> -> memref<16x768xf32, #tpu.memory_space<hbm>>
    %dma_wait3A_517 = arith.constant 0 : i32
    %dma_wait3A_518 = tpu.memref_slice %arg10[%dma_wait3A_509, %add3A_4, %dma_wait3A_517] : memref<9x1024x768xf32, #tpu.memory_space<hbm>> -> memref<1x16x768xf32, #tpu.memory_space<hbm>>
    %dma_wait3A_519 = tpu.memref_squeeze %dma_wait3A_518 : memref<1x16x768xf32, #tpu.memory_space<hbm>> -> memref<16x768xf32, #tpu.memory_space<hbm>>
    %dma_wait3A_520 = arith.constant 0 : i32
    %dma_wait3A_521 = arith.constant 0 : i32
    %dma_wait3A_522 = tpu.memref_slice %arg12[%dma_wait3A_508, %dma_wait3A_520, %dma_wait3A_521] : memref<9x16x768xf32, #tpu.memory_space<vmem>> -> memref<1x16x768xf32, #tpu.memory_space<vmem>>
    %dma_wait3A_523 = tpu.memref_squeeze %dma_wait3A_522 : memref<1x16x768xf32, #tpu.memory_space<vmem>> -> memref<16x768xf32, #tpu.memory_space<vmem>>
    tpu.wait_dma2 semaphore(%arg14 : memref<!tpu.dma_semaphore, #tpu.memory_space<semaphore_mem>>) src(%dma_wait3A_523 : memref<16x768xf32, #tpu.memory_space<vmem>>) dst(%dma_wait3A_519 : memref<16x768xf32, #tpu.memory_space<hbm>>)
    %mul3A_524 = arith.constant 32 : i32
    %mul3A_525 = arith.muli %add3A, %mul3A_524 : i32
    %add3A_526 = arith.constant 16 : i32
    %add3A_527 = arith.addi %mul3A_525, %add3A_526 : i32
    %run_scoped3A_528 = arith.constant 0 : i32
    %run_scoped3A_529 = arith.constant 0 : i32
    "tpu.region"() ({
      %run_scoped3A_1050 = tpu.sem_alloc : memref<!tpu.dma_semaphore, #tpu.memory_space<semaphore_mem>>
      %dma_start3A_1051 = arith.constant 0 : i32
      %dma_start3A_1052 = tpu.memref_slice %arg11[%run_scoped3A_529, %dma_start3A_1051] : memref<9x16xi32, #tpu.memory_space<vmem>> -> memref<1x16xi32, #tpu.memory_space<vmem>>
      %dma_start3A_1053 = tpu.memref_squeeze %dma_start3A_1052 : memref<1x16xi32, #tpu.memory_space<vmem>> -> memref<16xi32, #tpu.memory_space<vmem>>
      %dma_start3A_1054 = tpu.memref_slice %arg9[%run_scoped3A_528, %add3A_527] : memref<9x1024xi32, #tpu.memory_space<hbm>> -> memref<1x16xi32, #tpu.memory_space<hbm>>
      %dma_start3A_1055 = tpu.memref_squeeze %dma_start3A_1054 : memref<1x16xi32, #tpu.memory_space<hbm>> -> memref<16xi32, #tpu.memory_space<hbm>>
      %dma_start3A_1056 = arith.constant 0 : i32
      %dma_start3A_1057 = tpu.memref_slice %arg11[%run_scoped3A_529, %dma_start3A_1056] : memref<9x16xi32, #tpu.memory_space<vmem>> -> memref<1x16xi32, #tpu.memory_space<vmem>>
      %dma_start3A_1058 = tpu.memref_squeeze %dma_start3A_1057 : memref<1x16xi32, #tpu.memory_space<vmem>> -> memref<16xi32, #tpu.memory_space<vmem>>
      %dma_start3A_1059 = tpu.memref_slice %arg9[%run_scoped3A_528, %add3A_527] : memref<9x1024xi32, #tpu.memory_space<hbm>> -> memref<1x16xi32, #tpu.memory_space<hbm>>
      %dma_start3A_1060 = tpu.memref_squeeze %dma_start3A_1059 : memref<1x16xi32, #tpu.memory_space<hbm>> -> memref<16xi32, #tpu.memory_space<hbm>>
      tpu.enqueue_dma source(%dma_start3A_1060 : memref<16xi32, #tpu.memory_space<hbm>>) target(%dma_start3A_1058 : memref<16xi32, #tpu.memory_space<vmem>>) target_semaphore(%run_scoped3A_1050 : memref<!tpu.dma_semaphore, #tpu.memory_space<semaphore_mem>>)
      %dma_wait3A_1061 = arith.constant 0 : i32
      %dma_wait3A_1062 = tpu.memref_slice %arg11[%run_scoped3A_529, %dma_wait3A_1061] : memref<9x16xi32, #tpu.memory_space<vmem>> -> memref<1x16xi32, #tpu.memory_space<vmem>>
      %dma_wait3A_1063 = tpu.memref_squeeze %dma_wait3A_1062 : memref<1x16xi32, #tpu.memory_space<vmem>> -> memref<16xi32, #tpu.memory_space<vmem>>
      %dma_wait3A_1064 = tpu.memref_slice %arg9[%run_scoped3A_528, %add3A_527] : memref<9x1024xi32, #tpu.memory_space<hbm>> -> memref<1x16xi32, #tpu.memory_space<hbm>>
      %dma_wait3A_1065 = tpu.memref_squeeze %dma_wait3A_1064 : memref<1x16xi32, #tpu.memory_space<hbm>> -> memref<16xi32, #tpu.memory_space<hbm>>
      %dma_wait3A_1066 = arith.constant 0 : i32
      %dma_wait3A_1067 = tpu.memref_slice %arg11[%run_scoped3A_529, %dma_wait3A_1066] : memref<9x16xi32, #tpu.memory_space<vmem>> -> memref<1x16xi32, #tpu.memory_space<vmem>>
      %dma_wait3A_1068 = tpu.memref_squeeze %dma_wait3A_1067 : memref<1x16xi32, #tpu.memory_space<vmem>> -> memref<16xi32, #tpu.memory_space<vmem>>
      %dma_wait3A_1069 = tpu.memref_slice %arg9[%run_scoped3A_528, %add3A_527] : memref<9x1024xi32, #tpu.memory_space<hbm>> -> memref<1x16xi32, #tpu.memory_space<hbm>>
      %dma_wait3A_1070 = tpu.memref_squeeze %dma_wait3A_1069 : memref<1x16xi32, #tpu.memory_space<hbm>> -> memref<16xi32, #tpu.memory_space<hbm>>
      tpu.wait_dma2 semaphore(%run_scoped3A_1050 : memref<!tpu.dma_semaphore, #tpu.memory_space<semaphore_mem>>) src(%dma_wait3A_1070 : memref<16xi32, #tpu.memory_space<hbm>>) dst(%dma_wait3A_1068 : memref<16xi32, #tpu.memory_space<vmem>>)
      tpu.yield
    }) : () -> ()
    %run_scoped3A_530 = arith.constant 1 : i32
    %run_scoped3A_531 = arith.constant 1 : i32
    "tpu.region"() ({
      %run_scoped3A_1050 = tpu.sem_alloc : memref<!tpu.dma_semaphore, #tpu.memory_space<semaphore_mem>>
      %dma_start3A_1051 = arith.constant 0 : i32
      %dma_start3A_1052 = tpu.memref_slice %arg11[%run_scoped3A_531, %dma_start3A_1051] : memref<9x16xi32, #tpu.memory_space<vmem>> -> memref<1x16xi32, #tpu.memory_space<vmem>>
      %dma_start3A_1053 = tpu.memref_squeeze %dma_start3A_1052 : memref<1x16xi32, #tpu.memory_space<vmem>> -> memref<16xi32, #tpu.memory_space<vmem>>
      %dma_start3A_1054 = tpu.memref_slice %arg9[%run_scoped3A_530, %add3A_527] : memref<9x1024xi32, #tpu.memory_space<hbm>> -> memref<1x16xi32, #tpu.memory_space<hbm>>
      %dma_start3A_1055 = tpu.memref_squeeze %dma_start3A_1054 : memref<1x16xi32, #tpu.memory_space<hbm>> -> memref<16xi32, #tpu.memory_space<hbm>>
      %dma_start3A_1056 = arith.constant 0 : i32
      %dma_start3A_1057 = tpu.memref_slice %arg11[%run_scoped3A_531, %dma_start3A_1056] : memref<9x16xi32, #tpu.memory_space<vmem>> -> memref<1x16xi32, #tpu.memory_space<vmem>>
      %dma_start3A_1058 = tpu.memref_squeeze %dma_start3A_1057 : memref<1x16xi32, #tpu.memory_space<vmem>> -> memref<16xi32, #tpu.memory_space<vmem>>
      %dma_start3A_1059 = tpu.memref_slice %arg9[%run_scoped3A_530, %add3A_527] : memref<9x1024xi32, #tpu.memory_space<hbm>> -> memref<1x16xi32, #tpu.memory_space<hbm>>
      %dma_start3A_1060 = tpu.memref_squeeze %dma_start3A_1059 : memref<1x16xi32, #tpu.memory_space<hbm>> -> memref<16xi32, #tpu.memory_space<hbm>>
      tpu.enqueue_dma source(%dma_start3A_1060 : memref<16xi32, #tpu.memory_space<hbm>>) target(%dma_start3A_1058 : memref<16xi32, #tpu.memory_space<vmem>>) target_semaphore(%run_scoped3A_1050 : memref<!tpu.dma_semaphore, #tpu.memory_space<semaphore_mem>>)
      %dma_wait3A_1061 = arith.constant 0 : i32
      %dma_wait3A_1062 = tpu.memref_slice %arg11[%run_scoped3A_531, %dma_wait3A_1061] : memref<9x16xi32, #tpu.memory_space<vmem>> -> memref<1x16xi32, #tpu.memory_space<vmem>>
      %dma_wait3A_1063 = tpu.memref_squeeze %dma_wait3A_1062 : memref<1x16xi32, #tpu.memory_space<vmem>> -> memref<16xi32, #tpu.memory_space<vmem>>
      %dma_wait3A_1064 = tpu.memref_slice %arg9[%run_scoped3A_530, %add3A_527] : memref<9x1024xi32, #tpu.memory_space<hbm>> -> memref<1x16xi32, #tpu.memory_space<hbm>>
      %dma_wait3A_1065 = tpu.memref_squeeze %dma_wait3A_1064 : memref<1x16xi32, #tpu.memory_space<hbm>> -> memref<16xi32, #tpu.memory_space<hbm>>
      %dma_wait3A_1066 = arith.constant 0 : i32
      %dma_wait3A_1067 = tpu.memref_slice %arg11[%run_scoped3A_531, %dma_wait3A_1066] : memref<9x16xi32, #tpu.memory_space<vmem>> -> memref<1x16xi32, #tpu.memory_space<vmem>>
      %dma_wait3A_1068 = tpu.memref_squeeze %dma_wait3A_1067 : memref<1x16xi32, #tpu.memory_space<vmem>> -> memref<16xi32, #tpu.memory_space<vmem>>
      %dma_wait3A_1069 = tpu.memref_slice %arg9[%run_scoped3A_530, %add3A_527] : memref<9x1024xi32, #tpu.memory_space<hbm>> -> memref<1x16xi32, #tpu.memory_space<hbm>>
      %dma_wait3A_1070 = tpu.memref_squeeze %dma_wait3A_1069 : memref<1x16xi32, #tpu.memory_space<hbm>> -> memref<16xi32, #tpu.memory_space<hbm>>
      tpu.wait_dma2 semaphore(%run_scoped3A_1050 : memref<!tpu.dma_semaphore, #tpu.memory_space<semaphore_mem>>) src(%dma_wait3A_1070 : memref<16xi32, #tpu.memory_space<hbm>>) dst(%dma_wait3A_1068 : memref<16xi32, #tpu.memory_space<vmem>>)
      tpu.yield
    }) : () -> ()
    %run_scoped3A_532 = arith.constant 2 : i32
    %run_scoped3A_533 = arith.constant 2 : i32
    "tpu.region"() ({
      %run_scoped3A_1050 = tpu.sem_alloc : memref<!tpu.dma_semaphore, #tpu.memory_space<semaphore_mem>>
      %dma_start3A_1051 = arith.constant 0 : i32
      %dma_start3A_1052 = tpu.memref_slice %arg11[%run_scoped3A_533, %dma_start3A_1051] : memref<9x16xi32, #tpu.memory_space<vmem>> -> memref<1x16xi32, #tpu.memory_space<vmem>>
      %dma_start3A_1053 = tpu.memref_squeeze %dma_start3A_1052 : memref<1x16xi32, #tpu.memory_space<vmem>> -> memref<16xi32, #tpu.memory_space<vmem>>
      %dma_start3A_1054 = tpu.memref_slice %arg9[%run_scoped3A_532, %add3A_527] : memref<9x1024xi32, #tpu.memory_space<hbm>> -> memref<1x16xi32, #tpu.memory_space<hbm>>
      %dma_start3A_1055 = tpu.memref_squeeze %dma_start3A_1054 : memref<1x16xi32, #tpu.memory_space<hbm>> -> memref<16xi32, #tpu.memory_space<hbm>>
      %dma_start3A_1056 = arith.constant 0 : i32
      %dma_start3A_1057 = tpu.memref_slice %arg11[%run_scoped3A_533, %dma_start3A_1056] : memref<9x16xi32, #tpu.memory_space<vmem>> -> memref<1x16xi32, #tpu.memory_space<vmem>>
      %dma_start3A_1058 = tpu.memref_squeeze %dma_start3A_1057 : memref<1x16xi32, #tpu.memory_space<vmem>> -> memref<16xi32, #tpu.memory_space<vmem>>
      %dma_start3A_1059 = tpu.memref_slice %arg9[%run_scoped3A_532, %add3A_527] : memref<9x1024xi32, #tpu.memory_space<hbm>> -> memref<1x16xi32, #tpu.memory_space<hbm>>
      %dma_start3A_1060 = tpu.memref_squeeze %dma_start3A_1059 : memref<1x16xi32, #tpu.memory_space<hbm>> -> memref<16xi32, #tpu.memory_space<hbm>>
      tpu.enqueue_dma source(%dma_start3A_1060 : memref<16xi32, #tpu.memory_space<hbm>>) target(%dma_start3A_1058 : memref<16xi32, #tpu.memory_space<vmem>>) target_semaphore(%run_scoped3A_1050 : memref<!tpu.dma_semaphore, #tpu.memory_space<semaphore_mem>>)
      %dma_wait3A_1061 = arith.constant 0 : i32
      %dma_wait3A_1062 = tpu.memref_slice %arg11[%run_scoped3A_533, %dma_wait3A_1061] : memref<9x16xi32, #tpu.memory_space<vmem>> -> memref<1x16xi32, #tpu.memory_space<vmem>>
      %dma_wait3A_1063 = tpu.memref_squeeze %dma_wait3A_1062 : memref<1x16xi32, #tpu.memory_space<vmem>> -> memref<16xi32, #tpu.memory_space<vmem>>
      %dma_wait3A_1064 = tpu.memref_slice %arg9[%run_scoped3A_532, %add3A_527] : memref<9x1024xi32, #tpu.memory_space<hbm>> -> memref<1x16xi32, #tpu.memory_space<hbm>>
      %dma_wait3A_1065 = tpu.memref_squeeze %dma_wait3A_1064 : memref<1x16xi32, #tpu.memory_space<hbm>> -> memref<16xi32, #tpu.memory_space<hbm>>
      %dma_wait3A_1066 = arith.constant 0 : i32
      %dma_wait3A_1067 = tpu.memref_slice %arg11[%run_scoped3A_533, %dma_wait3A_1066] : memref<9x16xi32, #tpu.memory_space<vmem>> -> memref<1x16xi32, #tpu.memory_space<vmem>>
      %dma_wait3A_1068 = tpu.memref_squeeze %dma_wait3A_1067 : memref<1x16xi32, #tpu.memory_space<vmem>> -> memref<16xi32, #tpu.memory_space<vmem>>
      %dma_wait3A_1069 = tpu.memref_slice %arg9[%run_scoped3A_532, %add3A_527] : memref<9x1024xi32, #tpu.memory_space<hbm>> -> memref<1x16xi32, #tpu.memory_space<hbm>>
      %dma_wait3A_1070 = tpu.memref_squeeze %dma_wait3A_1069 : memref<1x16xi32, #tpu.memory_space<hbm>> -> memref<16xi32, #tpu.memory_space<hbm>>
      tpu.wait_dma2 semaphore(%run_scoped3A_1050 : memref<!tpu.dma_semaphore, #tpu.memory_space<semaphore_mem>>) src(%dma_wait3A_1070 : memref<16xi32, #tpu.memory_space<hbm>>) dst(%dma_wait3A_1068 : memref<16xi32, #tpu.memory_space<vmem>>)
      tpu.yield
    }) : () -> ()
    %run_scoped3A_534 = arith.constant 3 : i32
    %run_scoped3A_535 = arith.constant 3 : i32
    "tpu.region"() ({
      %run_scoped3A_1050 = tpu.sem_alloc : memref<!tpu.dma_semaphore, #tpu.memory_space<semaphore_mem>>
      %dma_start3A_1051 = arith.constant 0 : i32
      %dma_start3A_1052 = tpu.memref_slice %arg11[%run_scoped3A_535, %dma_start3A_1051] : memref<9x16xi32, #tpu.memory_space<vmem>> -> memref<1x16xi32, #tpu.memory_space<vmem>>
      %dma_start3A_1053 = tpu.memref_squeeze %dma_start3A_1052 : memref<1x16xi32, #tpu.memory_space<vmem>> -> memref<16xi32, #tpu.memory_space<vmem>>
      %dma_start3A_1054 = tpu.memref_slice %arg9[%run_scoped3A_534, %add3A_527] : memref<9x1024xi32, #tpu.memory_space<hbm>> -> memref<1x16xi32, #tpu.memory_space<hbm>>
      %dma_start3A_1055 = tpu.memref_squeeze %dma_start3A_1054 : memref<1x16xi32, #tpu.memory_space<hbm>> -> memref<16xi32, #tpu.memory_space<hbm>>
      %dma_start3A_1056 = arith.constant 0 : i32
      %dma_start3A_1057 = tpu.memref_slice %arg11[%run_scoped3A_535, %dma_start3A_1056] : memref<9x16xi32, #tpu.memory_space<vmem>> -> memref<1x16xi32, #tpu.memory_space<vmem>>
      %dma_start3A_1058 = tpu.memref_squeeze %dma_start3A_1057 : memref<1x16xi32, #tpu.memory_space<vmem>> -> memref<16xi32, #tpu.memory_space<vmem>>
      %dma_start3A_1059 = tpu.memref_slice %arg9[%run_scoped3A_534, %add3A_527] : memref<9x1024xi32, #tpu.memory_space<hbm>> -> memref<1x16xi32, #tpu.memory_space<hbm>>
      %dma_start3A_1060 = tpu.memref_squeeze %dma_start3A_1059 : memref<1x16xi32, #tpu.memory_space<hbm>> -> memref<16xi32, #tpu.memory_space<hbm>>
      tpu.enqueue_dma source(%dma_start3A_1060 : memref<16xi32, #tpu.memory_space<hbm>>) target(%dma_start3A_1058 : memref<16xi32, #tpu.memory_space<vmem>>) target_semaphore(%run_scoped3A_1050 : memref<!tpu.dma_semaphore, #tpu.memory_space<semaphore_mem>>)
      %dma_wait3A_1061 = arith.constant 0 : i32
      %dma_wait3A_1062 = tpu.memref_slice %arg11[%run_scoped3A_535, %dma_wait3A_1061] : memref<9x16xi32, #tpu.memory_space<vmem>> -> memref<1x16xi32, #tpu.memory_space<vmem>>
      %dma_wait3A_1063 = tpu.memref_squeeze %dma_wait3A_1062 : memref<1x16xi32, #tpu.memory_space<vmem>> -> memref<16xi32, #tpu.memory_space<vmem>>
      %dma_wait3A_1064 = tpu.memref_slice %arg9[%run_scoped3A_534, %add3A_527] : memref<9x1024xi32, #tpu.memory_space<hbm>> -> memref<1x16xi32, #tpu.memory_space<hbm>>
      %dma_wait3A_1065 = tpu.memref_squeeze %dma_wait3A_1064 : memref<1x16xi32, #tpu.memory_space<hbm>> -> memref<16xi32, #tpu.memory_space<hbm>>
      %dma_wait3A_1066 = arith.constant 0 : i32
      %dma_wait3A_1067 = tpu.memref_slice %arg11[%run_scoped3A_535, %dma_wait3A_1066] : memref<9x16xi32, #tpu.memory_space<vmem>> -> memref<1x16xi32, #tpu.memory_space<vmem>>
      %dma_wait3A_1068 = tpu.memref_squeeze %dma_wait3A_1067 : memref<1x16xi32, #tpu.memory_space<vmem>> -> memref<16xi32, #tpu.memory_space<vmem>>
      %dma_wait3A_1069 = tpu.memref_slice %arg9[%run_scoped3A_534, %add3A_527] : memref<9x1024xi32, #tpu.memory_space<hbm>> -> memref<1x16xi32, #tpu.memory_space<hbm>>
      %dma_wait3A_1070 = tpu.memref_squeeze %dma_wait3A_1069 : memref<1x16xi32, #tpu.memory_space<hbm>> -> memref<16xi32, #tpu.memory_space<hbm>>
      tpu.wait_dma2 semaphore(%run_scoped3A_1050 : memref<!tpu.dma_semaphore, #tpu.memory_space<semaphore_mem>>) src(%dma_wait3A_1070 : memref<16xi32, #tpu.memory_space<hbm>>) dst(%dma_wait3A_1068 : memref<16xi32, #tpu.memory_space<vmem>>)
      tpu.yield
    }) : () -> ()
    %run_scoped3A_536 = arith.constant 4 : i32
    %run_scoped3A_537 = arith.constant 4 : i32
    "tpu.region"() ({
      %run_scoped3A_1050 = tpu.sem_alloc : memref<!tpu.dma_semaphore, #tpu.memory_space<semaphore_mem>>
      %dma_start3A_1051 = arith.constant 0 : i32
      %dma_start3A_1052 = tpu.memref_slice %arg11[%run_scoped3A_537, %dma_start3A_1051] : memref<9x16xi32, #tpu.memory_space<vmem>> -> memref<1x16xi32, #tpu.memory_space<vmem>>
      %dma_start3A_1053 = tpu.memref_squeeze %dma_start3A_1052 : memref<1x16xi32, #tpu.memory_space<vmem>> -> memref<16xi32, #tpu.memory_space<vmem>>
      %dma_start3A_1054 = tpu.memref_slice %arg9[%run_scoped3A_536, %add3A_527] : memref<9x1024xi32, #tpu.memory_space<hbm>> -> memref<1x16xi32, #tpu.memory_space<hbm>>
      %dma_start3A_1055 = tpu.memref_squeeze %dma_start3A_1054 : memref<1x16xi32, #tpu.memory_space<hbm>> -> memref<16xi32, #tpu.memory_space<hbm>>
      %dma_start3A_1056 = arith.constant 0 : i32
      %dma_start3A_1057 = tpu.memref_slice %arg11[%run_scoped3A_537, %dma_start3A_1056] : memref<9x16xi32, #tpu.memory_space<vmem>> -> memref<1x16xi32, #tpu.memory_space<vmem>>
      %dma_start3A_1058 = tpu.memref_squeeze %dma_start3A_1057 : memref<1x16xi32, #tpu.memory_space<vmem>> -> memref<16xi32, #tpu.memory_space<vmem>>
      %dma_start3A_1059 = tpu.memref_slice %arg9[%run_scoped3A_536, %add3A_527] : memref<9x1024xi32, #tpu.memory_space<hbm>> -> memref<1x16xi32, #tpu.memory_space<hbm>>
      %dma_start3A_1060 = tpu.memref_squeeze %dma_start3A_1059 : memref<1x16xi32, #tpu.memory_space<hbm>> -> memref<16xi32, #tpu.memory_space<hbm>>
      tpu.enqueue_dma source(%dma_start3A_1060 : memref<16xi32, #tpu.memory_space<hbm>>) target(%dma_start3A_1058 : memref<16xi32, #tpu.memory_space<vmem>>) target_semaphore(%run_scoped3A_1050 : memref<!tpu.dma_semaphore, #tpu.memory_space<semaphore_mem>>)
      %dma_wait3A_1061 = arith.constant 0 : i32
      %dma_wait3A_1062 = tpu.memref_slice %arg11[%run_scoped3A_537, %dma_wait3A_1061] : memref<9x16xi32, #tpu.memory_space<vmem>> -> memref<1x16xi32, #tpu.memory_space<vmem>>
      %dma_wait3A_1063 = tpu.memref_squeeze %dma_wait3A_1062 : memref<1x16xi32, #tpu.memory_space<vmem>> -> memref<16xi32, #tpu.memory_space<vmem>>
      %dma_wait3A_1064 = tpu.memref_slice %arg9[%run_scoped3A_536, %add3A_527] : memref<9x1024xi32, #tpu.memory_space<hbm>> -> memref<1x16xi32, #tpu.memory_space<hbm>>
      %dma_wait3A_1065 = tpu.memref_squeeze %dma_wait3A_1064 : memref<1x16xi32, #tpu.memory_space<hbm>> -> memref<16xi32, #tpu.memory_space<hbm>>
      %dma_wait3A_1066 = arith.constant 0 : i32
      %dma_wait3A_1067 = tpu.memref_slice %arg11[%run_scoped3A_537, %dma_wait3A_1066] : memref<9x16xi32, #tpu.memory_space<vmem>> -> memref<1x16xi32, #tpu.memory_space<vmem>>
      %dma_wait3A_1068 = tpu.memref_squeeze %dma_wait3A_1067 : memref<1x16xi32, #tpu.memory_space<vmem>> -> memref<16xi32, #tpu.memory_space<vmem>>
      %dma_wait3A_1069 = tpu.memref_slice %arg9[%run_scoped3A_536, %add3A_527] : memref<9x1024xi32, #tpu.memory_space<hbm>> -> memref<1x16xi32, #tpu.memory_space<hbm>>
      %dma_wait3A_1070 = tpu.memref_squeeze %dma_wait3A_1069 : memref<1x16xi32, #tpu.memory_space<hbm>> -> memref<16xi32, #tpu.memory_space<hbm>>
      tpu.wait_dma2 semaphore(%run_scoped3A_1050 : memref<!tpu.dma_semaphore, #tpu.memory_space<semaphore_mem>>) src(%dma_wait3A_1070 : memref<16xi32, #tpu.memory_space<hbm>>) dst(%dma_wait3A_1068 : memref<16xi32, #tpu.memory_space<vmem>>)
      tpu.yield
    }) : () -> ()
    %run_scoped3A_538 = arith.constant 5 : i32
    %run_scoped3A_539 = arith.constant 5 : i32
    "tpu.region"() ({
      %run_scoped3A_1050 = tpu.sem_alloc : memref<!tpu.dma_semaphore, #tpu.memory_space<semaphore_mem>>
      %dma_start3A_1051 = arith.constant 0 : i32
      %dma_start3A_1052 = tpu.memref_slice %arg11[%run_scoped3A_539, %dma_start3A_1051] : memref<9x16xi32, #tpu.memory_space<vmem>> -> memref<1x16xi32, #tpu.memory_space<vmem>>
      %dma_start3A_1053 = tpu.memref_squeeze %dma_start3A_1052 : memref<1x16xi32, #tpu.memory_space<vmem>> -> memref<16xi32, #tpu.memory_space<vmem>>
      %dma_start3A_1054 = tpu.memref_slice %arg9[%run_scoped3A_538, %add3A_527] : memref<9x1024xi32, #tpu.memory_space<hbm>> -> memref<1x16xi32, #tpu.memory_space<hbm>>
      %dma_start3A_1055 = tpu.memref_squeeze %dma_start3A_1054 : memref<1x16xi32, #tpu.memory_space<hbm>> -> memref<16xi32, #tpu.memory_space<hbm>>
      %dma_start3A_1056 = arith.constant 0 : i32
      %dma_start3A_1057 = tpu.memref_slice %arg11[%run_scoped3A_539, %dma_start3A_1056] : memref<9x16xi32, #tpu.memory_space<vmem>> -> memref<1x16xi32, #tpu.memory_space<vmem>>
      %dma_start3A_1058 = tpu.memref_squeeze %dma_start3A_1057 : memref<1x16xi32, #tpu.memory_space<vmem>> -> memref<16xi32, #tpu.memory_space<vmem>>
      %dma_start3A_1059 = tpu.memref_slice %arg9[%run_scoped3A_538, %add3A_527] : memref<9x1024xi32, #tpu.memory_space<hbm>> -> memref<1x16xi32, #tpu.memory_space<hbm>>
      %dma_start3A_1060 = tpu.memref_squeeze %dma_start3A_1059 : memref<1x16xi32, #tpu.memory_space<hbm>> -> memref<16xi32, #tpu.memory_space<hbm>>
      tpu.enqueue_dma source(%dma_start3A_1060 : memref<16xi32, #tpu.memory_space<hbm>>) target(%dma_start3A_1058 : memref<16xi32, #tpu.memory_space<vmem>>) target_semaphore(%run_scoped3A_1050 : memref<!tpu.dma_semaphore, #tpu.memory_space<semaphore_mem>>)
      %dma_wait3A_1061 = arith.constant 0 : i32
      %dma_wait3A_1062 = tpu.memref_slice %arg11[%run_scoped3A_539, %dma_wait3A_1061] : memref<9x16xi32, #tpu.memory_space<vmem>> -> memref<1x16xi32, #tpu.memory_space<vmem>>
      %dma_wait3A_1063 = tpu.memref_squeeze %dma_wait3A_1062 : memref<1x16xi32, #tpu.memory_space<vmem>> -> memref<16xi32, #tpu.memory_space<vmem>>
      %dma_wait3A_1064 = tpu.memref_slice %arg9[%run_scoped3A_538, %add3A_527] : memref<9x1024xi32, #tpu.memory_space<hbm>> -> memref<1x16xi32, #tpu.memory_space<hbm>>
      %dma_wait3A_1065 = tpu.memref_squeeze %dma_wait3A_1064 : memref<1x16xi32, #tpu.memory_space<hbm>> -> memref<16xi32, #tpu.memory_space<hbm>>
      %dma_wait3A_1066 = arith.constant 0 : i32
      %dma_wait3A_1067 = tpu.memref_slice %arg11[%run_scoped3A_539, %dma_wait3A_1066] : memref<9x16xi32, #tpu.memory_space<vmem>> -> memref<1x16xi32, #tpu.memory_space<vmem>>
      %dma_wait3A_1068 = tpu.memref_squeeze %dma_wait3A_1067 : memref<1x16xi32, #tpu.memory_space<vmem>> -> memref<16xi32, #tpu.memory_space<vmem>>
      %dma_wait3A_1069 = tpu.memref_slice %arg9[%run_scoped3A_538, %add3A_527] : memref<9x1024xi32, #tpu.memory_space<hbm>> -> memref<1x16xi32, #tpu.memory_space<hbm>>
      %dma_wait3A_1070 = tpu.memref_squeeze %dma_wait3A_1069 : memref<1x16xi32, #tpu.memory_space<hbm>> -> memref<16xi32, #tpu.memory_space<hbm>>
      tpu.wait_dma2 semaphore(%run_scoped3A_1050 : memref<!tpu.dma_semaphore, #tpu.memory_space<semaphore_mem>>) src(%dma_wait3A_1070 : memref<16xi32, #tpu.memory_space<hbm>>) dst(%dma_wait3A_1068 : memref<16xi32, #tpu.memory_space<vmem>>)
      tpu.yield
    }) : () -> ()
    %run_scoped3A_540 = arith.constant 6 : i32
    %run_scoped3A_541 = arith.constant 6 : i32
    "tpu.region"() ({
      %run_scoped3A_1050 = tpu.sem_alloc : memref<!tpu.dma_semaphore, #tpu.memory_space<semaphore_mem>>
      %dma_start3A_1051 = arith.constant 0 : i32
      %dma_start3A_1052 = tpu.memref_slice %arg11[%run_scoped3A_541, %dma_start3A_1051] : memref<9x16xi32, #tpu.memory_space<vmem>> -> memref<1x16xi32, #tpu.memory_space<vmem>>
      %dma_start3A_1053 = tpu.memref_squeeze %dma_start3A_1052 : memref<1x16xi32, #tpu.memory_space<vmem>> -> memref<16xi32, #tpu.memory_space<vmem>>
      %dma_start3A_1054 = tpu.memref_slice %arg9[%run_scoped3A_540, %add3A_527] : memref<9x1024xi32, #tpu.memory_space<hbm>> -> memref<1x16xi32, #tpu.memory_space<hbm>>
      %dma_start3A_1055 = tpu.memref_squeeze %dma_start3A_1054 : memref<1x16xi32, #tpu.memory_space<hbm>> -> memref<16xi32, #tpu.memory_space<hbm>>
      %dma_start3A_1056 = arith.constant 0 : i32
      %dma_start3A_1057 = tpu.memref_slice %arg11[%run_scoped3A_541, %dma_start3A_1056] : memref<9x16xi32, #tpu.memory_space<vmem>> -> memref<1x16xi32, #tpu.memory_space<vmem>>
      %dma_start3A_1058 = tpu.memref_squeeze %dma_start3A_1057 : memref<1x16xi32, #tpu.memory_space<vmem>> -> memref<16xi32, #tpu.memory_space<vmem>>
      %dma_start3A_1059 = tpu.memref_slice %arg9[%run_scoped3A_540, %add3A_527] : memref<9x1024xi32, #tpu.memory_space<hbm>> -> memref<1x16xi32, #tpu.memory_space<hbm>>
      %dma_start3A_1060 = tpu.memref_squeeze %dma_start3A_1059 : memref<1x16xi32, #tpu.memory_space<hbm>> -> memref<16xi32, #tpu.memory_space<hbm>>
      tpu.enqueue_dma source(%dma_start3A_1060 : memref<16xi32, #tpu.memory_space<hbm>>) target(%dma_start3A_1058 : memref<16xi32, #tpu.memory_space<vmem>>) target_semaphore(%run_scoped3A_1050 : memref<!tpu.dma_semaphore, #tpu.memory_space<semaphore_mem>>)
      %dma_wait3A_1061 = arith.constant 0 : i32
      %dma_wait3A_1062 = tpu.memref_slice %arg11[%run_scoped3A_541, %dma_wait3A_1061] : memref<9x16xi32, #tpu.memory_space<vmem>> -> memref<1x16xi32, #tpu.memory_space<vmem>>
      %dma_wait3A_1063 = tpu.memref_squeeze %dma_wait3A_1062 : memref<1x16xi32, #tpu.memory_space<vmem>> -> memref<16xi32, #tpu.memory_space<vmem>>
      %dma_wait3A_1064 = tpu.memref_slice %arg9[%run_scoped3A_540, %add3A_527] : memref<9x1024xi32, #tpu.memory_space<hbm>> -> memref<1x16xi32, #tpu.memory_space<hbm>>
      %dma_wait3A_1065 = tpu.memref_squeeze %dma_wait3A_1064 : memref<1x16xi32, #tpu.memory_space<hbm>> -> memref<16xi32, #tpu.memory_space<hbm>>
      %dma_wait3A_1066 = arith.constant 0 : i32
      %dma_wait3A_1067 = tpu.memref_slice %arg11[%run_scoped3A_541, %dma_wait3A_1066] : memref<9x16xi32, #tpu.memory_space<vmem>> -> memref<1x16xi32, #tpu.memory_space<vmem>>
      %dma_wait3A_1068 = tpu.memref_squeeze %dma_wait3A_1067 : memref<1x16xi32, #tpu.memory_space<vmem>> -> memref<16xi32, #tpu.memory_space<vmem>>
      %dma_wait3A_1069 = tpu.memref_slice %arg9[%run_scoped3A_540, %add3A_527] : memref<9x1024xi32, #tpu.memory_space<hbm>> -> memref<1x16xi32, #tpu.memory_space<hbm>>
      %dma_wait3A_1070 = tpu.memref_squeeze %dma_wait3A_1069 : memref<1x16xi32, #tpu.memory_space<hbm>> -> memref<16xi32, #tpu.memory_space<hbm>>
      tpu.wait_dma2 semaphore(%run_scoped3A_1050 : memref<!tpu.dma_semaphore, #tpu.memory_space<semaphore_mem>>) src(%dma_wait3A_1070 : memref<16xi32, #tpu.memory_space<hbm>>) dst(%dma_wait3A_1068 : memref<16xi32, #tpu.memory_space<vmem>>)
      tpu.yield
    }) : () -> ()
    %run_scoped3A_542 = arith.constant 7 : i32
    %run_scoped3A_543 = arith.constant 7 : i32
    "tpu.region"() ({
      %run_scoped3A_1050 = tpu.sem_alloc : memref<!tpu.dma_semaphore, #tpu.memory_space<semaphore_mem>>
      %dma_start3A_1051 = arith.constant 0 : i32
      %dma_start3A_1052 = tpu.memref_slice %arg11[%run_scoped3A_543, %dma_start3A_1051] : memref<9x16xi32, #tpu.memory_space<vmem>> -> memref<1x16xi32, #tpu.memory_space<vmem>>
      %dma_start3A_1053 = tpu.memref_squeeze %dma_start3A_1052 : memref<1x16xi32, #tpu.memory_space<vmem>> -> memref<16xi32, #tpu.memory_space<vmem>>
      %dma_start3A_1054 = tpu.memref_slice %arg9[%run_scoped3A_542, %add3A_527] : memref<9x1024xi32, #tpu.memory_space<hbm>> -> memref<1x16xi32, #tpu.memory_space<hbm>>
      %dma_start3A_1055 = tpu.memref_squeeze %dma_start3A_1054 : memref<1x16xi32, #tpu.memory_space<hbm>> -> memref<16xi32, #tpu.memory_space<hbm>>
      %dma_start3A_1056 = arith.constant 0 : i32
      %dma_start3A_1057 = tpu.memref_slice %arg11[%run_scoped3A_543, %dma_start3A_1056] : memref<9x16xi32, #tpu.memory_space<vmem>> -> memref<1x16xi32, #tpu.memory_space<vmem>>
      %dma_start3A_1058 = tpu.memref_squeeze %dma_start3A_1057 : memref<1x16xi32, #tpu.memory_space<vmem>> -> memref<16xi32, #tpu.memory_space<vmem>>
      %dma_start3A_1059 = tpu.memref_slice %arg9[%run_scoped3A_542, %add3A_527] : memref<9x1024xi32, #tpu.memory_space<hbm>> -> memref<1x16xi32, #tpu.memory_space<hbm>>
      %dma_start3A_1060 = tpu.memref_squeeze %dma_start3A_1059 : memref<1x16xi32, #tpu.memory_space<hbm>> -> memref<16xi32, #tpu.memory_space<hbm>>
      tpu.enqueue_dma source(%dma_start3A_1060 : memref<16xi32, #tpu.memory_space<hbm>>) target(%dma_start3A_1058 : memref<16xi32, #tpu.memory_space<vmem>>) target_semaphore(%run_scoped3A_1050 : memref<!tpu.dma_semaphore, #tpu.memory_space<semaphore_mem>>)
      %dma_wait3A_1061 = arith.constant 0 : i32
      %dma_wait3A_1062 = tpu.memref_slice %arg11[%run_scoped3A_543, %dma_wait3A_1061] : memref<9x16xi32, #tpu.memory_space<vmem>> -> memref<1x16xi32, #tpu.memory_space<vmem>>
      %dma_wait3A_1063 = tpu.memref_squeeze %dma_wait3A_1062 : memref<1x16xi32, #tpu.memory_space<vmem>> -> memref<16xi32, #tpu.memory_space<vmem>>
      %dma_wait3A_1064 = tpu.memref_slice %arg9[%run_scoped3A_542, %add3A_527] : memref<9x1024xi32, #tpu.memory_space<hbm>> -> memref<1x16xi32, #tpu.memory_space<hbm>>
      %dma_wait3A_1065 = tpu.memref_squeeze %dma_wait3A_1064 : memref<1x16xi32, #tpu.memory_space<hbm>> -> memref<16xi32, #tpu.memory_space<hbm>>
      %dma_wait3A_1066 = arith.constant 0 : i32
      %dma_wait3A_1067 = tpu.memref_slice %arg11[%run_scoped3A_543, %dma_wait3A_1066] : memref<9x16xi32, #tpu.memory_space<vmem>> -> memref<1x16xi32, #tpu.memory_space<vmem>>
      %dma_wait3A_1068 = tpu.memref_squeeze %dma_wait3A_1067 : memref<1x16xi32, #tpu.memory_space<vmem>> -> memref<16xi32, #tpu.memory_space<vmem>>
      %dma_wait3A_1069 = tpu.memref_slice %arg9[%run_scoped3A_542, %add3A_527] : memref<9x1024xi32, #tpu.memory_space<hbm>> -> memref<1x16xi32, #tpu.memory_space<hbm>>
      %dma_wait3A_1070 = tpu.memref_squeeze %dma_wait3A_1069 : memref<1x16xi32, #tpu.memory_space<hbm>> -> memref<16xi32, #tpu.memory_space<hbm>>
      tpu.wait_dma2 semaphore(%run_scoped3A_1050 : memref<!tpu.dma_semaphore, #tpu.memory_space<semaphore_mem>>) src(%dma_wait3A_1070 : memref<16xi32, #tpu.memory_space<hbm>>) dst(%dma_wait3A_1068 : memref<16xi32, #tpu.memory_space<vmem>>)
      tpu.yield
    }) : () -> ()
    %run_scoped3A_544 = arith.constant 8 : i32
    %run_scoped3A_545 = arith.constant 8 : i32
    "tpu.region"() ({
      %run_scoped3A_1050 = tpu.sem_alloc : memref<!tpu.dma_semaphore, #tpu.memory_space<semaphore_mem>>
      %dma_start3A_1051 = arith.constant 0 : i32
      %dma_start3A_1052 = tpu.memref_slice %arg11[%run_scoped3A_545, %dma_start3A_1051] : memref<9x16xi32, #tpu.memory_space<vmem>> -> memref<1x16xi32, #tpu.memory_space<vmem>>
      %dma_start3A_1053 = tpu.memref_squeeze %dma_start3A_1052 : memref<1x16xi32, #tpu.memory_space<vmem>> -> memref<16xi32, #tpu.memory_space<vmem>>
      %dma_start3A_1054 = tpu.memref_slice %arg9[%run_scoped3A_544, %add3A_527] : memref<9x1024xi32, #tpu.memory_space<hbm>> -> memref<1x16xi32, #tpu.memory_space<hbm>>
      %dma_start3A_1055 = tpu.memref_squeeze %dma_start3A_1054 : memref<1x16xi32, #tpu.memory_space<hbm>> -> memref<16xi32, #tpu.memory_space<hbm>>
      %dma_start3A_1056 = arith.constant 0 : i32
      %dma_start3A_1057 = tpu.memref_slice %arg11[%run_scoped3A_545, %dma_start3A_1056] : memref<9x16xi32, #tpu.memory_space<vmem>> -> memref<1x16xi32, #tpu.memory_space<vmem>>
      %dma_start3A_1058 = tpu.memref_squeeze %dma_start3A_1057 : memref<1x16xi32, #tpu.memory_space<vmem>> -> memref<16xi32, #tpu.memory_space<vmem>>
      %dma_start3A_1059 = tpu.memref_slice %arg9[%run_scoped3A_544, %add3A_527] : memref<9x1024xi32, #tpu.memory_space<hbm>> -> memref<1x16xi32, #tpu.memory_space<hbm>>
      %dma_start3A_1060 = tpu.memref_squeeze %dma_start3A_1059 : memref<1x16xi32, #tpu.memory_space<hbm>> -> memref<16xi32, #tpu.memory_space<hbm>>
      tpu.enqueue_dma source(%dma_start3A_1060 : memref<16xi32, #tpu.memory_space<hbm>>) target(%dma_start3A_1058 : memref<16xi32, #tpu.memory_space<vmem>>) target_semaphore(%run_scoped3A_1050 : memref<!tpu.dma_semaphore, #tpu.memory_space<semaphore_mem>>)
      %dma_wait3A_1061 = arith.constant 0 : i32
      %dma_wait3A_1062 = tpu.memref_slice %arg11[%run_scoped3A_545, %dma_wait3A_1061] : memref<9x16xi32, #tpu.memory_space<vmem>> -> memref<1x16xi32, #tpu.memory_space<vmem>>
      %dma_wait3A_1063 = tpu.memref_squeeze %dma_wait3A_1062 : memref<1x16xi32, #tpu.memory_space<vmem>> -> memref<16xi32, #tpu.memory_space<vmem>>
      %dma_wait3A_1064 = tpu.memref_slice %arg9[%run_scoped3A_544, %add3A_527] : memref<9x1024xi32, #tpu.memory_space<hbm>> -> memref<1x16xi32, #tpu.memory_space<hbm>>
      %dma_wait3A_1065 = tpu.memref_squeeze %dma_wait3A_1064 : memref<1x16xi32, #tpu.memory_space<hbm>> -> memref<16xi32, #tpu.memory_space<hbm>>
      %dma_wait3A_1066 = arith.constant 0 : i32
      %dma_wait3A_1067 = tpu.memref_slice %arg11[%run_scoped3A_545, %dma_wait3A_1066] : memref<9x16xi32, #tpu.memory_space<vmem>> -> memref<1x16xi32, #tpu.memory_space<vmem>>
      %dma_wait3A_1068 = tpu.memref_squeeze %dma_wait3A_1067 : memref<1x16xi32, #tpu.memory_space<vmem>> -> memref<16xi32, #tpu.memory_space<vmem>>
      %dma_wait3A_1069 = tpu.memref_slice %arg9[%run_scoped3A_544, %add3A_527] : memref<9x1024xi32, #tpu.memory_space<hbm>> -> memref<1x16xi32, #tpu.memory_space<hbm>>
      %dma_wait3A_1070 = tpu.memref_squeeze %dma_wait3A_1069 : memref<1x16xi32, #tpu.memory_space<hbm>> -> memref<16xi32, #tpu.memory_space<hbm>>
      tpu.wait_dma2 semaphore(%run_scoped3A_1050 : memref<!tpu.dma_semaphore, #tpu.memory_space<semaphore_mem>>) src(%dma_wait3A_1070 : memref<16xi32, #tpu.memory_space<hbm>>) dst(%dma_wait3A_1068 : memref<16xi32, #tpu.memory_space<vmem>>)
      tpu.yield
    }) : () -> ()
    %dma_start3A_546 = arith.constant 0 : i32
    %dma_start3A_547 = arith.constant 0 : i32
    %dma_start3A_548 = arith.constant 0 : i32
    %dma_start3A_549 = arith.constant 0 : i32
    %dma_start3A_550 = tpu.memref_slice %arg12[%dma_start3A_547, %dma_start3A_548, %dma_start3A_549] : memref<9x16x768xf32, #tpu.memory_space<vmem>> -> memref<1x16x768xf32, #tpu.memory_space<vmem>>
    %dma_start3A_551 = tpu.memref_squeeze %dma_start3A_550 : memref<1x16x768xf32, #tpu.memory_space<vmem>> -> memref<16x768xf32, #tpu.memory_space<vmem>>
    %dma_start3A_552 = arith.constant 0 : i32
    %dma_start3A_553 = tpu.memref_slice %arg11[%dma_start3A_546, %dma_start3A_552] : memref<9x16xi32, #tpu.memory_space<vmem>> -> memref<1x16xi32, #tpu.memory_space<vmem>>
    %dma_start3A_554 = tpu.memref_squeeze %dma_start3A_553 : memref<1x16xi32, #tpu.memory_space<vmem>> -> memref<16xi32, #tpu.memory_space<vmem>>
    %dma_start3A_555 = arith.constant 0 : i32
    %dma_start3A_556 = arith.constant 0 : i32
    %dma_start3A_557 = tpu.memref_slice %arg2[%dma_start3A_555, %dma_start3A_556] : memref<30522x768xf32, #tpu.memory_space<hbm>> -> memref<30522x768xf32, #tpu.memory_space<hbm>>
    tpu.enqueue_indirect_dma source(%dma_start3A_557 : memref<30522x768xf32, #tpu.memory_space<hbm>>) target(%dma_start3A_551 : memref<16x768xf32, #tpu.memory_space<vmem>>) offsets(%dma_start3A_554 : memref<16xi32, #tpu.memory_space<vmem>>) semaphore(%arg13 : memref<!tpu.dma_semaphore, #tpu.memory_space<semaphore_mem>>)
    %dma_start3A_558 = arith.constant 1 : i32
    %dma_start3A_559 = arith.constant 1 : i32
    %dma_start3A_560 = arith.constant 0 : i32
    %dma_start3A_561 = arith.constant 0 : i32
    %dma_start3A_562 = tpu.memref_slice %arg12[%dma_start3A_559, %dma_start3A_560, %dma_start3A_561] : memref<9x16x768xf32, #tpu.memory_space<vmem>> -> memref<1x16x768xf32, #tpu.memory_space<vmem>>
    %dma_start3A_563 = tpu.memref_squeeze %dma_start3A_562 : memref<1x16x768xf32, #tpu.memory_space<vmem>> -> memref<16x768xf32, #tpu.memory_space<vmem>>
    %dma_start3A_564 = arith.constant 0 : i32
    %dma_start3A_565 = tpu.memref_slice %arg11[%dma_start3A_558, %dma_start3A_564] : memref<9x16xi32, #tpu.memory_space<vmem>> -> memref<1x16xi32, #tpu.memory_space<vmem>>
    %dma_start3A_566 = tpu.memref_squeeze %dma_start3A_565 : memref<1x16xi32, #tpu.memory_space<vmem>> -> memref<16xi32, #tpu.memory_space<vmem>>
    %dma_start3A_567 = arith.constant 0 : i32
    %dma_start3A_568 = arith.constant 0 : i32
    %dma_start3A_569 = tpu.memref_slice %arg3[%dma_start3A_567, %dma_start3A_568] : memref<512x768xf32, #tpu.memory_space<hbm>> -> memref<512x768xf32, #tpu.memory_space<hbm>>
    tpu.enqueue_indirect_dma source(%dma_start3A_569 : memref<512x768xf32, #tpu.memory_space<hbm>>) target(%dma_start3A_563 : memref<16x768xf32, #tpu.memory_space<vmem>>) offsets(%dma_start3A_566 : memref<16xi32, #tpu.memory_space<vmem>>) semaphore(%arg13 : memref<!tpu.dma_semaphore, #tpu.memory_space<semaphore_mem>>)
    %dma_start3A_570 = arith.constant 2 : i32
    %dma_start3A_571 = arith.constant 2 : i32
    %dma_start3A_572 = arith.constant 0 : i32
    %dma_start3A_573 = arith.constant 0 : i32
    %dma_start3A_574 = tpu.memref_slice %arg12[%dma_start3A_571, %dma_start3A_572, %dma_start3A_573] : memref<9x16x768xf32, #tpu.memory_space<vmem>> -> memref<1x16x768xf32, #tpu.memory_space<vmem>>
    %dma_start3A_575 = tpu.memref_squeeze %dma_start3A_574 : memref<1x16x768xf32, #tpu.memory_space<vmem>> -> memref<16x768xf32, #tpu.memory_space<vmem>>
    %dma_start3A_576 = arith.constant 0 : i32
    %dma_start3A_577 = tpu.memref_slice %arg11[%dma_start3A_570, %dma_start3A_576] : memref<9x16xi32, #tpu.memory_space<vmem>> -> memref<1x16xi32, #tpu.memory_space<vmem>>
    %dma_start3A_578 = tpu.memref_squeeze %dma_start3A_577 : memref<1x16xi32, #tpu.memory_space<vmem>> -> memref<16xi32, #tpu.memory_space<vmem>>
    %dma_start3A_579 = arith.constant 0 : i32
    %dma_start3A_580 = arith.constant 0 : i32
    %dma_start3A_581 = tpu.memref_slice %arg4[%dma_start3A_579, %dma_start3A_580] : memref<1024x768xf32, #tpu.memory_space<hbm>> -> memref<1024x768xf32, #tpu.memory_space<hbm>>
    tpu.enqueue_indirect_dma source(%dma_start3A_581 : memref<1024x768xf32, #tpu.memory_space<hbm>>) target(%dma_start3A_575 : memref<16x768xf32, #tpu.memory_space<vmem>>) offsets(%dma_start3A_578 : memref<16xi32, #tpu.memory_space<vmem>>) semaphore(%arg13 : memref<!tpu.dma_semaphore, #tpu.memory_space<semaphore_mem>>)
    %dma_start3A_582 = arith.constant 3 : i32
    %dma_start3A_583 = arith.constant 3 : i32
    %dma_start3A_584 = arith.constant 0 : i32
    %dma_start3A_585 = arith.constant 0 : i32
    %dma_start3A_586 = tpu.memref_slice %arg12[%dma_start3A_583, %dma_start3A_584, %dma_start3A_585] : memref<9x16x768xf32, #tpu.memory_space<vmem>> -> memref<1x16x768xf32, #tpu.memory_space<vmem>>
    %dma_start3A_587 = tpu.memref_squeeze %dma_start3A_586 : memref<1x16x768xf32, #tpu.memory_space<vmem>> -> memref<16x768xf32, #tpu.memory_space<vmem>>
    %dma_start3A_588 = arith.constant 0 : i32
    %dma_start3A_589 = tpu.memref_slice %arg11[%dma_start3A_582, %dma_start3A_588] : memref<9x16xi32, #tpu.memory_space<vmem>> -> memref<1x16xi32, #tpu.memory_space<vmem>>
    %dma_start3A_590 = tpu.memref_squeeze %dma_start3A_589 : memref<1x16xi32, #tpu.memory_space<vmem>> -> memref<16xi32, #tpu.memory_space<vmem>>
    %dma_start3A_591 = arith.constant 0 : i32
    %dma_start3A_592 = arith.constant 0 : i32
    %dma_start3A_593 = tpu.memref_slice %arg5[%dma_start3A_591, %dma_start3A_592] : memref<1024x768xf32, #tpu.memory_space<hbm>> -> memref<1024x768xf32, #tpu.memory_space<hbm>>
    tpu.enqueue_indirect_dma source(%dma_start3A_593 : memref<1024x768xf32, #tpu.memory_space<hbm>>) target(%dma_start3A_587 : memref<16x768xf32, #tpu.memory_space<vmem>>) offsets(%dma_start3A_590 : memref<16xi32, #tpu.memory_space<vmem>>) semaphore(%arg13 : memref<!tpu.dma_semaphore, #tpu.memory_space<semaphore_mem>>)
    %dma_start3A_594 = arith.constant 4 : i32
    %dma_start3A_595 = arith.constant 4 : i32
    %dma_start3A_596 = arith.constant 0 : i32
    %dma_start3A_597 = arith.constant 0 : i32
    %dma_start3A_598 = tpu.memref_slice %arg12[%dma_start3A_595, %dma_start3A_596, %dma_start3A_597] : memref<9x16x768xf32, #tpu.memory_space<vmem>> -> memref<1x16x768xf32, #tpu.memory_space<vmem>>
    %dma_start3A_599 = tpu.memref_squeeze %dma_start3A_598 : memref<1x16x768xf32, #tpu.memory_space<vmem>> -> memref<16x768xf32, #tpu.memory_space<vmem>>
    %dma_start3A_600 = arith.constant 0 : i32
    %dma_start3A_601 = tpu.memref_slice %arg11[%dma_start3A_594, %dma_start3A_600] : memref<9x16xi32, #tpu.memory_space<vmem>> -> memref<1x16xi32, #tpu.memory_space<vmem>>
    %dma_start3A_602 = tpu.memref_squeeze %dma_start3A_601 : memref<1x16xi32, #tpu.memory_space<vmem>> -> memref<16xi32, #tpu.memory_space<vmem>>
    %dma_start3A_603 = arith.constant 0 : i32
    %dma_start3A_604 = arith.constant 0 : i32
    %dma_start3A_605 = tpu.memref_slice %arg4[%dma_start3A_603, %dma_start3A_604] : memref<1024x768xf32, #tpu.memory_space<hbm>> -> memref<1024x768xf32, #tpu.memory_space<hbm>>
    tpu.enqueue_indirect_dma source(%dma_start3A_605 : memref<1024x768xf32, #tpu.memory_space<hbm>>) target(%dma_start3A_599 : memref<16x768xf32, #tpu.memory_space<vmem>>) offsets(%dma_start3A_602 : memref<16xi32, #tpu.memory_space<vmem>>) semaphore(%arg13 : memref<!tpu.dma_semaphore, #tpu.memory_space<semaphore_mem>>)
    %dma_start3A_606 = arith.constant 5 : i32
    %dma_start3A_607 = arith.constant 5 : i32
    %dma_start3A_608 = arith.constant 0 : i32
    %dma_start3A_609 = arith.constant 0 : i32
    %dma_start3A_610 = tpu.memref_slice %arg12[%dma_start3A_607, %dma_start3A_608, %dma_start3A_609] : memref<9x16x768xf32, #tpu.memory_space<vmem>> -> memref<1x16x768xf32, #tpu.memory_space<vmem>>
    %dma_start3A_611 = tpu.memref_squeeze %dma_start3A_610 : memref<1x16x768xf32, #tpu.memory_space<vmem>> -> memref<16x768xf32, #tpu.memory_space<vmem>>
    %dma_start3A_612 = arith.constant 0 : i32
    %dma_start3A_613 = tpu.memref_slice %arg11[%dma_start3A_606, %dma_start3A_612] : memref<9x16xi32, #tpu.memory_space<vmem>> -> memref<1x16xi32, #tpu.memory_space<vmem>>
    %dma_start3A_614 = tpu.memref_squeeze %dma_start3A_613 : memref<1x16xi32, #tpu.memory_space<vmem>> -> memref<16xi32, #tpu.memory_space<vmem>>
    %dma_start3A_615 = arith.constant 0 : i32
    %dma_start3A_616 = arith.constant 0 : i32
    %dma_start3A_617 = tpu.memref_slice %arg5[%dma_start3A_615, %dma_start3A_616] : memref<1024x768xf32, #tpu.memory_space<hbm>> -> memref<1024x768xf32, #tpu.memory_space<hbm>>
    tpu.enqueue_indirect_dma source(%dma_start3A_617 : memref<1024x768xf32, #tpu.memory_space<hbm>>) target(%dma_start3A_611 : memref<16x768xf32, #tpu.memory_space<vmem>>) offsets(%dma_start3A_614 : memref<16xi32, #tpu.memory_space<vmem>>) semaphore(%arg13 : memref<!tpu.dma_semaphore, #tpu.memory_space<semaphore_mem>>)
    %dma_start3A_618 = arith.constant 6 : i32
    %dma_start3A_619 = arith.constant 6 : i32
    %dma_start3A_620 = arith.constant 0 : i32
    %dma_start3A_621 = arith.constant 0 : i32
    %dma_start3A_622 = tpu.memref_slice %arg12[%dma_start3A_619, %dma_start3A_620, %dma_start3A_621] : memref<9x16x768xf32, #tpu.memory_space<vmem>> -> memref<1x16x768xf32, #tpu.memory_space<vmem>>
    %dma_start3A_623 = tpu.memref_squeeze %dma_start3A_622 : memref<1x16x768xf32, #tpu.memory_space<vmem>> -> memref<16x768xf32, #tpu.memory_space<vmem>>
    %dma_start3A_624 = arith.constant 0 : i32
    %dma_start3A_625 = tpu.memref_slice %arg11[%dma_start3A_618, %dma_start3A_624] : memref<9x16xi32, #tpu.memory_space<vmem>> -> memref<1x16xi32, #tpu.memory_space<vmem>>
    %dma_start3A_626 = tpu.memref_squeeze %dma_start3A_625 : memref<1x16xi32, #tpu.memory_space<vmem>> -> memref<16xi32, #tpu.memory_space<vmem>>
    %dma_start3A_627 = arith.constant 0 : i32
    %dma_start3A_628 = arith.constant 0 : i32
    %dma_start3A_629 = tpu.memref_slice %arg6[%dma_start3A_627, %dma_start3A_628] : memref<1024x768xf32, #tpu.memory_space<hbm>> -> memref<1024x768xf32, #tpu.memory_space<hbm>>
    tpu.enqueue_indirect_dma source(%dma_start3A_629 : memref<1024x768xf32, #tpu.memory_space<hbm>>) target(%dma_start3A_623 : memref<16x768xf32, #tpu.memory_space<vmem>>) offsets(%dma_start3A_626 : memref<16xi32, #tpu.memory_space<vmem>>) semaphore(%arg13 : memref<!tpu.dma_semaphore, #tpu.memory_space<semaphore_mem>>)
    %dma_start3A_630 = arith.constant 7 : i32
    %dma_start3A_631 = arith.constant 7 : i32
    %dma_start3A_632 = arith.constant 0 : i32
    %dma_start3A_633 = arith.constant 0 : i32
    %dma_start3A_634 = tpu.memref_slice %arg12[%dma_start3A_631, %dma_start3A_632, %dma_start3A_633] : memref<9x16x768xf32, #tpu.memory_space<vmem>> -> memref<1x16x768xf32, #tpu.memory_space<vmem>>
    %dma_start3A_635 = tpu.memref_squeeze %dma_start3A_634 : memref<1x16x768xf32, #tpu.memory_space<vmem>> -> memref<16x768xf32, #tpu.memory_space<vmem>>
    %dma_start3A_636 = arith.constant 0 : i32
    %dma_start3A_637 = tpu.memref_slice %arg11[%dma_start3A_630, %dma_start3A_636] : memref<9x16xi32, #tpu.memory_space<vmem>> -> memref<1x16xi32, #tpu.memory_space<vmem>>
    %dma_start3A_638 = tpu.memref_squeeze %dma_start3A_637 : memref<1x16xi32, #tpu.memory_space<vmem>> -> memref<16xi32, #tpu.memory_space<vmem>>
    %dma_start3A_639 = arith.constant 0 : i32
    %dma_start3A_640 = arith.constant 0 : i32
    %dma_start3A_641 = tpu.memref_slice %arg7[%dma_start3A_639, %dma_start3A_640] : memref<1024x768xf32, #tpu.memory_space<hbm>> -> memref<1024x768xf32, #tpu.memory_space<hbm>>
    tpu.enqueue_indirect_dma source(%dma_start3A_641 : memref<1024x768xf32, #tpu.memory_space<hbm>>) target(%dma_start3A_635 : memref<16x768xf32, #tpu.memory_space<vmem>>) offsets(%dma_start3A_638 : memref<16xi32, #tpu.memory_space<vmem>>) semaphore(%arg13 : memref<!tpu.dma_semaphore, #tpu.memory_space<semaphore_mem>>)
    %dma_start3A_642 = arith.constant 8 : i32
    %dma_start3A_643 = arith.constant 8 : i32
    %dma_start3A_644 = arith.constant 0 : i32
    %dma_start3A_645 = arith.constant 0 : i32
    %dma_start3A_646 = tpu.memref_slice %arg12[%dma_start3A_643, %dma_start3A_644, %dma_start3A_645] : memref<9x16x768xf32, #tpu.memory_space<vmem>> -> memref<1x16x768xf32, #tpu.memory_space<vmem>>
    %dma_start3A_647 = tpu.memref_squeeze %dma_start3A_646 : memref<1x16x768xf32, #tpu.memory_space<vmem>> -> memref<16x768xf32, #tpu.memory_space<vmem>>
    %dma_start3A_648 = arith.constant 0 : i32
    %dma_start3A_649 = tpu.memref_slice %arg11[%dma_start3A_642, %dma_start3A_648] : memref<9x16xi32, #tpu.memory_space<vmem>> -> memref<1x16xi32, #tpu.memory_space<vmem>>
    %dma_start3A_650 = tpu.memref_squeeze %dma_start3A_649 : memref<1x16xi32, #tpu.memory_space<vmem>> -> memref<16xi32, #tpu.memory_space<vmem>>
    %dma_start3A_651 = arith.constant 0 : i32
    %dma_start3A_652 = arith.constant 0 : i32
    %dma_start3A_653 = tpu.memref_slice %arg8[%dma_start3A_651, %dma_start3A_652] : memref<2x768xf32, #tpu.memory_space<hbm>> -> memref<2x768xf32, #tpu.memory_space<hbm>>
    tpu.enqueue_indirect_dma source(%dma_start3A_653 : memref<2x768xf32, #tpu.memory_space<hbm>>) target(%dma_start3A_647 : memref<16x768xf32, #tpu.memory_space<vmem>>) offsets(%dma_start3A_650 : memref<16xi32, #tpu.memory_space<vmem>>) semaphore(%arg13 : memref<!tpu.dma_semaphore, #tpu.memory_space<semaphore_mem>>)
    %dma_wait3A_654 = arith.constant 0 : i32
    %dma_wait3A_655 = arith.constant 0 : i32
    %dma_wait3A_656 = arith.constant 0 : i32
    %dma_wait3A_657 = arith.constant 0 : i32
    %dma_wait3A_658 = tpu.memref_slice %arg12[%dma_wait3A_655, %dma_wait3A_656, %dma_wait3A_657] : memref<9x16x768xf32, #tpu.memory_space<vmem>> -> memref<1x16x768xf32, #tpu.memory_space<vmem>>
    %dma_wait3A_659 = tpu.memref_squeeze %dma_wait3A_658 : memref<1x16x768xf32, #tpu.memory_space<vmem>> -> memref<16x768xf32, #tpu.memory_space<vmem>>
    %dma_wait3A_660 = arith.constant 0 : i32
    %dma_wait3A_661 = tpu.memref_slice %arg11[%dma_wait3A_654, %dma_wait3A_660] : memref<9x16xi32, #tpu.memory_space<vmem>> -> memref<1x16xi32, #tpu.memory_space<vmem>>
    %dma_wait3A_662 = tpu.memref_squeeze %dma_wait3A_661 : memref<1x16xi32, #tpu.memory_space<vmem>> -> memref<16xi32, #tpu.memory_space<vmem>>
    %dma_wait3A_663 = arith.constant 0 : i32
    %dma_wait3A_664 = arith.constant 0 : i32
    %dma_wait3A_665 = tpu.memref_slice %arg2[%dma_wait3A_663, %dma_wait3A_664] : memref<30522x768xf32, #tpu.memory_space<hbm>> -> memref<30522x768xf32, #tpu.memory_space<hbm>>
    tpu.wait_indirect_dma semaphore(%arg13 : memref<!tpu.dma_semaphore, #tpu.memory_space<semaphore_mem>>) src(%dma_wait3A_665 : memref<30522x768xf32, #tpu.memory_space<hbm>>) dst(%dma_wait3A_659 : memref<16x768xf32, #tpu.memory_space<vmem>>)
    %dma_wait3A_666 = arith.constant 1 : i32
    %dma_wait3A_667 = arith.constant 1 : i32
    %dma_wait3A_668 = arith.constant 0 : i32
    %dma_wait3A_669 = arith.constant 0 : i32
    %dma_wait3A_670 = tpu.memref_slice %arg12[%dma_wait3A_667, %dma_wait3A_668, %dma_wait3A_669] : memref<9x16x768xf32, #tpu.memory_space<vmem>> -> memref<1x16x768xf32, #tpu.memory_space<vmem>>
    %dma_wait3A_671 = tpu.memref_squeeze %dma_wait3A_670 : memref<1x16x768xf32, #tpu.memory_space<vmem>> -> memref<16x768xf32, #tpu.memory_space<vmem>>
    %dma_wait3A_672 = arith.constant 0 : i32
    %dma_wait3A_673 = tpu.memref_slice %arg11[%dma_wait3A_666, %dma_wait3A_672] : memref<9x16xi32, #tpu.memory_space<vmem>> -> memref<1x16xi32, #tpu.memory_space<vmem>>
    %dma_wait3A_674 = tpu.memref_squeeze %dma_wait3A_673 : memref<1x16xi32, #tpu.memory_space<vmem>> -> memref<16xi32, #tpu.memory_space<vmem>>
    %dma_wait3A_675 = arith.constant 0 : i32
    %dma_wait3A_676 = arith.constant 0 : i32
    %dma_wait3A_677 = tpu.memref_slice %arg3[%dma_wait3A_675, %dma_wait3A_676] : memref<512x768xf32, #tpu.memory_space<hbm>> -> memref<512x768xf32, #tpu.memory_space<hbm>>
    tpu.wait_indirect_dma semaphore(%arg13 : memref<!tpu.dma_semaphore, #tpu.memory_space<semaphore_mem>>) src(%dma_wait3A_677 : memref<512x768xf32, #tpu.memory_space<hbm>>) dst(%dma_wait3A_671 : memref<16x768xf32, #tpu.memory_space<vmem>>)
    %dma_wait3A_678 = arith.constant 2 : i32
    %dma_wait3A_679 = arith.constant 2 : i32
    %dma_wait3A_680 = arith.constant 0 : i32
    %dma_wait3A_681 = arith.constant 0 : i32
    %dma_wait3A_682 = tpu.memref_slice %arg12[%dma_wait3A_679, %dma_wait3A_680, %dma_wait3A_681] : memref<9x16x768xf32, #tpu.memory_space<vmem>> -> memref<1x16x768xf32, #tpu.memory_space<vmem>>
    %dma_wait3A_683 = tpu.memref_squeeze %dma_wait3A_682 : memref<1x16x768xf32, #tpu.memory_space<vmem>> -> memref<16x768xf32, #tpu.memory_space<vmem>>
    %dma_wait3A_684 = arith.constant 0 : i32
    %dma_wait3A_685 = tpu.memref_slice %arg11[%dma_wait3A_678, %dma_wait3A_684] : memref<9x16xi32, #tpu.memory_space<vmem>> -> memref<1x16xi32, #tpu.memory_space<vmem>>
    %dma_wait3A_686 = tpu.memref_squeeze %dma_wait3A_685 : memref<1x16xi32, #tpu.memory_space<vmem>> -> memref<16xi32, #tpu.memory_space<vmem>>
    %dma_wait3A_687 = arith.constant 0 : i32
    %dma_wait3A_688 = arith.constant 0 : i32
    %dma_wait3A_689 = tpu.memref_slice %arg4[%dma_wait3A_687, %dma_wait3A_688] : memref<1024x768xf32, #tpu.memory_space<hbm>> -> memref<1024x768xf32, #tpu.memory_space<hbm>>
    tpu.wait_indirect_dma semaphore(%arg13 : memref<!tpu.dma_semaphore, #tpu.memory_space<semaphore_mem>>) src(%dma_wait3A_689 : memref<1024x768xf32, #tpu.memory_space<hbm>>) dst(%dma_wait3A_683 : memref<16x768xf32, #tpu.memory_space<vmem>>)
    %dma_wait3A_690 = arith.constant 3 : i32
    %dma_wait3A_691 = arith.constant 3 : i32
    %dma_wait3A_692 = arith.constant 0 : i32
    %dma_wait3A_693 = arith.constant 0 : i32
    %dma_wait3A_694 = tpu.memref_slice %arg12[%dma_wait3A_691, %dma_wait3A_692, %dma_wait3A_693] : memref<9x16x768xf32, #tpu.memory_space<vmem>> -> memref<1x16x768xf32, #tpu.memory_space<vmem>>
    %dma_wait3A_695 = tpu.memref_squeeze %dma_wait3A_694 : memref<1x16x768xf32, #tpu.memory_space<vmem>> -> memref<16x768xf32, #tpu.memory_space<vmem>>
    %dma_wait3A_696 = arith.constant 0 : i32
    %dma_wait3A_697 = tpu.memref_slice %arg11[%dma_wait3A_690, %dma_wait3A_696] : memref<9x16xi32, #tpu.memory_space<vmem>> -> memref<1x16xi32, #tpu.memory_space<vmem>>
    %dma_wait3A_698 = tpu.memref_squeeze %dma_wait3A_697 : memref<1x16xi32, #tpu.memory_space<vmem>> -> memref<16xi32, #tpu.memory_space<vmem>>
    %dma_wait3A_699 = arith.constant 0 : i32
    %dma_wait3A_700 = arith.constant 0 : i32
    %dma_wait3A_701 = tpu.memref_slice %arg5[%dma_wait3A_699, %dma_wait3A_700] : memref<1024x768xf32, #tpu.memory_space<hbm>> -> memref<1024x768xf32, #tpu.memory_space<hbm>>
    tpu.wait_indirect_dma semaphore(%arg13 : memref<!tpu.dma_semaphore, #tpu.memory_space<semaphore_mem>>) src(%dma_wait3A_701 : memref<1024x768xf32, #tpu.memory_space<hbm>>) dst(%dma_wait3A_695 : memref<16x768xf32, #tpu.memory_space<vmem>>)
    %dma_wait3A_702 = arith.constant 4 : i32
    %dma_wait3A_703 = arith.constant 4 : i32
    %dma_wait3A_704 = arith.constant 0 : i32
    %dma_wait3A_705 = arith.constant 0 : i32
    %dma_wait3A_706 = tpu.memref_slice %arg12[%dma_wait3A_703, %dma_wait3A_704, %dma_wait3A_705] : memref<9x16x768xf32, #tpu.memory_space<vmem>> -> memref<1x16x768xf32, #tpu.memory_space<vmem>>
    %dma_wait3A_707 = tpu.memref_squeeze %dma_wait3A_706 : memref<1x16x768xf32, #tpu.memory_space<vmem>> -> memref<16x768xf32, #tpu.memory_space<vmem>>
    %dma_wait3A_708 = arith.constant 0 : i32
    %dma_wait3A_709 = tpu.memref_slice %arg11[%dma_wait3A_702, %dma_wait3A_708] : memref<9x16xi32, #tpu.memory_space<vmem>> -> memref<1x16xi32, #tpu.memory_space<vmem>>
    %dma_wait3A_710 = tpu.memref_squeeze %dma_wait3A_709 : memref<1x16xi32, #tpu.memory_space<vmem>> -> memref<16xi32, #tpu.memory_space<vmem>>
    %dma_wait3A_711 = arith.constant 0 : i32
    %dma_wait3A_712 = arith.constant 0 : i32
    %dma_wait3A_713 = tpu.memref_slice %arg4[%dma_wait3A_711, %dma_wait3A_712] : memref<1024x768xf32, #tpu.memory_space<hbm>> -> memref<1024x768xf32, #tpu.memory_space<hbm>>
    tpu.wait_indirect_dma semaphore(%arg13 : memref<!tpu.dma_semaphore, #tpu.memory_space<semaphore_mem>>) src(%dma_wait3A_713 : memref<1024x768xf32, #tpu.memory_space<hbm>>) dst(%dma_wait3A_707 : memref<16x768xf32, #tpu.memory_space<vmem>>)
    %dma_wait3A_714 = arith.constant 5 : i32
    %dma_wait3A_715 = arith.constant 5 : i32
    %dma_wait3A_716 = arith.constant 0 : i32
    %dma_wait3A_717 = arith.constant 0 : i32
    %dma_wait3A_718 = tpu.memref_slice %arg12[%dma_wait3A_715, %dma_wait3A_716, %dma_wait3A_717] : memref<9x16x768xf32, #tpu.memory_space<vmem>> -> memref<1x16x768xf32, #tpu.memory_space<vmem>>
    %dma_wait3A_719 = tpu.memref_squeeze %dma_wait3A_718 : memref<1x16x768xf32, #tpu.memory_space<vmem>> -> memref<16x768xf32, #tpu.memory_space<vmem>>
    %dma_wait3A_720 = arith.constant 0 : i32
    %dma_wait3A_721 = tpu.memref_slice %arg11[%dma_wait3A_714, %dma_wait3A_720] : memref<9x16xi32, #tpu.memory_space<vmem>> -> memref<1x16xi32, #tpu.memory_space<vmem>>
    %dma_wait3A_722 = tpu.memref_squeeze %dma_wait3A_721 : memref<1x16xi32, #tpu.memory_space<vmem>> -> memref<16xi32, #tpu.memory_space<vmem>>
    %dma_wait3A_723 = arith.constant 0 : i32
    %dma_wait3A_724 = arith.constant 0 : i32
    %dma_wait3A_725 = tpu.memref_slice %arg5[%dma_wait3A_723, %dma_wait3A_724] : memref<1024x768xf32, #tpu.memory_space<hbm>> -> memref<1024x768xf32, #tpu.memory_space<hbm>>
    tpu.wait_indirect_dma semaphore(%arg13 : memref<!tpu.dma_semaphore, #tpu.memory_space<semaphore_mem>>) src(%dma_wait3A_725 : memref<1024x768xf32, #tpu.memory_space<hbm>>) dst(%dma_wait3A_719 : memref<16x768xf32, #tpu.memory_space<vmem>>)
    %dma_wait3A_726 = arith.constant 6 : i32
    %dma_wait3A_727 = arith.constant 6 : i32
    %dma_wait3A_728 = arith.constant 0 : i32
    %dma_wait3A_729 = arith.constant 0 : i32
    %dma_wait3A_730 = tpu.memref_slice %arg12[%dma_wait3A_727, %dma_wait3A_728, %dma_wait3A_729] : memref<9x16x768xf32, #tpu.memory_space<vmem>> -> memref<1x16x768xf32, #tpu.memory_space<vmem>>
    %dma_wait3A_731 = tpu.memref_squeeze %dma_wait3A_730 : memref<1x16x768xf32, #tpu.memory_space<vmem>> -> memref<16x768xf32, #tpu.memory_space<vmem>>
    %dma_wait3A_732 = arith.constant 0 : i32
    %dma_wait3A_733 = tpu.memref_slice %arg11[%dma_wait3A_726, %dma_wait3A_732] : memref<9x16xi32, #tpu.memory_space<vmem>> -> memref<1x16xi32, #tpu.memory_space<vmem>>
    %dma_wait3A_734 = tpu.memref_squeeze %dma_wait3A_733 : memref<1x16xi32, #tpu.memory_space<vmem>> -> memref<16xi32, #tpu.memory_space<vmem>>
    %dma_wait3A_735 = arith.constant 0 : i32
    %dma_wait3A_736 = arith.constant 0 : i32
    %dma_wait3A_737 = tpu.memref_slice %arg6[%dma_wait3A_735, %dma_wait3A_736] : memref<1024x768xf32, #tpu.memory_space<hbm>> -> memref<1024x768xf32, #tpu.memory_space<hbm>>
    tpu.wait_indirect_dma semaphore(%arg13 : memref<!tpu.dma_semaphore, #tpu.memory_space<semaphore_mem>>) src(%dma_wait3A_737 : memref<1024x768xf32, #tpu.memory_space<hbm>>) dst(%dma_wait3A_731 : memref<16x768xf32, #tpu.memory_space<vmem>>)
    %dma_wait3A_738 = arith.constant 7 : i32
    %dma_wait3A_739 = arith.constant 7 : i32
    %dma_wait3A_740 = arith.constant 0 : i32
    %dma_wait3A_741 = arith.constant 0 : i32
    %dma_wait3A_742 = tpu.memref_slice %arg12[%dma_wait3A_739, %dma_wait3A_740, %dma_wait3A_741] : memref<9x16x768xf32, #tpu.memory_space<vmem>> -> memref<1x16x768xf32, #tpu.memory_space<vmem>>
    %dma_wait3A_743 = tpu.memref_squeeze %dma_wait3A_742 : memref<1x16x768xf32, #tpu.memory_space<vmem>> -> memref<16x768xf32, #tpu.memory_space<vmem>>
    %dma_wait3A_744 = arith.constant 0 : i32
    %dma_wait3A_745 = tpu.memref_slice %arg11[%dma_wait3A_738, %dma_wait3A_744] : memref<9x16xi32, #tpu.memory_space<vmem>> -> memref<1x16xi32, #tpu.memory_space<vmem>>
    %dma_wait3A_746 = tpu.memref_squeeze %dma_wait3A_745 : memref<1x16xi32, #tpu.memory_space<vmem>> -> memref<16xi32, #tpu.memory_space<vmem>>
    %dma_wait3A_747 = arith.constant 0 : i32
    %dma_wait3A_748 = arith.constant 0 : i32
    %dma_wait3A_749 = tpu.memref_slice %arg7[%dma_wait3A_747, %dma_wait3A_748] : memref<1024x768xf32, #tpu.memory_space<hbm>> -> memref<1024x768xf32, #tpu.memory_space<hbm>>
    tpu.wait_indirect_dma semaphore(%arg13 : memref<!tpu.dma_semaphore, #tpu.memory_space<semaphore_mem>>) src(%dma_wait3A_749 : memref<1024x768xf32, #tpu.memory_space<hbm>>) dst(%dma_wait3A_743 : memref<16x768xf32, #tpu.memory_space<vmem>>)
    %dma_wait3A_750 = arith.constant 8 : i32
    %dma_wait3A_751 = arith.constant 8 : i32
    %dma_wait3A_752 = arith.constant 0 : i32
    %dma_wait3A_753 = arith.constant 0 : i32
    %dma_wait3A_754 = tpu.memref_slice %arg12[%dma_wait3A_751, %dma_wait3A_752, %dma_wait3A_753] : memref<9x16x768xf32, #tpu.memory_space<vmem>> -> memref<1x16x768xf32, #tpu.memory_space<vmem>>
    %dma_wait3A_755 = tpu.memref_squeeze %dma_wait3A_754 : memref<1x16x768xf32, #tpu.memory_space<vmem>> -> memref<16x768xf32, #tpu.memory_space<vmem>>
    %dma_wait3A_756 = arith.constant 0 : i32
    %dma_wait3A_757 = tpu.memref_slice %arg11[%dma_wait3A_750, %dma_wait3A_756] : memref<9x16xi32, #tpu.memory_space<vmem>> -> memref<1x16xi32, #tpu.memory_space<vmem>>
    %dma_wait3A_758 = tpu.memref_squeeze %dma_wait3A_757 : memref<1x16xi32, #tpu.memory_space<vmem>> -> memref<16xi32, #tpu.memory_space<vmem>>
    %dma_wait3A_759 = arith.constant 0 : i32
    %dma_wait3A_760 = arith.constant 0 : i32
    %dma_wait3A_761 = tpu.memref_slice %arg8[%dma_wait3A_759, %dma_wait3A_760] : memref<2x768xf32, #tpu.memory_space<hbm>> -> memref<2x768xf32, #tpu.memory_space<hbm>>
    tpu.wait_indirect_dma semaphore(%arg13 : memref<!tpu.dma_semaphore, #tpu.memory_space<semaphore_mem>>) src(%dma_wait3A_761 : memref<2x768xf32, #tpu.memory_space<hbm>>) dst(%dma_wait3A_755 : memref<16x768xf32, #tpu.memory_space<vmem>>)
    %dma_start3A_762 = arith.constant 0 : i32
    %dma_start3A_763 = arith.constant 0 : i32
    %dma_start3A_764 = arith.constant 0 : i32
    %dma_start3A_765 = arith.constant 0 : i32
    %dma_start3A_766 = tpu.memref_slice %arg12[%dma_start3A_762, %dma_start3A_764, %dma_start3A_765] : memref<9x16x768xf32, #tpu.memory_space<vmem>> -> memref<1x16x768xf32, #tpu.memory_space<vmem>>
    %dma_start3A_767 = tpu.memref_squeeze %dma_start3A_766 : memref<1x16x768xf32, #tpu.memory_space<vmem>> -> memref<16x768xf32, #tpu.memory_space<vmem>>
    %dma_start3A_768 = arith.constant 0 : i32
    %dma_start3A_769 = tpu.memref_slice %arg10[%dma_start3A_763, %add3A_527, %dma_start3A_768] : memref<9x1024x768xf32, #tpu.memory_space<hbm>> -> memref<1x16x768xf32, #tpu.memory_space<hbm>>
    %dma_start3A_770 = tpu.memref_squeeze %dma_start3A_769 : memref<1x16x768xf32, #tpu.memory_space<hbm>> -> memref<16x768xf32, #tpu.memory_space<hbm>>
    %dma_start3A_771 = arith.constant 0 : i32
    %dma_start3A_772 = tpu.memref_slice %arg10[%dma_start3A_763, %add3A_527, %dma_start3A_771] : memref<9x1024x768xf32, #tpu.memory_space<hbm>> -> memref<1x16x768xf32, #tpu.memory_space<hbm>>
    %dma_start3A_773 = tpu.memref_squeeze %dma_start3A_772 : memref<1x16x768xf32, #tpu.memory_space<hbm>> -> memref<16x768xf32, #tpu.memory_space<hbm>>
    %dma_start3A_774 = arith.constant 0 : i32
    %dma_start3A_775 = arith.constant 0 : i32
    %dma_start3A_776 = tpu.memref_slice %arg12[%dma_start3A_762, %dma_start3A_774, %dma_start3A_775] : memref<9x16x768xf32, #tpu.memory_space<vmem>> -> memref<1x16x768xf32, #tpu.memory_space<vmem>>
    %dma_start3A_777 = tpu.memref_squeeze %dma_start3A_776 : memref<1x16x768xf32, #tpu.memory_space<vmem>> -> memref<16x768xf32, #tpu.memory_space<vmem>>
    tpu.enqueue_dma source(%dma_start3A_777 : memref<16x768xf32, #tpu.memory_space<vmem>>) target(%dma_start3A_773 : memref<16x768xf32, #tpu.memory_space<hbm>>) target_semaphore(%arg14 : memref<!tpu.dma_semaphore, #tpu.memory_space<semaphore_mem>>)
    %dma_start3A_778 = arith.constant 1 : i32
    %dma_start3A_779 = arith.constant 1 : i32
    %dma_start3A_780 = arith.constant 0 : i32
    %dma_start3A_781 = arith.constant 0 : i32
    %dma_start3A_782 = tpu.memref_slice %arg12[%dma_start3A_778, %dma_start3A_780, %dma_start3A_781] : memref<9x16x768xf32, #tpu.memory_space<vmem>> -> memref<1x16x768xf32, #tpu.memory_space<vmem>>
    %dma_start3A_783 = tpu.memref_squeeze %dma_start3A_782 : memref<1x16x768xf32, #tpu.memory_space<vmem>> -> memref<16x768xf32, #tpu.memory_space<vmem>>
    %dma_start3A_784 = arith.constant 0 : i32
    %dma_start3A_785 = tpu.memref_slice %arg10[%dma_start3A_779, %add3A_527, %dma_start3A_784] : memref<9x1024x768xf32, #tpu.memory_space<hbm>> -> memref<1x16x768xf32, #tpu.memory_space<hbm>>
    %dma_start3A_786 = tpu.memref_squeeze %dma_start3A_785 : memref<1x16x768xf32, #tpu.memory_space<hbm>> -> memref<16x768xf32, #tpu.memory_space<hbm>>
    %dma_start3A_787 = arith.constant 0 : i32
    %dma_start3A_788 = tpu.memref_slice %arg10[%dma_start3A_779, %add3A_527, %dma_start3A_787] : memref<9x1024x768xf32, #tpu.memory_space<hbm>> -> memref<1x16x768xf32, #tpu.memory_space<hbm>>
    %dma_start3A_789 = tpu.memref_squeeze %dma_start3A_788 : memref<1x16x768xf32, #tpu.memory_space<hbm>> -> memref<16x768xf32, #tpu.memory_space<hbm>>
    %dma_start3A_790 = arith.constant 0 : i32
    %dma_start3A_791 = arith.constant 0 : i32
    %dma_start3A_792 = tpu.memref_slice %arg12[%dma_start3A_778, %dma_start3A_790, %dma_start3A_791] : memref<9x16x768xf32, #tpu.memory_space<vmem>> -> memref<1x16x768xf32, #tpu.memory_space<vmem>>
    %dma_start3A_793 = tpu.memref_squeeze %dma_start3A_792 : memref<1x16x768xf32, #tpu.memory_space<vmem>> -> memref<16x768xf32, #tpu.memory_space<vmem>>
    tpu.enqueue_dma source(%dma_start3A_793 : memref<16x768xf32, #tpu.memory_space<vmem>>) target(%dma_start3A_789 : memref<16x768xf32, #tpu.memory_space<hbm>>) target_semaphore(%arg14 : memref<!tpu.dma_semaphore, #tpu.memory_space<semaphore_mem>>)
    %dma_start3A_794 = arith.constant 2 : i32
    %dma_start3A_795 = arith.constant 2 : i32
    %dma_start3A_796 = arith.constant 0 : i32
    %dma_start3A_797 = arith.constant 0 : i32
    %dma_start3A_798 = tpu.memref_slice %arg12[%dma_start3A_794, %dma_start3A_796, %dma_start3A_797] : memref<9x16x768xf32, #tpu.memory_space<vmem>> -> memref<1x16x768xf32, #tpu.memory_space<vmem>>
    %dma_start3A_799 = tpu.memref_squeeze %dma_start3A_798 : memref<1x16x768xf32, #tpu.memory_space<vmem>> -> memref<16x768xf32, #tpu.memory_space<vmem>>
    %dma_start3A_800 = arith.constant 0 : i32
    %dma_start3A_801 = tpu.memref_slice %arg10[%dma_start3A_795, %add3A_527, %dma_start3A_800] : memref<9x1024x768xf32, #tpu.memory_space<hbm>> -> memref<1x16x768xf32, #tpu.memory_space<hbm>>
    %dma_start3A_802 = tpu.memref_squeeze %dma_start3A_801 : memref<1x16x768xf32, #tpu.memory_space<hbm>> -> memref<16x768xf32, #tpu.memory_space<hbm>>
    %dma_start3A_803 = arith.constant 0 : i32
    %dma_start3A_804 = tpu.memref_slice %arg10[%dma_start3A_795, %add3A_527, %dma_start3A_803] : memref<9x1024x768xf32, #tpu.memory_space<hbm>> -> memref<1x16x768xf32, #tpu.memory_space<hbm>>
    %dma_start3A_805 = tpu.memref_squeeze %dma_start3A_804 : memref<1x16x768xf32, #tpu.memory_space<hbm>> -> memref<16x768xf32, #tpu.memory_space<hbm>>
    %dma_start3A_806 = arith.constant 0 : i32
    %dma_start3A_807 = arith.constant 0 : i32
    %dma_start3A_808 = tpu.memref_slice %arg12[%dma_start3A_794, %dma_start3A_806, %dma_start3A_807] : memref<9x16x768xf32, #tpu.memory_space<vmem>> -> memref<1x16x768xf32, #tpu.memory_space<vmem>>
    %dma_start3A_809 = tpu.memref_squeeze %dma_start3A_808 : memref<1x16x768xf32, #tpu.memory_space<vmem>> -> memref<16x768xf32, #tpu.memory_space<vmem>>
    tpu.enqueue_dma source(%dma_start3A_809 : memref<16x768xf32, #tpu.memory_space<vmem>>) target(%dma_start3A_805 : memref<16x768xf32, #tpu.memory_space<hbm>>) target_semaphore(%arg14 : memref<!tpu.dma_semaphore, #tpu.memory_space<semaphore_mem>>)
    %dma_start3A_810 = arith.constant 3 : i32
    %dma_start3A_811 = arith.constant 3 : i32
    %dma_start3A_812 = arith.constant 0 : i32
    %dma_start3A_813 = arith.constant 0 : i32
    %dma_start3A_814 = tpu.memref_slice %arg12[%dma_start3A_810, %dma_start3A_812, %dma_start3A_813] : memref<9x16x768xf32, #tpu.memory_space<vmem>> -> memref<1x16x768xf32, #tpu.memory_space<vmem>>
    %dma_start3A_815 = tpu.memref_squeeze %dma_start3A_814 : memref<1x16x768xf32, #tpu.memory_space<vmem>> -> memref<16x768xf32, #tpu.memory_space<vmem>>
    %dma_start3A_816 = arith.constant 0 : i32
    %dma_start3A_817 = tpu.memref_slice %arg10[%dma_start3A_811, %add3A_527, %dma_start3A_816] : memref<9x1024x768xf32, #tpu.memory_space<hbm>> -> memref<1x16x768xf32, #tpu.memory_space<hbm>>
    %dma_start3A_818 = tpu.memref_squeeze %dma_start3A_817 : memref<1x16x768xf32, #tpu.memory_space<hbm>> -> memref<16x768xf32, #tpu.memory_space<hbm>>
    %dma_start3A_819 = arith.constant 0 : i32
    %dma_start3A_820 = tpu.memref_slice %arg10[%dma_start3A_811, %add3A_527, %dma_start3A_819] : memref<9x1024x768xf32, #tpu.memory_space<hbm>> -> memref<1x16x768xf32, #tpu.memory_space<hbm>>
    %dma_start3A_821 = tpu.memref_squeeze %dma_start3A_820 : memref<1x16x768xf32, #tpu.memory_space<hbm>> -> memref<16x768xf32, #tpu.memory_space<hbm>>
    %dma_start3A_822 = arith.constant 0 : i32
    %dma_start3A_823 = arith.constant 0 : i32
    %dma_start3A_824 = tpu.memref_slice %arg12[%dma_start3A_810, %dma_start3A_822, %dma_start3A_823] : memref<9x16x768xf32, #tpu.memory_space<vmem>> -> memref<1x16x768xf32, #tpu.memory_space<vmem>>
    %dma_start3A_825 = tpu.memref_squeeze %dma_start3A_824 : memref<1x16x768xf32, #tpu.memory_space<vmem>> -> memref<16x768xf32, #tpu.memory_space<vmem>>
    tpu.enqueue_dma source(%dma_start3A_825 : memref<16x768xf32, #tpu.memory_space<vmem>>) target(%dma_start3A_821 : memref<16x768xf32, #tpu.memory_space<hbm>>) target_semaphore(%arg14 : memref<!tpu.dma_semaphore, #tpu.memory_space<semaphore_mem>>)
    %dma_start3A_826 = arith.constant 4 : i32
    %dma_start3A_827 = arith.constant 4 : i32
    %dma_start3A_828 = arith.constant 0 : i32
    %dma_start3A_829 = arith.constant 0 : i32
    %dma_start3A_830 = tpu.memref_slice %arg12[%dma_start3A_826, %dma_start3A_828, %dma_start3A_829] : memref<9x16x768xf32, #tpu.memory_space<vmem>> -> memref<1x16x768xf32, #tpu.memory_space<vmem>>
    %dma_start3A_831 = tpu.memref_squeeze %dma_start3A_830 : memref<1x16x768xf32, #tpu.memory_space<vmem>> -> memref<16x768xf32, #tpu.memory_space<vmem>>
    %dma_start3A_832 = arith.constant 0 : i32
    %dma_start3A_833 = tpu.memref_slice %arg10[%dma_start3A_827, %add3A_527, %dma_start3A_832] : memref<9x1024x768xf32, #tpu.memory_space<hbm>> -> memref<1x16x768xf32, #tpu.memory_space<hbm>>
    %dma_start3A_834 = tpu.memref_squeeze %dma_start3A_833 : memref<1x16x768xf32, #tpu.memory_space<hbm>> -> memref<16x768xf32, #tpu.memory_space<hbm>>
    %dma_start3A_835 = arith.constant 0 : i32
    %dma_start3A_836 = tpu.memref_slice %arg10[%dma_start3A_827, %add3A_527, %dma_start3A_835] : memref<9x1024x768xf32, #tpu.memory_space<hbm>> -> memref<1x16x768xf32, #tpu.memory_space<hbm>>
    %dma_start3A_837 = tpu.memref_squeeze %dma_start3A_836 : memref<1x16x768xf32, #tpu.memory_space<hbm>> -> memref<16x768xf32, #tpu.memory_space<hbm>>
    %dma_start3A_838 = arith.constant 0 : i32
    %dma_start3A_839 = arith.constant 0 : i32
    %dma_start3A_840 = tpu.memref_slice %arg12[%dma_start3A_826, %dma_start3A_838, %dma_start3A_839] : memref<9x16x768xf32, #tpu.memory_space<vmem>> -> memref<1x16x768xf32, #tpu.memory_space<vmem>>
    %dma_start3A_841 = tpu.memref_squeeze %dma_start3A_840 : memref<1x16x768xf32, #tpu.memory_space<vmem>> -> memref<16x768xf32, #tpu.memory_space<vmem>>
    tpu.enqueue_dma source(%dma_start3A_841 : memref<16x768xf32, #tpu.memory_space<vmem>>) target(%dma_start3A_837 : memref<16x768xf32, #tpu.memory_space<hbm>>) target_semaphore(%arg14 : memref<!tpu.dma_semaphore, #tpu.memory_space<semaphore_mem>>)
    %dma_start3A_842 = arith.constant 5 : i32
    %dma_start3A_843 = arith.constant 5 : i32
    %dma_start3A_844 = arith.constant 0 : i32
    %dma_start3A_845 = arith.constant 0 : i32
    %dma_start3A_846 = tpu.memref_slice %arg12[%dma_start3A_842, %dma_start3A_844, %dma_start3A_845] : memref<9x16x768xf32, #tpu.memory_space<vmem>> -> memref<1x16x768xf32, #tpu.memory_space<vmem>>
    %dma_start3A_847 = tpu.memref_squeeze %dma_start3A_846 : memref<1x16x768xf32, #tpu.memory_space<vmem>> -> memref<16x768xf32, #tpu.memory_space<vmem>>
    %dma_start3A_848 = arith.constant 0 : i32
    %dma_start3A_849 = tpu.memref_slice %arg10[%dma_start3A_843, %add3A_527, %dma_start3A_848] : memref<9x1024x768xf32, #tpu.memory_space<hbm>> -> memref<1x16x768xf32, #tpu.memory_space<hbm>>
    %dma_start3A_850 = tpu.memref_squeeze %dma_start3A_849 : memref<1x16x768xf32, #tpu.memory_space<hbm>> -> memref<16x768xf32, #tpu.memory_space<hbm>>
    %dma_start3A_851 = arith.constant 0 : i32
    %dma_start3A_852 = tpu.memref_slice %arg10[%dma_start3A_843, %add3A_527, %dma_start3A_851] : memref<9x1024x768xf32, #tpu.memory_space<hbm>> -> memref<1x16x768xf32, #tpu.memory_space<hbm>>
    %dma_start3A_853 = tpu.memref_squeeze %dma_start3A_852 : memref<1x16x768xf32, #tpu.memory_space<hbm>> -> memref<16x768xf32, #tpu.memory_space<hbm>>
    %dma_start3A_854 = arith.constant 0 : i32
    %dma_start3A_855 = arith.constant 0 : i32
    %dma_start3A_856 = tpu.memref_slice %arg12[%dma_start3A_842, %dma_start3A_854, %dma_start3A_855] : memref<9x16x768xf32, #tpu.memory_space<vmem>> -> memref<1x16x768xf32, #tpu.memory_space<vmem>>
    %dma_start3A_857 = tpu.memref_squeeze %dma_start3A_856 : memref<1x16x768xf32, #tpu.memory_space<vmem>> -> memref<16x768xf32, #tpu.memory_space<vmem>>
    tpu.enqueue_dma source(%dma_start3A_857 : memref<16x768xf32, #tpu.memory_space<vmem>>) target(%dma_start3A_853 : memref<16x768xf32, #tpu.memory_space<hbm>>) target_semaphore(%arg14 : memref<!tpu.dma_semaphore, #tpu.memory_space<semaphore_mem>>)
    %dma_start3A_858 = arith.constant 6 : i32
    %dma_start3A_859 = arith.constant 6 : i32
    %dma_start3A_860 = arith.constant 0 : i32
    %dma_start3A_861 = arith.constant 0 : i32
    %dma_start3A_862 = tpu.memref_slice %arg12[%dma_start3A_858, %dma_start3A_860, %dma_start3A_861] : memref<9x16x768xf32, #tpu.memory_space<vmem>> -> memref<1x16x768xf32, #tpu.memory_space<vmem>>
    %dma_start3A_863 = tpu.memref_squeeze %dma_start3A_862 : memref<1x16x768xf32, #tpu.memory_space<vmem>> -> memref<16x768xf32, #tpu.memory_space<vmem>>
    %dma_start3A_864 = arith.constant 0 : i32
    %dma_start3A_865 = tpu.memref_slice %arg10[%dma_start3A_859, %add3A_527, %dma_start3A_864] : memref<9x1024x768xf32, #tpu.memory_space<hbm>> -> memref<1x16x768xf32, #tpu.memory_space<hbm>>
    %dma_start3A_866 = tpu.memref_squeeze %dma_start3A_865 : memref<1x16x768xf32, #tpu.memory_space<hbm>> -> memref<16x768xf32, #tpu.memory_space<hbm>>
    %dma_start3A_867 = arith.constant 0 : i32
    %dma_start3A_868 = tpu.memref_slice %arg10[%dma_start3A_859, %add3A_527, %dma_start3A_867] : memref<9x1024x768xf32, #tpu.memory_space<hbm>> -> memref<1x16x768xf32, #tpu.memory_space<hbm>>
    %dma_start3A_869 = tpu.memref_squeeze %dma_start3A_868 : memref<1x16x768xf32, #tpu.memory_space<hbm>> -> memref<16x768xf32, #tpu.memory_space<hbm>>
    %dma_start3A_870 = arith.constant 0 : i32
    %dma_start3A_871 = arith.constant 0 : i32
    %dma_start3A_872 = tpu.memref_slice %arg12[%dma_start3A_858, %dma_start3A_870, %dma_start3A_871] : memref<9x16x768xf32, #tpu.memory_space<vmem>> -> memref<1x16x768xf32, #tpu.memory_space<vmem>>
    %dma_start3A_873 = tpu.memref_squeeze %dma_start3A_872 : memref<1x16x768xf32, #tpu.memory_space<vmem>> -> memref<16x768xf32, #tpu.memory_space<vmem>>
    tpu.enqueue_dma source(%dma_start3A_873 : memref<16x768xf32, #tpu.memory_space<vmem>>) target(%dma_start3A_869 : memref<16x768xf32, #tpu.memory_space<hbm>>) target_semaphore(%arg14 : memref<!tpu.dma_semaphore, #tpu.memory_space<semaphore_mem>>)
    %dma_start3A_874 = arith.constant 7 : i32
    %dma_start3A_875 = arith.constant 7 : i32
    %dma_start3A_876 = arith.constant 0 : i32
    %dma_start3A_877 = arith.constant 0 : i32
    %dma_start3A_878 = tpu.memref_slice %arg12[%dma_start3A_874, %dma_start3A_876, %dma_start3A_877] : memref<9x16x768xf32, #tpu.memory_space<vmem>> -> memref<1x16x768xf32, #tpu.memory_space<vmem>>
    %dma_start3A_879 = tpu.memref_squeeze %dma_start3A_878 : memref<1x16x768xf32, #tpu.memory_space<vmem>> -> memref<16x768xf32, #tpu.memory_space<vmem>>
    %dma_start3A_880 = arith.constant 0 : i32
    %dma_start3A_881 = tpu.memref_slice %arg10[%dma_start3A_875, %add3A_527, %dma_start3A_880] : memref<9x1024x768xf32, #tpu.memory_space<hbm>> -> memref<1x16x768xf32, #tpu.memory_space<hbm>>
    %dma_start3A_882 = tpu.memref_squeeze %dma_start3A_881 : memref<1x16x768xf32, #tpu.memory_space<hbm>> -> memref<16x768xf32, #tpu.memory_space<hbm>>
    %dma_start3A_883 = arith.constant 0 : i32
    %dma_start3A_884 = tpu.memref_slice %arg10[%dma_start3A_875, %add3A_527, %dma_start3A_883] : memref<9x1024x768xf32, #tpu.memory_space<hbm>> -> memref<1x16x768xf32, #tpu.memory_space<hbm>>
    %dma_start3A_885 = tpu.memref_squeeze %dma_start3A_884 : memref<1x16x768xf32, #tpu.memory_space<hbm>> -> memref<16x768xf32, #tpu.memory_space<hbm>>
    %dma_start3A_886 = arith.constant 0 : i32
    %dma_start3A_887 = arith.constant 0 : i32
    %dma_start3A_888 = tpu.memref_slice %arg12[%dma_start3A_874, %dma_start3A_886, %dma_start3A_887] : memref<9x16x768xf32, #tpu.memory_space<vmem>> -> memref<1x16x768xf32, #tpu.memory_space<vmem>>
    %dma_start3A_889 = tpu.memref_squeeze %dma_start3A_888 : memref<1x16x768xf32, #tpu.memory_space<vmem>> -> memref<16x768xf32, #tpu.memory_space<vmem>>
    tpu.enqueue_dma source(%dma_start3A_889 : memref<16x768xf32, #tpu.memory_space<vmem>>) target(%dma_start3A_885 : memref<16x768xf32, #tpu.memory_space<hbm>>) target_semaphore(%arg14 : memref<!tpu.dma_semaphore, #tpu.memory_space<semaphore_mem>>)
    %dma_start3A_890 = arith.constant 8 : i32
    %dma_start3A_891 = arith.constant 8 : i32
    %dma_start3A_892 = arith.constant 0 : i32
    %dma_start3A_893 = arith.constant 0 : i32
    %dma_start3A_894 = tpu.memref_slice %arg12[%dma_start3A_890, %dma_start3A_892, %dma_start3A_893] : memref<9x16x768xf32, #tpu.memory_space<vmem>> -> memref<1x16x768xf32, #tpu.memory_space<vmem>>
    %dma_start3A_895 = tpu.memref_squeeze %dma_start3A_894 : memref<1x16x768xf32, #tpu.memory_space<vmem>> -> memref<16x768xf32, #tpu.memory_space<vmem>>
    %dma_start3A_896 = arith.constant 0 : i32
    %dma_start3A_897 = tpu.memref_slice %arg10[%dma_start3A_891, %add3A_527, %dma_start3A_896] : memref<9x1024x768xf32, #tpu.memory_space<hbm>> -> memref<1x16x768xf32, #tpu.memory_space<hbm>>
    %dma_start3A_898 = tpu.memref_squeeze %dma_start3A_897 : memref<1x16x768xf32, #tpu.memory_space<hbm>> -> memref<16x768xf32, #tpu.memory_space<hbm>>
    %dma_start3A_899 = arith.constant 0 : i32
    %dma_start3A_900 = tpu.memref_slice %arg10[%dma_start3A_891, %add3A_527, %dma_start3A_899] : memref<9x1024x768xf32, #tpu.memory_space<hbm>> -> memref<1x16x768xf32, #tpu.memory_space<hbm>>
    %dma_start3A_901 = tpu.memref_squeeze %dma_start3A_900 : memref<1x16x768xf32, #tpu.memory_space<hbm>> -> memref<16x768xf32, #tpu.memory_space<hbm>>
    %dma_start3A_902 = arith.constant 0 : i32
    %dma_start3A_903 = arith.constant 0 : i32
    %dma_start3A_904 = tpu.memref_slice %arg12[%dma_start3A_890, %dma_start3A_902, %dma_start3A_903] : memref<9x16x768xf32, #tpu.memory_space<vmem>> -> memref<1x16x768xf32, #tpu.memory_space<vmem>>
    %dma_start3A_905 = tpu.memref_squeeze %dma_start3A_904 : memref<1x16x768xf32, #tpu.memory_space<vmem>> -> memref<16x768xf32, #tpu.memory_space<vmem>>
    tpu.enqueue_dma source(%dma_start3A_905 : memref<16x768xf32, #tpu.memory_space<vmem>>) target(%dma_start3A_901 : memref<16x768xf32, #tpu.memory_space<hbm>>) target_semaphore(%arg14 : memref<!tpu.dma_semaphore, #tpu.memory_space<semaphore_mem>>)
    %dma_wait3A_906 = arith.constant 0 : i32
    %dma_wait3A_907 = arith.constant 0 : i32
    %dma_wait3A_908 = arith.constant 0 : i32
    %dma_wait3A_909 = arith.constant 0 : i32
    %dma_wait3A_910 = tpu.memref_slice %arg12[%dma_wait3A_906, %dma_wait3A_908, %dma_wait3A_909] : memref<9x16x768xf32, #tpu.memory_space<vmem>> -> memref<1x16x768xf32, #tpu.memory_space<vmem>>
    %dma_wait3A_911 = tpu.memref_squeeze %dma_wait3A_910 : memref<1x16x768xf32, #tpu.memory_space<vmem>> -> memref<16x768xf32, #tpu.memory_space<vmem>>
    %dma_wait3A_912 = arith.constant 0 : i32
    %dma_wait3A_913 = tpu.memref_slice %arg10[%dma_wait3A_907, %add3A_527, %dma_wait3A_912] : memref<9x1024x768xf32, #tpu.memory_space<hbm>> -> memref<1x16x768xf32, #tpu.memory_space<hbm>>
    %dma_wait3A_914 = tpu.memref_squeeze %dma_wait3A_913 : memref<1x16x768xf32, #tpu.memory_space<hbm>> -> memref<16x768xf32, #tpu.memory_space<hbm>>
    %dma_wait3A_915 = arith.constant 0 : i32
    %dma_wait3A_916 = tpu.memref_slice %arg10[%dma_wait3A_907, %add3A_527, %dma_wait3A_915] : memref<9x1024x768xf32, #tpu.memory_space<hbm>> -> memref<1x16x768xf32, #tpu.memory_space<hbm>>
    %dma_wait3A_917 = tpu.memref_squeeze %dma_wait3A_916 : memref<1x16x768xf32, #tpu.memory_space<hbm>> -> memref<16x768xf32, #tpu.memory_space<hbm>>
    %dma_wait3A_918 = arith.constant 0 : i32
    %dma_wait3A_919 = arith.constant 0 : i32
    %dma_wait3A_920 = tpu.memref_slice %arg12[%dma_wait3A_906, %dma_wait3A_918, %dma_wait3A_919] : memref<9x16x768xf32, #tpu.memory_space<vmem>> -> memref<1x16x768xf32, #tpu.memory_space<vmem>>
    %dma_wait3A_921 = tpu.memref_squeeze %dma_wait3A_920 : memref<1x16x768xf32, #tpu.memory_space<vmem>> -> memref<16x768xf32, #tpu.memory_space<vmem>>
    tpu.wait_dma2 semaphore(%arg14 : memref<!tpu.dma_semaphore, #tpu.memory_space<semaphore_mem>>) src(%dma_wait3A_921 : memref<16x768xf32, #tpu.memory_space<vmem>>) dst(%dma_wait3A_917 : memref<16x768xf32, #tpu.memory_space<hbm>>)
    %dma_wait3A_922 = arith.constant 1 : i32
    %dma_wait3A_923 = arith.constant 1 : i32
    %dma_wait3A_924 = arith.constant 0 : i32
    %dma_wait3A_925 = arith.constant 0 : i32
    %dma_wait3A_926 = tpu.memref_slice %arg12[%dma_wait3A_922, %dma_wait3A_924, %dma_wait3A_925] : memref<9x16x768xf32, #tpu.memory_space<vmem>> -> memref<1x16x768xf32, #tpu.memory_space<vmem>>
    %dma_wait3A_927 = tpu.memref_squeeze %dma_wait3A_926 : memref<1x16x768xf32, #tpu.memory_space<vmem>> -> memref<16x768xf32, #tpu.memory_space<vmem>>
    %dma_wait3A_928 = arith.constant 0 : i32
    %dma_wait3A_929 = tpu.memref_slice %arg10[%dma_wait3A_923, %add3A_527, %dma_wait3A_928] : memref<9x1024x768xf32, #tpu.memory_space<hbm>> -> memref<1x16x768xf32, #tpu.memory_space<hbm>>
    %dma_wait3A_930 = tpu.memref_squeeze %dma_wait3A_929 : memref<1x16x768xf32, #tpu.memory_space<hbm>> -> memref<16x768xf32, #tpu.memory_space<hbm>>
    %dma_wait3A_931 = arith.constant 0 : i32
    %dma_wait3A_932 = tpu.memref_slice %arg10[%dma_wait3A_923, %add3A_527, %dma_wait3A_931] : memref<9x1024x768xf32, #tpu.memory_space<hbm>> -> memref<1x16x768xf32, #tpu.memory_space<hbm>>
    %dma_wait3A_933 = tpu.memref_squeeze %dma_wait3A_932 : memref<1x16x768xf32, #tpu.memory_space<hbm>> -> memref<16x768xf32, #tpu.memory_space<hbm>>
    %dma_wait3A_934 = arith.constant 0 : i32
    %dma_wait3A_935 = arith.constant 0 : i32
    %dma_wait3A_936 = tpu.memref_slice %arg12[%dma_wait3A_922, %dma_wait3A_934, %dma_wait3A_935] : memref<9x16x768xf32, #tpu.memory_space<vmem>> -> memref<1x16x768xf32, #tpu.memory_space<vmem>>
    %dma_wait3A_937 = tpu.memref_squeeze %dma_wait3A_936 : memref<1x16x768xf32, #tpu.memory_space<vmem>> -> memref<16x768xf32, #tpu.memory_space<vmem>>
    tpu.wait_dma2 semaphore(%arg14 : memref<!tpu.dma_semaphore, #tpu.memory_space<semaphore_mem>>) src(%dma_wait3A_937 : memref<16x768xf32, #tpu.memory_space<vmem>>) dst(%dma_wait3A_933 : memref<16x768xf32, #tpu.memory_space<hbm>>)
    %dma_wait3A_938 = arith.constant 2 : i32
    %dma_wait3A_939 = arith.constant 2 : i32
    %dma_wait3A_940 = arith.constant 0 : i32
    %dma_wait3A_941 = arith.constant 0 : i32
    %dma_wait3A_942 = tpu.memref_slice %arg12[%dma_wait3A_938, %dma_wait3A_940, %dma_wait3A_941] : memref<9x16x768xf32, #tpu.memory_space<vmem>> -> memref<1x16x768xf32, #tpu.memory_space<vmem>>
    %dma_wait3A_943 = tpu.memref_squeeze %dma_wait3A_942 : memref<1x16x768xf32, #tpu.memory_space<vmem>> -> memref<16x768xf32, #tpu.memory_space<vmem>>
    %dma_wait3A_944 = arith.constant 0 : i32
    %dma_wait3A_945 = tpu.memref_slice %arg10[%dma_wait3A_939, %add3A_527, %dma_wait3A_944] : memref<9x1024x768xf32, #tpu.memory_space<hbm>> -> memref<1x16x768xf32, #tpu.memory_space<hbm>>
    %dma_wait3A_946 = tpu.memref_squeeze %dma_wait3A_945 : memref<1x16x768xf32, #tpu.memory_space<hbm>> -> memref<16x768xf32, #tpu.memory_space<hbm>>
    %dma_wait3A_947 = arith.constant 0 : i32
    %dma_wait3A_948 = tpu.memref_slice %arg10[%dma_wait3A_939, %add3A_527, %dma_wait3A_947] : memref<9x1024x768xf32, #tpu.memory_space<hbm>> -> memref<1x16x768xf32, #tpu.memory_space<hbm>>
    %dma_wait3A_949 = tpu.memref_squeeze %dma_wait3A_948 : memref<1x16x768xf32, #tpu.memory_space<hbm>> -> memref<16x768xf32, #tpu.memory_space<hbm>>
    %dma_wait3A_950 = arith.constant 0 : i32
    %dma_wait3A_951 = arith.constant 0 : i32
    %dma_wait3A_952 = tpu.memref_slice %arg12[%dma_wait3A_938, %dma_wait3A_950, %dma_wait3A_951] : memref<9x16x768xf32, #tpu.memory_space<vmem>> -> memref<1x16x768xf32, #tpu.memory_space<vmem>>
    %dma_wait3A_953 = tpu.memref_squeeze %dma_wait3A_952 : memref<1x16x768xf32, #tpu.memory_space<vmem>> -> memref<16x768xf32, #tpu.memory_space<vmem>>
    tpu.wait_dma2 semaphore(%arg14 : memref<!tpu.dma_semaphore, #tpu.memory_space<semaphore_mem>>) src(%dma_wait3A_953 : memref<16x768xf32, #tpu.memory_space<vmem>>) dst(%dma_wait3A_949 : memref<16x768xf32, #tpu.memory_space<hbm>>)
    %dma_wait3A_954 = arith.constant 3 : i32
    %dma_wait3A_955 = arith.constant 3 : i32
    %dma_wait3A_956 = arith.constant 0 : i32
    %dma_wait3A_957 = arith.constant 0 : i32
    %dma_wait3A_958 = tpu.memref_slice %arg12[%dma_wait3A_954, %dma_wait3A_956, %dma_wait3A_957] : memref<9x16x768xf32, #tpu.memory_space<vmem>> -> memref<1x16x768xf32, #tpu.memory_space<vmem>>
    %dma_wait3A_959 = tpu.memref_squeeze %dma_wait3A_958 : memref<1x16x768xf32, #tpu.memory_space<vmem>> -> memref<16x768xf32, #tpu.memory_space<vmem>>
    %dma_wait3A_960 = arith.constant 0 : i32
    %dma_wait3A_961 = tpu.memref_slice %arg10[%dma_wait3A_955, %add3A_527, %dma_wait3A_960] : memref<9x1024x768xf32, #tpu.memory_space<hbm>> -> memref<1x16x768xf32, #tpu.memory_space<hbm>>
    %dma_wait3A_962 = tpu.memref_squeeze %dma_wait3A_961 : memref<1x16x768xf32, #tpu.memory_space<hbm>> -> memref<16x768xf32, #tpu.memory_space<hbm>>
    %dma_wait3A_963 = arith.constant 0 : i32
    %dma_wait3A_964 = tpu.memref_slice %arg10[%dma_wait3A_955, %add3A_527, %dma_wait3A_963] : memref<9x1024x768xf32, #tpu.memory_space<hbm>> -> memref<1x16x768xf32, #tpu.memory_space<hbm>>
    %dma_wait3A_965 = tpu.memref_squeeze %dma_wait3A_964 : memref<1x16x768xf32, #tpu.memory_space<hbm>> -> memref<16x768xf32, #tpu.memory_space<hbm>>
    %dma_wait3A_966 = arith.constant 0 : i32
    %dma_wait3A_967 = arith.constant 0 : i32
    %dma_wait3A_968 = tpu.memref_slice %arg12[%dma_wait3A_954, %dma_wait3A_966, %dma_wait3A_967] : memref<9x16x768xf32, #tpu.memory_space<vmem>> -> memref<1x16x768xf32, #tpu.memory_space<vmem>>
    %dma_wait3A_969 = tpu.memref_squeeze %dma_wait3A_968 : memref<1x16x768xf32, #tpu.memory_space<vmem>> -> memref<16x768xf32, #tpu.memory_space<vmem>>
    tpu.wait_dma2 semaphore(%arg14 : memref<!tpu.dma_semaphore, #tpu.memory_space<semaphore_mem>>) src(%dma_wait3A_969 : memref<16x768xf32, #tpu.memory_space<vmem>>) dst(%dma_wait3A_965 : memref<16x768xf32, #tpu.memory_space<hbm>>)
    %dma_wait3A_970 = arith.constant 4 : i32
    %dma_wait3A_971 = arith.constant 4 : i32
    %dma_wait3A_972 = arith.constant 0 : i32
    %dma_wait3A_973 = arith.constant 0 : i32
    %dma_wait3A_974 = tpu.memref_slice %arg12[%dma_wait3A_970, %dma_wait3A_972, %dma_wait3A_973] : memref<9x16x768xf32, #tpu.memory_space<vmem>> -> memref<1x16x768xf32, #tpu.memory_space<vmem>>
    %dma_wait3A_975 = tpu.memref_squeeze %dma_wait3A_974 : memref<1x16x768xf32, #tpu.memory_space<vmem>> -> memref<16x768xf32, #tpu.memory_space<vmem>>
    %dma_wait3A_976 = arith.constant 0 : i32
    %dma_wait3A_977 = tpu.memref_slice %arg10[%dma_wait3A_971, %add3A_527, %dma_wait3A_976] : memref<9x1024x768xf32, #tpu.memory_space<hbm>> -> memref<1x16x768xf32, #tpu.memory_space<hbm>>
    %dma_wait3A_978 = tpu.memref_squeeze %dma_wait3A_977 : memref<1x16x768xf32, #tpu.memory_space<hbm>> -> memref<16x768xf32, #tpu.memory_space<hbm>>
    %dma_wait3A_979 = arith.constant 0 : i32
    %dma_wait3A_980 = tpu.memref_slice %arg10[%dma_wait3A_971, %add3A_527, %dma_wait3A_979] : memref<9x1024x768xf32, #tpu.memory_space<hbm>> -> memref<1x16x768xf32, #tpu.memory_space<hbm>>
    %dma_wait3A_981 = tpu.memref_squeeze %dma_wait3A_980 : memref<1x16x768xf32, #tpu.memory_space<hbm>> -> memref<16x768xf32, #tpu.memory_space<hbm>>
    %dma_wait3A_982 = arith.constant 0 : i32
    %dma_wait3A_983 = arith.constant 0 : i32
    %dma_wait3A_984 = tpu.memref_slice %arg12[%dma_wait3A_970, %dma_wait3A_982, %dma_wait3A_983] : memref<9x16x768xf32, #tpu.memory_space<vmem>> -> memref<1x16x768xf32, #tpu.memory_space<vmem>>
    %dma_wait3A_985 = tpu.memref_squeeze %dma_wait3A_984 : memref<1x16x768xf32, #tpu.memory_space<vmem>> -> memref<16x768xf32, #tpu.memory_space<vmem>>
    tpu.wait_dma2 semaphore(%arg14 : memref<!tpu.dma_semaphore, #tpu.memory_space<semaphore_mem>>) src(%dma_wait3A_985 : memref<16x768xf32, #tpu.memory_space<vmem>>) dst(%dma_wait3A_981 : memref<16x768xf32, #tpu.memory_space<hbm>>)
    %dma_wait3A_986 = arith.constant 5 : i32
    %dma_wait3A_987 = arith.constant 5 : i32
    %dma_wait3A_988 = arith.constant 0 : i32
    %dma_wait3A_989 = arith.constant 0 : i32
    %dma_wait3A_990 = tpu.memref_slice %arg12[%dma_wait3A_986, %dma_wait3A_988, %dma_wait3A_989] : memref<9x16x768xf32, #tpu.memory_space<vmem>> -> memref<1x16x768xf32, #tpu.memory_space<vmem>>
    %dma_wait3A_991 = tpu.memref_squeeze %dma_wait3A_990 : memref<1x16x768xf32, #tpu.memory_space<vmem>> -> memref<16x768xf32, #tpu.memory_space<vmem>>
    %dma_wait3A_992 = arith.constant 0 : i32
    %dma_wait3A_993 = tpu.memref_slice %arg10[%dma_wait3A_987, %add3A_527, %dma_wait3A_992] : memref<9x1024x768xf32, #tpu.memory_space<hbm>> -> memref<1x16x768xf32, #tpu.memory_space<hbm>>
    %dma_wait3A_994 = tpu.memref_squeeze %dma_wait3A_993 : memref<1x16x768xf32, #tpu.memory_space<hbm>> -> memref<16x768xf32, #tpu.memory_space<hbm>>
    %dma_wait3A_995 = arith.constant 0 : i32
    %dma_wait3A_996 = tpu.memref_slice %arg10[%dma_wait3A_987, %add3A_527, %dma_wait3A_995] : memref<9x1024x768xf32, #tpu.memory_space<hbm>> -> memref<1x16x768xf32, #tpu.memory_space<hbm>>
    %dma_wait3A_997 = tpu.memref_squeeze %dma_wait3A_996 : memref<1x16x768xf32, #tpu.memory_space<hbm>> -> memref<16x768xf32, #tpu.memory_space<hbm>>
    %dma_wait3A_998 = arith.constant 0 : i32
    %dma_wait3A_999 = arith.constant 0 : i32
    %dma_wait3A_1000 = tpu.memref_slice %arg12[%dma_wait3A_986, %dma_wait3A_998, %dma_wait3A_999] : memref<9x16x768xf32, #tpu.memory_space<vmem>> -> memref<1x16x768xf32, #tpu.memory_space<vmem>>
    %dma_wait3A_1001 = tpu.memref_squeeze %dma_wait3A_1000 : memref<1x16x768xf32, #tpu.memory_space<vmem>> -> memref<16x768xf32, #tpu.memory_space<vmem>>
    tpu.wait_dma2 semaphore(%arg14 : memref<!tpu.dma_semaphore, #tpu.memory_space<semaphore_mem>>) src(%dma_wait3A_1001 : memref<16x768xf32, #tpu.memory_space<vmem>>) dst(%dma_wait3A_997 : memref<16x768xf32, #tpu.memory_space<hbm>>)
    %dma_wait3A_1002 = arith.constant 6 : i32
    %dma_wait3A_1003 = arith.constant 6 : i32
    %dma_wait3A_1004 = arith.constant 0 : i32
    %dma_wait3A_1005 = arith.constant 0 : i32
    %dma_wait3A_1006 = tpu.memref_slice %arg12[%dma_wait3A_1002, %dma_wait3A_1004, %dma_wait3A_1005] : memref<9x16x768xf32, #tpu.memory_space<vmem>> -> memref<1x16x768xf32, #tpu.memory_space<vmem>>
    %dma_wait3A_1007 = tpu.memref_squeeze %dma_wait3A_1006 : memref<1x16x768xf32, #tpu.memory_space<vmem>> -> memref<16x768xf32, #tpu.memory_space<vmem>>
    %dma_wait3A_1008 = arith.constant 0 : i32
    %dma_wait3A_1009 = tpu.memref_slice %arg10[%dma_wait3A_1003, %add3A_527, %dma_wait3A_1008] : memref<9x1024x768xf32, #tpu.memory_space<hbm>> -> memref<1x16x768xf32, #tpu.memory_space<hbm>>
    %dma_wait3A_1010 = tpu.memref_squeeze %dma_wait3A_1009 : memref<1x16x768xf32, #tpu.memory_space<hbm>> -> memref<16x768xf32, #tpu.memory_space<hbm>>
    %dma_wait3A_1011 = arith.constant 0 : i32
    %dma_wait3A_1012 = tpu.memref_slice %arg10[%dma_wait3A_1003, %add3A_527, %dma_wait3A_1011] : memref<9x1024x768xf32, #tpu.memory_space<hbm>> -> memref<1x16x768xf32, #tpu.memory_space<hbm>>
    %dma_wait3A_1013 = tpu.memref_squeeze %dma_wait3A_1012 : memref<1x16x768xf32, #tpu.memory_space<hbm>> -> memref<16x768xf32, #tpu.memory_space<hbm>>
    %dma_wait3A_1014 = arith.constant 0 : i32
    %dma_wait3A_1015 = arith.constant 0 : i32
    %dma_wait3A_1016 = tpu.memref_slice %arg12[%dma_wait3A_1002, %dma_wait3A_1014, %dma_wait3A_1015] : memref<9x16x768xf32, #tpu.memory_space<vmem>> -> memref<1x16x768xf32, #tpu.memory_space<vmem>>
    %dma_wait3A_1017 = tpu.memref_squeeze %dma_wait3A_1016 : memref<1x16x768xf32, #tpu.memory_space<vmem>> -> memref<16x768xf32, #tpu.memory_space<vmem>>
    tpu.wait_dma2 semaphore(%arg14 : memref<!tpu.dma_semaphore, #tpu.memory_space<semaphore_mem>>) src(%dma_wait3A_1017 : memref<16x768xf32, #tpu.memory_space<vmem>>) dst(%dma_wait3A_1013 : memref<16x768xf32, #tpu.memory_space<hbm>>)
    %dma_wait3A_1018 = arith.constant 7 : i32
    %dma_wait3A_1019 = arith.constant 7 : i32
    %dma_wait3A_1020 = arith.constant 0 : i32
    %dma_wait3A_1021 = arith.constant 0 : i32
    %dma_wait3A_1022 = tpu.memref_slice %arg12[%dma_wait3A_1018, %dma_wait3A_1020, %dma_wait3A_1021] : memref<9x16x768xf32, #tpu.memory_space<vmem>> -> memref<1x16x768xf32, #tpu.memory_space<vmem>>
    %dma_wait3A_1023 = tpu.memref_squeeze %dma_wait3A_1022 : memref<1x16x768xf32, #tpu.memory_space<vmem>> -> memref<16x768xf32, #tpu.memory_space<vmem>>
    %dma_wait3A_1024 = arith.constant 0 : i32
    %dma_wait3A_1025 = tpu.memref_slice %arg10[%dma_wait3A_1019, %add3A_527, %dma_wait3A_1024] : memref<9x1024x768xf32, #tpu.memory_space<hbm>> -> memref<1x16x768xf32, #tpu.memory_space<hbm>>
    %dma_wait3A_1026 = tpu.memref_squeeze %dma_wait3A_1025 : memref<1x16x768xf32, #tpu.memory_space<hbm>> -> memref<16x768xf32, #tpu.memory_space<hbm>>
    %dma_wait3A_1027 = arith.constant 0 : i32
    %dma_wait3A_1028 = tpu.memref_slice %arg10[%dma_wait3A_1019, %add3A_527, %dma_wait3A_1027] : memref<9x1024x768xf32, #tpu.memory_space<hbm>> -> memref<1x16x768xf32, #tpu.memory_space<hbm>>
    %dma_wait3A_1029 = tpu.memref_squeeze %dma_wait3A_1028 : memref<1x16x768xf32, #tpu.memory_space<hbm>> -> memref<16x768xf32, #tpu.memory_space<hbm>>
    %dma_wait3A_1030 = arith.constant 0 : i32
    %dma_wait3A_1031 = arith.constant 0 : i32
    %dma_wait3A_1032 = tpu.memref_slice %arg12[%dma_wait3A_1018, %dma_wait3A_1030, %dma_wait3A_1031] : memref<9x16x768xf32, #tpu.memory_space<vmem>> -> memref<1x16x768xf32, #tpu.memory_space<vmem>>
    %dma_wait3A_1033 = tpu.memref_squeeze %dma_wait3A_1032 : memref<1x16x768xf32, #tpu.memory_space<vmem>> -> memref<16x768xf32, #tpu.memory_space<vmem>>
    tpu.wait_dma2 semaphore(%arg14 : memref<!tpu.dma_semaphore, #tpu.memory_space<semaphore_mem>>) src(%dma_wait3A_1033 : memref<16x768xf32, #tpu.memory_space<vmem>>) dst(%dma_wait3A_1029 : memref<16x768xf32, #tpu.memory_space<hbm>>)
    %dma_wait3A_1034 = arith.constant 8 : i32
    %dma_wait3A_1035 = arith.constant 8 : i32
    %dma_wait3A_1036 = arith.constant 0 : i32
    %dma_wait3A_1037 = arith.constant 0 : i32
    %dma_wait3A_1038 = tpu.memref_slice %arg12[%dma_wait3A_1034, %dma_wait3A_1036, %dma_wait3A_1037] : memref<9x16x768xf32, #tpu.memory_space<vmem>> -> memref<1x16x768xf32, #tpu.memory_space<vmem>>
    %dma_wait3A_1039 = tpu.memref_squeeze %dma_wait3A_1038 : memref<1x16x768xf32, #tpu.memory_space<vmem>> -> memref<16x768xf32, #tpu.memory_space<vmem>>
    %dma_wait3A_1040 = arith.constant 0 : i32
    %dma_wait3A_1041 = tpu.memref_slice %arg10[%dma_wait3A_1035, %add3A_527, %dma_wait3A_1040] : memref<9x1024x768xf32, #tpu.memory_space<hbm>> -> memref<1x16x768xf32, #tpu.memory_space<hbm>>
    %dma_wait3A_1042 = tpu.memref_squeeze %dma_wait3A_1041 : memref<1x16x768xf32, #tpu.memory_space<hbm>> -> memref<16x768xf32, #tpu.memory_space<hbm>>
    %dma_wait3A_1043 = arith.constant 0 : i32
    %dma_wait3A_1044 = tpu.memref_slice %arg10[%dma_wait3A_1035, %add3A_527, %dma_wait3A_1043] : memref<9x1024x768xf32, #tpu.memory_space<hbm>> -> memref<1x16x768xf32, #tpu.memory_space<hbm>>
    %dma_wait3A_1045 = tpu.memref_squeeze %dma_wait3A_1044 : memref<1x16x768xf32, #tpu.memory_space<hbm>> -> memref<16x768xf32, #tpu.memory_space<hbm>>
    %dma_wait3A_1046 = arith.constant 0 : i32
    %dma_wait3A_1047 = arith.constant 0 : i32
    %dma_wait3A_1048 = tpu.memref_slice %arg12[%dma_wait3A_1034, %dma_wait3A_1046, %dma_wait3A_1047] : memref<9x16x768xf32, #tpu.memory_space<vmem>> -> memref<1x16x768xf32, #tpu.memory_space<vmem>>
    %dma_wait3A_1049 = tpu.memref_squeeze %dma_wait3A_1048 : memref<1x16x768xf32, #tpu.memory_space<vmem>> -> memref<16x768xf32, #tpu.memory_space<vmem>>
    tpu.wait_dma2 semaphore(%arg14 : memref<!tpu.dma_semaphore, #tpu.memory_space<semaphore_mem>>) src(%dma_wait3A_1049 : memref<16x768xf32, #tpu.memory_space<vmem>>) dst(%dma_wait3A_1045 : memref<16x768xf32, #tpu.memory_space<hbm>>)
    return
  }
}

module attributes {stable_mosaic.version = 14 : i64} {
  func.func @_embsum_body(%arg0: memref<9216x768xf32, #tpu.memory_space<vmem>>, %arg1: memref<2x768xf32, #tpu.memory_space<vmem>>, %arg2: memref<1024x768xf32, #tpu.memory_space<vmem>>) attributes {dimension_semantics = [], scalar_prefetch = 0 : i64, scratch_operands = 0 : i64, tpu.core_type = #tpu.core_type<tc>} {
    %get3A = arith.constant 0 : index
    %get3A_0 = arith.constant 0 : index
    %get3A_1 = vector.load %arg0[%get3A, %get3A_0] : memref<9216x768xf32, #tpu.memory_space<vmem>>, vector<1024x768xf32>
    %get3A_2 = arith.constant 1024 : index
    %get3A_3 = arith.constant 0 : index
    %get3A_4 = vector.load %arg0[%get3A_2, %get3A_3] : memref<9216x768xf32, #tpu.memory_space<vmem>>, vector<1024x768xf32>
    %add3A = arith.addf %get3A_1, %get3A_4 : vector<1024x768xf32>
    %get3A_5 = arith.constant 2048 : index
    %get3A_6 = arith.constant 0 : index
    %get3A_7 = vector.load %arg0[%get3A_5, %get3A_6] : memref<9216x768xf32, #tpu.memory_space<vmem>>, vector<1024x768xf32>
    %add3A_8 = arith.addf %add3A, %get3A_7 : vector<1024x768xf32>
    %get3A_9 = arith.constant 3072 : index
    %get3A_10 = arith.constant 0 : index
    %get3A_11 = vector.load %arg0[%get3A_9, %get3A_10] : memref<9216x768xf32, #tpu.memory_space<vmem>>, vector<1024x768xf32>
    %add3A_12 = arith.addf %add3A_8, %get3A_11 : vector<1024x768xf32>
    %get3A_13 = arith.constant 4096 : index
    %get3A_14 = arith.constant 0 : index
    %get3A_15 = vector.load %arg0[%get3A_13, %get3A_14] : memref<9216x768xf32, #tpu.memory_space<vmem>>, vector<1024x768xf32>
    %add3A_16 = arith.addf %add3A_12, %get3A_15 : vector<1024x768xf32>
    %get3A_17 = arith.constant 5120 : index
    %get3A_18 = arith.constant 0 : index
    %get3A_19 = vector.load %arg0[%get3A_17, %get3A_18] : memref<9216x768xf32, #tpu.memory_space<vmem>>, vector<1024x768xf32>
    %add3A_20 = arith.addf %add3A_16, %get3A_19 : vector<1024x768xf32>
    %get3A_21 = arith.constant 6144 : index
    %get3A_22 = arith.constant 0 : index
    %get3A_23 = vector.load %arg0[%get3A_21, %get3A_22] : memref<9216x768xf32, #tpu.memory_space<vmem>>, vector<1024x768xf32>
    %add3A_24 = arith.addf %add3A_20, %get3A_23 : vector<1024x768xf32>
    %get3A_25 = arith.constant 7168 : index
    %get3A_26 = arith.constant 0 : index
    %get3A_27 = vector.load %arg0[%get3A_25, %get3A_26] : memref<9216x768xf32, #tpu.memory_space<vmem>>, vector<1024x768xf32>
    %add3A_28 = arith.addf %add3A_24, %get3A_27 : vector<1024x768xf32>
    %get3A_29 = arith.constant 8192 : index
    %get3A_30 = arith.constant 0 : index
    %get3A_31 = vector.load %arg0[%get3A_29, %get3A_30] : memref<9216x768xf32, #tpu.memory_space<vmem>>, vector<1024x768xf32>
    %add3A_32 = arith.addf %add3A_28, %get3A_31 : vector<1024x768xf32>
    %get3A_33 = arith.constant 0 : index
    %get3A_34 = arith.constant 0 : index
    %get3A_35 = vector.load %arg1[%get3A_33, %get3A_34] : memref<2x768xf32, #tpu.memory_space<vmem>>, vector<1x768xf32>
    %get3A_36 = arith.constant 1 : index
    %get3A_37 = arith.constant 0 : index
    %get3A_38 = vector.load %arg1[%get3A_36, %get3A_37] : memref<2x768xf32, #tpu.memory_space<vmem>>, vector<1x768xf32>
    %reduce_sum3A = arith.constant dense<0.000000e+00> : vector<1024xf32>
    %reduce_sum3A_39 = vector.multi_reduction <add>, %add3A_32, %reduce_sum3A [1] : vector<1024x768xf32> to vector<1024xf32>
    %broadcast_in_dim3A = vector.shape_cast %reduce_sum3A_39 : vector<1024xf32> to vector<1024x1xf32>
    %div3A = arith.constant 7.680000e+02 : f32
    %div3A_40 = vector.broadcast %div3A : f32 to vector<1024x1xf32>
    %div3A_41 = arith.divf %broadcast_in_dim3A, %div3A_40 : vector<1024x1xf32>
    %jit3A = arith.constant 0 : i32
    %reduce_sum3A_42 = arith.constant dense<0.000000e+00> : vector<1024xf32>
    %reduce_sum3A_43 = vector.multi_reduction <add>, %add3A_32, %reduce_sum3A_42 [1] : vector<1024x768xf32> to vector<1024xf32>
    %broadcast_in_dim3A_44 = vector.shape_cast %reduce_sum3A_43 : vector<1024xf32> to vector<1024x1xf32>
    %div3A_45 = arith.constant 7.680000e+02 : f32
    %div3A_46 = vector.broadcast %div3A_45 : f32 to vector<1024x1xf32>
    %div3A_47 = arith.divf %broadcast_in_dim3A_44, %div3A_46 : vector<1024x1xf32>
    %sub3A = vector.broadcast %div3A_47 : vector<1024x1xf32> to vector<1024x768xf32>
    %sub3A_48 = arith.subf %add3A_32, %sub3A : vector<1024x768xf32>
    %square3A = arith.mulf %sub3A_48, %sub3A_48 : vector<1024x768xf32>
    %convert_element_type3A = arith.sitofp %jit3A : i32 to f32
    %sub3A_49 = arith.constant 7.680000e+02 : f32
    %sub3A_50 = arith.subf %sub3A_49, %convert_element_type3A : f32
    %reduce_sum3A_51 = arith.constant dense<0.000000e+00> : vector<1024xf32>
    %reduce_sum3A_52 = vector.multi_reduction <add>, %square3A, %reduce_sum3A_51 [1] : vector<1024x768xf32> to vector<1024xf32>
    %broadcast_in_dim3A_53 = vector.shape_cast %reduce_sum3A_52 : vector<1024xf32> to vector<1024x1xf32>
    %div3A_54 = vector.broadcast %sub3A_50 : f32 to vector<1024x1xf32>
    %div3A_55 = arith.divf %broadcast_in_dim3A_53, %div3A_54 : vector<1024x1xf32>
    %gt3A = arith.constant 0.000000e+00 : f32
    %gt3A_56 = arith.cmpf ogt, %sub3A_50, %gt3A : f32
    %jit3A_57 = arith.constant 0x7FC00000 : f32
    %broadcast_in_dim3A_58 = vector.broadcast %jit3A_57 : f32 to vector<1024x1xf32>
    %select_n3A = arith.select %gt3A_56, %div3A_55, %broadcast_in_dim3A_58 : vector<1024x1xf32>
    %sub3A_59 = vector.broadcast %div3A_41 : vector<1024x1xf32> to vector<1024x768xf32>
    %sub3A_60 = arith.subf %add3A_32, %sub3A_59 : vector<1024x768xf32>
    %add3A_61 = arith.constant 9.99999996E-13 : f32
    %add3A_62 = vector.broadcast %add3A_61 : f32 to vector<1024x1xf32>
    %add3A_63 = arith.addf %select_n3A, %add3A_62 : vector<1024x1xf32>
    %sqrt3A = math.sqrt %add3A_63 : vector<1024x1xf32>
    %div3A_64 = vector.broadcast %sqrt3A : vector<1024x1xf32> to vector<1024x768xf32>
    %div3A_65 = arith.divf %sub3A_60, %div3A_64 : vector<1024x768xf32>
    %mul3A = vector.broadcast %get3A_35 : vector<1x768xf32> to vector<1024x768xf32>
    %mul3A_66 = arith.mulf %div3A_65, %mul3A : vector<1024x768xf32>
    %add3A_67 = vector.broadcast %get3A_38 : vector<1x768xf32> to vector<1024x768xf32>
    %add3A_68 = arith.addf %mul3A_66, %add3A_67 : vector<1024x768xf32>
    %swap3A = arith.constant 0 : index
    %swap3A_69 = arith.constant 0 : index
    %swap3A_70 = vector.load %arg2[%swap3A, %swap3A_69] : memref<1024x768xf32, #tpu.memory_space<vmem>>, vector<1024x768xf32>
    tpu.vector_store %arg2[%swap3A, %swap3A_69], %add3A_68 {strides = array<i32>} : memref<1024x768xf32, #tpu.memory_space<vmem>>, vector<1024x768xf32>,
    return
  }
}

module attributes {stable_mosaic.version = 14 : i64} {
  func.func @_layers_body(%arg0: i32, %arg1: memref<1024x768xf32, #tpu.memory_space<vmem>>, %arg2: memref<8x512xf32, #tpu.memory_space<vmem>>, %arg3: memref<1x768x2304xf32, #tpu.memory_space<vmem>>, %arg4: memref<1x1x2304xf32, #tpu.memory_space<vmem>>, %arg5: memref<1x768x768xf32, #tpu.memory_space<vmem>>, %arg6: memref<1x1x768xf32, #tpu.memory_space<vmem>>, %arg7: memref<1x4x768xf32, #tpu.memory_space<vmem>>, %arg8: memref<1x768x128xf32, #tpu.memory_space<vmem>>, %arg9: memref<1x1x128xf32, #tpu.memory_space<vmem>>, %arg10: memref<1x768x768xf32, #tpu.memory_space<vmem>>, %arg11: memref<1x1x768xf32, #tpu.memory_space<vmem>>, %arg12: memref<1x7x32x64xf32, #tpu.memory_space<vmem>>, %arg13: memref<1x7x64xf32, #tpu.memory_space<vmem>>, %arg14: memref<1x7x24x64xf32, #tpu.memory_space<vmem>>, %arg15: memref<1x7x64xf32, #tpu.memory_space<vmem>>, %arg16: memref<1x7x64x32xf32, #tpu.memory_space<vmem>>, %arg17: memref<1x7x32xf32, #tpu.memory_space<vmem>>, %arg18: memref<1x7x64x24xf32, #tpu.memory_space<vmem>>, %arg19: memref<1x7x24xf32, #tpu.memory_space<vmem>>, %arg20: memref<1x7x768xf32, #tpu.memory_space<vmem>>, %arg21: memref<1x768x768xf32, #tpu.memory_space<vmem>>, %arg22: memref<1x1x768xf32, #tpu.memory_space<vmem>>, %arg23: memref<768x128xf32, #tpu.memory_space<vmem>>, %arg24: memref<1x128xf32, #tpu.memory_space<vmem>>, %arg25: memref<1024x128xf32, #tpu.memory_space<vmem>>, %arg26: memref<1024x768xf32, #tpu.memory_space<vmem>>, %arg27: memref<1024x768xf32, #tpu.memory_space<vmem>>, %arg28: memref<1024x2304xf32, #tpu.memory_space<vmem>>) attributes {dimension_semantics = [#tpu.dimension_semantics<arbitrary>], iteration_bounds = array<i64: 12>, scalar_prefetch = 0 : i64, scratch_operands = 3 : i64, tpu.core_type = #tpu.core_type<tc>, window_params = [{pipeline_mode = #tpu.pipeline_mode<synchronous>, transform_indices = @transform_0, window_bounds = array<i64: 1024, 768>}, {pipeline_mode = #tpu.pipeline_mode<synchronous>, transform_indices = @transform_1, window_bounds = array<i64: 8, 512>}, {transform_indices = @transform_2, window_bounds = array<i64: 1, 768, 2304>}, {transform_indices = @transform_3, window_bounds = array<i64: 1, 1, 2304>}, {transform_indices = @transform_4, window_bounds = array<i64: 1, 768, 768>}, {transform_indices = @transform_5, window_bounds = array<i64: 1, 1, 768>}, {transform_indices = @transform_6, window_bounds = array<i64: 1, 4, 768>}, {transform_indices = @transform_7, window_bounds = array<i64: 1, 768, 128>}, {transform_indices = @transform_8, window_bounds = array<i64: 1, 1, 128>}, {transform_indices = @transform_9, window_bounds = array<i64: 1, 768, 768>}, {transform_indices = @transform_10, window_bounds = array<i64: 1, 1, 768>}, {transform_indices = @transform_11, window_bounds = array<i64: 1, 7, 32, 64>}, {transform_indices = @transform_12, window_bounds = array<i64: 1, 7, 64>}, {transform_indices = @transform_13, window_bounds = array<i64: 1, 7, 24, 64>}, {transform_indices = @transform_14, window_bounds = array<i64: 1, 7, 64>}, {transform_indices = @transform_15, window_bounds = array<i64: 1, 7, 64, 32>}, {transform_indices = @transform_16, window_bounds = array<i64: 1, 7, 32>}, {transform_indices = @transform_17, window_bounds = array<i64: 1, 7, 64, 24>}, {transform_indices = @transform_18, window_bounds = array<i64: 1, 7, 24>}, {transform_indices = @transform_19, window_bounds = array<i64: 1, 7, 768>}, {transform_indices = @transform_20, window_bounds = array<i64: 1, 768, 768>}, {transform_indices = @transform_21, window_bounds = array<i64: 1, 1, 768>}, {pipeline_mode = #tpu.pipeline_mode<synchronous>, transform_indices = @transform_22, window_bounds = array<i64: 768, 128>}, {pipeline_mode = #tpu.pipeline_mode<synchronous>, transform_indices = @transform_23, window_bounds = array<i64: 1, 128>}, {pipeline_mode = #tpu.pipeline_mode<synchronous>, transform_indices = @transform_24, window_bounds = array<i64: 1024, 128>}]} {
    %eq3A = arith.constant 0 : i32
    %eq3A_0 = arith.cmpi eq, %arg0, %eq3A : i32
    %convert_element_type3A = arith.extui %eq3A_0 : i1 to i32
    %cond3A = arith.constant 0 : i32
    %cond3A_1 = arith.cmpi ne, %convert_element_type3A, %cond3A : i32
    scf.if %cond3A_1 {
      %get3A_1140 = arith.constant 0 : index
      %get3A_1141 = arith.constant 0 : index
      %get3A_1142 = vector.load %arg1[%get3A_1140, %get3A_1141] : memref<1024x768xf32, #tpu.memory_space<vmem>>, vector<1024x768xf32>
      %swap3A_1143 = arith.constant 0 : index
      %swap3A_1144 = arith.constant 0 : index
      %swap3A_1145 = vector.load %arg26[%swap3A_1143, %swap3A_1144] : memref<1024x768xf32, #tpu.memory_space<vmem>>, vector<1024x768xf32>
      tpu.vector_store %arg26[%swap3A_1143, %swap3A_1144], %get3A_1142 {strides = array<i32>} : memref<1024x768xf32, #tpu.memory_space<vmem>>, vector<1024x768xf32>,
    } else {
    }
    %get3A = arith.constant 0 : index
    %get3A_2 = arith.constant 0 : index
    %get3A_3 = vector.load %arg26[%get3A, %get3A_2] : memref<1024x768xf32, #tpu.memory_space<vmem>>, vector<1024x768xf32>
    %get3A_4 = arith.constant 0 : index
    %get3A_5 = arith.constant 0 : index
    %get3A_6 = arith.constant 0 : index
    %get3A_7 = vector.load %arg3[%get3A_4, %get3A_5, %get3A_6] : memref<1x768x2304xf32, #tpu.memory_space<vmem>>, vector<1x768x2304xf32>
    %get3A_8 = vector.shape_cast %get3A_7 : vector<1x768x2304xf32> to vector<768x2304xf32>
    %dot_general3A = arith.constant dense<0.000000e+00> : vector<1024x2304xf32>
    %dot_general3A_9 = tpu.matmul %get3A_3, %get3A_8, %dot_general3A {dimension_numbers = #tpu.dot_dimension_numbers<[1], [0], [0], [1], [0, 0, 1, 1], [], []>, transpose_lhs_hint = false} : vector<1024x768xf32>, vector<768x2304xf32>, vector<1024x2304xf32> -> vector<1024x2304xf32>
    %get3A_10 = arith.constant 0 : index
    %get3A_11 = arith.constant 0 : index
    %get3A_12 = arith.constant 0 : index
    %get3A_13 = vector.load %arg4[%get3A_10, %get3A_11, %get3A_12] : memref<1x1x2304xf32, #tpu.memory_space<vmem>>, vector<1x1x2304xf32>
    %get3A_14 = vector.shape_cast %get3A_13 : vector<1x1x2304xf32> to vector<1x2304xf32>
    %add3A = vector.broadcast %get3A_14 : vector<1x2304xf32> to vector<1024x2304xf32>
    %add3A_15 = arith.addf %dot_general3A_9, %add3A : vector<1024x2304xf32>
    %swap3A = arith.constant 0 : index
    %swap3A_16 = arith.constant 0 : index
    %swap3A_17 = vector.load %arg28[%swap3A, %swap3A_16] : memref<1024x2304xf32, #tpu.memory_space<vmem>>, vector<1024x2304xf32>
    tpu.vector_store %arg28[%swap3A, %swap3A_16], %add3A_15 {strides = array<i32>} : memref<1024x2304xf32, #tpu.memory_space<vmem>>, vector<1024x2304xf32>,
    %get3A_18 = arith.constant 0 : index
    %get3A_19 = arith.constant 0 : index
    %get3A_20 = vector.load %arg28[%get3A_18, %get3A_19] : memref<1024x2304xf32, #tpu.memory_space<vmem>>, vector<512x64xf32>
    %get3A_21 = arith.constant 0 : index
    %get3A_22 = arith.constant 768 : index
    %get3A_23 = vector.load %arg28[%get3A_21, %get3A_22] : memref<1024x2304xf32, #tpu.memory_space<vmem>>, vector<512x64xf32>
    %get3A_24 = arith.constant 0 : index
    %get3A_25 = arith.constant 1536 : index
    %get3A_26 = vector.load %arg28[%get3A_24, %get3A_25] : memref<1024x2304xf32, #tpu.memory_space<vmem>>, vector<512x64xf32>
    %dot_general3A_27 = arith.constant dense<0.000000e+00> : vector<512x512xf32>
    %dot_general3A_28 = tpu.matmul %get3A_20, %get3A_23, %dot_general3A_27 {dimension_numbers = #tpu.dot_dimension_numbers<[1], [1], [0], [0], [0, 0, 1, 0], [], []>, transpose_lhs_hint = false} : vector<512x64xf32>, vector<512x64xf32>, vector<512x512xf32> -> vector<512x512xf32>
    %mul3A = arith.constant 1.250000e-01 : f32
    %mul3A_29 = vector.broadcast %mul3A : f32 to vector<512x512xf32>
    %mul3A_30 = arith.mulf %dot_general3A_28, %mul3A_29 : vector<512x512xf32>
    %get3A_31 = arith.constant 0 : index
    %get3A_32 = arith.constant 0 : index
    %get3A_33 = vector.load %arg2[%get3A_31, %get3A_32] : memref<8x512xf32, #tpu.memory_space<vmem>>, vector<1x512xf32>
    %add3A_34 = vector.broadcast %get3A_33 : vector<1x512xf32> to vector<512x512xf32>
    %add3A_35 = arith.addf %mul3A_30, %add3A_34 : vector<512x512xf32>
    %reduce_max3A = arith.constant dense<0xFF800000> : vector<512xf32>
    %reduce_max3A_36 = vector.multi_reduction <maximumf>, %add3A_35, %reduce_max3A [1] : vector<512x512xf32> to vector<512xf32>
    %broadcast_in_dim3A = vector.shape_cast %reduce_max3A_36 : vector<512xf32> to vector<512x1xf32>
    %sub3A = vector.broadcast %broadcast_in_dim3A : vector<512x1xf32> to vector<512x512xf32>
    %sub3A_37 = arith.subf %add3A_35, %sub3A : vector<512x512xf32>
    %exp3A = math.exp %sub3A_37 : vector<512x512xf32>
    %reduce_sum3A = arith.constant dense<0.000000e+00> : vector<512xf32>
    %reduce_sum3A_38 = vector.multi_reduction <add>, %exp3A, %reduce_sum3A [1] : vector<512x512xf32> to vector<512xf32>
    %broadcast_in_dim3A_39 = vector.shape_cast %reduce_sum3A_38 : vector<512xf32> to vector<512x1xf32>
    %div3A = vector.broadcast %broadcast_in_dim3A_39 : vector<512x1xf32> to vector<512x512xf32>
    %div3A_40 = arith.divf %exp3A, %div3A : vector<512x512xf32>
    %dot_general3A_41 = arith.constant dense<0.000000e+00> : vector<512x64xf32>
    %dot_general3A_42 = tpu.matmul %div3A_40, %get3A_26, %dot_general3A_41 {dimension_numbers = #tpu.dot_dimension_numbers<[1], [0], [0], [1], [0, 0, 1, 1], [], []>, transpose_lhs_hint = false} : vector<512x512xf32>, vector<512x64xf32>, vector<512x64xf32> -> vector<512x64xf32>
    %swap3A_43 = arith.constant 0 : index
    %swap3A_44 = arith.constant 0 : index
    %swap3A_45 = vector.load %arg27[%swap3A_43, %swap3A_44] : memref<1024x768xf32, #tpu.memory_space<vmem>>, vector<512x64xf32>
    tpu.vector_store %arg27[%swap3A_43, %swap3A_44], %dot_general3A_42 {strides = array<i32>} : memref<1024x768xf32, #tpu.memory_space<vmem>>, vector<512x64xf32>,
    %get3A_46 = arith.constant 0 : index
    %get3A_47 = arith.constant 64 : index
    %get3A_48 = vector.load %arg28[%get3A_46, %get3A_47] : memref<1024x2304xf32, #tpu.memory_space<vmem>>, vector<512x64xf32>
    %get3A_49 = arith.constant 0 : index
    %get3A_50 = arith.constant 832 : index
    %get3A_51 = vector.load %arg28[%get3A_49, %get3A_50] : memref<1024x2304xf32, #tpu.memory_space<vmem>>, vector<512x64xf32>
    %get3A_52 = arith.constant 0 : index
    %get3A_53 = arith.constant 1600 : index
    %get3A_54 = vector.load %arg28[%get3A_52, %get3A_53] : memref<1024x2304xf32, #tpu.memory_space<vmem>>, vector<512x64xf32>
    %dot_general3A_55 = arith.constant dense<0.000000e+00> : vector<512x512xf32>
    %dot_general3A_56 = tpu.matmul %get3A_48, %get3A_51, %dot_general3A_55 {dimension_numbers = #tpu.dot_dimension_numbers<[1], [1], [0], [0], [0, 0, 1, 0], [], []>, transpose_lhs_hint = false} : vector<512x64xf32>, vector<512x64xf32>, vector<512x512xf32> -> vector<512x512xf32>
    %mul3A_57 = arith.constant 1.250000e-01 : f32
    %mul3A_58 = vector.broadcast %mul3A_57 : f32 to vector<512x512xf32>
    %mul3A_59 = arith.mulf %dot_general3A_56, %mul3A_58 : vector<512x512xf32>
    %get3A_60 = arith.constant 0 : index
    %get3A_61 = arith.constant 0 : index
    %get3A_62 = vector.load %arg2[%get3A_60, %get3A_61] : memref<8x512xf32, #tpu.memory_space<vmem>>, vector<1x512xf32>
    %add3A_63 = vector.broadcast %get3A_62 : vector<1x512xf32> to vector<512x512xf32>
    %add3A_64 = arith.addf %mul3A_59, %add3A_63 : vector<512x512xf32>
    %reduce_max3A_65 = arith.constant dense<0xFF800000> : vector<512xf32>
    %reduce_max3A_66 = vector.multi_reduction <maximumf>, %add3A_64, %reduce_max3A_65 [1] : vector<512x512xf32> to vector<512xf32>
    %broadcast_in_dim3A_67 = vector.shape_cast %reduce_max3A_66 : vector<512xf32> to vector<512x1xf32>
    %sub3A_68 = vector.broadcast %broadcast_in_dim3A_67 : vector<512x1xf32> to vector<512x512xf32>
    %sub3A_69 = arith.subf %add3A_64, %sub3A_68 : vector<512x512xf32>
    %exp3A_70 = math.exp %sub3A_69 : vector<512x512xf32>
    %reduce_sum3A_71 = arith.constant dense<0.000000e+00> : vector<512xf32>
    %reduce_sum3A_72 = vector.multi_reduction <add>, %exp3A_70, %reduce_sum3A_71 [1] : vector<512x512xf32> to vector<512xf32>
    %broadcast_in_dim3A_73 = vector.shape_cast %reduce_sum3A_72 : vector<512xf32> to vector<512x1xf32>
    %div3A_74 = vector.broadcast %broadcast_in_dim3A_73 : vector<512x1xf32> to vector<512x512xf32>
    %div3A_75 = arith.divf %exp3A_70, %div3A_74 : vector<512x512xf32>
    %dot_general3A_76 = arith.constant dense<0.000000e+00> : vector<512x64xf32>
    %dot_general3A_77 = tpu.matmul %div3A_75, %get3A_54, %dot_general3A_76 {dimension_numbers = #tpu.dot_dimension_numbers<[1], [0], [0], [1], [0, 0, 1, 1], [], []>, transpose_lhs_hint = false} : vector<512x512xf32>, vector<512x64xf32>, vector<512x64xf32> -> vector<512x64xf32>
    %swap3A_78 = arith.constant 0 : index
    %swap3A_79 = arith.constant 64 : index
    %swap3A_80 = vector.load %arg27[%swap3A_78, %swap3A_79] : memref<1024x768xf32, #tpu.memory_space<vmem>>, vector<512x64xf32>
    tpu.vector_store %arg27[%swap3A_78, %swap3A_79], %dot_general3A_77 {strides = array<i32>} : memref<1024x768xf32, #tpu.memory_space<vmem>>, vector<512x64xf32>,
    %get3A_81 = arith.constant 0 : index
    %get3A_82 = arith.constant 128 : index
    %get3A_83 = vector.load %arg28[%get3A_81, %get3A_82] : memref<1024x2304xf32, #tpu.memory_space<vmem>>, vector<512x64xf32>
    %get3A_84 = arith.constant 0 : index
    %get3A_85 = arith.constant 896 : index
    %get3A_86 = vector.load %arg28[%get3A_84, %get3A_85] : memref<1024x2304xf32, #tpu.memory_space<vmem>>, vector<512x64xf32>
    %get3A_87 = arith.constant 0 : index
    %get3A_88 = arith.constant 1664 : index
    %get3A_89 = vector.load %arg28[%get3A_87, %get3A_88] : memref<1024x2304xf32, #tpu.memory_space<vmem>>, vector<512x64xf32>
    %dot_general3A_90 = arith.constant dense<0.000000e+00> : vector<512x512xf32>
    %dot_general3A_91 = tpu.matmul %get3A_83, %get3A_86, %dot_general3A_90 {dimension_numbers = #tpu.dot_dimension_numbers<[1], [1], [0], [0], [0, 0, 1, 0], [], []>, transpose_lhs_hint = false} : vector<512x64xf32>, vector<512x64xf32>, vector<512x512xf32> -> vector<512x512xf32>
    %mul3A_92 = arith.constant 1.250000e-01 : f32
    %mul3A_93 = vector.broadcast %mul3A_92 : f32 to vector<512x512xf32>
    %mul3A_94 = arith.mulf %dot_general3A_91, %mul3A_93 : vector<512x512xf32>
    %get3A_95 = arith.constant 0 : index
    %get3A_96 = arith.constant 0 : index
    %get3A_97 = vector.load %arg2[%get3A_95, %get3A_96] : memref<8x512xf32, #tpu.memory_space<vmem>>, vector<1x512xf32>
    %add3A_98 = vector.broadcast %get3A_97 : vector<1x512xf32> to vector<512x512xf32>
    %add3A_99 = arith.addf %mul3A_94, %add3A_98 : vector<512x512xf32>
    %reduce_max3A_100 = arith.constant dense<0xFF800000> : vector<512xf32>
    %reduce_max3A_101 = vector.multi_reduction <maximumf>, %add3A_99, %reduce_max3A_100 [1] : vector<512x512xf32> to vector<512xf32>
    %broadcast_in_dim3A_102 = vector.shape_cast %reduce_max3A_101 : vector<512xf32> to vector<512x1xf32>
    %sub3A_103 = vector.broadcast %broadcast_in_dim3A_102 : vector<512x1xf32> to vector<512x512xf32>
    %sub3A_104 = arith.subf %add3A_99, %sub3A_103 : vector<512x512xf32>
    %exp3A_105 = math.exp %sub3A_104 : vector<512x512xf32>
    %reduce_sum3A_106 = arith.constant dense<0.000000e+00> : vector<512xf32>
    %reduce_sum3A_107 = vector.multi_reduction <add>, %exp3A_105, %reduce_sum3A_106 [1] : vector<512x512xf32> to vector<512xf32>
    %broadcast_in_dim3A_108 = vector.shape_cast %reduce_sum3A_107 : vector<512xf32> to vector<512x1xf32>
    %div3A_109 = vector.broadcast %broadcast_in_dim3A_108 : vector<512x1xf32> to vector<512x512xf32>
    %div3A_110 = arith.divf %exp3A_105, %div3A_109 : vector<512x512xf32>
    %dot_general3A_111 = arith.constant dense<0.000000e+00> : vector<512x64xf32>
    %dot_general3A_112 = tpu.matmul %div3A_110, %get3A_89, %dot_general3A_111 {dimension_numbers = #tpu.dot_dimension_numbers<[1], [0], [0], [1], [0, 0, 1, 1], [], []>, transpose_lhs_hint = false} : vector<512x512xf32>, vector<512x64xf32>, vector<512x64xf32> -> vector<512x64xf32>
    %swap3A_113 = arith.constant 0 : index
    %swap3A_114 = arith.constant 128 : index
    %swap3A_115 = vector.load %arg27[%swap3A_113, %swap3A_114] : memref<1024x768xf32, #tpu.memory_space<vmem>>, vector<512x64xf32>
    tpu.vector_store %arg27[%swap3A_113, %swap3A_114], %dot_general3A_112 {strides = array<i32>} : memref<1024x768xf32, #tpu.memory_space<vmem>>, vector<512x64xf32>,
    %get3A_116 = arith.constant 0 : index
    %get3A_117 = arith.constant 192 : index
    %get3A_118 = vector.load %arg28[%get3A_116, %get3A_117] : memref<1024x2304xf32, #tpu.memory_space<vmem>>, vector<512x64xf32>
    %get3A_119 = arith.constant 0 : index
    %get3A_120 = arith.constant 960 : index
    %get3A_121 = vector.load %arg28[%get3A_119, %get3A_120] : memref<1024x2304xf32, #tpu.memory_space<vmem>>, vector<512x64xf32>
    %get3A_122 = arith.constant 0 : index
    %get3A_123 = arith.constant 1728 : index
    %get3A_124 = vector.load %arg28[%get3A_122, %get3A_123] : memref<1024x2304xf32, #tpu.memory_space<vmem>>, vector<512x64xf32>
    %dot_general3A_125 = arith.constant dense<0.000000e+00> : vector<512x512xf32>
    %dot_general3A_126 = tpu.matmul %get3A_118, %get3A_121, %dot_general3A_125 {dimension_numbers = #tpu.dot_dimension_numbers<[1], [1], [0], [0], [0, 0, 1, 0], [], []>, transpose_lhs_hint = false} : vector<512x64xf32>, vector<512x64xf32>, vector<512x512xf32> -> vector<512x512xf32>
    %mul3A_127 = arith.constant 1.250000e-01 : f32
    %mul3A_128 = vector.broadcast %mul3A_127 : f32 to vector<512x512xf32>
    %mul3A_129 = arith.mulf %dot_general3A_126, %mul3A_128 : vector<512x512xf32>
    %get3A_130 = arith.constant 0 : index
    %get3A_131 = arith.constant 0 : index
    %get3A_132 = vector.load %arg2[%get3A_130, %get3A_131] : memref<8x512xf32, #tpu.memory_space<vmem>>, vector<1x512xf32>
    %add3A_133 = vector.broadcast %get3A_132 : vector<1x512xf32> to vector<512x512xf32>
    %add3A_134 = arith.addf %mul3A_129, %add3A_133 : vector<512x512xf32>
    %reduce_max3A_135 = arith.constant dense<0xFF800000> : vector<512xf32>
    %reduce_max3A_136 = vector.multi_reduction <maximumf>, %add3A_134, %reduce_max3A_135 [1] : vector<512x512xf32> to vector<512xf32>
    %broadcast_in_dim3A_137 = vector.shape_cast %reduce_max3A_136 : vector<512xf32> to vector<512x1xf32>
    %sub3A_138 = vector.broadcast %broadcast_in_dim3A_137 : vector<512x1xf32> to vector<512x512xf32>
    %sub3A_139 = arith.subf %add3A_134, %sub3A_138 : vector<512x512xf32>
    %exp3A_140 = math.exp %sub3A_139 : vector<512x512xf32>
    %reduce_sum3A_141 = arith.constant dense<0.000000e+00> : vector<512xf32>
    %reduce_sum3A_142 = vector.multi_reduction <add>, %exp3A_140, %reduce_sum3A_141 [1] : vector<512x512xf32> to vector<512xf32>
    %broadcast_in_dim3A_143 = vector.shape_cast %reduce_sum3A_142 : vector<512xf32> to vector<512x1xf32>
    %div3A_144 = vector.broadcast %broadcast_in_dim3A_143 : vector<512x1xf32> to vector<512x512xf32>
    %div3A_145 = arith.divf %exp3A_140, %div3A_144 : vector<512x512xf32>
    %dot_general3A_146 = arith.constant dense<0.000000e+00> : vector<512x64xf32>
    %dot_general3A_147 = tpu.matmul %div3A_145, %get3A_124, %dot_general3A_146 {dimension_numbers = #tpu.dot_dimension_numbers<[1], [0], [0], [1], [0, 0, 1, 1], [], []>, transpose_lhs_hint = false} : vector<512x512xf32>, vector<512x64xf32>, vector<512x64xf32> -> vector<512x64xf32>
    %swap3A_148 = arith.constant 0 : index
    %swap3A_149 = arith.constant 192 : index
    %swap3A_150 = vector.load %arg27[%swap3A_148, %swap3A_149] : memref<1024x768xf32, #tpu.memory_space<vmem>>, vector<512x64xf32>
    tpu.vector_store %arg27[%swap3A_148, %swap3A_149], %dot_general3A_147 {strides = array<i32>} : memref<1024x768xf32, #tpu.memory_space<vmem>>, vector<512x64xf32>,
    %get3A_151 = arith.constant 0 : index
    %get3A_152 = arith.constant 256 : index
    %get3A_153 = vector.load %arg28[%get3A_151, %get3A_152] : memref<1024x2304xf32, #tpu.memory_space<vmem>>, vector<512x64xf32>
    %get3A_154 = arith.constant 0 : index
    %get3A_155 = arith.constant 1024 : index
    %get3A_156 = vector.load %arg28[%get3A_154, %get3A_155] : memref<1024x2304xf32, #tpu.memory_space<vmem>>, vector<512x64xf32>
    %get3A_157 = arith.constant 0 : index
    %get3A_158 = arith.constant 1792 : index
    %get3A_159 = vector.load %arg28[%get3A_157, %get3A_158] : memref<1024x2304xf32, #tpu.memory_space<vmem>>, vector<512x64xf32>
    %dot_general3A_160 = arith.constant dense<0.000000e+00> : vector<512x512xf32>
    %dot_general3A_161 = tpu.matmul %get3A_153, %get3A_156, %dot_general3A_160 {dimension_numbers = #tpu.dot_dimension_numbers<[1], [1], [0], [0], [0, 0, 1, 0], [], []>, transpose_lhs_hint = false} : vector<512x64xf32>, vector<512x64xf32>, vector<512x512xf32> -> vector<512x512xf32>
    %mul3A_162 = arith.constant 1.250000e-01 : f32
    %mul3A_163 = vector.broadcast %mul3A_162 : f32 to vector<512x512xf32>
    %mul3A_164 = arith.mulf %dot_general3A_161, %mul3A_163 : vector<512x512xf32>
    %get3A_165 = arith.constant 0 : index
    %get3A_166 = arith.constant 0 : index
    %get3A_167 = vector.load %arg2[%get3A_165, %get3A_166] : memref<8x512xf32, #tpu.memory_space<vmem>>, vector<1x512xf32>
    %add3A_168 = vector.broadcast %get3A_167 : vector<1x512xf32> to vector<512x512xf32>
    %add3A_169 = arith.addf %mul3A_164, %add3A_168 : vector<512x512xf32>
    %reduce_max3A_170 = arith.constant dense<0xFF800000> : vector<512xf32>
    %reduce_max3A_171 = vector.multi_reduction <maximumf>, %add3A_169, %reduce_max3A_170 [1] : vector<512x512xf32> to vector<512xf32>
    %broadcast_in_dim3A_172 = vector.shape_cast %reduce_max3A_171 : vector<512xf32> to vector<512x1xf32>
    %sub3A_173 = vector.broadcast %broadcast_in_dim3A_172 : vector<512x1xf32> to vector<512x512xf32>
    %sub3A_174 = arith.subf %add3A_169, %sub3A_173 : vector<512x512xf32>
    %exp3A_175 = math.exp %sub3A_174 : vector<512x512xf32>
    %reduce_sum3A_176 = arith.constant dense<0.000000e+00> : vector<512xf32>
    %reduce_sum3A_177 = vector.multi_reduction <add>, %exp3A_175, %reduce_sum3A_176 [1] : vector<512x512xf32> to vector<512xf32>
    %broadcast_in_dim3A_178 = vector.shape_cast %reduce_sum3A_177 : vector<512xf32> to vector<512x1xf32>
    %div3A_179 = vector.broadcast %broadcast_in_dim3A_178 : vector<512x1xf32> to vector<512x512xf32>
    %div3A_180 = arith.divf %exp3A_175, %div3A_179 : vector<512x512xf32>
    %dot_general3A_181 = arith.constant dense<0.000000e+00> : vector<512x64xf32>
    %dot_general3A_182 = tpu.matmul %div3A_180, %get3A_159, %dot_general3A_181 {dimension_numbers = #tpu.dot_dimension_numbers<[1], [0], [0], [1], [0, 0, 1, 1], [], []>, transpose_lhs_hint = false} : vector<512x512xf32>, vector<512x64xf32>, vector<512x64xf32> -> vector<512x64xf32>
    %swap3A_183 = arith.constant 0 : index
    %swap3A_184 = arith.constant 256 : index
    %swap3A_185 = vector.load %arg27[%swap3A_183, %swap3A_184] : memref<1024x768xf32, #tpu.memory_space<vmem>>, vector<512x64xf32>
    tpu.vector_store %arg27[%swap3A_183, %swap3A_184], %dot_general3A_182 {strides = array<i32>} : memref<1024x768xf32, #tpu.memory_space<vmem>>, vector<512x64xf32>,
    %get3A_186 = arith.constant 0 : index
    %get3A_187 = arith.constant 320 : index
    %get3A_188 = vector.load %arg28[%get3A_186, %get3A_187] : memref<1024x2304xf32, #tpu.memory_space<vmem>>, vector<512x64xf32>
    %get3A_189 = arith.constant 0 : index
    %get3A_190 = arith.constant 1088 : index
    %get3A_191 = vector.load %arg28[%get3A_189, %get3A_190] : memref<1024x2304xf32, #tpu.memory_space<vmem>>, vector<512x64xf32>
    %get3A_192 = arith.constant 0 : index
    %get3A_193 = arith.constant 1856 : index
    %get3A_194 = vector.load %arg28[%get3A_192, %get3A_193] : memref<1024x2304xf32, #tpu.memory_space<vmem>>, vector<512x64xf32>
    %dot_general3A_195 = arith.constant dense<0.000000e+00> : vector<512x512xf32>
    %dot_general3A_196 = tpu.matmul %get3A_188, %get3A_191, %dot_general3A_195 {dimension_numbers = #tpu.dot_dimension_numbers<[1], [1], [0], [0], [0, 0, 1, 0], [], []>, transpose_lhs_hint = false} : vector<512x64xf32>, vector<512x64xf32>, vector<512x512xf32> -> vector<512x512xf32>
    %mul3A_197 = arith.constant 1.250000e-01 : f32
    %mul3A_198 = vector.broadcast %mul3A_197 : f32 to vector<512x512xf32>
    %mul3A_199 = arith.mulf %dot_general3A_196, %mul3A_198 : vector<512x512xf32>
    %get3A_200 = arith.constant 0 : index
    %get3A_201 = arith.constant 0 : index
    %get3A_202 = vector.load %arg2[%get3A_200, %get3A_201] : memref<8x512xf32, #tpu.memory_space<vmem>>, vector<1x512xf32>
    %add3A_203 = vector.broadcast %get3A_202 : vector<1x512xf32> to vector<512x512xf32>
    %add3A_204 = arith.addf %mul3A_199, %add3A_203 : vector<512x512xf32>
    %reduce_max3A_205 = arith.constant dense<0xFF800000> : vector<512xf32>
    %reduce_max3A_206 = vector.multi_reduction <maximumf>, %add3A_204, %reduce_max3A_205 [1] : vector<512x512xf32> to vector<512xf32>
    %broadcast_in_dim3A_207 = vector.shape_cast %reduce_max3A_206 : vector<512xf32> to vector<512x1xf32>
    %sub3A_208 = vector.broadcast %broadcast_in_dim3A_207 : vector<512x1xf32> to vector<512x512xf32>
    %sub3A_209 = arith.subf %add3A_204, %sub3A_208 : vector<512x512xf32>
    %exp3A_210 = math.exp %sub3A_209 : vector<512x512xf32>
    %reduce_sum3A_211 = arith.constant dense<0.000000e+00> : vector<512xf32>
    %reduce_sum3A_212 = vector.multi_reduction <add>, %exp3A_210, %reduce_sum3A_211 [1] : vector<512x512xf32> to vector<512xf32>
    %broadcast_in_dim3A_213 = vector.shape_cast %reduce_sum3A_212 : vector<512xf32> to vector<512x1xf32>
    %div3A_214 = vector.broadcast %broadcast_in_dim3A_213 : vector<512x1xf32> to vector<512x512xf32>
    %div3A_215 = arith.divf %exp3A_210, %div3A_214 : vector<512x512xf32>
    %dot_general3A_216 = arith.constant dense<0.000000e+00> : vector<512x64xf32>
    %dot_general3A_217 = tpu.matmul %div3A_215, %get3A_194, %dot_general3A_216 {dimension_numbers = #tpu.dot_dimension_numbers<[1], [0], [0], [1], [0, 0, 1, 1], [], []>, transpose_lhs_hint = false} : vector<512x512xf32>, vector<512x64xf32>, vector<512x64xf32> -> vector<512x64xf32>
    %swap3A_218 = arith.constant 0 : index
    %swap3A_219 = arith.constant 320 : index
    %swap3A_220 = vector.load %arg27[%swap3A_218, %swap3A_219] : memref<1024x768xf32, #tpu.memory_space<vmem>>, vector<512x64xf32>
    tpu.vector_store %arg27[%swap3A_218, %swap3A_219], %dot_general3A_217 {strides = array<i32>} : memref<1024x768xf32, #tpu.memory_space<vmem>>, vector<512x64xf32>,
    %get3A_221 = arith.constant 0 : index
    %get3A_222 = arith.constant 384 : index
    %get3A_223 = vector.load %arg28[%get3A_221, %get3A_222] : memref<1024x2304xf32, #tpu.memory_space<vmem>>, vector<512x64xf32>
    %get3A_224 = arith.constant 0 : index
    %get3A_225 = arith.constant 1152 : index
    %get3A_226 = vector.load %arg28[%get3A_224, %get3A_225] : memref<1024x2304xf32, #tpu.memory_space<vmem>>, vector<512x64xf32>
    %get3A_227 = arith.constant 0 : index
    %get3A_228 = arith.constant 1920 : index
    %get3A_229 = vector.load %arg28[%get3A_227, %get3A_228] : memref<1024x2304xf32, #tpu.memory_space<vmem>>, vector<512x64xf32>
    %dot_general3A_230 = arith.constant dense<0.000000e+00> : vector<512x512xf32>
    %dot_general3A_231 = tpu.matmul %get3A_223, %get3A_226, %dot_general3A_230 {dimension_numbers = #tpu.dot_dimension_numbers<[1], [1], [0], [0], [0, 0, 1, 0], [], []>, transpose_lhs_hint = false} : vector<512x64xf32>, vector<512x64xf32>, vector<512x512xf32> -> vector<512x512xf32>
    %mul3A_232 = arith.constant 1.250000e-01 : f32
    %mul3A_233 = vector.broadcast %mul3A_232 : f32 to vector<512x512xf32>
    %mul3A_234 = arith.mulf %dot_general3A_231, %mul3A_233 : vector<512x512xf32>
    %get3A_235 = arith.constant 0 : index
    %get3A_236 = arith.constant 0 : index
    %get3A_237 = vector.load %arg2[%get3A_235, %get3A_236] : memref<8x512xf32, #tpu.memory_space<vmem>>, vector<1x512xf32>
    %add3A_238 = vector.broadcast %get3A_237 : vector<1x512xf32> to vector<512x512xf32>
    %add3A_239 = arith.addf %mul3A_234, %add3A_238 : vector<512x512xf32>
    %reduce_max3A_240 = arith.constant dense<0xFF800000> : vector<512xf32>
    %reduce_max3A_241 = vector.multi_reduction <maximumf>, %add3A_239, %reduce_max3A_240 [1] : vector<512x512xf32> to vector<512xf32>
    %broadcast_in_dim3A_242 = vector.shape_cast %reduce_max3A_241 : vector<512xf32> to vector<512x1xf32>
    %sub3A_243 = vector.broadcast %broadcast_in_dim3A_242 : vector<512x1xf32> to vector<512x512xf32>
    %sub3A_244 = arith.subf %add3A_239, %sub3A_243 : vector<512x512xf32>
    %exp3A_245 = math.exp %sub3A_244 : vector<512x512xf32>
    %reduce_sum3A_246 = arith.constant dense<0.000000e+00> : vector<512xf32>
    %reduce_sum3A_247 = vector.multi_reduction <add>, %exp3A_245, %reduce_sum3A_246 [1] : vector<512x512xf32> to vector<512xf32>
    %broadcast_in_dim3A_248 = vector.shape_cast %reduce_sum3A_247 : vector<512xf32> to vector<512x1xf32>
    %div3A_249 = vector.broadcast %broadcast_in_dim3A_248 : vector<512x1xf32> to vector<512x512xf32>
    %div3A_250 = arith.divf %exp3A_245, %div3A_249 : vector<512x512xf32>
    %dot_general3A_251 = arith.constant dense<0.000000e+00> : vector<512x64xf32>
    %dot_general3A_252 = tpu.matmul %div3A_250, %get3A_229, %dot_general3A_251 {dimension_numbers = #tpu.dot_dimension_numbers<[1], [0], [0], [1], [0, 0, 1, 1], [], []>, transpose_lhs_hint = false} : vector<512x512xf32>, vector<512x64xf32>, vector<512x64xf32> -> vector<512x64xf32>
    %swap3A_253 = arith.constant 0 : index
    %swap3A_254 = arith.constant 384 : index
    %swap3A_255 = vector.load %arg27[%swap3A_253, %swap3A_254] : memref<1024x768xf32, #tpu.memory_space<vmem>>, vector<512x64xf32>
    tpu.vector_store %arg27[%swap3A_253, %swap3A_254], %dot_general3A_252 {strides = array<i32>} : memref<1024x768xf32, #tpu.memory_space<vmem>>, vector<512x64xf32>,
    %get3A_256 = arith.constant 0 : index
    %get3A_257 = arith.constant 448 : index
    %get3A_258 = vector.load %arg28[%get3A_256, %get3A_257] : memref<1024x2304xf32, #tpu.memory_space<vmem>>, vector<512x64xf32>
    %get3A_259 = arith.constant 0 : index
    %get3A_260 = arith.constant 1216 : index
    %get3A_261 = vector.load %arg28[%get3A_259, %get3A_260] : memref<1024x2304xf32, #tpu.memory_space<vmem>>, vector<512x64xf32>
    %get3A_262 = arith.constant 0 : index
    %get3A_263 = arith.constant 1984 : index
    %get3A_264 = vector.load %arg28[%get3A_262, %get3A_263] : memref<1024x2304xf32, #tpu.memory_space<vmem>>, vector<512x64xf32>
    %dot_general3A_265 = arith.constant dense<0.000000e+00> : vector<512x512xf32>
    %dot_general3A_266 = tpu.matmul %get3A_258, %get3A_261, %dot_general3A_265 {dimension_numbers = #tpu.dot_dimension_numbers<[1], [1], [0], [0], [0, 0, 1, 0], [], []>, transpose_lhs_hint = false} : vector<512x64xf32>, vector<512x64xf32>, vector<512x512xf32> -> vector<512x512xf32>
    %mul3A_267 = arith.constant 1.250000e-01 : f32
    %mul3A_268 = vector.broadcast %mul3A_267 : f32 to vector<512x512xf32>
    %mul3A_269 = arith.mulf %dot_general3A_266, %mul3A_268 : vector<512x512xf32>
    %get3A_270 = arith.constant 0 : index
    %get3A_271 = arith.constant 0 : index
    %get3A_272 = vector.load %arg2[%get3A_270, %get3A_271] : memref<8x512xf32, #tpu.memory_space<vmem>>, vector<1x512xf32>
    %add3A_273 = vector.broadcast %get3A_272 : vector<1x512xf32> to vector<512x512xf32>
    %add3A_274 = arith.addf %mul3A_269, %add3A_273 : vector<512x512xf32>
    %reduce_max3A_275 = arith.constant dense<0xFF800000> : vector<512xf32>
    %reduce_max3A_276 = vector.multi_reduction <maximumf>, %add3A_274, %reduce_max3A_275 [1] : vector<512x512xf32> to vector<512xf32>
    %broadcast_in_dim3A_277 = vector.shape_cast %reduce_max3A_276 : vector<512xf32> to vector<512x1xf32>
    %sub3A_278 = vector.broadcast %broadcast_in_dim3A_277 : vector<512x1xf32> to vector<512x512xf32>
    %sub3A_279 = arith.subf %add3A_274, %sub3A_278 : vector<512x512xf32>
    %exp3A_280 = math.exp %sub3A_279 : vector<512x512xf32>
    %reduce_sum3A_281 = arith.constant dense<0.000000e+00> : vector<512xf32>
    %reduce_sum3A_282 = vector.multi_reduction <add>, %exp3A_280, %reduce_sum3A_281 [1] : vector<512x512xf32> to vector<512xf32>
    %broadcast_in_dim3A_283 = vector.shape_cast %reduce_sum3A_282 : vector<512xf32> to vector<512x1xf32>
    %div3A_284 = vector.broadcast %broadcast_in_dim3A_283 : vector<512x1xf32> to vector<512x512xf32>
    %div3A_285 = arith.divf %exp3A_280, %div3A_284 : vector<512x512xf32>
    %dot_general3A_286 = arith.constant dense<0.000000e+00> : vector<512x64xf32>
    %dot_general3A_287 = tpu.matmul %div3A_285, %get3A_264, %dot_general3A_286 {dimension_numbers = #tpu.dot_dimension_numbers<[1], [0], [0], [1], [0, 0, 1, 1], [], []>, transpose_lhs_hint = false} : vector<512x512xf32>, vector<512x64xf32>, vector<512x64xf32> -> vector<512x64xf32>
    %swap3A_288 = arith.constant 0 : index
    %swap3A_289 = arith.constant 448 : index
    %swap3A_290 = vector.load %arg27[%swap3A_288, %swap3A_289] : memref<1024x768xf32, #tpu.memory_space<vmem>>, vector<512x64xf32>
    tpu.vector_store %arg27[%swap3A_288, %swap3A_289], %dot_general3A_287 {strides = array<i32>} : memref<1024x768xf32, #tpu.memory_space<vmem>>, vector<512x64xf32>,
    %get3A_291 = arith.constant 0 : index
    %get3A_292 = arith.constant 512 : index
    %get3A_293 = vector.load %arg28[%get3A_291, %get3A_292] : memref<1024x2304xf32, #tpu.memory_space<vmem>>, vector<512x64xf32>
    %get3A_294 = arith.constant 0 : index
    %get3A_295 = arith.constant 1280 : index
    %get3A_296 = vector.load %arg28[%get3A_294, %get3A_295] : memref<1024x2304xf32, #tpu.memory_space<vmem>>, vector<512x64xf32>
    %get3A_297 = arith.constant 0 : index
    %get3A_298 = arith.constant 2048 : index
    %get3A_299 = vector.load %arg28[%get3A_297, %get3A_298] : memref<1024x2304xf32, #tpu.memory_space<vmem>>, vector<512x64xf32>
    %dot_general3A_300 = arith.constant dense<0.000000e+00> : vector<512x512xf32>
    %dot_general3A_301 = tpu.matmul %get3A_293, %get3A_296, %dot_general3A_300 {dimension_numbers = #tpu.dot_dimension_numbers<[1], [1], [0], [0], [0, 0, 1, 0], [], []>, transpose_lhs_hint = false} : vector<512x64xf32>, vector<512x64xf32>, vector<512x512xf32> -> vector<512x512xf32>
    %mul3A_302 = arith.constant 1.250000e-01 : f32
    %mul3A_303 = vector.broadcast %mul3A_302 : f32 to vector<512x512xf32>
    %mul3A_304 = arith.mulf %dot_general3A_301, %mul3A_303 : vector<512x512xf32>
    %get3A_305 = arith.constant 0 : index
    %get3A_306 = arith.constant 0 : index
    %get3A_307 = vector.load %arg2[%get3A_305, %get3A_306] : memref<8x512xf32, #tpu.memory_space<vmem>>, vector<1x512xf32>
    %add3A_308 = vector.broadcast %get3A_307 : vector<1x512xf32> to vector<512x512xf32>
    %add3A_309 = arith.addf %mul3A_304, %add3A_308 : vector<512x512xf32>
    %reduce_max3A_310 = arith.constant dense<0xFF800000> : vector<512xf32>
    %reduce_max3A_311 = vector.multi_reduction <maximumf>, %add3A_309, %reduce_max3A_310 [1] : vector<512x512xf32> to vector<512xf32>
    %broadcast_in_dim3A_312 = vector.shape_cast %reduce_max3A_311 : vector<512xf32> to vector<512x1xf32>
    %sub3A_313 = vector.broadcast %broadcast_in_dim3A_312 : vector<512x1xf32> to vector<512x512xf32>
    %sub3A_314 = arith.subf %add3A_309, %sub3A_313 : vector<512x512xf32>
    %exp3A_315 = math.exp %sub3A_314 : vector<512x512xf32>
    %reduce_sum3A_316 = arith.constant dense<0.000000e+00> : vector<512xf32>
    %reduce_sum3A_317 = vector.multi_reduction <add>, %exp3A_315, %reduce_sum3A_316 [1] : vector<512x512xf32> to vector<512xf32>
    %broadcast_in_dim3A_318 = vector.shape_cast %reduce_sum3A_317 : vector<512xf32> to vector<512x1xf32>
    %div3A_319 = vector.broadcast %broadcast_in_dim3A_318 : vector<512x1xf32> to vector<512x512xf32>
    %div3A_320 = arith.divf %exp3A_315, %div3A_319 : vector<512x512xf32>
    %dot_general3A_321 = arith.constant dense<0.000000e+00> : vector<512x64xf32>
    %dot_general3A_322 = tpu.matmul %div3A_320, %get3A_299, %dot_general3A_321 {dimension_numbers = #tpu.dot_dimension_numbers<[1], [0], [0], [1], [0, 0, 1, 1], [], []>, transpose_lhs_hint = false} : vector<512x512xf32>, vector<512x64xf32>, vector<512x64xf32> -> vector<512x64xf32>
    %swap3A_323 = arith.constant 0 : index
    %swap3A_324 = arith.constant 512 : index
    %swap3A_325 = vector.load %arg27[%swap3A_323, %swap3A_324] : memref<1024x768xf32, #tpu.memory_space<vmem>>, vector<512x64xf32>
    tpu.vector_store %arg27[%swap3A_323, %swap3A_324], %dot_general3A_322 {strides = array<i32>} : memref<1024x768xf32, #tpu.memory_space<vmem>>, vector<512x64xf32>,
    %get3A_326 = arith.constant 0 : index
    %get3A_327 = arith.constant 576 : index
    %get3A_328 = vector.load %arg28[%get3A_326, %get3A_327] : memref<1024x2304xf32, #tpu.memory_space<vmem>>, vector<512x64xf32>
    %get3A_329 = arith.constant 0 : index
    %get3A_330 = arith.constant 1344 : index
    %get3A_331 = vector.load %arg28[%get3A_329, %get3A_330] : memref<1024x2304xf32, #tpu.memory_space<vmem>>, vector<512x64xf32>
    %get3A_332 = arith.constant 0 : index
    %get3A_333 = arith.constant 2112 : index
    %get3A_334 = vector.load %arg28[%get3A_332, %get3A_333] : memref<1024x2304xf32, #tpu.memory_space<vmem>>, vector<512x64xf32>
    %dot_general3A_335 = arith.constant dense<0.000000e+00> : vector<512x512xf32>
    %dot_general3A_336 = tpu.matmul %get3A_328, %get3A_331, %dot_general3A_335 {dimension_numbers = #tpu.dot_dimension_numbers<[1], [1], [0], [0], [0, 0, 1, 0], [], []>, transpose_lhs_hint = false} : vector<512x64xf32>, vector<512x64xf32>, vector<512x512xf32> -> vector<512x512xf32>
    %mul3A_337 = arith.constant 1.250000e-01 : f32
    %mul3A_338 = vector.broadcast %mul3A_337 : f32 to vector<512x512xf32>
    %mul3A_339 = arith.mulf %dot_general3A_336, %mul3A_338 : vector<512x512xf32>
    %get3A_340 = arith.constant 0 : index
    %get3A_341 = arith.constant 0 : index
    %get3A_342 = vector.load %arg2[%get3A_340, %get3A_341] : memref<8x512xf32, #tpu.memory_space<vmem>>, vector<1x512xf32>
    %add3A_343 = vector.broadcast %get3A_342 : vector<1x512xf32> to vector<512x512xf32>
    %add3A_344 = arith.addf %mul3A_339, %add3A_343 : vector<512x512xf32>
    %reduce_max3A_345 = arith.constant dense<0xFF800000> : vector<512xf32>
    %reduce_max3A_346 = vector.multi_reduction <maximumf>, %add3A_344, %reduce_max3A_345 [1] : vector<512x512xf32> to vector<512xf32>
    %broadcast_in_dim3A_347 = vector.shape_cast %reduce_max3A_346 : vector<512xf32> to vector<512x1xf32>
    %sub3A_348 = vector.broadcast %broadcast_in_dim3A_347 : vector<512x1xf32> to vector<512x512xf32>
    %sub3A_349 = arith.subf %add3A_344, %sub3A_348 : vector<512x512xf32>
    %exp3A_350 = math.exp %sub3A_349 : vector<512x512xf32>
    %reduce_sum3A_351 = arith.constant dense<0.000000e+00> : vector<512xf32>
    %reduce_sum3A_352 = vector.multi_reduction <add>, %exp3A_350, %reduce_sum3A_351 [1] : vector<512x512xf32> to vector<512xf32>
    %broadcast_in_dim3A_353 = vector.shape_cast %reduce_sum3A_352 : vector<512xf32> to vector<512x1xf32>
    %div3A_354 = vector.broadcast %broadcast_in_dim3A_353 : vector<512x1xf32> to vector<512x512xf32>
    %div3A_355 = arith.divf %exp3A_350, %div3A_354 : vector<512x512xf32>
    %dot_general3A_356 = arith.constant dense<0.000000e+00> : vector<512x64xf32>
    %dot_general3A_357 = tpu.matmul %div3A_355, %get3A_334, %dot_general3A_356 {dimension_numbers = #tpu.dot_dimension_numbers<[1], [0], [0], [1], [0, 0, 1, 1], [], []>, transpose_lhs_hint = false} : vector<512x512xf32>, vector<512x64xf32>, vector<512x64xf32> -> vector<512x64xf32>
    %swap3A_358 = arith.constant 0 : index
    %swap3A_359 = arith.constant 576 : index
    %swap3A_360 = vector.load %arg27[%swap3A_358, %swap3A_359] : memref<1024x768xf32, #tpu.memory_space<vmem>>, vector<512x64xf32>
    tpu.vector_store %arg27[%swap3A_358, %swap3A_359], %dot_general3A_357 {strides = array<i32>} : memref<1024x768xf32, #tpu.memory_space<vmem>>, vector<512x64xf32>,
    %get3A_361 = arith.constant 0 : index
    %get3A_362 = arith.constant 640 : index
    %get3A_363 = vector.load %arg28[%get3A_361, %get3A_362] : memref<1024x2304xf32, #tpu.memory_space<vmem>>, vector<512x64xf32>
    %get3A_364 = arith.constant 0 : index
    %get3A_365 = arith.constant 1408 : index
    %get3A_366 = vector.load %arg28[%get3A_364, %get3A_365] : memref<1024x2304xf32, #tpu.memory_space<vmem>>, vector<512x64xf32>
    %get3A_367 = arith.constant 0 : index
    %get3A_368 = arith.constant 2176 : index
    %get3A_369 = vector.load %arg28[%get3A_367, %get3A_368] : memref<1024x2304xf32, #tpu.memory_space<vmem>>, vector<512x64xf32>
    %dot_general3A_370 = arith.constant dense<0.000000e+00> : vector<512x512xf32>
    %dot_general3A_371 = tpu.matmul %get3A_363, %get3A_366, %dot_general3A_370 {dimension_numbers = #tpu.dot_dimension_numbers<[1], [1], [0], [0], [0, 0, 1, 0], [], []>, transpose_lhs_hint = false} : vector<512x64xf32>, vector<512x64xf32>, vector<512x512xf32> -> vector<512x512xf32>
    %mul3A_372 = arith.constant 1.250000e-01 : f32
    %mul3A_373 = vector.broadcast %mul3A_372 : f32 to vector<512x512xf32>
    %mul3A_374 = arith.mulf %dot_general3A_371, %mul3A_373 : vector<512x512xf32>
    %get3A_375 = arith.constant 0 : index
    %get3A_376 = arith.constant 0 : index
    %get3A_377 = vector.load %arg2[%get3A_375, %get3A_376] : memref<8x512xf32, #tpu.memory_space<vmem>>, vector<1x512xf32>
    %add3A_378 = vector.broadcast %get3A_377 : vector<1x512xf32> to vector<512x512xf32>
    %add3A_379 = arith.addf %mul3A_374, %add3A_378 : vector<512x512xf32>
    %reduce_max3A_380 = arith.constant dense<0xFF800000> : vector<512xf32>
    %reduce_max3A_381 = vector.multi_reduction <maximumf>, %add3A_379, %reduce_max3A_380 [1] : vector<512x512xf32> to vector<512xf32>
    %broadcast_in_dim3A_382 = vector.shape_cast %reduce_max3A_381 : vector<512xf32> to vector<512x1xf32>
    %sub3A_383 = vector.broadcast %broadcast_in_dim3A_382 : vector<512x1xf32> to vector<512x512xf32>
    %sub3A_384 = arith.subf %add3A_379, %sub3A_383 : vector<512x512xf32>
    %exp3A_385 = math.exp %sub3A_384 : vector<512x512xf32>
    %reduce_sum3A_386 = arith.constant dense<0.000000e+00> : vector<512xf32>
    %reduce_sum3A_387 = vector.multi_reduction <add>, %exp3A_385, %reduce_sum3A_386 [1] : vector<512x512xf32> to vector<512xf32>
    %broadcast_in_dim3A_388 = vector.shape_cast %reduce_sum3A_387 : vector<512xf32> to vector<512x1xf32>
    %div3A_389 = vector.broadcast %broadcast_in_dim3A_388 : vector<512x1xf32> to vector<512x512xf32>
    %div3A_390 = arith.divf %exp3A_385, %div3A_389 : vector<512x512xf32>
    %dot_general3A_391 = arith.constant dense<0.000000e+00> : vector<512x64xf32>
    %dot_general3A_392 = tpu.matmul %div3A_390, %get3A_369, %dot_general3A_391 {dimension_numbers = #tpu.dot_dimension_numbers<[1], [0], [0], [1], [0, 0, 1, 1], [], []>, transpose_lhs_hint = false} : vector<512x512xf32>, vector<512x64xf32>, vector<512x64xf32> -> vector<512x64xf32>
    %swap3A_393 = arith.constant 0 : index
    %swap3A_394 = arith.constant 640 : index
    %swap3A_395 = vector.load %arg27[%swap3A_393, %swap3A_394] : memref<1024x768xf32, #tpu.memory_space<vmem>>, vector<512x64xf32>
    tpu.vector_store %arg27[%swap3A_393, %swap3A_394], %dot_general3A_392 {strides = array<i32>} : memref<1024x768xf32, #tpu.memory_space<vmem>>, vector<512x64xf32>,
    %get3A_396 = arith.constant 0 : index
    %get3A_397 = arith.constant 704 : index
    %get3A_398 = vector.load %arg28[%get3A_396, %get3A_397] : memref<1024x2304xf32, #tpu.memory_space<vmem>>, vector<512x64xf32>
    %get3A_399 = arith.constant 0 : index
    %get3A_400 = arith.constant 1472 : index
    %get3A_401 = vector.load %arg28[%get3A_399, %get3A_400] : memref<1024x2304xf32, #tpu.memory_space<vmem>>, vector<512x64xf32>
    %get3A_402 = arith.constant 0 : index
    %get3A_403 = arith.constant 2240 : index
    %get3A_404 = vector.load %arg28[%get3A_402, %get3A_403] : memref<1024x2304xf32, #tpu.memory_space<vmem>>, vector<512x64xf32>
    %dot_general3A_405 = arith.constant dense<0.000000e+00> : vector<512x512xf32>
    %dot_general3A_406 = tpu.matmul %get3A_398, %get3A_401, %dot_general3A_405 {dimension_numbers = #tpu.dot_dimension_numbers<[1], [1], [0], [0], [0, 0, 1, 0], [], []>, transpose_lhs_hint = false} : vector<512x64xf32>, vector<512x64xf32>, vector<512x512xf32> -> vector<512x512xf32>
    %mul3A_407 = arith.constant 1.250000e-01 : f32
    %mul3A_408 = vector.broadcast %mul3A_407 : f32 to vector<512x512xf32>
    %mul3A_409 = arith.mulf %dot_general3A_406, %mul3A_408 : vector<512x512xf32>
    %get3A_410 = arith.constant 0 : index
    %get3A_411 = arith.constant 0 : index
    %get3A_412 = vector.load %arg2[%get3A_410, %get3A_411] : memref<8x512xf32, #tpu.memory_space<vmem>>, vector<1x512xf32>
    %add3A_413 = vector.broadcast %get3A_412 : vector<1x512xf32> to vector<512x512xf32>
    %add3A_414 = arith.addf %mul3A_409, %add3A_413 : vector<512x512xf32>
    %reduce_max3A_415 = arith.constant dense<0xFF800000> : vector<512xf32>
    %reduce_max3A_416 = vector.multi_reduction <maximumf>, %add3A_414, %reduce_max3A_415 [1] : vector<512x512xf32> to vector<512xf32>
    %broadcast_in_dim3A_417 = vector.shape_cast %reduce_max3A_416 : vector<512xf32> to vector<512x1xf32>
    %sub3A_418 = vector.broadcast %broadcast_in_dim3A_417 : vector<512x1xf32> to vector<512x512xf32>
    %sub3A_419 = arith.subf %add3A_414, %sub3A_418 : vector<512x512xf32>
    %exp3A_420 = math.exp %sub3A_419 : vector<512x512xf32>
    %reduce_sum3A_421 = arith.constant dense<0.000000e+00> : vector<512xf32>
    %reduce_sum3A_422 = vector.multi_reduction <add>, %exp3A_420, %reduce_sum3A_421 [1] : vector<512x512xf32> to vector<512xf32>
    %broadcast_in_dim3A_423 = vector.shape_cast %reduce_sum3A_422 : vector<512xf32> to vector<512x1xf32>
    %div3A_424 = vector.broadcast %broadcast_in_dim3A_423 : vector<512x1xf32> to vector<512x512xf32>
    %div3A_425 = arith.divf %exp3A_420, %div3A_424 : vector<512x512xf32>
    %dot_general3A_426 = arith.constant dense<0.000000e+00> : vector<512x64xf32>
    %dot_general3A_427 = tpu.matmul %div3A_425, %get3A_404, %dot_general3A_426 {dimension_numbers = #tpu.dot_dimension_numbers<[1], [0], [0], [1], [0, 0, 1, 1], [], []>, transpose_lhs_hint = false} : vector<512x512xf32>, vector<512x64xf32>, vector<512x64xf32> -> vector<512x64xf32>
    %swap3A_428 = arith.constant 0 : index
    %swap3A_429 = arith.constant 704 : index
    %swap3A_430 = vector.load %arg27[%swap3A_428, %swap3A_429] : memref<1024x768xf32, #tpu.memory_space<vmem>>, vector<512x64xf32>
    tpu.vector_store %arg27[%swap3A_428, %swap3A_429], %dot_general3A_427 {strides = array<i32>} : memref<1024x768xf32, #tpu.memory_space<vmem>>, vector<512x64xf32>,
    %get3A_431 = arith.constant 512 : index
    %get3A_432 = arith.constant 0 : index
    %get3A_433 = vector.load %arg28[%get3A_431, %get3A_432] : memref<1024x2304xf32, #tpu.memory_space<vmem>>, vector<512x64xf32>
    %get3A_434 = arith.constant 512 : index
    %get3A_435 = arith.constant 768 : index
    %get3A_436 = vector.load %arg28[%get3A_434, %get3A_435] : memref<1024x2304xf32, #tpu.memory_space<vmem>>, vector<512x64xf32>
    %get3A_437 = arith.constant 512 : index
    %get3A_438 = arith.constant 1536 : index
    %get3A_439 = vector.load %arg28[%get3A_437, %get3A_438] : memref<1024x2304xf32, #tpu.memory_space<vmem>>, vector<512x64xf32>
    %dot_general3A_440 = arith.constant dense<0.000000e+00> : vector<512x512xf32>
    %dot_general3A_441 = tpu.matmul %get3A_433, %get3A_436, %dot_general3A_440 {dimension_numbers = #tpu.dot_dimension_numbers<[1], [1], [0], [0], [0, 0, 1, 0], [], []>, transpose_lhs_hint = false} : vector<512x64xf32>, vector<512x64xf32>, vector<512x512xf32> -> vector<512x512xf32>
    %mul3A_442 = arith.constant 1.250000e-01 : f32
    %mul3A_443 = vector.broadcast %mul3A_442 : f32 to vector<512x512xf32>
    %mul3A_444 = arith.mulf %dot_general3A_441, %mul3A_443 : vector<512x512xf32>
    %get3A_445 = arith.constant 1 : index
    %get3A_446 = arith.constant 0 : index
    %get3A_447 = vector.load %arg2[%get3A_445, %get3A_446] : memref<8x512xf32, #tpu.memory_space<vmem>>, vector<1x512xf32>
    %add3A_448 = vector.broadcast %get3A_447 : vector<1x512xf32> to vector<512x512xf32>
    %add3A_449 = arith.addf %mul3A_444, %add3A_448 : vector<512x512xf32>
    %reduce_max3A_450 = arith.constant dense<0xFF800000> : vector<512xf32>
    %reduce_max3A_451 = vector.multi_reduction <maximumf>, %add3A_449, %reduce_max3A_450 [1] : vector<512x512xf32> to vector<512xf32>
    %broadcast_in_dim3A_452 = vector.shape_cast %reduce_max3A_451 : vector<512xf32> to vector<512x1xf32>
    %sub3A_453 = vector.broadcast %broadcast_in_dim3A_452 : vector<512x1xf32> to vector<512x512xf32>
    %sub3A_454 = arith.subf %add3A_449, %sub3A_453 : vector<512x512xf32>
    %exp3A_455 = math.exp %sub3A_454 : vector<512x512xf32>
    %reduce_sum3A_456 = arith.constant dense<0.000000e+00> : vector<512xf32>
    %reduce_sum3A_457 = vector.multi_reduction <add>, %exp3A_455, %reduce_sum3A_456 [1] : vector<512x512xf32> to vector<512xf32>
    %broadcast_in_dim3A_458 = vector.shape_cast %reduce_sum3A_457 : vector<512xf32> to vector<512x1xf32>
    %div3A_459 = vector.broadcast %broadcast_in_dim3A_458 : vector<512x1xf32> to vector<512x512xf32>
    %div3A_460 = arith.divf %exp3A_455, %div3A_459 : vector<512x512xf32>
    %dot_general3A_461 = arith.constant dense<0.000000e+00> : vector<512x64xf32>
    %dot_general3A_462 = tpu.matmul %div3A_460, %get3A_439, %dot_general3A_461 {dimension_numbers = #tpu.dot_dimension_numbers<[1], [0], [0], [1], [0, 0, 1, 1], [], []>, transpose_lhs_hint = false} : vector<512x512xf32>, vector<512x64xf32>, vector<512x64xf32> -> vector<512x64xf32>
    %swap3A_463 = arith.constant 512 : index
    %swap3A_464 = arith.constant 0 : index
    %swap3A_465 = vector.load %arg27[%swap3A_463, %swap3A_464] : memref<1024x768xf32, #tpu.memory_space<vmem>>, vector<512x64xf32>
    tpu.vector_store %arg27[%swap3A_463, %swap3A_464], %dot_general3A_462 {strides = array<i32>} : memref<1024x768xf32, #tpu.memory_space<vmem>>, vector<512x64xf32>,
    %get3A_466 = arith.constant 512 : index
    %get3A_467 = arith.constant 64 : index
    %get3A_468 = vector.load %arg28[%get3A_466, %get3A_467] : memref<1024x2304xf32, #tpu.memory_space<vmem>>, vector<512x64xf32>
    %get3A_469 = arith.constant 512 : index
    %get3A_470 = arith.constant 832 : index
    %get3A_471 = vector.load %arg28[%get3A_469, %get3A_470] : memref<1024x2304xf32, #tpu.memory_space<vmem>>, vector<512x64xf32>
    %get3A_472 = arith.constant 512 : index
    %get3A_473 = arith.constant 1600 : index
    %get3A_474 = vector.load %arg28[%get3A_472, %get3A_473] : memref<1024x2304xf32, #tpu.memory_space<vmem>>, vector<512x64xf32>
    %dot_general3A_475 = arith.constant dense<0.000000e+00> : vector<512x512xf32>
    %dot_general3A_476 = tpu.matmul %get3A_468, %get3A_471, %dot_general3A_475 {dimension_numbers = #tpu.dot_dimension_numbers<[1], [1], [0], [0], [0, 0, 1, 0], [], []>, transpose_lhs_hint = false} : vector<512x64xf32>, vector<512x64xf32>, vector<512x512xf32> -> vector<512x512xf32>
    %mul3A_477 = arith.constant 1.250000e-01 : f32
    %mul3A_478 = vector.broadcast %mul3A_477 : f32 to vector<512x512xf32>
    %mul3A_479 = arith.mulf %dot_general3A_476, %mul3A_478 : vector<512x512xf32>
    %get3A_480 = arith.constant 1 : index
    %get3A_481 = arith.constant 0 : index
    %get3A_482 = vector.load %arg2[%get3A_480, %get3A_481] : memref<8x512xf32, #tpu.memory_space<vmem>>, vector<1x512xf32>
    %add3A_483 = vector.broadcast %get3A_482 : vector<1x512xf32> to vector<512x512xf32>
    %add3A_484 = arith.addf %mul3A_479, %add3A_483 : vector<512x512xf32>
    %reduce_max3A_485 = arith.constant dense<0xFF800000> : vector<512xf32>
    %reduce_max3A_486 = vector.multi_reduction <maximumf>, %add3A_484, %reduce_max3A_485 [1] : vector<512x512xf32> to vector<512xf32>
    %broadcast_in_dim3A_487 = vector.shape_cast %reduce_max3A_486 : vector<512xf32> to vector<512x1xf32>
    %sub3A_488 = vector.broadcast %broadcast_in_dim3A_487 : vector<512x1xf32> to vector<512x512xf32>
    %sub3A_489 = arith.subf %add3A_484, %sub3A_488 : vector<512x512xf32>
    %exp3A_490 = math.exp %sub3A_489 : vector<512x512xf32>
    %reduce_sum3A_491 = arith.constant dense<0.000000e+00> : vector<512xf32>
    %reduce_sum3A_492 = vector.multi_reduction <add>, %exp3A_490, %reduce_sum3A_491 [1] : vector<512x512xf32> to vector<512xf32>
    %broadcast_in_dim3A_493 = vector.shape_cast %reduce_sum3A_492 : vector<512xf32> to vector<512x1xf32>
    %div3A_494 = vector.broadcast %broadcast_in_dim3A_493 : vector<512x1xf32> to vector<512x512xf32>
    %div3A_495 = arith.divf %exp3A_490, %div3A_494 : vector<512x512xf32>
    %dot_general3A_496 = arith.constant dense<0.000000e+00> : vector<512x64xf32>
    %dot_general3A_497 = tpu.matmul %div3A_495, %get3A_474, %dot_general3A_496 {dimension_numbers = #tpu.dot_dimension_numbers<[1], [0], [0], [1], [0, 0, 1, 1], [], []>, transpose_lhs_hint = false} : vector<512x512xf32>, vector<512x64xf32>, vector<512x64xf32> -> vector<512x64xf32>
    %swap3A_498 = arith.constant 512 : index
    %swap3A_499 = arith.constant 64 : index
    %swap3A_500 = vector.load %arg27[%swap3A_498, %swap3A_499] : memref<1024x768xf32, #tpu.memory_space<vmem>>, vector<512x64xf32>
    tpu.vector_store %arg27[%swap3A_498, %swap3A_499], %dot_general3A_497 {strides = array<i32>} : memref<1024x768xf32, #tpu.memory_space<vmem>>, vector<512x64xf32>,
    %get3A_501 = arith.constant 512 : index
    %get3A_502 = arith.constant 128 : index
    %get3A_503 = vector.load %arg28[%get3A_501, %get3A_502] : memref<1024x2304xf32, #tpu.memory_space<vmem>>, vector<512x64xf32>
    %get3A_504 = arith.constant 512 : index
    %get3A_505 = arith.constant 896 : index
    %get3A_506 = vector.load %arg28[%get3A_504, %get3A_505] : memref<1024x2304xf32, #tpu.memory_space<vmem>>, vector<512x64xf32>
    %get3A_507 = arith.constant 512 : index
    %get3A_508 = arith.constant 1664 : index
    %get3A_509 = vector.load %arg28[%get3A_507, %get3A_508] : memref<1024x2304xf32, #tpu.memory_space<vmem>>, vector<512x64xf32>
    %dot_general3A_510 = arith.constant dense<0.000000e+00> : vector<512x512xf32>
    %dot_general3A_511 = tpu.matmul %get3A_503, %get3A_506, %dot_general3A_510 {dimension_numbers = #tpu.dot_dimension_numbers<[1], [1], [0], [0], [0, 0, 1, 0], [], []>, transpose_lhs_hint = false} : vector<512x64xf32>, vector<512x64xf32>, vector<512x512xf32> -> vector<512x512xf32>
    %mul3A_512 = arith.constant 1.250000e-01 : f32
    %mul3A_513 = vector.broadcast %mul3A_512 : f32 to vector<512x512xf32>
    %mul3A_514 = arith.mulf %dot_general3A_511, %mul3A_513 : vector<512x512xf32>
    %get3A_515 = arith.constant 1 : index
    %get3A_516 = arith.constant 0 : index
    %get3A_517 = vector.load %arg2[%get3A_515, %get3A_516] : memref<8x512xf32, #tpu.memory_space<vmem>>, vector<1x512xf32>
    %add3A_518 = vector.broadcast %get3A_517 : vector<1x512xf32> to vector<512x512xf32>
    %add3A_519 = arith.addf %mul3A_514, %add3A_518 : vector<512x512xf32>
    %reduce_max3A_520 = arith.constant dense<0xFF800000> : vector<512xf32>
    %reduce_max3A_521 = vector.multi_reduction <maximumf>, %add3A_519, %reduce_max3A_520 [1] : vector<512x512xf32> to vector<512xf32>
    %broadcast_in_dim3A_522 = vector.shape_cast %reduce_max3A_521 : vector<512xf32> to vector<512x1xf32>
    %sub3A_523 = vector.broadcast %broadcast_in_dim3A_522 : vector<512x1xf32> to vector<512x512xf32>
    %sub3A_524 = arith.subf %add3A_519, %sub3A_523 : vector<512x512xf32>
    %exp3A_525 = math.exp %sub3A_524 : vector<512x512xf32>
    %reduce_sum3A_526 = arith.constant dense<0.000000e+00> : vector<512xf32>
    %reduce_sum3A_527 = vector.multi_reduction <add>, %exp3A_525, %reduce_sum3A_526 [1] : vector<512x512xf32> to vector<512xf32>
    %broadcast_in_dim3A_528 = vector.shape_cast %reduce_sum3A_527 : vector<512xf32> to vector<512x1xf32>
    %div3A_529 = vector.broadcast %broadcast_in_dim3A_528 : vector<512x1xf32> to vector<512x512xf32>
    %div3A_530 = arith.divf %exp3A_525, %div3A_529 : vector<512x512xf32>
    %dot_general3A_531 = arith.constant dense<0.000000e+00> : vector<512x64xf32>
    %dot_general3A_532 = tpu.matmul %div3A_530, %get3A_509, %dot_general3A_531 {dimension_numbers = #tpu.dot_dimension_numbers<[1], [0], [0], [1], [0, 0, 1, 1], [], []>, transpose_lhs_hint = false} : vector<512x512xf32>, vector<512x64xf32>, vector<512x64xf32> -> vector<512x64xf32>
    %swap3A_533 = arith.constant 512 : index
    %swap3A_534 = arith.constant 128 : index
    %swap3A_535 = vector.load %arg27[%swap3A_533, %swap3A_534] : memref<1024x768xf32, #tpu.memory_space<vmem>>, vector<512x64xf32>
    tpu.vector_store %arg27[%swap3A_533, %swap3A_534], %dot_general3A_532 {strides = array<i32>} : memref<1024x768xf32, #tpu.memory_space<vmem>>, vector<512x64xf32>,
    %get3A_536 = arith.constant 512 : index
    %get3A_537 = arith.constant 192 : index
    %get3A_538 = vector.load %arg28[%get3A_536, %get3A_537] : memref<1024x2304xf32, #tpu.memory_space<vmem>>, vector<512x64xf32>
    %get3A_539 = arith.constant 512 : index
    %get3A_540 = arith.constant 960 : index
    %get3A_541 = vector.load %arg28[%get3A_539, %get3A_540] : memref<1024x2304xf32, #tpu.memory_space<vmem>>, vector<512x64xf32>
    %get3A_542 = arith.constant 512 : index
    %get3A_543 = arith.constant 1728 : index
    %get3A_544 = vector.load %arg28[%get3A_542, %get3A_543] : memref<1024x2304xf32, #tpu.memory_space<vmem>>, vector<512x64xf32>
    %dot_general3A_545 = arith.constant dense<0.000000e+00> : vector<512x512xf32>
    %dot_general3A_546 = tpu.matmul %get3A_538, %get3A_541, %dot_general3A_545 {dimension_numbers = #tpu.dot_dimension_numbers<[1], [1], [0], [0], [0, 0, 1, 0], [], []>, transpose_lhs_hint = false} : vector<512x64xf32>, vector<512x64xf32>, vector<512x512xf32> -> vector<512x512xf32>
    %mul3A_547 = arith.constant 1.250000e-01 : f32
    %mul3A_548 = vector.broadcast %mul3A_547 : f32 to vector<512x512xf32>
    %mul3A_549 = arith.mulf %dot_general3A_546, %mul3A_548 : vector<512x512xf32>
    %get3A_550 = arith.constant 1 : index
    %get3A_551 = arith.constant 0 : index
    %get3A_552 = vector.load %arg2[%get3A_550, %get3A_551] : memref<8x512xf32, #tpu.memory_space<vmem>>, vector<1x512xf32>
    %add3A_553 = vector.broadcast %get3A_552 : vector<1x512xf32> to vector<512x512xf32>
    %add3A_554 = arith.addf %mul3A_549, %add3A_553 : vector<512x512xf32>
    %reduce_max3A_555 = arith.constant dense<0xFF800000> : vector<512xf32>
    %reduce_max3A_556 = vector.multi_reduction <maximumf>, %add3A_554, %reduce_max3A_555 [1] : vector<512x512xf32> to vector<512xf32>
    %broadcast_in_dim3A_557 = vector.shape_cast %reduce_max3A_556 : vector<512xf32> to vector<512x1xf32>
    %sub3A_558 = vector.broadcast %broadcast_in_dim3A_557 : vector<512x1xf32> to vector<512x512xf32>
    %sub3A_559 = arith.subf %add3A_554, %sub3A_558 : vector<512x512xf32>
    %exp3A_560 = math.exp %sub3A_559 : vector<512x512xf32>
    %reduce_sum3A_561 = arith.constant dense<0.000000e+00> : vector<512xf32>
    %reduce_sum3A_562 = vector.multi_reduction <add>, %exp3A_560, %reduce_sum3A_561 [1] : vector<512x512xf32> to vector<512xf32>
    %broadcast_in_dim3A_563 = vector.shape_cast %reduce_sum3A_562 : vector<512xf32> to vector<512x1xf32>
    %div3A_564 = vector.broadcast %broadcast_in_dim3A_563 : vector<512x1xf32> to vector<512x512xf32>
    %div3A_565 = arith.divf %exp3A_560, %div3A_564 : vector<512x512xf32>
    %dot_general3A_566 = arith.constant dense<0.000000e+00> : vector<512x64xf32>
    %dot_general3A_567 = tpu.matmul %div3A_565, %get3A_544, %dot_general3A_566 {dimension_numbers = #tpu.dot_dimension_numbers<[1], [0], [0], [1], [0, 0, 1, 1], [], []>, transpose_lhs_hint = false} : vector<512x512xf32>, vector<512x64xf32>, vector<512x64xf32> -> vector<512x64xf32>
    %swap3A_568 = arith.constant 512 : index
    %swap3A_569 = arith.constant 192 : index
    %swap3A_570 = vector.load %arg27[%swap3A_568, %swap3A_569] : memref<1024x768xf32, #tpu.memory_space<vmem>>, vector<512x64xf32>
    tpu.vector_store %arg27[%swap3A_568, %swap3A_569], %dot_general3A_567 {strides = array<i32>} : memref<1024x768xf32, #tpu.memory_space<vmem>>, vector<512x64xf32>,
    %get3A_571 = arith.constant 512 : index
    %get3A_572 = arith.constant 256 : index
    %get3A_573 = vector.load %arg28[%get3A_571, %get3A_572] : memref<1024x2304xf32, #tpu.memory_space<vmem>>, vector<512x64xf32>
    %get3A_574 = arith.constant 512 : index
    %get3A_575 = arith.constant 1024 : index
    %get3A_576 = vector.load %arg28[%get3A_574, %get3A_575] : memref<1024x2304xf32, #tpu.memory_space<vmem>>, vector<512x64xf32>
    %get3A_577 = arith.constant 512 : index
    %get3A_578 = arith.constant 1792 : index
    %get3A_579 = vector.load %arg28[%get3A_577, %get3A_578] : memref<1024x2304xf32, #tpu.memory_space<vmem>>, vector<512x64xf32>
    %dot_general3A_580 = arith.constant dense<0.000000e+00> : vector<512x512xf32>
    %dot_general3A_581 = tpu.matmul %get3A_573, %get3A_576, %dot_general3A_580 {dimension_numbers = #tpu.dot_dimension_numbers<[1], [1], [0], [0], [0, 0, 1, 0], [], []>, transpose_lhs_hint = false} : vector<512x64xf32>, vector<512x64xf32>, vector<512x512xf32> -> vector<512x512xf32>
    %mul3A_582 = arith.constant 1.250000e-01 : f32
    %mul3A_583 = vector.broadcast %mul3A_582 : f32 to vector<512x512xf32>
    %mul3A_584 = arith.mulf %dot_general3A_581, %mul3A_583 : vector<512x512xf32>
    %get3A_585 = arith.constant 1 : index
    %get3A_586 = arith.constant 0 : index
    %get3A_587 = vector.load %arg2[%get3A_585, %get3A_586] : memref<8x512xf32, #tpu.memory_space<vmem>>, vector<1x512xf32>
    %add3A_588 = vector.broadcast %get3A_587 : vector<1x512xf32> to vector<512x512xf32>
    %add3A_589 = arith.addf %mul3A_584, %add3A_588 : vector<512x512xf32>
    %reduce_max3A_590 = arith.constant dense<0xFF800000> : vector<512xf32>
    %reduce_max3A_591 = vector.multi_reduction <maximumf>, %add3A_589, %reduce_max3A_590 [1] : vector<512x512xf32> to vector<512xf32>
    %broadcast_in_dim3A_592 = vector.shape_cast %reduce_max3A_591 : vector<512xf32> to vector<512x1xf32>
    %sub3A_593 = vector.broadcast %broadcast_in_dim3A_592 : vector<512x1xf32> to vector<512x512xf32>
    %sub3A_594 = arith.subf %add3A_589, %sub3A_593 : vector<512x512xf32>
    %exp3A_595 = math.exp %sub3A_594 : vector<512x512xf32>
    %reduce_sum3A_596 = arith.constant dense<0.000000e+00> : vector<512xf32>
    %reduce_sum3A_597 = vector.multi_reduction <add>, %exp3A_595, %reduce_sum3A_596 [1] : vector<512x512xf32> to vector<512xf32>
    %broadcast_in_dim3A_598 = vector.shape_cast %reduce_sum3A_597 : vector<512xf32> to vector<512x1xf32>
    %div3A_599 = vector.broadcast %broadcast_in_dim3A_598 : vector<512x1xf32> to vector<512x512xf32>
    %div3A_600 = arith.divf %exp3A_595, %div3A_599 : vector<512x512xf32>
    %dot_general3A_601 = arith.constant dense<0.000000e+00> : vector<512x64xf32>
    %dot_general3A_602 = tpu.matmul %div3A_600, %get3A_579, %dot_general3A_601 {dimension_numbers = #tpu.dot_dimension_numbers<[1], [0], [0], [1], [0, 0, 1, 1], [], []>, transpose_lhs_hint = false} : vector<512x512xf32>, vector<512x64xf32>, vector<512x64xf32> -> vector<512x64xf32>
    %swap3A_603 = arith.constant 512 : index
    %swap3A_604 = arith.constant 256 : index
    %swap3A_605 = vector.load %arg27[%swap3A_603, %swap3A_604] : memref<1024x768xf32, #tpu.memory_space<vmem>>, vector<512x64xf32>
    tpu.vector_store %arg27[%swap3A_603, %swap3A_604], %dot_general3A_602 {strides = array<i32>} : memref<1024x768xf32, #tpu.memory_space<vmem>>, vector<512x64xf32>,
    %get3A_606 = arith.constant 512 : index
    %get3A_607 = arith.constant 320 : index
    %get3A_608 = vector.load %arg28[%get3A_606, %get3A_607] : memref<1024x2304xf32, #tpu.memory_space<vmem>>, vector<512x64xf32>
    %get3A_609 = arith.constant 512 : index
    %get3A_610 = arith.constant 1088 : index
    %get3A_611 = vector.load %arg28[%get3A_609, %get3A_610] : memref<1024x2304xf32, #tpu.memory_space<vmem>>, vector<512x64xf32>
    %get3A_612 = arith.constant 512 : index
    %get3A_613 = arith.constant 1856 : index
    %get3A_614 = vector.load %arg28[%get3A_612, %get3A_613] : memref<1024x2304xf32, #tpu.memory_space<vmem>>, vector<512x64xf32>
    %dot_general3A_615 = arith.constant dense<0.000000e+00> : vector<512x512xf32>
    %dot_general3A_616 = tpu.matmul %get3A_608, %get3A_611, %dot_general3A_615 {dimension_numbers = #tpu.dot_dimension_numbers<[1], [1], [0], [0], [0, 0, 1, 0], [], []>, transpose_lhs_hint = false} : vector<512x64xf32>, vector<512x64xf32>, vector<512x512xf32> -> vector<512x512xf32>
    %mul3A_617 = arith.constant 1.250000e-01 : f32
    %mul3A_618 = vector.broadcast %mul3A_617 : f32 to vector<512x512xf32>
    %mul3A_619 = arith.mulf %dot_general3A_616, %mul3A_618 : vector<512x512xf32>
    %get3A_620 = arith.constant 1 : index
    %get3A_621 = arith.constant 0 : index
    %get3A_622 = vector.load %arg2[%get3A_620, %get3A_621] : memref<8x512xf32, #tpu.memory_space<vmem>>, vector<1x512xf32>
    %add3A_623 = vector.broadcast %get3A_622 : vector<1x512xf32> to vector<512x512xf32>
    %add3A_624 = arith.addf %mul3A_619, %add3A_623 : vector<512x512xf32>
    %reduce_max3A_625 = arith.constant dense<0xFF800000> : vector<512xf32>
    %reduce_max3A_626 = vector.multi_reduction <maximumf>, %add3A_624, %reduce_max3A_625 [1] : vector<512x512xf32> to vector<512xf32>
    %broadcast_in_dim3A_627 = vector.shape_cast %reduce_max3A_626 : vector<512xf32> to vector<512x1xf32>
    %sub3A_628 = vector.broadcast %broadcast_in_dim3A_627 : vector<512x1xf32> to vector<512x512xf32>
    %sub3A_629 = arith.subf %add3A_624, %sub3A_628 : vector<512x512xf32>
    %exp3A_630 = math.exp %sub3A_629 : vector<512x512xf32>
    %reduce_sum3A_631 = arith.constant dense<0.000000e+00> : vector<512xf32>
    %reduce_sum3A_632 = vector.multi_reduction <add>, %exp3A_630, %reduce_sum3A_631 [1] : vector<512x512xf32> to vector<512xf32>
    %broadcast_in_dim3A_633 = vector.shape_cast %reduce_sum3A_632 : vector<512xf32> to vector<512x1xf32>
    %div3A_634 = vector.broadcast %broadcast_in_dim3A_633 : vector<512x1xf32> to vector<512x512xf32>
    %div3A_635 = arith.divf %exp3A_630, %div3A_634 : vector<512x512xf32>
    %dot_general3A_636 = arith.constant dense<0.000000e+00> : vector<512x64xf32>
    %dot_general3A_637 = tpu.matmul %div3A_635, %get3A_614, %dot_general3A_636 {dimension_numbers = #tpu.dot_dimension_numbers<[1], [0], [0], [1], [0, 0, 1, 1], [], []>, transpose_lhs_hint = false} : vector<512x512xf32>, vector<512x64xf32>, vector<512x64xf32> -> vector<512x64xf32>
    %swap3A_638 = arith.constant 512 : index
    %swap3A_639 = arith.constant 320 : index
    %swap3A_640 = vector.load %arg27[%swap3A_638, %swap3A_639] : memref<1024x768xf32, #tpu.memory_space<vmem>>, vector<512x64xf32>
    tpu.vector_store %arg27[%swap3A_638, %swap3A_639], %dot_general3A_637 {strides = array<i32>} : memref<1024x768xf32, #tpu.memory_space<vmem>>, vector<512x64xf32>,
    %get3A_641 = arith.constant 512 : index
    %get3A_642 = arith.constant 384 : index
    %get3A_643 = vector.load %arg28[%get3A_641, %get3A_642] : memref<1024x2304xf32, #tpu.memory_space<vmem>>, vector<512x64xf32>
    %get3A_644 = arith.constant 512 : index
    %get3A_645 = arith.constant 1152 : index
    %get3A_646 = vector.load %arg28[%get3A_644, %get3A_645] : memref<1024x2304xf32, #tpu.memory_space<vmem>>, vector<512x64xf32>
    %get3A_647 = arith.constant 512 : index
    %get3A_648 = arith.constant 1920 : index
    %get3A_649 = vector.load %arg28[%get3A_647, %get3A_648] : memref<1024x2304xf32, #tpu.memory_space<vmem>>, vector<512x64xf32>
    %dot_general3A_650 = arith.constant dense<0.000000e+00> : vector<512x512xf32>
    %dot_general3A_651 = tpu.matmul %get3A_643, %get3A_646, %dot_general3A_650 {dimension_numbers = #tpu.dot_dimension_numbers<[1], [1], [0], [0], [0, 0, 1, 0], [], []>, transpose_lhs_hint = false} : vector<512x64xf32>, vector<512x64xf32>, vector<512x512xf32> -> vector<512x512xf32>
    %mul3A_652 = arith.constant 1.250000e-01 : f32
    %mul3A_653 = vector.broadcast %mul3A_652 : f32 to vector<512x512xf32>
    %mul3A_654 = arith.mulf %dot_general3A_651, %mul3A_653 : vector<512x512xf32>
    %get3A_655 = arith.constant 1 : index
    %get3A_656 = arith.constant 0 : index
    %get3A_657 = vector.load %arg2[%get3A_655, %get3A_656] : memref<8x512xf32, #tpu.memory_space<vmem>>, vector<1x512xf32>
    %add3A_658 = vector.broadcast %get3A_657 : vector<1x512xf32> to vector<512x512xf32>
    %add3A_659 = arith.addf %mul3A_654, %add3A_658 : vector<512x512xf32>
    %reduce_max3A_660 = arith.constant dense<0xFF800000> : vector<512xf32>
    %reduce_max3A_661 = vector.multi_reduction <maximumf>, %add3A_659, %reduce_max3A_660 [1] : vector<512x512xf32> to vector<512xf32>
    %broadcast_in_dim3A_662 = vector.shape_cast %reduce_max3A_661 : vector<512xf32> to vector<512x1xf32>
    %sub3A_663 = vector.broadcast %broadcast_in_dim3A_662 : vector<512x1xf32> to vector<512x512xf32>
    %sub3A_664 = arith.subf %add3A_659, %sub3A_663 : vector<512x512xf32>
    %exp3A_665 = math.exp %sub3A_664 : vector<512x512xf32>
    %reduce_sum3A_666 = arith.constant dense<0.000000e+00> : vector<512xf32>
    %reduce_sum3A_667 = vector.multi_reduction <add>, %exp3A_665, %reduce_sum3A_666 [1] : vector<512x512xf32> to vector<512xf32>
    %broadcast_in_dim3A_668 = vector.shape_cast %reduce_sum3A_667 : vector<512xf32> to vector<512x1xf32>
    %div3A_669 = vector.broadcast %broadcast_in_dim3A_668 : vector<512x1xf32> to vector<512x512xf32>
    %div3A_670 = arith.divf %exp3A_665, %div3A_669 : vector<512x512xf32>
    %dot_general3A_671 = arith.constant dense<0.000000e+00> : vector<512x64xf32>
    %dot_general3A_672 = tpu.matmul %div3A_670, %get3A_649, %dot_general3A_671 {dimension_numbers = #tpu.dot_dimension_numbers<[1], [0], [0], [1], [0, 0, 1, 1], [], []>, transpose_lhs_hint = false} : vector<512x512xf32>, vector<512x64xf32>, vector<512x64xf32> -> vector<512x64xf32>
    %swap3A_673 = arith.constant 512 : index
    %swap3A_674 = arith.constant 384 : index
    %swap3A_675 = vector.load %arg27[%swap3A_673, %swap3A_674] : memref<1024x768xf32, #tpu.memory_space<vmem>>, vector<512x64xf32>
    tpu.vector_store %arg27[%swap3A_673, %swap3A_674], %dot_general3A_672 {strides = array<i32>} : memref<1024x768xf32, #tpu.memory_space<vmem>>, vector<512x64xf32>,
    %get3A_676 = arith.constant 512 : index
    %get3A_677 = arith.constant 448 : index
    %get3A_678 = vector.load %arg28[%get3A_676, %get3A_677] : memref<1024x2304xf32, #tpu.memory_space<vmem>>, vector<512x64xf32>
    %get3A_679 = arith.constant 512 : index
    %get3A_680 = arith.constant 1216 : index
    %get3A_681 = vector.load %arg28[%get3A_679, %get3A_680] : memref<1024x2304xf32, #tpu.memory_space<vmem>>, vector<512x64xf32>
    %get3A_682 = arith.constant 512 : index
    %get3A_683 = arith.constant 1984 : index
    %get3A_684 = vector.load %arg28[%get3A_682, %get3A_683] : memref<1024x2304xf32, #tpu.memory_space<vmem>>, vector<512x64xf32>
    %dot_general3A_685 = arith.constant dense<0.000000e+00> : vector<512x512xf32>
    %dot_general3A_686 = tpu.matmul %get3A_678, %get3A_681, %dot_general3A_685 {dimension_numbers = #tpu.dot_dimension_numbers<[1], [1], [0], [0], [0, 0, 1, 0], [], []>, transpose_lhs_hint = false} : vector<512x64xf32>, vector<512x64xf32>, vector<512x512xf32> -> vector<512x512xf32>
    %mul3A_687 = arith.constant 1.250000e-01 : f32
    %mul3A_688 = vector.broadcast %mul3A_687 : f32 to vector<512x512xf32>
    %mul3A_689 = arith.mulf %dot_general3A_686, %mul3A_688 : vector<512x512xf32>
    %get3A_690 = arith.constant 1 : index
    %get3A_691 = arith.constant 0 : index
    %get3A_692 = vector.load %arg2[%get3A_690, %get3A_691] : memref<8x512xf32, #tpu.memory_space<vmem>>, vector<1x512xf32>
    %add3A_693 = vector.broadcast %get3A_692 : vector<1x512xf32> to vector<512x512xf32>
    %add3A_694 = arith.addf %mul3A_689, %add3A_693 : vector<512x512xf32>
    %reduce_max3A_695 = arith.constant dense<0xFF800000> : vector<512xf32>
    %reduce_max3A_696 = vector.multi_reduction <maximumf>, %add3A_694, %reduce_max3A_695 [1] : vector<512x512xf32> to vector<512xf32>
    %broadcast_in_dim3A_697 = vector.shape_cast %reduce_max3A_696 : vector<512xf32> to vector<512x1xf32>
    %sub3A_698 = vector.broadcast %broadcast_in_dim3A_697 : vector<512x1xf32> to vector<512x512xf32>
    %sub3A_699 = arith.subf %add3A_694, %sub3A_698 : vector<512x512xf32>
    %exp3A_700 = math.exp %sub3A_699 : vector<512x512xf32>
    %reduce_sum3A_701 = arith.constant dense<0.000000e+00> : vector<512xf32>
    %reduce_sum3A_702 = vector.multi_reduction <add>, %exp3A_700, %reduce_sum3A_701 [1] : vector<512x512xf32> to vector<512xf32>
    %broadcast_in_dim3A_703 = vector.shape_cast %reduce_sum3A_702 : vector<512xf32> to vector<512x1xf32>
    %div3A_704 = vector.broadcast %broadcast_in_dim3A_703 : vector<512x1xf32> to vector<512x512xf32>
    %div3A_705 = arith.divf %exp3A_700, %div3A_704 : vector<512x512xf32>
    %dot_general3A_706 = arith.constant dense<0.000000e+00> : vector<512x64xf32>
    %dot_general3A_707 = tpu.matmul %div3A_705, %get3A_684, %dot_general3A_706 {dimension_numbers = #tpu.dot_dimension_numbers<[1], [0], [0], [1], [0, 0, 1, 1], [], []>, transpose_lhs_hint = false} : vector<512x512xf32>, vector<512x64xf32>, vector<512x64xf32> -> vector<512x64xf32>
    %swap3A_708 = arith.constant 512 : index
    %swap3A_709 = arith.constant 448 : index
    %swap3A_710 = vector.load %arg27[%swap3A_708, %swap3A_709] : memref<1024x768xf32, #tpu.memory_space<vmem>>, vector<512x64xf32>
    tpu.vector_store %arg27[%swap3A_708, %swap3A_709], %dot_general3A_707 {strides = array<i32>} : memref<1024x768xf32, #tpu.memory_space<vmem>>, vector<512x64xf32>,
    %get3A_711 = arith.constant 512 : index
    %get3A_712 = arith.constant 512 : index
    %get3A_713 = vector.load %arg28[%get3A_711, %get3A_712] : memref<1024x2304xf32, #tpu.memory_space<vmem>>, vector<512x64xf32>
    %get3A_714 = arith.constant 512 : index
    %get3A_715 = arith.constant 1280 : index
    %get3A_716 = vector.load %arg28[%get3A_714, %get3A_715] : memref<1024x2304xf32, #tpu.memory_space<vmem>>, vector<512x64xf32>
    %get3A_717 = arith.constant 512 : index
    %get3A_718 = arith.constant 2048 : index
    %get3A_719 = vector.load %arg28[%get3A_717, %get3A_718] : memref<1024x2304xf32, #tpu.memory_space<vmem>>, vector<512x64xf32>
    %dot_general3A_720 = arith.constant dense<0.000000e+00> : vector<512x512xf32>
    %dot_general3A_721 = tpu.matmul %get3A_713, %get3A_716, %dot_general3A_720 {dimension_numbers = #tpu.dot_dimension_numbers<[1], [1], [0], [0], [0, 0, 1, 0], [], []>, transpose_lhs_hint = false} : vector<512x64xf32>, vector<512x64xf32>, vector<512x512xf32> -> vector<512x512xf32>
    %mul3A_722 = arith.constant 1.250000e-01 : f32
    %mul3A_723 = vector.broadcast %mul3A_722 : f32 to vector<512x512xf32>
    %mul3A_724 = arith.mulf %dot_general3A_721, %mul3A_723 : vector<512x512xf32>
    %get3A_725 = arith.constant 1 : index
    %get3A_726 = arith.constant 0 : index
    %get3A_727 = vector.load %arg2[%get3A_725, %get3A_726] : memref<8x512xf32, #tpu.memory_space<vmem>>, vector<1x512xf32>
    %add3A_728 = vector.broadcast %get3A_727 : vector<1x512xf32> to vector<512x512xf32>
    %add3A_729 = arith.addf %mul3A_724, %add3A_728 : vector<512x512xf32>
    %reduce_max3A_730 = arith.constant dense<0xFF800000> : vector<512xf32>
    %reduce_max3A_731 = vector.multi_reduction <maximumf>, %add3A_729, %reduce_max3A_730 [1] : vector<512x512xf32> to vector<512xf32>
    %broadcast_in_dim3A_732 = vector.shape_cast %reduce_max3A_731 : vector<512xf32> to vector<512x1xf32>
    %sub3A_733 = vector.broadcast %broadcast_in_dim3A_732 : vector<512x1xf32> to vector<512x512xf32>
    %sub3A_734 = arith.subf %add3A_729, %sub3A_733 : vector<512x512xf32>
    %exp3A_735 = math.exp %sub3A_734 : vector<512x512xf32>
    %reduce_sum3A_736 = arith.constant dense<0.000000e+00> : vector<512xf32>
    %reduce_sum3A_737 = vector.multi_reduction <add>, %exp3A_735, %reduce_sum3A_736 [1] : vector<512x512xf32> to vector<512xf32>
    %broadcast_in_dim3A_738 = vector.shape_cast %reduce_sum3A_737 : vector<512xf32> to vector<512x1xf32>
    %div3A_739 = vector.broadcast %broadcast_in_dim3A_738 : vector<512x1xf32> to vector<512x512xf32>
    %div3A_740 = arith.divf %exp3A_735, %div3A_739 : vector<512x512xf32>
    %dot_general3A_741 = arith.constant dense<0.000000e+00> : vector<512x64xf32>
    %dot_general3A_742 = tpu.matmul %div3A_740, %get3A_719, %dot_general3A_741 {dimension_numbers = #tpu.dot_dimension_numbers<[1], [0], [0], [1], [0, 0, 1, 1], [], []>, transpose_lhs_hint = false} : vector<512x512xf32>, vector<512x64xf32>, vector<512x64xf32> -> vector<512x64xf32>
    %swap3A_743 = arith.constant 512 : index
    %swap3A_744 = arith.constant 512 : index
    %swap3A_745 = vector.load %arg27[%swap3A_743, %swap3A_744] : memref<1024x768xf32, #tpu.memory_space<vmem>>, vector<512x64xf32>
    tpu.vector_store %arg27[%swap3A_743, %swap3A_744], %dot_general3A_742 {strides = array<i32>} : memref<1024x768xf32, #tpu.memory_space<vmem>>, vector<512x64xf32>,
    %get3A_746 = arith.constant 512 : index
    %get3A_747 = arith.constant 576 : index
    %get3A_748 = vector.load %arg28[%get3A_746, %get3A_747] : memref<1024x2304xf32, #tpu.memory_space<vmem>>, vector<512x64xf32>
    %get3A_749 = arith.constant 512 : index
    %get3A_750 = arith.constant 1344 : index
    %get3A_751 = vector.load %arg28[%get3A_749, %get3A_750] : memref<1024x2304xf32, #tpu.memory_space<vmem>>, vector<512x64xf32>
    %get3A_752 = arith.constant 512 : index
    %get3A_753 = arith.constant 2112 : index
    %get3A_754 = vector.load %arg28[%get3A_752, %get3A_753] : memref<1024x2304xf32, #tpu.memory_space<vmem>>, vector<512x64xf32>
    %dot_general3A_755 = arith.constant dense<0.000000e+00> : vector<512x512xf32>
    %dot_general3A_756 = tpu.matmul %get3A_748, %get3A_751, %dot_general3A_755 {dimension_numbers = #tpu.dot_dimension_numbers<[1], [1], [0], [0], [0, 0, 1, 0], [], []>, transpose_lhs_hint = false} : vector<512x64xf32>, vector<512x64xf32>, vector<512x512xf32> -> vector<512x512xf32>
    %mul3A_757 = arith.constant 1.250000e-01 : f32
    %mul3A_758 = vector.broadcast %mul3A_757 : f32 to vector<512x512xf32>
    %mul3A_759 = arith.mulf %dot_general3A_756, %mul3A_758 : vector<512x512xf32>
    %get3A_760 = arith.constant 1 : index
    %get3A_761 = arith.constant 0 : index
    %get3A_762 = vector.load %arg2[%get3A_760, %get3A_761] : memref<8x512xf32, #tpu.memory_space<vmem>>, vector<1x512xf32>
    %add3A_763 = vector.broadcast %get3A_762 : vector<1x512xf32> to vector<512x512xf32>
    %add3A_764 = arith.addf %mul3A_759, %add3A_763 : vector<512x512xf32>
    %reduce_max3A_765 = arith.constant dense<0xFF800000> : vector<512xf32>
    %reduce_max3A_766 = vector.multi_reduction <maximumf>, %add3A_764, %reduce_max3A_765 [1] : vector<512x512xf32> to vector<512xf32>
    %broadcast_in_dim3A_767 = vector.shape_cast %reduce_max3A_766 : vector<512xf32> to vector<512x1xf32>
    %sub3A_768 = vector.broadcast %broadcast_in_dim3A_767 : vector<512x1xf32> to vector<512x512xf32>
    %sub3A_769 = arith.subf %add3A_764, %sub3A_768 : vector<512x512xf32>
    %exp3A_770 = math.exp %sub3A_769 : vector<512x512xf32>
    %reduce_sum3A_771 = arith.constant dense<0.000000e+00> : vector<512xf32>
    %reduce_sum3A_772 = vector.multi_reduction <add>, %exp3A_770, %reduce_sum3A_771 [1] : vector<512x512xf32> to vector<512xf32>
    %broadcast_in_dim3A_773 = vector.shape_cast %reduce_sum3A_772 : vector<512xf32> to vector<512x1xf32>
    %div3A_774 = vector.broadcast %broadcast_in_dim3A_773 : vector<512x1xf32> to vector<512x512xf32>
    %div3A_775 = arith.divf %exp3A_770, %div3A_774 : vector<512x512xf32>
    %dot_general3A_776 = arith.constant dense<0.000000e+00> : vector<512x64xf32>
    %dot_general3A_777 = tpu.matmul %div3A_775, %get3A_754, %dot_general3A_776 {dimension_numbers = #tpu.dot_dimension_numbers<[1], [0], [0], [1], [0, 0, 1, 1], [], []>, transpose_lhs_hint = false} : vector<512x512xf32>, vector<512x64xf32>, vector<512x64xf32> -> vector<512x64xf32>
    %swap3A_778 = arith.constant 512 : index
    %swap3A_779 = arith.constant 576 : index
    %swap3A_780 = vector.load %arg27[%swap3A_778, %swap3A_779] : memref<1024x768xf32, #tpu.memory_space<vmem>>, vector<512x64xf32>
    tpu.vector_store %arg27[%swap3A_778, %swap3A_779], %dot_general3A_777 {strides = array<i32>} : memref<1024x768xf32, #tpu.memory_space<vmem>>, vector<512x64xf32>,
    %get3A_781 = arith.constant 512 : index
    %get3A_782 = arith.constant 640 : index
    %get3A_783 = vector.load %arg28[%get3A_781, %get3A_782] : memref<1024x2304xf32, #tpu.memory_space<vmem>>, vector<512x64xf32>
    %get3A_784 = arith.constant 512 : index
    %get3A_785 = arith.constant 1408 : index
    %get3A_786 = vector.load %arg28[%get3A_784, %get3A_785] : memref<1024x2304xf32, #tpu.memory_space<vmem>>, vector<512x64xf32>
    %get3A_787 = arith.constant 512 : index
    %get3A_788 = arith.constant 2176 : index
    %get3A_789 = vector.load %arg28[%get3A_787, %get3A_788] : memref<1024x2304xf32, #tpu.memory_space<vmem>>, vector<512x64xf32>
    %dot_general3A_790 = arith.constant dense<0.000000e+00> : vector<512x512xf32>
    %dot_general3A_791 = tpu.matmul %get3A_783, %get3A_786, %dot_general3A_790 {dimension_numbers = #tpu.dot_dimension_numbers<[1], [1], [0], [0], [0, 0, 1, 0], [], []>, transpose_lhs_hint = false} : vector<512x64xf32>, vector<512x64xf32>, vector<512x512xf32> -> vector<512x512xf32>
    %mul3A_792 = arith.constant 1.250000e-01 : f32
    %mul3A_793 = vector.broadcast %mul3A_792 : f32 to vector<512x512xf32>
    %mul3A_794 = arith.mulf %dot_general3A_791, %mul3A_793 : vector<512x512xf32>
    %get3A_795 = arith.constant 1 : index
    %get3A_796 = arith.constant 0 : index
    %get3A_797 = vector.load %arg2[%get3A_795, %get3A_796] : memref<8x512xf32, #tpu.memory_space<vmem>>, vector<1x512xf32>
    %add3A_798 = vector.broadcast %get3A_797 : vector<1x512xf32> to vector<512x512xf32>
    %add3A_799 = arith.addf %mul3A_794, %add3A_798 : vector<512x512xf32>
    %reduce_max3A_800 = arith.constant dense<0xFF800000> : vector<512xf32>
    %reduce_max3A_801 = vector.multi_reduction <maximumf>, %add3A_799, %reduce_max3A_800 [1] : vector<512x512xf32> to vector<512xf32>
    %broadcast_in_dim3A_802 = vector.shape_cast %reduce_max3A_801 : vector<512xf32> to vector<512x1xf32>
    %sub3A_803 = vector.broadcast %broadcast_in_dim3A_802 : vector<512x1xf32> to vector<512x512xf32>
    %sub3A_804 = arith.subf %add3A_799, %sub3A_803 : vector<512x512xf32>
    %exp3A_805 = math.exp %sub3A_804 : vector<512x512xf32>
    %reduce_sum3A_806 = arith.constant dense<0.000000e+00> : vector<512xf32>
    %reduce_sum3A_807 = vector.multi_reduction <add>, %exp3A_805, %reduce_sum3A_806 [1] : vector<512x512xf32> to vector<512xf32>
    %broadcast_in_dim3A_808 = vector.shape_cast %reduce_sum3A_807 : vector<512xf32> to vector<512x1xf32>
    %div3A_809 = vector.broadcast %broadcast_in_dim3A_808 : vector<512x1xf32> to vector<512x512xf32>
    %div3A_810 = arith.divf %exp3A_805, %div3A_809 : vector<512x512xf32>
    %dot_general3A_811 = arith.constant dense<0.000000e+00> : vector<512x64xf32>
    %dot_general3A_812 = tpu.matmul %div3A_810, %get3A_789, %dot_general3A_811 {dimension_numbers = #tpu.dot_dimension_numbers<[1], [0], [0], [1], [0, 0, 1, 1], [], []>, transpose_lhs_hint = false} : vector<512x512xf32>, vector<512x64xf32>, vector<512x64xf32> -> vector<512x64xf32>
    %swap3A_813 = arith.constant 512 : index
    %swap3A_814 = arith.constant 640 : index
    %swap3A_815 = vector.load %arg27[%swap3A_813, %swap3A_814] : memref<1024x768xf32, #tpu.memory_space<vmem>>, vector<512x64xf32>
    tpu.vector_store %arg27[%swap3A_813, %swap3A_814], %dot_general3A_812 {strides = array<i32>} : memref<1024x768xf32, #tpu.memory_space<vmem>>, vector<512x64xf32>,
    %get3A_816 = arith.constant 512 : index
    %get3A_817 = arith.constant 704 : index
    %get3A_818 = vector.load %arg28[%get3A_816, %get3A_817] : memref<1024x2304xf32, #tpu.memory_space<vmem>>, vector<512x64xf32>
    %get3A_819 = arith.constant 512 : index
    %get3A_820 = arith.constant 1472 : index
    %get3A_821 = vector.load %arg28[%get3A_819, %get3A_820] : memref<1024x2304xf32, #tpu.memory_space<vmem>>, vector<512x64xf32>
    %get3A_822 = arith.constant 512 : index
    %get3A_823 = arith.constant 2240 : index
    %get3A_824 = vector.load %arg28[%get3A_822, %get3A_823] : memref<1024x2304xf32, #tpu.memory_space<vmem>>, vector<512x64xf32>
    %dot_general3A_825 = arith.constant dense<0.000000e+00> : vector<512x512xf32>
    %dot_general3A_826 = tpu.matmul %get3A_818, %get3A_821, %dot_general3A_825 {dimension_numbers = #tpu.dot_dimension_numbers<[1], [1], [0], [0], [0, 0, 1, 0], [], []>, transpose_lhs_hint = false} : vector<512x64xf32>, vector<512x64xf32>, vector<512x512xf32> -> vector<512x512xf32>
    %mul3A_827 = arith.constant 1.250000e-01 : f32
    %mul3A_828 = vector.broadcast %mul3A_827 : f32 to vector<512x512xf32>
    %mul3A_829 = arith.mulf %dot_general3A_826, %mul3A_828 : vector<512x512xf32>
    %get3A_830 = arith.constant 1 : index
    %get3A_831 = arith.constant 0 : index
    %get3A_832 = vector.load %arg2[%get3A_830, %get3A_831] : memref<8x512xf32, #tpu.memory_space<vmem>>, vector<1x512xf32>
    %add3A_833 = vector.broadcast %get3A_832 : vector<1x512xf32> to vector<512x512xf32>
    %add3A_834 = arith.addf %mul3A_829, %add3A_833 : vector<512x512xf32>
    %reduce_max3A_835 = arith.constant dense<0xFF800000> : vector<512xf32>
    %reduce_max3A_836 = vector.multi_reduction <maximumf>, %add3A_834, %reduce_max3A_835 [1] : vector<512x512xf32> to vector<512xf32>
    %broadcast_in_dim3A_837 = vector.shape_cast %reduce_max3A_836 : vector<512xf32> to vector<512x1xf32>
    %sub3A_838 = vector.broadcast %broadcast_in_dim3A_837 : vector<512x1xf32> to vector<512x512xf32>
    %sub3A_839 = arith.subf %add3A_834, %sub3A_838 : vector<512x512xf32>
    %exp3A_840 = math.exp %sub3A_839 : vector<512x512xf32>
    %reduce_sum3A_841 = arith.constant dense<0.000000e+00> : vector<512xf32>
    %reduce_sum3A_842 = vector.multi_reduction <add>, %exp3A_840, %reduce_sum3A_841 [1] : vector<512x512xf32> to vector<512xf32>
    %broadcast_in_dim3A_843 = vector.shape_cast %reduce_sum3A_842 : vector<512xf32> to vector<512x1xf32>
    %div3A_844 = vector.broadcast %broadcast_in_dim3A_843 : vector<512x1xf32> to vector<512x512xf32>
    %div3A_845 = arith.divf %exp3A_840, %div3A_844 : vector<512x512xf32>
    %dot_general3A_846 = arith.constant dense<0.000000e+00> : vector<512x64xf32>
    %dot_general3A_847 = tpu.matmul %div3A_845, %get3A_824, %dot_general3A_846 {dimension_numbers = #tpu.dot_dimension_numbers<[1], [0], [0], [1], [0, 0, 1, 1], [], []>, transpose_lhs_hint = false} : vector<512x512xf32>, vector<512x64xf32>, vector<512x64xf32> -> vector<512x64xf32>
    %swap3A_848 = arith.constant 512 : index
    %swap3A_849 = arith.constant 704 : index
    %swap3A_850 = vector.load %arg27[%swap3A_848, %swap3A_849] : memref<1024x768xf32, #tpu.memory_space<vmem>>, vector<512x64xf32>
    tpu.vector_store %arg27[%swap3A_848, %swap3A_849], %dot_general3A_847 {strides = array<i32>} : memref<1024x768xf32, #tpu.memory_space<vmem>>, vector<512x64xf32>,
    %get3A_851 = arith.constant 0 : index
    %get3A_852 = arith.constant 0 : index
    %get3A_853 = vector.load %arg27[%get3A_851, %get3A_852] : memref<1024x768xf32, #tpu.memory_space<vmem>>, vector<1024x768xf32>
    %get3A_854 = arith.constant 0 : index
    %get3A_855 = arith.constant 0 : index
    %get3A_856 = arith.constant 0 : index
    %get3A_857 = vector.load %arg5[%get3A_854, %get3A_855, %get3A_856] : memref<1x768x768xf32, #tpu.memory_space<vmem>>, vector<1x768x768xf32>
    %get3A_858 = vector.shape_cast %get3A_857 : vector<1x768x768xf32> to vector<768x768xf32>
    %dot_general3A_859 = arith.constant dense<0.000000e+00> : vector<1024x768xf32>
    %dot_general3A_860 = tpu.matmul %get3A_853, %get3A_858, %dot_general3A_859 {dimension_numbers = #tpu.dot_dimension_numbers<[1], [0], [0], [1], [0, 0, 1, 1], [], []>, transpose_lhs_hint = false} : vector<1024x768xf32>, vector<768x768xf32>, vector<1024x768xf32> -> vector<1024x768xf32>
    %get3A_861 = arith.constant 0 : index
    %get3A_862 = arith.constant 0 : index
    %get3A_863 = arith.constant 0 : index
    %get3A_864 = vector.load %arg6[%get3A_861, %get3A_862, %get3A_863] : memref<1x1x768xf32, #tpu.memory_space<vmem>>, vector<1x1x768xf32>
    %get3A_865 = vector.shape_cast %get3A_864 : vector<1x1x768xf32> to vector<1x768xf32>
    %add3A_866 = vector.broadcast %get3A_865 : vector<1x768xf32> to vector<1024x768xf32>
    %add3A_867 = arith.addf %dot_general3A_860, %add3A_866 : vector<1024x768xf32>
    %get3A_868 = arith.constant 0 : index
    %get3A_869 = arith.constant 0 : index
    %get3A_870 = arith.constant 0 : index
    %get3A_871 = vector.load %arg7[%get3A_868, %get3A_869, %get3A_870] : memref<1x4x768xf32, #tpu.memory_space<vmem>>, vector<1x4x768xf32>
    %get3A_872 = vector.shape_cast %get3A_871 : vector<1x4x768xf32> to vector<4x768xf32>
    %add3A_873 = arith.addf %get3A_3, %add3A_867 : vector<1024x768xf32>
    %slice3A = vector.extract_strided_slice %get3A_872 {offsets = [0, 0], sizes = [1, 768], strides = [1, 1]} : vector<4x768xf32> to vector<1x768xf32>
    %slice3A_874 = vector.extract_strided_slice %get3A_872 {offsets = [1, 0], sizes = [1, 768], strides = [1, 1]} : vector<4x768xf32> to vector<1x768xf32>
    %reduce_sum3A_875 = arith.constant dense<0.000000e+00> : vector<1024xf32>
    %reduce_sum3A_876 = vector.multi_reduction <add>, %add3A_873, %reduce_sum3A_875 [1] : vector<1024x768xf32> to vector<1024xf32>
    %broadcast_in_dim3A_877 = vector.shape_cast %reduce_sum3A_876 : vector<1024xf32> to vector<1024x1xf32>
    %div3A_878 = arith.constant 7.680000e+02 : f32
    %div3A_879 = vector.broadcast %div3A_878 : f32 to vector<1024x1xf32>
    %div3A_880 = arith.divf %broadcast_in_dim3A_877, %div3A_879 : vector<1024x1xf32>
    %jit3A = arith.constant 0 : i32
    %reduce_sum3A_881 = arith.constant dense<0.000000e+00> : vector<1024xf32>
    %reduce_sum3A_882 = vector.multi_reduction <add>, %add3A_873, %reduce_sum3A_881 [1] : vector<1024x768xf32> to vector<1024xf32>
    %broadcast_in_dim3A_883 = vector.shape_cast %reduce_sum3A_882 : vector<1024xf32> to vector<1024x1xf32>
    %div3A_884 = arith.constant 7.680000e+02 : f32
    %div3A_885 = vector.broadcast %div3A_884 : f32 to vector<1024x1xf32>
    %div3A_886 = arith.divf %broadcast_in_dim3A_883, %div3A_885 : vector<1024x1xf32>
    %sub3A_887 = vector.broadcast %div3A_886 : vector<1024x1xf32> to vector<1024x768xf32>
    %sub3A_888 = arith.subf %add3A_873, %sub3A_887 : vector<1024x768xf32>
    %square3A = arith.mulf %sub3A_888, %sub3A_888 : vector<1024x768xf32>
    %convert_element_type3A_889 = arith.sitofp %jit3A : i32 to f32
    %sub3A_890 = arith.constant 7.680000e+02 : f32
    %sub3A_891 = arith.subf %sub3A_890, %convert_element_type3A_889 : f32
    %reduce_sum3A_892 = arith.constant dense<0.000000e+00> : vector<1024xf32>
    %reduce_sum3A_893 = vector.multi_reduction <add>, %square3A, %reduce_sum3A_892 [1] : vector<1024x768xf32> to vector<1024xf32>
    %broadcast_in_dim3A_894 = vector.shape_cast %reduce_sum3A_893 : vector<1024xf32> to vector<1024x1xf32>
    %div3A_895 = vector.broadcast %sub3A_891 : f32 to vector<1024x1xf32>
    %div3A_896 = arith.divf %broadcast_in_dim3A_894, %div3A_895 : vector<1024x1xf32>
    %gt3A = arith.constant 0.000000e+00 : f32
    %gt3A_897 = arith.cmpf ogt, %sub3A_891, %gt3A : f32
    %jit3A_898 = arith.constant 0x7FC00000 : f32
    %broadcast_in_dim3A_899 = vector.broadcast %jit3A_898 : f32 to vector<1024x1xf32>
    %select_n3A = arith.select %gt3A_897, %div3A_896, %broadcast_in_dim3A_899 : vector<1024x1xf32>
    %sub3A_900 = vector.broadcast %div3A_880 : vector<1024x1xf32> to vector<1024x768xf32>
    %sub3A_901 = arith.subf %add3A_873, %sub3A_900 : vector<1024x768xf32>
    %add3A_902 = arith.constant 9.99999996E-13 : f32
    %add3A_903 = vector.broadcast %add3A_902 : f32 to vector<1024x1xf32>
    %add3A_904 = arith.addf %select_n3A, %add3A_903 : vector<1024x1xf32>
    %sqrt3A = math.sqrt %add3A_904 : vector<1024x1xf32>
    %div3A_905 = vector.broadcast %sqrt3A : vector<1024x1xf32> to vector<1024x768xf32>
    %div3A_906 = arith.divf %sub3A_901, %div3A_905 : vector<1024x768xf32>
    %mul3A_907 = vector.broadcast %slice3A : vector<1x768xf32> to vector<1024x768xf32>
    %mul3A_908 = arith.mulf %div3A_906, %mul3A_907 : vector<1024x768xf32>
    %add3A_909 = vector.broadcast %slice3A_874 : vector<1x768xf32> to vector<1024x768xf32>
    %add3A_910 = arith.addf %mul3A_908, %add3A_909 : vector<1024x768xf32>
    %get3A_911 = arith.constant 0 : index
    %get3A_912 = arith.constant 0 : index
    %get3A_913 = arith.constant 0 : index
    %get3A_914 = vector.load %arg8[%get3A_911, %get3A_912, %get3A_913] : memref<1x768x128xf32, #tpu.memory_space<vmem>>, vector<1x768x128xf32>
    %get3A_915 = vector.shape_cast %get3A_914 : vector<1x768x128xf32> to vector<768x128xf32>
    %dot_general3A_916 = arith.constant dense<0.000000e+00> : vector<1024x128xf32>
    %dot_general3A_917 = tpu.matmul %add3A_910, %get3A_915, %dot_general3A_916 {dimension_numbers = #tpu.dot_dimension_numbers<[1], [0], [0], [1], [0, 0, 1, 1], [], []>, transpose_lhs_hint = false} : vector<1024x768xf32>, vector<768x128xf32>, vector<1024x128xf32> -> vector<1024x128xf32>
    %get3A_918 = arith.constant 0 : index
    %get3A_919 = arith.constant 0 : index
    %get3A_920 = arith.constant 0 : index
    %get3A_921 = vector.load %arg9[%get3A_918, %get3A_919, %get3A_920] : memref<1x1x128xf32, #tpu.memory_space<vmem>>, vector<1x1x128xf32>
    %get3A_922 = vector.shape_cast %get3A_921 : vector<1x1x128xf32> to vector<1x128xf32>
    %add3A_923 = vector.broadcast %get3A_922 : vector<1x128xf32> to vector<1024x128xf32>
    %add3A_924 = arith.addf %dot_general3A_917, %add3A_923 : vector<1024x128xf32>
    %iota3A = tpu.iota {dimensions = array<i32: 1>} : vector<1024x128xi32>
    %lt3A = arith.constant 8 : i32
    %lt3A_925 = vector.broadcast %lt3A : i32 to vector<1024x128xi32>
    %lt3A_926 = arith.cmpi slt, %iota3A, %lt3A_925 : vector<1024x128xi32>
    %jit3A_927 = arith.constant -1.000000e+30 : f32
    %broadcast_in_dim3A_928 = vector.broadcast %jit3A_927 : f32 to vector<1024x128xf32>
    %select_n3A_929 = arith.select %lt3A_926, %add3A_924, %broadcast_in_dim3A_928 : vector<1024x128xi1>, vector<1024x128xf32>
    %reduce_max3A_930 = arith.constant dense<0xFF800000> : vector<1024xf32>
    %reduce_max3A_931 = vector.multi_reduction <maximumf>, %select_n3A_929, %reduce_max3A_930 [1] : vector<1024x128xf32> to vector<1024xf32>
    %broadcast_in_dim3A_932 = vector.shape_cast %reduce_max3A_931 : vector<1024xf32> to vector<1024x1xf32>
    %sub3A_933 = vector.broadcast %broadcast_in_dim3A_932 : vector<1024x1xf32> to vector<1024x128xf32>
    %sub3A_934 = arith.subf %select_n3A_929, %sub3A_933 : vector<1024x128xf32>
    %exp3A_935 = math.exp %sub3A_934 : vector<1024x128xf32>
    %reduce_sum3A_936 = arith.constant dense<0.000000e+00> : vector<1024xf32>
    %reduce_sum3A_937 = vector.multi_reduction <add>, %exp3A_935, %reduce_sum3A_936 [1] : vector<1024x128xf32> to vector<1024xf32>
    %broadcast_in_dim3A_938 = vector.shape_cast %reduce_sum3A_937 : vector<1024xf32> to vector<1024x1xf32>
    %div3A_939 = vector.broadcast %broadcast_in_dim3A_938 : vector<1024x1xf32> to vector<1024x128xf32>
    %div3A_940 = arith.divf %exp3A_935, %div3A_939 : vector<1024x128xf32>
    %reduce_max3A_941 = arith.constant dense<0xFF800000> : vector<1024xf32>
    %reduce_max3A_942 = vector.multi_reduction <maximumf>, %div3A_940, %reduce_max3A_941 [1] : vector<1024x128xf32> to vector<1024xf32>
    %broadcast_in_dim3A_943 = vector.shape_cast %reduce_max3A_942 : vector<1024xf32> to vector<1024x1xf32>
    %ge3A = vector.broadcast %broadcast_in_dim3A_943 : vector<1024x1xf32> to vector<1024x128xf32>
    %ge3A_944 = arith.cmpf oge, %div3A_940, %ge3A : vector<1024x128xf32>
    %jit3A_945 = arith.constant 128 : i32
    %broadcast_in_dim3A_946 = vector.broadcast %jit3A_945 : i32 to vector<1024x128xi32>
    %select_n3A_947 = arith.select %ge3A_944, %iota3A, %broadcast_in_dim3A_946 : vector<1024x128xi1>, vector<1024x128xi32>
    %reduce_min3A = arith.constant dense<2147483647> : vector<1024xi32>
    %reduce_min3A_948 = vector.multi_reduction <minsi>, %select_n3A_947, %reduce_min3A [1] : vector<1024x128xi32> to vector<1024xi32>
    %broadcast_in_dim3A_949 = vector.shape_cast %reduce_min3A_948 : vector<1024xi32> to vector<1024x1xi32>
    %eq3A_950 = vector.broadcast %broadcast_in_dim3A_949 : vector<1024x1xi32> to vector<1024x128xi32>
    %eq3A_951 = arith.cmpi eq, %iota3A, %eq3A_950 : vector<1024x128xi32>
    %jit3A_952 = arith.constant -1.000000e+00 : f32
    %broadcast_in_dim3A_953 = vector.broadcast %jit3A_952 : f32 to vector<1024x128xf32>
    %select_n3A_954 = arith.select %eq3A_951, %broadcast_in_dim3A_953, %div3A_940 : vector<1024x128xi1>, vector<1024x128xf32>
    %reduce_max3A_955 = arith.constant dense<0xFF800000> : vector<1024xf32>
    %reduce_max3A_956 = vector.multi_reduction <maximumf>, %select_n3A_954, %reduce_max3A_955 [1] : vector<1024x128xf32> to vector<1024xf32>
    %broadcast_in_dim3A_957 = vector.shape_cast %reduce_max3A_956 : vector<1024xf32> to vector<1024x1xf32>
    %ge3A_958 = vector.broadcast %broadcast_in_dim3A_957 : vector<1024x1xf32> to vector<1024x128xf32>
    %ge3A_959 = arith.cmpf oge, %select_n3A_954, %ge3A_958 : vector<1024x128xf32>
    %jit3A_960 = arith.constant 128 : i32
    %broadcast_in_dim3A_961 = vector.broadcast %jit3A_960 : i32 to vector<1024x128xi32>
    %select_n3A_962 = arith.select %ge3A_959, %iota3A, %broadcast_in_dim3A_961 : vector<1024x128xi1>, vector<1024x128xi32>
    %reduce_min3A_963 = arith.constant dense<2147483647> : vector<1024xi32>
    %reduce_min3A_964 = vector.multi_reduction <minsi>, %select_n3A_962, %reduce_min3A_963 [1] : vector<1024x128xi32> to vector<1024xi32>
    %broadcast_in_dim3A_965 = vector.shape_cast %reduce_min3A_964 : vector<1024xi32> to vector<1024x1xi32>
    %add3A_966 = arith.addf %broadcast_in_dim3A_943, %broadcast_in_dim3A_957 : vector<1024x1xf32>
    %add3A_967 = arith.constant 9.99999971E-10 : f32
    %add3A_968 = vector.broadcast %add3A_967 : f32 to vector<1024x1xf32>
    %add3A_969 = arith.addf %add3A_966, %add3A_968 : vector<1024x1xf32>
    %div3A_970 = arith.divf %broadcast_in_dim3A_943, %add3A_969 : vector<1024x1xf32>
    %div3A_971 = arith.divf %broadcast_in_dim3A_957, %add3A_969 : vector<1024x1xf32>
    %get3A_972 = arith.constant 0 : index
    %get3A_973 = arith.constant 0 : index
    %get3A_974 = arith.constant 0 : index
    %get3A_975 = vector.load %arg10[%get3A_972, %get3A_973, %get3A_974] : memref<1x768x768xf32, #tpu.memory_space<vmem>>, vector<1x768x768xf32>
    %get3A_976 = vector.shape_cast %get3A_975 : vector<1x768x768xf32> to vector<768x768xf32>
    %dot_general3A_977 = arith.constant dense<0.000000e+00> : vector<1024x768xf32>
    %dot_general3A_978 = tpu.matmul %add3A_910, %get3A_976, %dot_general3A_977 {dimension_numbers = #tpu.dot_dimension_numbers<[1], [0], [0], [1], [0, 0, 1, 1], [], []>, transpose_lhs_hint = false} : vector<1024x768xf32>, vector<768x768xf32>, vector<1024x768xf32> -> vector<1024x768xf32>
    %get3A_979 = arith.constant 0 : index
    %get3A_980 = arith.constant 0 : index
    %get3A_981 = arith.constant 0 : index
    %get3A_982 = vector.load %arg11[%get3A_979, %get3A_980, %get3A_981] : memref<1x1x768xf32, #tpu.memory_space<vmem>>, vector<1x1x768xf32>
    %get3A_983 = vector.shape_cast %get3A_982 : vector<1x1x768xf32> to vector<1x768xf32>
    %add3A_984 = vector.broadcast %get3A_983 : vector<1x768xf32> to vector<1024x768xf32>
    %add3A_985 = arith.addf %dot_general3A_978, %add3A_984 : vector<1024x768xf32>
    %integer_pow3A = arith.mulf %add3A_985, %add3A_985 : vector<1024x768xf32>
    %integer_pow3A_986 = arith.mulf %add3A_985, %integer_pow3A : vector<1024x768xf32>
    %mul3A_987 = arith.constant 4.471500e-02 : f32
    %mul3A_988 = vector.broadcast %mul3A_987 : f32 to vector<1024x768xf32>
    %mul3A_989 = arith.mulf %mul3A_988, %integer_pow3A_986 : vector<1024x768xf32>
    %add3A_990 = arith.addf %add3A_985, %mul3A_989 : vector<1024x768xf32>
    %mul3A_991 = arith.constant 0.797884583 : f32
    %mul3A_992 = vector.broadcast %mul3A_991 : f32 to vector<1024x768xf32>
    %mul3A_993 = arith.mulf %mul3A_992, %add3A_990 : vector<1024x768xf32>
    %tanh3A = math.tanh %mul3A_993 : vector<1024x768xf32>
    %add3A_994 = arith.constant 1.000000e+00 : f32
    %add3A_995 = vector.broadcast %add3A_994 : f32 to vector<1024x768xf32>
    %add3A_996 = arith.addf %add3A_995, %tanh3A : vector<1024x768xf32>
    %mul3A_997 = arith.constant 5.000000e-01 : f32
    %mul3A_998 = vector.broadcast %mul3A_997 : f32 to vector<1024x768xf32>
    %mul3A_999 = arith.mulf %mul3A_998, %add3A_996 : vector<1024x768xf32>
    %mul3A_1000 = arith.mulf %add3A_985, %mul3A_999 : vector<1024x768xf32>
    %eq3A_1001 = arith.constant 0 : i32
    %eq3A_1002 = vector.broadcast %eq3A_1001 : i32 to vector<1024x1xi32>
    %eq3A_1003 = arith.cmpi eq, %broadcast_in_dim3A_949, %eq3A_1002 : vector<1024x1xi32>
    %jit3A_1004 = arith.constant 0.000000e+00 : f32
    %broadcast_in_dim3A_1005 = vector.broadcast %jit3A_1004 : f32 to vector<1024x1xf32>
    %select_n3A_1006 = arith.select %eq3A_1003, %div3A_970, %broadcast_in_dim3A_1005 : vector<1024x1xi1>, vector<1024x1xf32>
    %eq3A_1007 = arith.constant 0 : i32
    %eq3A_1008 = vector.broadcast %eq3A_1007 : i32 to vector<1024x1xi32>
    %eq3A_1009 = arith.cmpi eq, %broadcast_in_dim3A_965, %eq3A_1008 : vector<1024x1xi32>
    %jit3A_1010 = arith.constant 0.000000e+00 : f32
    %broadcast_in_dim3A_1011 = vector.broadcast %jit3A_1010 : f32 to vector<1024x1xf32>
    %select_n3A_1012 = arith.select %eq3A_1009, %div3A_971, %broadcast_in_dim3A_1011 : vector<1024x1xi1>, vector<1024x1xf32>
    %add3A_1013 = arith.addf %select_n3A_1006, %select_n3A_1012 : vector<1024x1xf32>
    %slice3A_1014 = vector.extract_strided_slice %add3A_910 {offsets = [0, 0], sizes = [256, 768], strides = [1, 1]} : vector<1024x768xf32> to vector<256x768xf32>
    %slice3A_1015 = vector.extract_strided_slice %add3A_1013 {offsets = [0, 0], sizes = [256, 1], strides = [1, 1]} : vector<1024x1xf32> to vector<256x1xf32>
    %slice3A_1016 = vector.extract_strided_slice %mul3A_1000 {offsets = [0, 0], sizes = [256, 768], strides = [1, 1]} : vector<1024x768xf32> to vector<256x768xf32>
    %mul3A_1017 = vector.broadcast %slice3A_1015 : vector<256x1xf32> to vector<256x768xf32>
    %mul3A_1018 = arith.mulf %mul3A_1017, %slice3A_1016 : vector<256x768xf32>
    %scan3A = arith.constant 0 : i32
    %scan3A_1019 = arith.constant 7 : i32
    %scan3A_1020 = arith.addi %scan3A, %scan3A_1019 : i32
    %scan3A_1021 = arith.constant 1 : i32
    %scan3A_1022 = scf.for %scan3A_1140 = %scan3A to %scan3A_1020 step %scan3A_1021 iter_args(%scan3A_1141 = %mul3A_1018) -> (vector<256x768xf32>)  : i32 {
      %get3A_1142 = arith.constant 0 : index
      %get3A_1143 = arith.index_cast %scan3A_1140 : i32 to index
      %get3A_1144 = arith.constant 0 : index
      %get3A_1145 = arith.constant 0 : index
      %get3A_1146 = vector.load %arg12[%get3A_1142, %get3A_1143, %get3A_1144, %get3A_1145] : memref<1x7x32x64xf32, #tpu.memory_space<vmem>>, vector<1x1x32x64xf32>
      %get3A_1147 = vector.shape_cast %get3A_1146 : vector<1x1x32x64xf32> to vector<32x64xf32>
      %get3A_1148 = arith.constant 0 : index
      %get3A_1149 = arith.index_cast %scan3A_1140 : i32 to index
      %get3A_1150 = arith.constant 0 : index
      %get3A_1151 = vector.load %arg13[%get3A_1148, %get3A_1149, %get3A_1150] : memref<1x7x64xf32, #tpu.memory_space<vmem>>, vector<1x1x64xf32>
      %get3A_1152 = vector.shape_cast %get3A_1151 : vector<1x1x64xf32> to vector<64xf32>
      %get3A_1153 = arith.constant 0 : index
      %get3A_1154 = arith.index_cast %scan3A_1140 : i32 to index
      %get3A_1155 = arith.constant 0 : index
      %get3A_1156 = arith.constant 0 : index
      %get3A_1157 = vector.load %arg14[%get3A_1153, %get3A_1154, %get3A_1155, %get3A_1156] : memref<1x7x24x64xf32, #tpu.memory_space<vmem>>, vector<1x1x24x64xf32>
      %get3A_1158 = vector.shape_cast %get3A_1157 : vector<1x1x24x64xf32> to vector<24x64xf32>
      %get3A_1159 = arith.constant 0 : index
      %get3A_1160 = arith.index_cast %scan3A_1140 : i32 to index
      %get3A_1161 = arith.constant 0 : index
      %get3A_1162 = vector.load %arg15[%get3A_1159, %get3A_1160, %get3A_1161] : memref<1x7x64xf32, #tpu.memory_space<vmem>>, vector<1x1x64xf32>
      %get3A_1163 = vector.shape_cast %get3A_1162 : vector<1x1x64xf32> to vector<64xf32>
      %get3A_1164 = arith.constant 0 : index
      %get3A_1165 = arith.index_cast %scan3A_1140 : i32 to index
      %get3A_1166 = arith.constant 0 : index
      %get3A_1167 = arith.constant 0 : index
      %get3A_1168 = vector.load %arg16[%get3A_1164, %get3A_1165, %get3A_1166, %get3A_1167] : memref<1x7x64x32xf32, #tpu.memory_space<vmem>>, vector<1x1x64x32xf32>
      %get3A_1169 = vector.shape_cast %get3A_1168 : vector<1x1x64x32xf32> to vector<64x32xf32>
      %get3A_1170 = arith.constant 0 : index
      %get3A_1171 = arith.index_cast %scan3A_1140 : i32 to index
      %get3A_1172 = arith.constant 0 : index
      %get3A_1173 = vector.load %arg17[%get3A_1170, %get3A_1171, %get3A_1172] : memref<1x7x32xf32, #tpu.memory_space<vmem>>, vector<1x1x32xf32>
      %get3A_1174 = vector.shape_cast %get3A_1173 : vector<1x1x32xf32> to vector<32xf32>
      %get3A_1175 = arith.constant 0 : index
      %get3A_1176 = arith.index_cast %scan3A_1140 : i32 to index
      %get3A_1177 = arith.constant 0 : index
      %get3A_1178 = arith.constant 0 : index
      %get3A_1179 = vector.load %arg18[%get3A_1175, %get3A_1176, %get3A_1177, %get3A_1178] : memref<1x7x64x24xf32, #tpu.memory_space<vmem>>, vector<1x1x64x24xf32>
      %get3A_1180 = vector.shape_cast %get3A_1179 : vector<1x1x64x24xf32> to vector<64x24xf32>
      %get3A_1181 = arith.constant 0 : index
      %get3A_1182 = arith.index_cast %scan3A_1140 : i32 to index
      %get3A_1183 = arith.constant 0 : index
      %get3A_1184 = vector.load %arg19[%get3A_1181, %get3A_1182, %get3A_1183] : memref<1x7x24xf32, #tpu.memory_space<vmem>>, vector<1x1x24xf32>
      %get3A_1185 = vector.shape_cast %get3A_1184 : vector<1x1x24xf32> to vector<24xf32>
      %get3A_1186 = arith.constant 0 : index
      %get3A_1187 = arith.index_cast %scan3A_1140 : i32 to index
      %get3A_1188 = arith.constant 0 : index
      %get3A_1189 = vector.load %arg20[%get3A_1186, %get3A_1187, %get3A_1188] : memref<1x7x768xf32, #tpu.memory_space<vmem>>, vector<1x1x768xf32>
      %get3A_1190 = vector.shape_cast %get3A_1189 : vector<1x1x768xf32> to vector<768xf32>
      %reshape3A = vector.shape_cast %slice3A_1014 : vector<256x768xf32> to vector<256x24x32xf32>
      %dot_general3A_1191 = arith.constant dense<0.000000e+00> : vector<256x24x64xf32>
      %dot_general3A_1192 = tpu.matmul %reshape3A, %get3A_1147, %dot_general3A_1191 {dimension_numbers = #tpu.dot_dimension_numbers<[2], [0], [0, 1], [1], [0, 0, 0, 1, 1, 1], [], []>, transpose_lhs_hint = false} : vector<256x24x32xf32>, vector<32x64xf32>, vector<256x24x64xf32> -> vector<256x24x64xf32>
      %reshape3A_1193 = vector.shape_cast %get3A_1152 : vector<64xf32> to vector<1x1x64xf32>
      %add3A_1194 = vector.broadcast %reshape3A_1193 : vector<1x1x64xf32> to vector<256x24x64xf32>
      %add3A_1195 = arith.addf %dot_general3A_1192, %add3A_1194 : vector<256x24x64xf32>
      %transpose3A = tpu.transpose %add3A_1195, [0, 2, 1] : vector<256x24x64xf32> -> vector<256x64x24xf32>
      %dot_general3A_1196 = arith.constant dense<0.000000e+00> : vector<256x64x64xf32>
      %dot_general3A_1197 = tpu.matmul %transpose3A, %get3A_1158, %dot_general3A_1196 {dimension_numbers = #tpu.dot_dimension_numbers<[2], [0], [0, 1], [1], [0, 0, 0, 1, 1, 1], [], []>, transpose_lhs_hint = false} : vector<256x64x24xf32>, vector<24x64xf32>, vector<256x64x64xf32> -> vector<256x64x64xf32>
      %reshape3A_1198 = vector.shape_cast %get3A_1163 : vector<64xf32> to vector<1x1x64xf32>
      %add3A_1199 = vector.broadcast %reshape3A_1198 : vector<1x1x64xf32> to vector<256x64x64xf32>
      %add3A_1200 = arith.addf %dot_general3A_1197, %add3A_1199 : vector<256x64x64xf32>
      %integer_pow3A_1201 = arith.mulf %add3A_1200, %add3A_1200 : vector<256x64x64xf32>
      %integer_pow3A_1202 = arith.mulf %add3A_1200, %integer_pow3A_1201 : vector<256x64x64xf32>
      %mul3A_1203 = arith.constant 4.471500e-02 : f32
      %mul3A_1204 = vector.broadcast %mul3A_1203 : f32 to vector<256x64x64xf32>
      %mul3A_1205 = arith.mulf %mul3A_1204, %integer_pow3A_1202 : vector<256x64x64xf32>
      %add3A_1206 = arith.addf %add3A_1200, %mul3A_1205 : vector<256x64x64xf32>
      %mul3A_1207 = arith.constant 0.797884583 : f32
      %mul3A_1208 = vector.broadcast %mul3A_1207 : f32 to vector<256x64x64xf32>
      %mul3A_1209 = arith.mulf %mul3A_1208, %add3A_1206 : vector<256x64x64xf32>
      %tanh3A_1210 = math.tanh %mul3A_1209 : vector<256x64x64xf32>
      %add3A_1211 = arith.constant 1.000000e+00 : f32
      %add3A_1212 = vector.broadcast %add3A_1211 : f32 to vector<256x64x64xf32>
      %add3A_1213 = arith.addf %add3A_1212, %tanh3A_1210 : vector<256x64x64xf32>
      %mul3A_1214 = arith.constant 5.000000e-01 : f32
      %mul3A_1215 = vector.broadcast %mul3A_1214 : f32 to vector<256x64x64xf32>
      %mul3A_1216 = arith.mulf %mul3A_1215, %add3A_1213 : vector<256x64x64xf32>
      %mul3A_1217 = arith.mulf %add3A_1200, %mul3A_1216 : vector<256x64x64xf32>
      %transpose3A_1218 = tpu.transpose %mul3A_1217, [0, 2, 1] : vector<256x64x64xf32> -> vector<256x64x64xf32>
      %dot_general3A_1219 = arith.constant dense<0.000000e+00> : vector<256x64x32xf32>
      %dot_general3A_1220 = tpu.matmul %transpose3A_1218, %get3A_1169, %dot_general3A_1219 {dimension_numbers = #tpu.dot_dimension_numbers<[2], [0], [0, 1], [1], [0, 0, 0, 1, 1, 1], [], []>, transpose_lhs_hint = false} : vector<256x64x64xf32>, vector<64x32xf32>, vector<256x64x32xf32> -> vector<256x64x32xf32>
      %reshape3A_1221 = vector.shape_cast %get3A_1174 : vector<32xf32> to vector<1x1x32xf32>
      %add3A_1222 = vector.broadcast %reshape3A_1221 : vector<1x1x32xf32> to vector<256x64x32xf32>
      %add3A_1223 = arith.addf %dot_general3A_1220, %add3A_1222 : vector<256x64x32xf32>
      %transpose3A_1224 = tpu.transpose %add3A_1223, [0, 2, 1] : vector<256x64x32xf32> -> vector<256x32x64xf32>
      %dot_general3A_1225 = arith.constant dense<0.000000e+00> : vector<256x32x24xf32>
      %dot_general3A_1226 = tpu.matmul %transpose3A_1224, %get3A_1180, %dot_general3A_1225 {dimension_numbers = #tpu.dot_dimension_numbers<[2], [0], [0, 1], [1], [0, 0, 0, 1, 1, 1], [], []>, transpose_lhs_hint = false} : vector<256x32x64xf32>, vector<64x24xf32>, vector<256x32x24xf32> -> vector<256x32x24xf32>
      %reshape3A_1227 = vector.shape_cast %get3A_1185 : vector<24xf32> to vector<1x1x24xf32>
      %add3A_1228 = vector.broadcast %reshape3A_1227 : vector<1x1x24xf32> to vector<256x32x24xf32>
      %add3A_1229 = arith.addf %dot_general3A_1226, %add3A_1228 : vector<256x32x24xf32>
      %reshape3A_1230 = vector.shape_cast %add3A_1229 : vector<256x32x24xf32> to vector<256x768xf32>
      %reshape3A_1231 = vector.shape_cast %get3A_1190 : vector<768xf32> to vector<1x768xf32>
      %add3A_1232 = vector.broadcast %reshape3A_1231 : vector<1x768xf32> to vector<256x768xf32>
      %add3A_1233 = arith.addf %reshape3A_1230, %add3A_1232 : vector<256x768xf32>
      %add3A_1234 = arith.constant 1 : i32
      %add3A_1235 = arith.addi %scan3A_1140, %add3A_1234 : i32
      %eq3A_1236 = vector.broadcast %add3A_1235 : i32 to vector<1024x1xi32>
      %eq3A_1237 = arith.cmpi eq, %broadcast_in_dim3A_949, %eq3A_1236 : vector<1024x1xi32>
      %jit3A_1238 = arith.constant 0.000000e+00 : f32
      %broadcast_in_dim3A_1239 = vector.broadcast %jit3A_1238 : f32 to vector<1024x1xf32>
      %select_n3A_1240 = arith.select %eq3A_1237, %div3A_970, %broadcast_in_dim3A_1239 : vector<1024x1xi1>, vector<1024x1xf32>
      %eq3A_1241 = vector.broadcast %add3A_1235 : i32 to vector<1024x1xi32>
      %eq3A_1242 = arith.cmpi eq, %broadcast_in_dim3A_965, %eq3A_1241 : vector<1024x1xi32>
      %jit3A_1243 = arith.constant 0.000000e+00 : f32
      %broadcast_in_dim3A_1244 = vector.broadcast %jit3A_1243 : f32 to vector<1024x1xf32>
      %select_n3A_1245 = arith.select %eq3A_1242, %div3A_971, %broadcast_in_dim3A_1244 : vector<1024x1xi1>, vector<1024x1xf32>
      %add3A_1246 = arith.addf %select_n3A_1240, %select_n3A_1245 : vector<1024x1xf32>
      %slice3A_1247 = vector.extract_strided_slice %add3A_1246 {offsets = [0, 0], sizes = [256, 1], strides = [1, 1]} : vector<1024x1xf32> to vector<256x1xf32>
      %mul3A_1248 = vector.broadcast %slice3A_1247 : vector<256x1xf32> to vector<256x768xf32>
      %mul3A_1249 = arith.mulf %mul3A_1248, %add3A_1233 : vector<256x768xf32>
      %add3A_1250 = arith.addf %scan3A_1141, %mul3A_1249 : vector<256x768xf32>
      scf.yield %add3A_1250 : vector<256x768xf32>
    }
    %scan3A_1023 = arith.constant 7 : i32
    %slice3A_1024 = vector.extract_strided_slice %add3A_910 {offsets = [256, 0], sizes = [256, 768], strides = [1, 1]} : vector<1024x768xf32> to vector<256x768xf32>
    %slice3A_1025 = vector.extract_strided_slice %add3A_1013 {offsets = [256, 0], sizes = [256, 1], strides = [1, 1]} : vector<1024x1xf32> to vector<256x1xf32>
    %slice3A_1026 = vector.extract_strided_slice %mul3A_1000 {offsets = [256, 0], sizes = [256, 768], strides = [1, 1]} : vector<1024x768xf32> to vector<256x768xf32>
    %mul3A_1027 = vector.broadcast %slice3A_1025 : vector<256x1xf32> to vector<256x768xf32>
    %mul3A_1028 = arith.mulf %mul3A_1027, %slice3A_1026 : vector<256x768xf32>
    %scan3A_1029 = arith.constant 0 : i32
    %scan3A_1030 = arith.constant 7 : i32
    %scan3A_1031 = arith.addi %scan3A_1029, %scan3A_1030 : i32
    %scan3A_1032 = arith.constant 1 : i32
    %scan3A_1033 = scf.for %scan3A_1140 = %scan3A_1029 to %scan3A_1031 step %scan3A_1032 iter_args(%scan3A_1141 = %mul3A_1028) -> (vector<256x768xf32>)  : i32 {
      %get3A_1142 = arith.constant 0 : index
      %get3A_1143 = arith.index_cast %scan3A_1140 : i32 to index
      %get3A_1144 = arith.constant 0 : index
      %get3A_1145 = arith.constant 0 : index
      %get3A_1146 = vector.load %arg12[%get3A_1142, %get3A_1143, %get3A_1144, %get3A_1145] : memref<1x7x32x64xf32, #tpu.memory_space<vmem>>, vector<1x1x32x64xf32>
      %get3A_1147 = vector.shape_cast %get3A_1146 : vector<1x1x32x64xf32> to vector<32x64xf32>
      %get3A_1148 = arith.constant 0 : index
      %get3A_1149 = arith.index_cast %scan3A_1140 : i32 to index
      %get3A_1150 = arith.constant 0 : index
      %get3A_1151 = vector.load %arg13[%get3A_1148, %get3A_1149, %get3A_1150] : memref<1x7x64xf32, #tpu.memory_space<vmem>>, vector<1x1x64xf32>
      %get3A_1152 = vector.shape_cast %get3A_1151 : vector<1x1x64xf32> to vector<64xf32>
      %get3A_1153 = arith.constant 0 : index
      %get3A_1154 = arith.index_cast %scan3A_1140 : i32 to index
      %get3A_1155 = arith.constant 0 : index
      %get3A_1156 = arith.constant 0 : index
      %get3A_1157 = vector.load %arg14[%get3A_1153, %get3A_1154, %get3A_1155, %get3A_1156] : memref<1x7x24x64xf32, #tpu.memory_space<vmem>>, vector<1x1x24x64xf32>
      %get3A_1158 = vector.shape_cast %get3A_1157 : vector<1x1x24x64xf32> to vector<24x64xf32>
      %get3A_1159 = arith.constant 0 : index
      %get3A_1160 = arith.index_cast %scan3A_1140 : i32 to index
      %get3A_1161 = arith.constant 0 : index
      %get3A_1162 = vector.load %arg15[%get3A_1159, %get3A_1160, %get3A_1161] : memref<1x7x64xf32, #tpu.memory_space<vmem>>, vector<1x1x64xf32>
      %get3A_1163 = vector.shape_cast %get3A_1162 : vector<1x1x64xf32> to vector<64xf32>
      %get3A_1164 = arith.constant 0 : index
      %get3A_1165 = arith.index_cast %scan3A_1140 : i32 to index
      %get3A_1166 = arith.constant 0 : index
      %get3A_1167 = arith.constant 0 : index
      %get3A_1168 = vector.load %arg16[%get3A_1164, %get3A_1165, %get3A_1166, %get3A_1167] : memref<1x7x64x32xf32, #tpu.memory_space<vmem>>, vector<1x1x64x32xf32>
      %get3A_1169 = vector.shape_cast %get3A_1168 : vector<1x1x64x32xf32> to vector<64x32xf32>
      %get3A_1170 = arith.constant 0 : index
      %get3A_1171 = arith.index_cast %scan3A_1140 : i32 to index
      %get3A_1172 = arith.constant 0 : index
      %get3A_1173 = vector.load %arg17[%get3A_1170, %get3A_1171, %get3A_1172] : memref<1x7x32xf32, #tpu.memory_space<vmem>>, vector<1x1x32xf32>
      %get3A_1174 = vector.shape_cast %get3A_1173 : vector<1x1x32xf32> to vector<32xf32>
      %get3A_1175 = arith.constant 0 : index
      %get3A_1176 = arith.index_cast %scan3A_1140 : i32 to index
      %get3A_1177 = arith.constant 0 : index
      %get3A_1178 = arith.constant 0 : index
      %get3A_1179 = vector.load %arg18[%get3A_1175, %get3A_1176, %get3A_1177, %get3A_1178] : memref<1x7x64x24xf32, #tpu.memory_space<vmem>>, vector<1x1x64x24xf32>
      %get3A_1180 = vector.shape_cast %get3A_1179 : vector<1x1x64x24xf32> to vector<64x24xf32>
      %get3A_1181 = arith.constant 0 : index
      %get3A_1182 = arith.index_cast %scan3A_1140 : i32 to index
      %get3A_1183 = arith.constant 0 : index
      %get3A_1184 = vector.load %arg19[%get3A_1181, %get3A_1182, %get3A_1183] : memref<1x7x24xf32, #tpu.memory_space<vmem>>, vector<1x1x24xf32>
      %get3A_1185 = vector.shape_cast %get3A_1184 : vector<1x1x24xf32> to vector<24xf32>
      %get3A_1186 = arith.constant 0 : index
      %get3A_1187 = arith.index_cast %scan3A_1140 : i32 to index
      %get3A_1188 = arith.constant 0 : index
      %get3A_1189 = vector.load %arg20[%get3A_1186, %get3A_1187, %get3A_1188] : memref<1x7x768xf32, #tpu.memory_space<vmem>>, vector<1x1x768xf32>
      %get3A_1190 = vector.shape_cast %get3A_1189 : vector<1x1x768xf32> to vector<768xf32>
      %reshape3A = vector.shape_cast %slice3A_1024 : vector<256x768xf32> to vector<256x24x32xf32>
      %dot_general3A_1191 = arith.constant dense<0.000000e+00> : vector<256x24x64xf32>
      %dot_general3A_1192 = tpu.matmul %reshape3A, %get3A_1147, %dot_general3A_1191 {dimension_numbers = #tpu.dot_dimension_numbers<[2], [0], [0, 1], [1], [0, 0, 0, 1, 1, 1], [], []>, transpose_lhs_hint = false} : vector<256x24x32xf32>, vector<32x64xf32>, vector<256x24x64xf32> -> vector<256x24x64xf32>
      %reshape3A_1193 = vector.shape_cast %get3A_1152 : vector<64xf32> to vector<1x1x64xf32>
      %add3A_1194 = vector.broadcast %reshape3A_1193 : vector<1x1x64xf32> to vector<256x24x64xf32>
      %add3A_1195 = arith.addf %dot_general3A_1192, %add3A_1194 : vector<256x24x64xf32>
      %transpose3A = tpu.transpose %add3A_1195, [0, 2, 1] : vector<256x24x64xf32> -> vector<256x64x24xf32>
      %dot_general3A_1196 = arith.constant dense<0.000000e+00> : vector<256x64x64xf32>
      %dot_general3A_1197 = tpu.matmul %transpose3A, %get3A_1158, %dot_general3A_1196 {dimension_numbers = #tpu.dot_dimension_numbers<[2], [0], [0, 1], [1], [0, 0, 0, 1, 1, 1], [], []>, transpose_lhs_hint = false} : vector<256x64x24xf32>, vector<24x64xf32>, vector<256x64x64xf32> -> vector<256x64x64xf32>
      %reshape3A_1198 = vector.shape_cast %get3A_1163 : vector<64xf32> to vector<1x1x64xf32>
      %add3A_1199 = vector.broadcast %reshape3A_1198 : vector<1x1x64xf32> to vector<256x64x64xf32>
      %add3A_1200 = arith.addf %dot_general3A_1197, %add3A_1199 : vector<256x64x64xf32>
      %integer_pow3A_1201 = arith.mulf %add3A_1200, %add3A_1200 : vector<256x64x64xf32>
      %integer_pow3A_1202 = arith.mulf %add3A_1200, %integer_pow3A_1201 : vector<256x64x64xf32>
      %mul3A_1203 = arith.constant 4.471500e-02 : f32
      %mul3A_1204 = vector.broadcast %mul3A_1203 : f32 to vector<256x64x64xf32>
      %mul3A_1205 = arith.mulf %mul3A_1204, %integer_pow3A_1202 : vector<256x64x64xf32>
      %add3A_1206 = arith.addf %add3A_1200, %mul3A_1205 : vector<256x64x64xf32>
      %mul3A_1207 = arith.constant 0.797884583 : f32
      %mul3A_1208 = vector.broadcast %mul3A_1207 : f32 to vector<256x64x64xf32>
      %mul3A_1209 = arith.mulf %mul3A_1208, %add3A_1206 : vector<256x64x64xf32>
      %tanh3A_1210 = math.tanh %mul3A_1209 : vector<256x64x64xf32>
      %add3A_1211 = arith.constant 1.000000e+00 : f32
      %add3A_1212 = vector.broadcast %add3A_1211 : f32 to vector<256x64x64xf32>
      %add3A_1213 = arith.addf %add3A_1212, %tanh3A_1210 : vector<256x64x64xf32>
      %mul3A_1214 = arith.constant 5.000000e-01 : f32
      %mul3A_1215 = vector.broadcast %mul3A_1214 : f32 to vector<256x64x64xf32>
      %mul3A_1216 = arith.mulf %mul3A_1215, %add3A_1213 : vector<256x64x64xf32>
      %mul3A_1217 = arith.mulf %add3A_1200, %mul3A_1216 : vector<256x64x64xf32>
      %transpose3A_1218 = tpu.transpose %mul3A_1217, [0, 2, 1] : vector<256x64x64xf32> -> vector<256x64x64xf32>
      %dot_general3A_1219 = arith.constant dense<0.000000e+00> : vector<256x64x32xf32>
      %dot_general3A_1220 = tpu.matmul %transpose3A_1218, %get3A_1169, %dot_general3A_1219 {dimension_numbers = #tpu.dot_dimension_numbers<[2], [0], [0, 1], [1], [0, 0, 0, 1, 1, 1], [], []>, transpose_lhs_hint = false} : vector<256x64x64xf32>, vector<64x32xf32>, vector<256x64x32xf32> -> vector<256x64x32xf32>
      %reshape3A_1221 = vector.shape_cast %get3A_1174 : vector<32xf32> to vector<1x1x32xf32>
      %add3A_1222 = vector.broadcast %reshape3A_1221 : vector<1x1x32xf32> to vector<256x64x32xf32>
      %add3A_1223 = arith.addf %dot_general3A_1220, %add3A_1222 : vector<256x64x32xf32>
      %transpose3A_1224 = tpu.transpose %add3A_1223, [0, 2, 1] : vector<256x64x32xf32> -> vector<256x32x64xf32>
      %dot_general3A_1225 = arith.constant dense<0.000000e+00> : vector<256x32x24xf32>
      %dot_general3A_1226 = tpu.matmul %transpose3A_1224, %get3A_1180, %dot_general3A_1225 {dimension_numbers = #tpu.dot_dimension_numbers<[2], [0], [0, 1], [1], [0, 0, 0, 1, 1, 1], [], []>, transpose_lhs_hint = false} : vector<256x32x64xf32>, vector<64x24xf32>, vector<256x32x24xf32> -> vector<256x32x24xf32>
      %reshape3A_1227 = vector.shape_cast %get3A_1185 : vector<24xf32> to vector<1x1x24xf32>
      %add3A_1228 = vector.broadcast %reshape3A_1227 : vector<1x1x24xf32> to vector<256x32x24xf32>
      %add3A_1229 = arith.addf %dot_general3A_1226, %add3A_1228 : vector<256x32x24xf32>
      %reshape3A_1230 = vector.shape_cast %add3A_1229 : vector<256x32x24xf32> to vector<256x768xf32>
      %reshape3A_1231 = vector.shape_cast %get3A_1190 : vector<768xf32> to vector<1x768xf32>
      %add3A_1232 = vector.broadcast %reshape3A_1231 : vector<1x768xf32> to vector<256x768xf32>
      %add3A_1233 = arith.addf %reshape3A_1230, %add3A_1232 : vector<256x768xf32>
      %add3A_1234 = arith.constant 1 : i32
      %add3A_1235 = arith.addi %scan3A_1140, %add3A_1234 : i32
      %eq3A_1236 = vector.broadcast %add3A_1235 : i32 to vector<1024x1xi32>
      %eq3A_1237 = arith.cmpi eq, %broadcast_in_dim3A_949, %eq3A_1236 : vector<1024x1xi32>
      %jit3A_1238 = arith.constant 0.000000e+00 : f32
      %broadcast_in_dim3A_1239 = vector.broadcast %jit3A_1238 : f32 to vector<1024x1xf32>
      %select_n3A_1240 = arith.select %eq3A_1237, %div3A_970, %broadcast_in_dim3A_1239 : vector<1024x1xi1>, vector<1024x1xf32>
      %eq3A_1241 = vector.broadcast %add3A_1235 : i32 to vector<1024x1xi32>
      %eq3A_1242 = arith.cmpi eq, %broadcast_in_dim3A_965, %eq3A_1241 : vector<1024x1xi32>
      %jit3A_1243 = arith.constant 0.000000e+00 : f32
      %broadcast_in_dim3A_1244 = vector.broadcast %jit3A_1243 : f32 to vector<1024x1xf32>
      %select_n3A_1245 = arith.select %eq3A_1242, %div3A_971, %broadcast_in_dim3A_1244 : vector<1024x1xi1>, vector<1024x1xf32>
      %add3A_1246 = arith.addf %select_n3A_1240, %select_n3A_1245 : vector<1024x1xf32>
      %slice3A_1247 = vector.extract_strided_slice %add3A_1246 {offsets = [256, 0], sizes = [256, 1], strides = [1, 1]} : vector<1024x1xf32> to vector<256x1xf32>
      %mul3A_1248 = vector.broadcast %slice3A_1247 : vector<256x1xf32> to vector<256x768xf32>
      %mul3A_1249 = arith.mulf %mul3A_1248, %add3A_1233 : vector<256x768xf32>
      %add3A_1250 = arith.addf %scan3A_1141, %mul3A_1249 : vector<256x768xf32>
      scf.yield %add3A_1250 : vector<256x768xf32>
    }
    %scan3A_1034 = arith.constant 7 : i32
    %slice3A_1035 = vector.extract_strided_slice %add3A_910 {offsets = [512, 0], sizes = [256, 768], strides = [1, 1]} : vector<1024x768xf32> to vector<256x768xf32>
    %slice3A_1036 = vector.extract_strided_slice %add3A_1013 {offsets = [512, 0], sizes = [256, 1], strides = [1, 1]} : vector<1024x1xf32> to vector<256x1xf32>
    %slice3A_1037 = vector.extract_strided_slice %mul3A_1000 {offsets = [512, 0], sizes = [256, 768], strides = [1, 1]} : vector<1024x768xf32> to vector<256x768xf32>
    %mul3A_1038 = vector.broadcast %slice3A_1036 : vector<256x1xf32> to vector<256x768xf32>
    %mul3A_1039 = arith.mulf %mul3A_1038, %slice3A_1037 : vector<256x768xf32>
    %scan3A_1040 = arith.constant 0 : i32
    %scan3A_1041 = arith.constant 7 : i32
    %scan3A_1042 = arith.addi %scan3A_1040, %scan3A_1041 : i32
    %scan3A_1043 = arith.constant 1 : i32
    %scan3A_1044 = scf.for %scan3A_1140 = %scan3A_1040 to %scan3A_1042 step %scan3A_1043 iter_args(%scan3A_1141 = %mul3A_1039) -> (vector<256x768xf32>)  : i32 {
      %get3A_1142 = arith.constant 0 : index
      %get3A_1143 = arith.index_cast %scan3A_1140 : i32 to index
      %get3A_1144 = arith.constant 0 : index
      %get3A_1145 = arith.constant 0 : index
      %get3A_1146 = vector.load %arg12[%get3A_1142, %get3A_1143, %get3A_1144, %get3A_1145] : memref<1x7x32x64xf32, #tpu.memory_space<vmem>>, vector<1x1x32x64xf32>
      %get3A_1147 = vector.shape_cast %get3A_1146 : vector<1x1x32x64xf32> to vector<32x64xf32>
      %get3A_1148 = arith.constant 0 : index
      %get3A_1149 = arith.index_cast %scan3A_1140 : i32 to index
      %get3A_1150 = arith.constant 0 : index
      %get3A_1151 = vector.load %arg13[%get3A_1148, %get3A_1149, %get3A_1150] : memref<1x7x64xf32, #tpu.memory_space<vmem>>, vector<1x1x64xf32>
      %get3A_1152 = vector.shape_cast %get3A_1151 : vector<1x1x64xf32> to vector<64xf32>
      %get3A_1153 = arith.constant 0 : index
      %get3A_1154 = arith.index_cast %scan3A_1140 : i32 to index
      %get3A_1155 = arith.constant 0 : index
      %get3A_1156 = arith.constant 0 : index
      %get3A_1157 = vector.load %arg14[%get3A_1153, %get3A_1154, %get3A_1155, %get3A_1156] : memref<1x7x24x64xf32, #tpu.memory_space<vmem>>, vector<1x1x24x64xf32>
      %get3A_1158 = vector.shape_cast %get3A_1157 : vector<1x1x24x64xf32> to vector<24x64xf32>
      %get3A_1159 = arith.constant 0 : index
      %get3A_1160 = arith.index_cast %scan3A_1140 : i32 to index
      %get3A_1161 = arith.constant 0 : index
      %get3A_1162 = vector.load %arg15[%get3A_1159, %get3A_1160, %get3A_1161] : memref<1x7x64xf32, #tpu.memory_space<vmem>>, vector<1x1x64xf32>
      %get3A_1163 = vector.shape_cast %get3A_1162 : vector<1x1x64xf32> to vector<64xf32>
      %get3A_1164 = arith.constant 0 : index
      %get3A_1165 = arith.index_cast %scan3A_1140 : i32 to index
      %get3A_1166 = arith.constant 0 : index
      %get3A_1167 = arith.constant 0 : index
      %get3A_1168 = vector.load %arg16[%get3A_1164, %get3A_1165, %get3A_1166, %get3A_1167] : memref<1x7x64x32xf32, #tpu.memory_space<vmem>>, vector<1x1x64x32xf32>
      %get3A_1169 = vector.shape_cast %get3A_1168 : vector<1x1x64x32xf32> to vector<64x32xf32>
      %get3A_1170 = arith.constant 0 : index
      %get3A_1171 = arith.index_cast %scan3A_1140 : i32 to index
      %get3A_1172 = arith.constant 0 : index
      %get3A_1173 = vector.load %arg17[%get3A_1170, %get3A_1171, %get3A_1172] : memref<1x7x32xf32, #tpu.memory_space<vmem>>, vector<1x1x32xf32>
      %get3A_1174 = vector.shape_cast %get3A_1173 : vector<1x1x32xf32> to vector<32xf32>
      %get3A_1175 = arith.constant 0 : index
      %get3A_1176 = arith.index_cast %scan3A_1140 : i32 to index
      %get3A_1177 = arith.constant 0 : index
      %get3A_1178 = arith.constant 0 : index
      %get3A_1179 = vector.load %arg18[%get3A_1175, %get3A_1176, %get3A_1177, %get3A_1178] : memref<1x7x64x24xf32, #tpu.memory_space<vmem>>, vector<1x1x64x24xf32>
      %get3A_1180 = vector.shape_cast %get3A_1179 : vector<1x1x64x24xf32> to vector<64x24xf32>
      %get3A_1181 = arith.constant 0 : index
      %get3A_1182 = arith.index_cast %scan3A_1140 : i32 to index
      %get3A_1183 = arith.constant 0 : index
      %get3A_1184 = vector.load %arg19[%get3A_1181, %get3A_1182, %get3A_1183] : memref<1x7x24xf32, #tpu.memory_space<vmem>>, vector<1x1x24xf32>
      %get3A_1185 = vector.shape_cast %get3A_1184 : vector<1x1x24xf32> to vector<24xf32>
      %get3A_1186 = arith.constant 0 : index
      %get3A_1187 = arith.index_cast %scan3A_1140 : i32 to index
      %get3A_1188 = arith.constant 0 : index
      %get3A_1189 = vector.load %arg20[%get3A_1186, %get3A_1187, %get3A_1188] : memref<1x7x768xf32, #tpu.memory_space<vmem>>, vector<1x1x768xf32>
      %get3A_1190 = vector.shape_cast %get3A_1189 : vector<1x1x768xf32> to vector<768xf32>
      %reshape3A = vector.shape_cast %slice3A_1035 : vector<256x768xf32> to vector<256x24x32xf32>
      %dot_general3A_1191 = arith.constant dense<0.000000e+00> : vector<256x24x64xf32>
      %dot_general3A_1192 = tpu.matmul %reshape3A, %get3A_1147, %dot_general3A_1191 {dimension_numbers = #tpu.dot_dimension_numbers<[2], [0], [0, 1], [1], [0, 0, 0, 1, 1, 1], [], []>, transpose_lhs_hint = false} : vector<256x24x32xf32>, vector<32x64xf32>, vector<256x24x64xf32> -> vector<256x24x64xf32>
      %reshape3A_1193 = vector.shape_cast %get3A_1152 : vector<64xf32> to vector<1x1x64xf32>
      %add3A_1194 = vector.broadcast %reshape3A_1193 : vector<1x1x64xf32> to vector<256x24x64xf32>
      %add3A_1195 = arith.addf %dot_general3A_1192, %add3A_1194 : vector<256x24x64xf32>
      %transpose3A = tpu.transpose %add3A_1195, [0, 2, 1] : vector<256x24x64xf32> -> vector<256x64x24xf32>
      %dot_general3A_1196 = arith.constant dense<0.000000e+00> : vector<256x64x64xf32>
      %dot_general3A_1197 = tpu.matmul %transpose3A, %get3A_1158, %dot_general3A_1196 {dimension_numbers = #tpu.dot_dimension_numbers<[2], [0], [0, 1], [1], [0, 0, 0, 1, 1, 1], [], []>, transpose_lhs_hint = false} : vector<256x64x24xf32>, vector<24x64xf32>, vector<256x64x64xf32> -> vector<256x64x64xf32>
      %reshape3A_1198 = vector.shape_cast %get3A_1163 : vector<64xf32> to vector<1x1x64xf32>
      %add3A_1199 = vector.broadcast %reshape3A_1198 : vector<1x1x64xf32> to vector<256x64x64xf32>
      %add3A_1200 = arith.addf %dot_general3A_1197, %add3A_1199 : vector<256x64x64xf32>
      %integer_pow3A_1201 = arith.mulf %add3A_1200, %add3A_1200 : vector<256x64x64xf32>
      %integer_pow3A_1202 = arith.mulf %add3A_1200, %integer_pow3A_1201 : vector<256x64x64xf32>
      %mul3A_1203 = arith.constant 4.471500e-02 : f32
      %mul3A_1204 = vector.broadcast %mul3A_1203 : f32 to vector<256x64x64xf32>
      %mul3A_1205 = arith.mulf %mul3A_1204, %integer_pow3A_1202 : vector<256x64x64xf32>
      %add3A_1206 = arith.addf %add3A_1200, %mul3A_1205 : vector<256x64x64xf32>
      %mul3A_1207 = arith.constant 0.797884583 : f32
      %mul3A_1208 = vector.broadcast %mul3A_1207 : f32 to vector<256x64x64xf32>
      %mul3A_1209 = arith.mulf %mul3A_1208, %add3A_1206 : vector<256x64x64xf32>
      %tanh3A_1210 = math.tanh %mul3A_1209 : vector<256x64x64xf32>
      %add3A_1211 = arith.constant 1.000000e+00 : f32
      %add3A_1212 = vector.broadcast %add3A_1211 : f32 to vector<256x64x64xf32>
      %add3A_1213 = arith.addf %add3A_1212, %tanh3A_1210 : vector<256x64x64xf32>
      %mul3A_1214 = arith.constant 5.000000e-01 : f32
      %mul3A_1215 = vector.broadcast %mul3A_1214 : f32 to vector<256x64x64xf32>
      %mul3A_1216 = arith.mulf %mul3A_1215, %add3A_1213 : vector<256x64x64xf32>
      %mul3A_1217 = arith.mulf %add3A_1200, %mul3A_1216 : vector<256x64x64xf32>
      %transpose3A_1218 = tpu.transpose %mul3A_1217, [0, 2, 1] : vector<256x64x64xf32> -> vector<256x64x64xf32>
      %dot_general3A_1219 = arith.constant dense<0.000000e+00> : vector<256x64x32xf32>
      %dot_general3A_1220 = tpu.matmul %transpose3A_1218, %get3A_1169, %dot_general3A_1219 {dimension_numbers = #tpu.dot_dimension_numbers<[2], [0], [0, 1], [1], [0, 0, 0, 1, 1, 1], [], []>, transpose_lhs_hint = false} : vector<256x64x64xf32>, vector<64x32xf32>, vector<256x64x32xf32> -> vector<256x64x32xf32>
      %reshape3A_1221 = vector.shape_cast %get3A_1174 : vector<32xf32> to vector<1x1x32xf32>
      %add3A_1222 = vector.broadcast %reshape3A_1221 : vector<1x1x32xf32> to vector<256x64x32xf32>
      %add3A_1223 = arith.addf %dot_general3A_1220, %add3A_1222 : vector<256x64x32xf32>
      %transpose3A_1224 = tpu.transpose %add3A_1223, [0, 2, 1] : vector<256x64x32xf32> -> vector<256x32x64xf32>
      %dot_general3A_1225 = arith.constant dense<0.000000e+00> : vector<256x32x24xf32>
      %dot_general3A_1226 = tpu.matmul %transpose3A_1224, %get3A_1180, %dot_general3A_1225 {dimension_numbers = #tpu.dot_dimension_numbers<[2], [0], [0, 1], [1], [0, 0, 0, 1, 1, 1], [], []>, transpose_lhs_hint = false} : vector<256x32x64xf32>, vector<64x24xf32>, vector<256x32x24xf32> -> vector<256x32x24xf32>
      %reshape3A_1227 = vector.shape_cast %get3A_1185 : vector<24xf32> to vector<1x1x24xf32>
      %add3A_1228 = vector.broadcast %reshape3A_1227 : vector<1x1x24xf32> to vector<256x32x24xf32>
      %add3A_1229 = arith.addf %dot_general3A_1226, %add3A_1228 : vector<256x32x24xf32>
      %reshape3A_1230 = vector.shape_cast %add3A_1229 : vector<256x32x24xf32> to vector<256x768xf32>
      %reshape3A_1231 = vector.shape_cast %get3A_1190 : vector<768xf32> to vector<1x768xf32>
      %add3A_1232 = vector.broadcast %reshape3A_1231 : vector<1x768xf32> to vector<256x768xf32>
      %add3A_1233 = arith.addf %reshape3A_1230, %add3A_1232 : vector<256x768xf32>
      %add3A_1234 = arith.constant 1 : i32
      %add3A_1235 = arith.addi %scan3A_1140, %add3A_1234 : i32
      %eq3A_1236 = vector.broadcast %add3A_1235 : i32 to vector<1024x1xi32>
      %eq3A_1237 = arith.cmpi eq, %broadcast_in_dim3A_949, %eq3A_1236 : vector<1024x1xi32>
      %jit3A_1238 = arith.constant 0.000000e+00 : f32
      %broadcast_in_dim3A_1239 = vector.broadcast %jit3A_1238 : f32 to vector<1024x1xf32>
      %select_n3A_1240 = arith.select %eq3A_1237, %div3A_970, %broadcast_in_dim3A_1239 : vector<1024x1xi1>, vector<1024x1xf32>
      %eq3A_1241 = vector.broadcast %add3A_1235 : i32 to vector<1024x1xi32>
      %eq3A_1242 = arith.cmpi eq, %broadcast_in_dim3A_965, %eq3A_1241 : vector<1024x1xi32>
      %jit3A_1243 = arith.constant 0.000000e+00 : f32
      %broadcast_in_dim3A_1244 = vector.broadcast %jit3A_1243 : f32 to vector<1024x1xf32>
      %select_n3A_1245 = arith.select %eq3A_1242, %div3A_971, %broadcast_in_dim3A_1244 : vector<1024x1xi1>, vector<1024x1xf32>
      %add3A_1246 = arith.addf %select_n3A_1240, %select_n3A_1245 : vector<1024x1xf32>
      %slice3A_1247 = vector.extract_strided_slice %add3A_1246 {offsets = [512, 0], sizes = [256, 1], strides = [1, 1]} : vector<1024x1xf32> to vector<256x1xf32>
      %mul3A_1248 = vector.broadcast %slice3A_1247 : vector<256x1xf32> to vector<256x768xf32>
      %mul3A_1249 = arith.mulf %mul3A_1248, %add3A_1233 : vector<256x768xf32>
      %add3A_1250 = arith.addf %scan3A_1141, %mul3A_1249 : vector<256x768xf32>
      scf.yield %add3A_1250 : vector<256x768xf32>
    }
    %scan3A_1045 = arith.constant 7 : i32
    %slice3A_1046 = vector.extract_strided_slice %add3A_910 {offsets = [768, 0], sizes = [256, 768], strides = [1, 1]} : vector<1024x768xf32> to vector<256x768xf32>
    %slice3A_1047 = vector.extract_strided_slice %add3A_1013 {offsets = [768, 0], sizes = [256, 1], strides = [1, 1]} : vector<1024x1xf32> to vector<256x1xf32>
    %slice3A_1048 = vector.extract_strided_slice %mul3A_1000 {offsets = [768, 0], sizes = [256, 768], strides = [1, 1]} : vector<1024x768xf32> to vector<256x768xf32>
    %mul3A_1049 = vector.broadcast %slice3A_1047 : vector<256x1xf32> to vector<256x768xf32>
    %mul3A_1050 = arith.mulf %mul3A_1049, %slice3A_1048 : vector<256x768xf32>
    %scan3A_1051 = arith.constant 0 : i32
    %scan3A_1052 = arith.constant 7 : i32
    %scan3A_1053 = arith.addi %scan3A_1051, %scan3A_1052 : i32
    %scan3A_1054 = arith.constant 1 : i32
    %scan3A_1055 = scf.for %scan3A_1140 = %scan3A_1051 to %scan3A_1053 step %scan3A_1054 iter_args(%scan3A_1141 = %mul3A_1050) -> (vector<256x768xf32>)  : i32 {
      %get3A_1142 = arith.constant 0 : index
      %get3A_1143 = arith.index_cast %scan3A_1140 : i32 to index
      %get3A_1144 = arith.constant 0 : index
      %get3A_1145 = arith.constant 0 : index
      %get3A_1146 = vector.load %arg12[%get3A_1142, %get3A_1143, %get3A_1144, %get3A_1145] : memref<1x7x32x64xf32, #tpu.memory_space<vmem>>, vector<1x1x32x64xf32>
      %get3A_1147 = vector.shape_cast %get3A_1146 : vector<1x1x32x64xf32> to vector<32x64xf32>
      %get3A_1148 = arith.constant 0 : index
      %get3A_1149 = arith.index_cast %scan3A_1140 : i32 to index
      %get3A_1150 = arith.constant 0 : index
      %get3A_1151 = vector.load %arg13[%get3A_1148, %get3A_1149, %get3A_1150] : memref<1x7x64xf32, #tpu.memory_space<vmem>>, vector<1x1x64xf32>
      %get3A_1152 = vector.shape_cast %get3A_1151 : vector<1x1x64xf32> to vector<64xf32>
      %get3A_1153 = arith.constant 0 : index
      %get3A_1154 = arith.index_cast %scan3A_1140 : i32 to index
      %get3A_1155 = arith.constant 0 : index
      %get3A_1156 = arith.constant 0 : index
      %get3A_1157 = vector.load %arg14[%get3A_1153, %get3A_1154, %get3A_1155, %get3A_1156] : memref<1x7x24x64xf32, #tpu.memory_space<vmem>>, vector<1x1x24x64xf32>
      %get3A_1158 = vector.shape_cast %get3A_1157 : vector<1x1x24x64xf32> to vector<24x64xf32>
      %get3A_1159 = arith.constant 0 : index
      %get3A_1160 = arith.index_cast %scan3A_1140 : i32 to index
      %get3A_1161 = arith.constant 0 : index
      %get3A_1162 = vector.load %arg15[%get3A_1159, %get3A_1160, %get3A_1161] : memref<1x7x64xf32, #tpu.memory_space<vmem>>, vector<1x1x64xf32>
      %get3A_1163 = vector.shape_cast %get3A_1162 : vector<1x1x64xf32> to vector<64xf32>
      %get3A_1164 = arith.constant 0 : index
      %get3A_1165 = arith.index_cast %scan3A_1140 : i32 to index
      %get3A_1166 = arith.constant 0 : index
      %get3A_1167 = arith.constant 0 : index
      %get3A_1168 = vector.load %arg16[%get3A_1164, %get3A_1165, %get3A_1166, %get3A_1167] : memref<1x7x64x32xf32, #tpu.memory_space<vmem>>, vector<1x1x64x32xf32>
      %get3A_1169 = vector.shape_cast %get3A_1168 : vector<1x1x64x32xf32> to vector<64x32xf32>
      %get3A_1170 = arith.constant 0 : index
      %get3A_1171 = arith.index_cast %scan3A_1140 : i32 to index
      %get3A_1172 = arith.constant 0 : index
      %get3A_1173 = vector.load %arg17[%get3A_1170, %get3A_1171, %get3A_1172] : memref<1x7x32xf32, #tpu.memory_space<vmem>>, vector<1x1x32xf32>
      %get3A_1174 = vector.shape_cast %get3A_1173 : vector<1x1x32xf32> to vector<32xf32>
      %get3A_1175 = arith.constant 0 : index
      %get3A_1176 = arith.index_cast %scan3A_1140 : i32 to index
      %get3A_1177 = arith.constant 0 : index
      %get3A_1178 = arith.constant 0 : index
      %get3A_1179 = vector.load %arg18[%get3A_1175, %get3A_1176, %get3A_1177, %get3A_1178] : memref<1x7x64x24xf32, #tpu.memory_space<vmem>>, vector<1x1x64x24xf32>
      %get3A_1180 = vector.shape_cast %get3A_1179 : vector<1x1x64x24xf32> to vector<64x24xf32>
      %get3A_1181 = arith.constant 0 : index
      %get3A_1182 = arith.index_cast %scan3A_1140 : i32 to index
      %get3A_1183 = arith.constant 0 : index
      %get3A_1184 = vector.load %arg19[%get3A_1181, %get3A_1182, %get3A_1183] : memref<1x7x24xf32, #tpu.memory_space<vmem>>, vector<1x1x24xf32>
      %get3A_1185 = vector.shape_cast %get3A_1184 : vector<1x1x24xf32> to vector<24xf32>
      %get3A_1186 = arith.constant 0 : index
      %get3A_1187 = arith.index_cast %scan3A_1140 : i32 to index
      %get3A_1188 = arith.constant 0 : index
      %get3A_1189 = vector.load %arg20[%get3A_1186, %get3A_1187, %get3A_1188] : memref<1x7x768xf32, #tpu.memory_space<vmem>>, vector<1x1x768xf32>
      %get3A_1190 = vector.shape_cast %get3A_1189 : vector<1x1x768xf32> to vector<768xf32>
      %reshape3A = vector.shape_cast %slice3A_1046 : vector<256x768xf32> to vector<256x24x32xf32>
      %dot_general3A_1191 = arith.constant dense<0.000000e+00> : vector<256x24x64xf32>
      %dot_general3A_1192 = tpu.matmul %reshape3A, %get3A_1147, %dot_general3A_1191 {dimension_numbers = #tpu.dot_dimension_numbers<[2], [0], [0, 1], [1], [0, 0, 0, 1, 1, 1], [], []>, transpose_lhs_hint = false} : vector<256x24x32xf32>, vector<32x64xf32>, vector<256x24x64xf32> -> vector<256x24x64xf32>
      %reshape3A_1193 = vector.shape_cast %get3A_1152 : vector<64xf32> to vector<1x1x64xf32>
      %add3A_1194 = vector.broadcast %reshape3A_1193 : vector<1x1x64xf32> to vector<256x24x64xf32>
      %add3A_1195 = arith.addf %dot_general3A_1192, %add3A_1194 : vector<256x24x64xf32>
      %transpose3A = tpu.transpose %add3A_1195, [0, 2, 1] : vector<256x24x64xf32> -> vector<256x64x24xf32>
      %dot_general3A_1196 = arith.constant dense<0.000000e+00> : vector<256x64x64xf32>
      %dot_general3A_1197 = tpu.matmul %transpose3A, %get3A_1158, %dot_general3A_1196 {dimension_numbers = #tpu.dot_dimension_numbers<[2], [0], [0, 1], [1], [0, 0, 0, 1, 1, 1], [], []>, transpose_lhs_hint = false} : vector<256x64x24xf32>, vector<24x64xf32>, vector<256x64x64xf32> -> vector<256x64x64xf32>
      %reshape3A_1198 = vector.shape_cast %get3A_1163 : vector<64xf32> to vector<1x1x64xf32>
      %add3A_1199 = vector.broadcast %reshape3A_1198 : vector<1x1x64xf32> to vector<256x64x64xf32>
      %add3A_1200 = arith.addf %dot_general3A_1197, %add3A_1199 : vector<256x64x64xf32>
      %integer_pow3A_1201 = arith.mulf %add3A_1200, %add3A_1200 : vector<256x64x64xf32>
      %integer_pow3A_1202 = arith.mulf %add3A_1200, %integer_pow3A_1201 : vector<256x64x64xf32>
      %mul3A_1203 = arith.constant 4.471500e-02 : f32
      %mul3A_1204 = vector.broadcast %mul3A_1203 : f32 to vector<256x64x64xf32>
      %mul3A_1205 = arith.mulf %mul3A_1204, %integer_pow3A_1202 : vector<256x64x64xf32>
      %add3A_1206 = arith.addf %add3A_1200, %mul3A_1205 : vector<256x64x64xf32>
      %mul3A_1207 = arith.constant 0.797884583 : f32
      %mul3A_1208 = vector.broadcast %mul3A_1207 : f32 to vector<256x64x64xf32>
      %mul3A_1209 = arith.mulf %mul3A_1208, %add3A_1206 : vector<256x64x64xf32>
      %tanh3A_1210 = math.tanh %mul3A_1209 : vector<256x64x64xf32>
      %add3A_1211 = arith.constant 1.000000e+00 : f32
      %add3A_1212 = vector.broadcast %add3A_1211 : f32 to vector<256x64x64xf32>
      %add3A_1213 = arith.addf %add3A_1212, %tanh3A_1210 : vector<256x64x64xf32>
      %mul3A_1214 = arith.constant 5.000000e-01 : f32
      %mul3A_1215 = vector.broadcast %mul3A_1214 : f32 to vector<256x64x64xf32>
      %mul3A_1216 = arith.mulf %mul3A_1215, %add3A_1213 : vector<256x64x64xf32>
      %mul3A_1217 = arith.mulf %add3A_1200, %mul3A_1216 : vector<256x64x64xf32>
      %transpose3A_1218 = tpu.transpose %mul3A_1217, [0, 2, 1] : vector<256x64x64xf32> -> vector<256x64x64xf32>
      %dot_general3A_1219 = arith.constant dense<0.000000e+00> : vector<256x64x32xf32>
      %dot_general3A_1220 = tpu.matmul %transpose3A_1218, %get3A_1169, %dot_general3A_1219 {dimension_numbers = #tpu.dot_dimension_numbers<[2], [0], [0, 1], [1], [0, 0, 0, 1, 1, 1], [], []>, transpose_lhs_hint = false} : vector<256x64x64xf32>, vector<64x32xf32>, vector<256x64x32xf32> -> vector<256x64x32xf32>
      %reshape3A_1221 = vector.shape_cast %get3A_1174 : vector<32xf32> to vector<1x1x32xf32>
      %add3A_1222 = vector.broadcast %reshape3A_1221 : vector<1x1x32xf32> to vector<256x64x32xf32>
      %add3A_1223 = arith.addf %dot_general3A_1220, %add3A_1222 : vector<256x64x32xf32>
      %transpose3A_1224 = tpu.transpose %add3A_1223, [0, 2, 1] : vector<256x64x32xf32> -> vector<256x32x64xf32>
      %dot_general3A_1225 = arith.constant dense<0.000000e+00> : vector<256x32x24xf32>
      %dot_general3A_1226 = tpu.matmul %transpose3A_1224, %get3A_1180, %dot_general3A_1225 {dimension_numbers = #tpu.dot_dimension_numbers<[2], [0], [0, 1], [1], [0, 0, 0, 1, 1, 1], [], []>, transpose_lhs_hint = false} : vector<256x32x64xf32>, vector<64x24xf32>, vector<256x32x24xf32> -> vector<256x32x24xf32>
      %reshape3A_1227 = vector.shape_cast %get3A_1185 : vector<24xf32> to vector<1x1x24xf32>
      %add3A_1228 = vector.broadcast %reshape3A_1227 : vector<1x1x24xf32> to vector<256x32x24xf32>
      %add3A_1229 = arith.addf %dot_general3A_1226, %add3A_1228 : vector<256x32x24xf32>
      %reshape3A_1230 = vector.shape_cast %add3A_1229 : vector<256x32x24xf32> to vector<256x768xf32>
      %reshape3A_1231 = vector.shape_cast %get3A_1190 : vector<768xf32> to vector<1x768xf32>
      %add3A_1232 = vector.broadcast %reshape3A_1231 : vector<1x768xf32> to vector<256x768xf32>
      %add3A_1233 = arith.addf %reshape3A_1230, %add3A_1232 : vector<256x768xf32>
      %add3A_1234 = arith.constant 1 : i32
      %add3A_1235 = arith.addi %scan3A_1140, %add3A_1234 : i32
      %eq3A_1236 = vector.broadcast %add3A_1235 : i32 to vector<1024x1xi32>
      %eq3A_1237 = arith.cmpi eq, %broadcast_in_dim3A_949, %eq3A_1236 : vector<1024x1xi32>
      %jit3A_1238 = arith.constant 0.000000e+00 : f32
      %broadcast_in_dim3A_1239 = vector.broadcast %jit3A_1238 : f32 to vector<1024x1xf32>
      %select_n3A_1240 = arith.select %eq3A_1237, %div3A_970, %broadcast_in_dim3A_1239 : vector<1024x1xi1>, vector<1024x1xf32>
      %eq3A_1241 = vector.broadcast %add3A_1235 : i32 to vector<1024x1xi32>
      %eq3A_1242 = arith.cmpi eq, %broadcast_in_dim3A_965, %eq3A_1241 : vector<1024x1xi32>
      %jit3A_1243 = arith.constant 0.000000e+00 : f32
      %broadcast_in_dim3A_1244 = vector.broadcast %jit3A_1243 : f32 to vector<1024x1xf32>
      %select_n3A_1245 = arith.select %eq3A_1242, %div3A_971, %broadcast_in_dim3A_1244 : vector<1024x1xi1>, vector<1024x1xf32>
      %add3A_1246 = arith.addf %select_n3A_1240, %select_n3A_1245 : vector<1024x1xf32>
      %slice3A_1247 = vector.extract_strided_slice %add3A_1246 {offsets = [768, 0], sizes = [256, 1], strides = [1, 1]} : vector<1024x1xf32> to vector<256x1xf32>
      %mul3A_1248 = vector.broadcast %slice3A_1247 : vector<256x1xf32> to vector<256x768xf32>
      %mul3A_1249 = arith.mulf %mul3A_1248, %add3A_1233 : vector<256x768xf32>
      %add3A_1250 = arith.addf %scan3A_1141, %mul3A_1249 : vector<256x768xf32>
      scf.yield %add3A_1250 : vector<256x768xf32>
    }
    %scan3A_1056 = arith.constant 7 : i32
    %concatenate3A = tpu.concatenate %scan3A_1022, %scan3A_1033, %scan3A_1044, %scan3A_1055 in 0 : vector<256x768xf32>, vector<256x768xf32>, vector<256x768xf32>, vector<256x768xf32> -> vector<1024x768xf32>
    %integer_pow3A_1057 = arith.mulf %concatenate3A, %concatenate3A : vector<1024x768xf32>
    %integer_pow3A_1058 = arith.mulf %concatenate3A, %integer_pow3A_1057 : vector<1024x768xf32>
    %mul3A_1059 = arith.constant 4.471500e-02 : f32
    %mul3A_1060 = vector.broadcast %mul3A_1059 : f32 to vector<1024x768xf32>
    %mul3A_1061 = arith.mulf %mul3A_1060, %integer_pow3A_1058 : vector<1024x768xf32>
    %add3A_1062 = arith.addf %concatenate3A, %mul3A_1061 : vector<1024x768xf32>
    %mul3A_1063 = arith.constant 0.797884583 : f32
    %mul3A_1064 = vector.broadcast %mul3A_1063 : f32 to vector<1024x768xf32>
    %mul3A_1065 = arith.mulf %mul3A_1064, %add3A_1062 : vector<1024x768xf32>
    %tanh3A_1066 = math.tanh %mul3A_1065 : vector<1024x768xf32>
    %add3A_1067 = arith.constant 1.000000e+00 : f32
    %add3A_1068 = vector.broadcast %add3A_1067 : f32 to vector<1024x768xf32>
    %add3A_1069 = arith.addf %add3A_1068, %tanh3A_1066 : vector<1024x768xf32>
    %mul3A_1070 = arith.constant 5.000000e-01 : f32
    %mul3A_1071 = vector.broadcast %mul3A_1070 : f32 to vector<1024x768xf32>
    %mul3A_1072 = arith.mulf %mul3A_1071, %add3A_1069 : vector<1024x768xf32>
    %mul3A_1073 = arith.mulf %concatenate3A, %mul3A_1072 : vector<1024x768xf32>
    %get3A_1074 = arith.constant 0 : index
    %get3A_1075 = arith.constant 0 : index
    %get3A_1076 = arith.constant 0 : index
    %get3A_1077 = vector.load %arg21[%get3A_1074, %get3A_1075, %get3A_1076] : memref<1x768x768xf32, #tpu.memory_space<vmem>>, vector<1x768x768xf32>
    %get3A_1078 = vector.shape_cast %get3A_1077 : vector<1x768x768xf32> to vector<768x768xf32>
    %dot_general3A_1079 = arith.constant dense<0.000000e+00> : vector<1024x768xf32>
    %dot_general3A_1080 = tpu.matmul %mul3A_1073, %get3A_1078, %dot_general3A_1079 {dimension_numbers = #tpu.dot_dimension_numbers<[1], [0], [0], [1], [0, 0, 1, 1], [], []>, transpose_lhs_hint = false} : vector<1024x768xf32>, vector<768x768xf32>, vector<1024x768xf32> -> vector<1024x768xf32>
    %get3A_1081 = arith.constant 0 : index
    %get3A_1082 = arith.constant 0 : index
    %get3A_1083 = arith.constant 0 : index
    %get3A_1084 = vector.load %arg22[%get3A_1081, %get3A_1082, %get3A_1083] : memref<1x1x768xf32, #tpu.memory_space<vmem>>, vector<1x1x768xf32>
    %get3A_1085 = vector.shape_cast %get3A_1084 : vector<1x1x768xf32> to vector<1x768xf32>
    %add3A_1086 = vector.broadcast %get3A_1085 : vector<1x768xf32> to vector<1024x768xf32>
    %add3A_1087 = arith.addf %dot_general3A_1080, %add3A_1086 : vector<1024x768xf32>
    %add3A_1088 = arith.addf %add3A_910, %add3A_1087 : vector<1024x768xf32>
    %slice3A_1089 = vector.extract_strided_slice %get3A_872 {offsets = [2, 0], sizes = [1, 768], strides = [1, 1]} : vector<4x768xf32> to vector<1x768xf32>
    %slice3A_1090 = vector.extract_strided_slice %get3A_872 {offsets = [3, 0], sizes = [1, 768], strides = [1, 1]} : vector<4x768xf32> to vector<1x768xf32>
    %reduce_sum3A_1091 = arith.constant dense<0.000000e+00> : vector<1024xf32>
    %reduce_sum3A_1092 = vector.multi_reduction <add>, %add3A_1088, %reduce_sum3A_1091 [1] : vector<1024x768xf32> to vector<1024xf32>
    %broadcast_in_dim3A_1093 = vector.shape_cast %reduce_sum3A_1092 : vector<1024xf32> to vector<1024x1xf32>
    %div3A_1094 = arith.constant 7.680000e+02 : f32
    %div3A_1095 = vector.broadcast %div3A_1094 : f32 to vector<1024x1xf32>
    %div3A_1096 = arith.divf %broadcast_in_dim3A_1093, %div3A_1095 : vector<1024x1xf32>
    %jit3A_1097 = arith.constant 0 : i32
    %reduce_sum3A_1098 = arith.constant dense<0.000000e+00> : vector<1024xf32>
    %reduce_sum3A_1099 = vector.multi_reduction <add>, %add3A_1088, %reduce_sum3A_1098 [1] : vector<1024x768xf32> to vector<1024xf32>
    %broadcast_in_dim3A_1100 = vector.shape_cast %reduce_sum3A_1099 : vector<1024xf32> to vector<1024x1xf32>
    %div3A_1101 = arith.constant 7.680000e+02 : f32
    %div3A_1102 = vector.broadcast %div3A_1101 : f32 to vector<1024x1xf32>
    %div3A_1103 = arith.divf %broadcast_in_dim3A_1100, %div3A_1102 : vector<1024x1xf32>
    %sub3A_1104 = vector.broadcast %div3A_1103 : vector<1024x1xf32> to vector<1024x768xf32>
    %sub3A_1105 = arith.subf %add3A_1088, %sub3A_1104 : vector<1024x768xf32>
    %square3A_1106 = arith.mulf %sub3A_1105, %sub3A_1105 : vector<1024x768xf32>
    %convert_element_type3A_1107 = arith.sitofp %jit3A_1097 : i32 to f32
    %sub3A_1108 = arith.constant 7.680000e+02 : f32
    %sub3A_1109 = arith.subf %sub3A_1108, %convert_element_type3A_1107 : f32
    %reduce_sum3A_1110 = arith.constant dense<0.000000e+00> : vector<1024xf32>
    %reduce_sum3A_1111 = vector.multi_reduction <add>, %square3A_1106, %reduce_sum3A_1110 [1] : vector<1024x768xf32> to vector<1024xf32>
    %broadcast_in_dim3A_1112 = vector.shape_cast %reduce_sum3A_1111 : vector<1024xf32> to vector<1024x1xf32>
    %div3A_1113 = vector.broadcast %sub3A_1109 : f32 to vector<1024x1xf32>
    %div3A_1114 = arith.divf %broadcast_in_dim3A_1112, %div3A_1113 : vector<1024x1xf32>
    %gt3A_1115 = arith.constant 0.000000e+00 : f32
    %gt3A_1116 = arith.cmpf ogt, %sub3A_1109, %gt3A_1115 : f32
    %jit3A_1117 = arith.constant 0x7FC00000 : f32
    %broadcast_in_dim3A_1118 = vector.broadcast %jit3A_1117 : f32 to vector<1024x1xf32>
    %select_n3A_1119 = arith.select %gt3A_1116, %div3A_1114, %broadcast_in_dim3A_1118 : vector<1024x1xf32>
    %sub3A_1120 = vector.broadcast %div3A_1096 : vector<1024x1xf32> to vector<1024x768xf32>
    %sub3A_1121 = arith.subf %add3A_1088, %sub3A_1120 : vector<1024x768xf32>
    %add3A_1122 = arith.constant 9.99999996E-13 : f32
    %add3A_1123 = vector.broadcast %add3A_1122 : f32 to vector<1024x1xf32>
    %add3A_1124 = arith.addf %select_n3A_1119, %add3A_1123 : vector<1024x1xf32>
    %sqrt3A_1125 = math.sqrt %add3A_1124 : vector<1024x1xf32>
    %div3A_1126 = vector.broadcast %sqrt3A_1125 : vector<1024x1xf32> to vector<1024x768xf32>
    %div3A_1127 = arith.divf %sub3A_1121, %div3A_1126 : vector<1024x768xf32>
    %mul3A_1128 = vector.broadcast %slice3A_1089 : vector<1x768xf32> to vector<1024x768xf32>
    %mul3A_1129 = arith.mulf %div3A_1127, %mul3A_1128 : vector<1024x768xf32>
    %add3A_1130 = vector.broadcast %slice3A_1090 : vector<1x768xf32> to vector<1024x768xf32>
    %add3A_1131 = arith.addf %mul3A_1129, %add3A_1130 : vector<1024x768xf32>
    %swap3A_1132 = arith.constant 0 : index
    %swap3A_1133 = arith.constant 0 : index
    %swap3A_1134 = vector.load %arg26[%swap3A_1132, %swap3A_1133] : memref<1024x768xf32, #tpu.memory_space<vmem>>, vector<1024x768xf32>
    tpu.vector_store %arg26[%swap3A_1132, %swap3A_1133], %add3A_1131 {strides = array<i32>} : memref<1024x768xf32, #tpu.memory_space<vmem>>, vector<1024x768xf32>,
    %eq3A_1135 = arith.constant 11 : i32
    %eq3A_1136 = arith.cmpi eq, %arg0, %eq3A_1135 : i32
    %convert_element_type3A_1137 = arith.extui %eq3A_1136 : i1 to i32
    %cond3A_1138 = arith.constant 0 : i32
    %cond3A_1139 = arith.cmpi ne, %convert_element_type3A_1137, %cond3A_1138 : i32
    scf.if %cond3A_1139 {
      %get3A_1140 = arith.constant 0 : index
      %get3A_1141 = arith.constant 0 : index
      %get3A_1142 = vector.load %arg23[%get3A_1140, %get3A_1141] : memref<768x128xf32, #tpu.memory_space<vmem>>, vector<768x128xf32>
      %dot_general3A_1143 = arith.constant dense<0.000000e+00> : vector<1024x128xf32>
      %dot_general3A_1144 = tpu.matmul %add3A_1131, %get3A_1142, %dot_general3A_1143 {dimension_numbers = #tpu.dot_dimension_numbers<[1], [0], [0], [1], [0, 0, 1, 1], [], []>, transpose_lhs_hint = false} : vector<1024x768xf32>, vector<768x128xf32>, vector<1024x128xf32> -> vector<1024x128xf32>
      %get3A_1145 = arith.constant 0 : index
      %get3A_1146 = arith.constant 0 : index
      %get3A_1147 = vector.load %arg24[%get3A_1145, %get3A_1146] : memref<1x128xf32, #tpu.memory_space<vmem>>, vector<1x128xf32>
      %add3A_1148 = vector.broadcast %get3A_1147 : vector<1x128xf32> to vector<1024x128xf32>
      %add3A_1149 = arith.addf %dot_general3A_1144, %add3A_1148 : vector<1024x128xf32>
      %swap3A_1150 = arith.constant 0 : index
      %swap3A_1151 = arith.constant 0 : index
      %swap3A_1152 = vector.load %arg25[%swap3A_1150, %swap3A_1151] : memref<1024x128xf32, #tpu.memory_space<vmem>>, vector<1024x128xf32>
      tpu.vector_store %arg25[%swap3A_1150, %swap3A_1151], %add3A_1149 {strides = array<i32>} : memref<1024x128xf32, #tpu.memory_space<vmem>>, vector<1024x128xf32>,
    } else {
    }
    return
  }
  func.func @transform_0(%arg0: i32) -> (i32, i32) {
    %c0_i32 = arith.constant 0 : i32
    %c0_i32_0 = arith.constant 0 : i32
    %c0_i32_1 = arith.constant 0 : i32
    return %c0_i32, %c0_i32_0 : i32, i32
  }
  func.func @transform_1(%arg0: i32) -> (i32, i32) {
    %c0_i32 = arith.constant 0 : i32
    %c0_i32_0 = arith.constant 0 : i32
    %c0_i32_1 = arith.constant 0 : i32
    return %c0_i32, %c0_i32_0 : i32, i32
  }
  func.func @transform_2(%arg0: i32) -> (i32, i32, i32) {
    %c0_i32 = arith.constant 0 : i32
    %c0_i32_0 = arith.constant 0 : i32
    %c0_i32_1 = arith.constant 0 : i32
    return %arg0, %c0_i32, %c0_i32_0 : i32, i32, i32
  }
  func.func @transform_3(%arg0: i32) -> (i32, i32, i32) {
    %c0_i32 = arith.constant 0 : i32
    %c0_i32_0 = arith.constant 0 : i32
    %c0_i32_1 = arith.constant 0 : i32
    return %arg0, %c0_i32, %c0_i32_0 : i32, i32, i32
  }
  func.func @transform_4(%arg0: i32) -> (i32, i32, i32) {
    %c0_i32 = arith.constant 0 : i32
    %c0_i32_0 = arith.constant 0 : i32
    %c0_i32_1 = arith.constant 0 : i32
    return %arg0, %c0_i32, %c0_i32_0 : i32, i32, i32
  }
  func.func @transform_5(%arg0: i32) -> (i32, i32, i32) {
    %c0_i32 = arith.constant 0 : i32
    %c0_i32_0 = arith.constant 0 : i32
    %c0_i32_1 = arith.constant 0 : i32
    return %arg0, %c0_i32, %c0_i32_0 : i32, i32, i32
  }
  func.func @transform_6(%arg0: i32) -> (i32, i32, i32) {
    %c0_i32 = arith.constant 0 : i32
    %c0_i32_0 = arith.constant 0 : i32
    %c0_i32_1 = arith.constant 0 : i32
    return %arg0, %c0_i32, %c0_i32_0 : i32, i32, i32
  }
  func.func @transform_7(%arg0: i32) -> (i32, i32, i32) {
    %c0_i32 = arith.constant 0 : i32
    %c0_i32_0 = arith.constant 0 : i32
    %c0_i32_1 = arith.constant 0 : i32
    return %arg0, %c0_i32, %c0_i32_0 : i32, i32, i32
  }
  func.func @transform_8(%arg0: i32) -> (i32, i32, i32) {
    %c0_i32 = arith.constant 0 : i32
    %c0_i32_0 = arith.constant 0 : i32
    %c0_i32_1 = arith.constant 0 : i32
    return %arg0, %c0_i32, %c0_i32_0 : i32, i32, i32
  }
  func.func @transform_9(%arg0: i32) -> (i32, i32, i32) {
    %c0_i32 = arith.constant 0 : i32
    %c0_i32_0 = arith.constant 0 : i32
    %c0_i32_1 = arith.constant 0 : i32
    return %arg0, %c0_i32, %c0_i32_0 : i32, i32, i32
  }
  func.func @transform_10(%arg0: i32) -> (i32, i32, i32) {
    %c0_i32 = arith.constant 0 : i32
    %c0_i32_0 = arith.constant 0 : i32
    %c0_i32_1 = arith.constant 0 : i32
    return %arg0, %c0_i32, %c0_i32_0 : i32, i32, i32
  }
  func.func @transform_11(%arg0: i32) -> (i32, i32, i32, i32) {
    %c0_i32 = arith.constant 0 : i32
    %c0_i32_0 = arith.constant 0 : i32
    %c0_i32_1 = arith.constant 0 : i32
    %c0_i32_2 = arith.constant 0 : i32
    return %arg0, %c0_i32, %c0_i32_0, %c0_i32_1 : i32, i32, i32, i32
  }
  func.func @transform_12(%arg0: i32) -> (i32, i32, i32) {
    %c0_i32 = arith.constant 0 : i32
    %c0_i32_0 = arith.constant 0 : i32
    %c0_i32_1 = arith.constant 0 : i32
    return %arg0, %c0_i32, %c0_i32_0 : i32, i32, i32
  }
  func.func @transform_13(%arg0: i32) -> (i32, i32, i32, i32) {
    %c0_i32 = arith.constant 0 : i32
    %c0_i32_0 = arith.constant 0 : i32
    %c0_i32_1 = arith.constant 0 : i32
    %c0_i32_2 = arith.constant 0 : i32
    return %arg0, %c0_i32, %c0_i32_0, %c0_i32_1 : i32, i32, i32, i32
  }
  func.func @transform_14(%arg0: i32) -> (i32, i32, i32) {
    %c0_i32 = arith.constant 0 : i32
    %c0_i32_0 = arith.constant 0 : i32
    %c0_i32_1 = arith.constant 0 : i32
    return %arg0, %c0_i32, %c0_i32_0 : i32, i32, i32
  }
  func.func @transform_15(%arg0: i32) -> (i32, i32, i32, i32) {
    %c0_i32 = arith.constant 0 : i32
    %c0_i32_0 = arith.constant 0 : i32
    %c0_i32_1 = arith.constant 0 : i32
    %c0_i32_2 = arith.constant 0 : i32
    return %arg0, %c0_i32, %c0_i32_0, %c0_i32_1 : i32, i32, i32, i32
  }
  func.func @transform_16(%arg0: i32) -> (i32, i32, i32) {
    %c0_i32 = arith.constant 0 : i32
    %c0_i32_0 = arith.constant 0 : i32
    %c0_i32_1 = arith.constant 0 : i32
    return %arg0, %c0_i32, %c0_i32_0 : i32, i32, i32
  }
  func.func @transform_17(%arg0: i32) -> (i32, i32, i32, i32) {
    %c0_i32 = arith.constant 0 : i32
    %c0_i32_0 = arith.constant 0 : i32
    %c0_i32_1 = arith.constant 0 : i32
    %c0_i32_2 = arith.constant 0 : i32
    return %arg0, %c0_i32, %c0_i32_0, %c0_i32_1 : i32, i32, i32, i32
  }
  func.func @transform_18(%arg0: i32) -> (i32, i32, i32) {
    %c0_i32 = arith.constant 0 : i32
    %c0_i32_0 = arith.constant 0 : i32
    %c0_i32_1 = arith.constant 0 : i32
    return %arg0, %c0_i32, %c0_i32_0 : i32, i32, i32
  }
  func.func @transform_19(%arg0: i32) -> (i32, i32, i32) {
    %c0_i32 = arith.constant 0 : i32
    %c0_i32_0 = arith.constant 0 : i32
    %c0_i32_1 = arith.constant 0 : i32
    return %arg0, %c0_i32, %c0_i32_0 : i32, i32, i32
  }
  func.func @transform_20(%arg0: i32) -> (i32, i32, i32) {
    %c0_i32 = arith.constant 0 : i32
    %c0_i32_0 = arith.constant 0 : i32
    %c0_i32_1 = arith.constant 0 : i32
    return %arg0, %c0_i32, %c0_i32_0 : i32, i32, i32
  }
  func.func @transform_21(%arg0: i32) -> (i32, i32, i32) {
    %c0_i32 = arith.constant 0 : i32
    %c0_i32_0 = arith.constant 0 : i32
    %c0_i32_1 = arith.constant 0 : i32
    return %arg0, %c0_i32, %c0_i32_0 : i32, i32, i32
  }
  func.func @transform_22(%arg0: i32) -> (i32, i32) {
    %c0_i32 = arith.constant 0 : i32
    %c0_i32_0 = arith.constant 0 : i32
    %c0_i32_1 = arith.constant 0 : i32
    return %c0_i32, %c0_i32_0 : i32, i32
  }
  func.func @transform_23(%arg0: i32) -> (i32, i32) {
    %c0_i32 = arith.constant 0 : i32
    %c0_i32_0 = arith.constant 0 : i32
    %c0_i32_1 = arith.constant 0 : i32
    return %c0_i32, %c0_i32_0 : i32, i32
  }
  func.func @transform_24(%arg0: i32) -> (i32, i32) {
    %c0_i32 = arith.constant 0 : i32
    %c0_i32_0 = arith.constant 0 : i32
    %c0_i32_1 = arith.constant 0 : i32
    return %c0_i32, %c0_i32_0 : i32, i32
  }
}

</mosaic_0001>

<sc_bundles>
// kernel: kernel.5.cloned.1.call-start
scs
__scs_entry_jumppad:
0x0: {  	(pc) =	sbr.rel $0x88, $3  }
0x1: {  	(tag) =	ssettag $0x0;
	lr =	simm.s32 $0x1  }
0x2: {  	[smem:$0x3BC6] =	sst lr;
	_ =	strace $0xD0000000  }
0x3: {  	_ = 	snop  }
0x4: {  	_ = 	snop  }
0x5: {  	_ = 	snop  }
0x6: {  	_ = 	snop  }
0x7: {  	_ = 	snop  }
__scs_overlays_trampoline_lowered:
0x8: {  	[smem:$0x3BD5] =	sst s0  }
0x9: {  	[smem:$0x3BD6] =	sst s1  }
0xa: {  	[smem:$0x3BD7] =	sst s2  }
0xb: {  	[smem:$0x3BD8] =	sst s3  }
0xc: {  	[smem:$0x3BD9] =	sst s4  }
0xd: {  	[smem:$0x3BDA] =	sst s5  }
0xe: {  	[smem:$0x3BDB] =	sst s6  }
0xf: {  	[smem:$0x3BDC] =	sst s7  }
0x10: {  	[smem:$0x3BDD] =	sst s8  }
0x11: {  	[smem:$0x3BDE] =	sst s9;
	s0 =	simm.s32 @!p0 $0x0  }
0x12: {  	s1 =	sld [smem:$0x3BC4];
	s0 =	simm.s32 @p0 $0x1  }
0x13: {  	[smem:$0x3BDF] =	sst s0;
	s0 =	simm.s32 @!p1 $0x0  }
0x14: {  	s2 =	sld [smem:$0x3BC3];
	s0 =	simm.s32 @p1 $0x1  }
0x15: {  	[smem:$0x3BE0] =	sst s0;
	s0 =	simm.s32 @!p2 $0x0  }
0x16: {  	s3 =	sld [smem:$0x3FDB];
	s0 =	simm.s32 @p2 $0x1  }
0x17: {  	s4 =	simm.s32 $0x1BF5;
	[smem:$0x3BE2] =	sst s0  }
0x18: {  	s0 =	sld [smem:$0x3BC5];
	_ =	swait.ge [sflag:s4], $0x0  }
0x19: {  	s7 =	sld [smem:$0x3BC6]  }
0x1a: {  	s8 =	sadd.s32 $0xFFFFE003, lr  }
0x1b: {  	s9 =	sadd.s32 $0xFFFFFEF7, lr;
	s5 =	simm.s32 $0xFFFFFFFF;
	p2 =	slt.u32 s8, $0xFFFFF086  }
0x1c: {  	p1 =	slt.u32 s9, $0xF7A;
	s5 =	simm.s32 @!p2 $0x0  }
0x1d: {  	s5 =	simm.s32 @p1 $0x1;
	p0 =	seq.s32 s7, s2  }
0x1e: {  	s7 =	smul.u32 @!p0 $0xF7A, s2;
	p2 =	seq.s32 @!p0 s5, $0x0  }
0x1f: {  	s9 =	smul.u32 $0xF7A, s1;
	s8 =	simm.s32 @!p0 $0x1BF5;
	p2 =	por !p2, p0  }
0x20: {  	[sflag:s8] =	ssyncset.s32 @!p0 $0xFFFFF086;
	s6 =	sadd.s32 @!p0 s3, s7;
	s7 =	simm.s32 @!p0 $0x108  }
0x21: {  	s3 =	sadd.s32 s3, s9;
	s6 =	sadd.s32 @!p0 $0x88, s6;
	s7 =	simm.s32 @p2 $0x1082  }
0x22: {  	[simem:s7], [sflag:s8] =	dma.local @!p0 [hbm:s6], $0xF7A  }
0x23: {  	s9 =	sor.u32 $0xD0000000, s2;
	s6 =	simm.s32 $0x108;
	_ =	swait.ge @!p0 [sflag:s8], $0x0  }
0x24: {  	s3 =	sadd.s32 $0x88, s3;
	s6 =	simm.s32 @!p1 $0x1082;
	[sflag:s4] =	ssyncset.s32 $0xFFFFF086  }
0x25: {  	[simem:s6], [sflag:s4] =	dma.local [hbm:s3], $0xF7A  }
0x26: {  	[smem:$0x3BC6] =	sst s1;
	(tag) =	ssettag s2;
	_ =	strace s9  }
0x27: {  	s1 =	sld [smem:$0x3BD6]  }
0x28: {  	s2 =	sld [smem:$0x3BD7]  }
0x29: {  	s4 =	sld [smem:$0x3BD9]  }
0x2a: {  	p0 =	seq.s32 s5, $0x0;
	s5 =	sld [smem:$0x3BDA]  }
0x2b: {  	s6 =	sld [smem:$0x3BDB]  }
0x2c: {  	s7 =	sld [smem:$0x3BDC]  }
0x2d: {  	s3 =	simm.s32 $0x108;
	s8 =	sld [smem:$0x3BDD]  }
0x2e: {  	s3 =	simm.s32 @!p0 $0x1082;
	s9 =	sld [smem:$0x3BDE]  }
0x2f: {  	lr =	sadd.s32 s0, s3;
	s0 =	sld [smem:$0x3BD5]  }
0x30: {  	s3 =	sld [smem:$0x3BD8]  }
0x31: {  	[smem:$0x3BE1] =	sst s10  }
0x32: {  	s10 =	sld [smem:$0x3BDF];
	_ =	sdelay $0x3  }
0x33: {  	p0 =	seq.s32 s10, $0x1;
	s10 =	sld [smem:$0x3BE1];
	_ =	sdelay $0x3  }
0x34: {  	[smem:$0x3BE1] =	sst s10  }
0x35: {  	s10 =	sld [smem:$0x3BE0];
	_ =	sdelay $0x3  }
0x36: {  	p1 =	seq.s32 s10, $0x1;
	s10 =	sld [smem:$0x3BE1];
	_ =	sdelay $0x3  }
0x37: {  	[smem:$0x3BE1] =	sst s10  }
0x38: {  	s10 =	sld [smem:$0x3BE2]  }
0x39: {  	_ = 	snop;
	(pc) =	sbr.ind lr, $3  }
0x3a: {  	_ = 	snop  }
0x3b: {  	_ = 	snop  }
0x3c: {  	p2 =	seq.s32 s10, $0x1;
	s10 =	sld [smem:$0x3BE1]  }
0x3d: {  	_ =	shalt  }
0x3e: {  	_ =	shalt  }
0x3f: {  	_ =	shalt  }
0x40: {  	_ =	shalt  }
0x41: {  	_ =	shalt  }
0x42: {  	_ =	shalt  }
0x43: {  	_ =	shalt  }
0x44: {  	_ =	shalt  }
0x45: {  	_ =	shalt  }
0x46: {  	_ =	shalt  }
0x47: {  	_ =	shalt  }
0x48: {  	_ =	shalt  }
0x49: {  	_ =	shalt  }
0x4a: {  	_ =	shalt  }
0x4b: {  	_ =	shalt  }
0x4c: {  	_ =	shalt  }
0x4d: {  	_ =	shalt  }
0x4e: {  	_ =	shalt  }
0x4f: {  	_ =	shalt  }
0x50: {  	_ =	shalt  }
0x51: {  	_ =	shalt  }
0x52: {  	_ =	shalt  }
0x53: {  	_ =	shalt  }
0x54: {  	_ =	shalt  }
0x55: {  	_ =	shalt  }
0x56: {  	_ =	shalt  }
0x57: {  	_ =	shalt  }
0x58: {  	_ =	shalt  }
0x59: {  	_ =	shalt  }
0x5a: {  	_ =	shalt  }
0x5b: {  	_ =	shalt  }
0x5c: {  	_ =	shalt  }
0x5d: {  	_ =	shalt  }
0x5e: {  	_ =	shalt  }
0x5f: {  	_ =	shalt  }
0x60: {  	_ =	shalt  }
0x61: {  	_ =	shalt  }
0x62: {  	_ =	shalt  }
0x63: {  	_ =	shalt  }
0x64: {  	_ =	shalt  }
0x65: {  	_ =	shalt  }
0x66: {  	_ =	shalt  }
0x67: {  	_ =	shalt  }
0x68: {  	_ =	shalt  }
0x69: {  	_ =	shalt  }
0x6a: {  	_ =	shalt  }
0x6b: {  	_ =	shalt  }
0x6c: {  	_ =	shalt  }
0x6d: {  	_ =	shalt  }
0x6e: {  	_ =	shalt  }
0x6f: {  	_ =	shalt  }
0x70: {  	_ =	shalt  }
0x71: {  	_ =	shalt  }
0x72: {  	_ =	shalt  }
0x73: {  	_ =	shalt  }
0x74: {  	_ =	shalt  }
0x75: {  	_ =	shalt  }
0x76: {  	_ =	shalt  }
0x77: {  	_ =	shalt  }
0x78: {  	_ =	shalt  }
0x79: {  	_ =	shalt  }
0x7a: {  	_ =	shalt  }
0x7b: {  	_ =	shalt  }
0x7c: {  	_ =	shalt  }
0x7d: {  	_ =	shalt  }
0x7e: {  	_ =	shalt  }
0x7f: {  	_ =	shalt  }
0x80: {  	_ =	shalt  }
0x81: {  	_ =	shalt  }
0x82: {  	_ =	shalt  }
0x83: {  	_ =	shalt  }
0x84: {  	_ =	shalt  }
0x85: {  	_ =	shalt  }
0x86: {  	_ =	shalt  }
0x87: {  	_ =	shalt  }
.Lfunc_end0:
.L_simem_size_0:
called_computation_lowered:
.L_overlay_start_0:
0x88: {  	s2 =	sld [smem:$0x3FD9]  }
0x89: {  	s3 =	sld [smem:$0x3FFE];
	_ =	sdelay $0x1  }
0x8a: {  	s1 =	srdreg.scid  }
0x8b: {  	s0 =	sand.u32 $0x1, s1  }
0x8c: {  	s17 =	sshll.u32 s0, $0xA;
	s2 =	sadd.s32 s3, s2  }
0x8d: {  	s2 =	sadd.s32 s2, s17  }
0x8e: {  	[smem:$0x3BED] =	sst s2  }
0x8f: {  	_ = 	snop  }
0x90: {  	s2 =	sld [smem:$0x3FC1]  }
0x91: {  	s18 =	sld [smem:$0x3BF4]  }
0x92: {  	s4 =	sld [smem:$0x3BF3]  }
0x93: {  	s5 =	sld [smem:$0x3BF2]  }
0x94: {  	s6 =	sld [smem:$0x3BF1]  }
0x95: {  	s7 =	sld [smem:$0x3BF0]  }
0x96: {  	s8 =	sld [smem:$0x3BEF];
	(tm) =	ssettm $0x1  }
0x97: {  	s9 =	sld [smem:$0x3FFB];
	_ =	sdelay $0x3  }
0x98: {  	_ =	strace s9  }
0x99: {  	s9 =	sld [smem:$0x3FFC];
	_ =	sdelay $0x3  }
0x9a: {  	_ =	strace s9  }
0x9b: {  	s9 =	sld [smem:$0x3FFD];
	_ =	sdelay $0x3  }
0x9c: {  	_ =	strace s9  }
0x9d: {  	_ =	strace $0x8FFFFFFF  }
0x9e: {  	s19 =	sld [smem:$0x3FDB];
	_ =	sdelay $0x1  }
0x9f: {  	s10 =	simm.s32 $_scs_section_size  }
0xa0: {  	s11 =	simm.s32 $_size__tile_overlayer_lowered;
	s12 =	simm.s32 $_tile_overlayer_lowered  }
0xa1: {  	s22 =	simm.s32 $0x1BFF;
	s21 =	sshll.u32 s12, $0x1;
	s9 =	sadd.s32 s10, s19  }
0xa2: {  	s13 =	simm.s32 $0x0;
	s20 =	sshll.u32 s11, $0x1;
	s11 =	sadd.s32 s21, s9  }
0xa3: {  	[timem:s13], [sflag:s22] =	dma.local [hbm:s11], s20  }
0xa4: {  	_ =	swait.ge [sflag:s22], s20  }
0xa5: {  	s10 =	ssub.s32 $0x0, s20;
	[sflag:s22] =	ssyncset.done $0x0  }
0xa6: {  	[sflag:s22] =	ssyncadd.s32 s10;
	_ =	sdelay $0x1  }
0xa7: {  	s23 =	simm.s32 $0x1B8B  }
0xa8: {  	_ =	swait.ge [sflag:s23], $0x1  }
0xa9: {  	[sflag:s23] =	ssyncset.done $0x0  }
0xaa: {  	s25 =	simm.s32 $0x1B8E;
	s24 =	sld [smem:$0x3FFE];
	[sflag:s23] =	ssyncadd.s32 $0xFFFFFFFF  }
0xab: {  	s26 =	simm.s32 $execute0_lowered;
	[smem:$0x3FD2] =	sst s25  }
0xac: {  	s11 =	sshll.u32 s26, $0x1;
	_ =	strace $0x80000046;
	[dreg:$0x1] =	wrdreg $0xFFFFFFFF  }
0xad: {  	s28 =	simm.s32 $_size_execute0_lowered;
	s9 =	sadd.s32 s9, s11;
	[dreg:$0x0] =	wrdreg $0x0  }
0xae: {  	s11 =	sshll.u32 s28, $0x1;
	[dreg:$0x2] =	wrdreg s9  }
0xaf: {  	[dreg:$0x3] =	wrdreg s11  }
0xb0: {  	[dreg:$0x4] =	wrdreg $0xC0  }
0xb1: {  	_ =	task [dreg:s13], $0x5FFFF  }
0xb2: {  	[dreg:$0x1] =	wrdreg $0xFFFFFFFF  }
0xb3: {  	[dreg:$0x0] =	wrdreg $0x60  }
0xb4: {  	[dreg:$0x2] =	wrdreg s6  }
0xb5: {  	[dreg:$0x3] =	wrdreg s18  }
0xb6: {  	[dreg:$0x4] =	wrdreg s7  }
0xb7: {  	[dreg:$0x5] =	wrdreg s8  }
0xb8: {  	[dreg:$0x6] =	wrdreg s2  }
0xb9: {  	[dreg:$0x7] =	wrdreg s5  }
0xba: {  	[dreg:$0x8] =	wrdreg s4  }
0xbb: {  	[dreg:$0x9] =	wrdreg s24  }
0xbc: {  	[dreg:$0xa] =	wrdreg $0x9  }
0xbd: {  	_ =	task.clear_ibuf [dreg:s13], $0xBFFFF;
	_ =	strace $0x90000046  }
0xbe: {  	s29 =	simm.s32 $0x9;
	_ =	strace $0x80000048  }
0xbf: {  	_ =	swait.ge [sflag:s29], $0x1  }
0xc0: {  	[sflag:s29] =	ssyncadd.s32 $0xFFFFFFFF  }
0xc1: {  	_ =	strace $0x90000048  }
0xc2: {  	_ =	sfence  }
0xc3: {  	s30 =	sld [smem:$0x0];
	_ =	sdelay $0x2  }
0xc4: {  	s31 =	sshll.u32 s1, $0xD;
	s1 =	sshrl.u32 s1, $0x2  }
0xc5: {  	s3 =	sand.u32 $0x4000, s31;
	s1 =	sadd.s32 s1, s30  }
0xc6: {  	s0 =	sor.u32 s3, s0;
	s1 =	sshll.u32 s1, $0x11  }
0xc7: {  	s0 =	sor.u32 s1, s0  }
0xc8: {  	s0 =	sadd.s32 $0x8F2B, s0  }
0xc9: {  	[sflag:s0] =	ssyncadd.remote.s32 $0x1  }
0xca: {  	_ =	sfence.sel $0xFFFF  }
0xcb: {  	[dreg:$0x0] =	wrdreg $0xFFFFFFFF;
	(pc) =	sbr.abs _section_cstart, $3  }
0xcc: {  	[dreg:$0x1] =	wrdreg $0xFFFFFFFF  }
0xcd: {  	_ =	task.clear_ibuf [dreg:s13], $0x2FFFF;
	_ =	strace $0x9FFFFFFF  }
0xce: {  	(tm) =	ssettm $0x7FFFFFFF  }
0xcf: {  	_ =	shalt  }
tec
execute0_lowered:
.L_overlay_start_1:
0x0: {  	(tag) =	ssettag $0x1  }
0x1: {  	s8 =	rddreg [dreg:$0x0]  }
0x2: {  	s19 =	rddreg [dreg:$0x1]  }
0x3: {  	s4 =	rddreg [dreg:$0x2]  }
0x4: {  	s22 =	rddreg [dreg:$0x3]  }
0x5: {  	s21 =	rddreg [dreg:$0x4]  }
0x6: {  	s23 =	rddreg [dreg:$0x5]  }
0x7: {  	s0 =	srdreg.scid;
	s26 =	rddreg [dreg:$0x6]  }
0x8: {  	s6 =	stileid.u32;
	s25 =	rddreg [dreg:$0x7];
	s9 =	simm.s32 $0x0  }
0x9: {  	s5 =	sand.u32 $0x1, s0;
	s20 =	sshll.u32 s6, $0x6;
	s24 =	sshll.u32 s6, $0x9  }
0xa: {  	[smem:$0x7FF] =	sst s9;
	s12 =	sadd.s32 $0x22A10, s25;
	s1 =	sshll.u32 s5, $0x5  }
0xb: {  	s13 =	sadd.s32 $0x22A20, s25;
	s6 =	sadd.s32 $0x22A50, s25;
	s2 =	sor.u32 s1, s20  }
0xc: {  	s10 =	sand.u32 $0x1C00, s24;
	_ =	strace $0x80000047;
	s7 =	sand.u32 $0x60, s2  }
0xd: {  	s1 =	sadd.s32 $0x22A00, s25;
	s20 =	sadd.s32 $0x22A30, s25;
	s0 =	sor.u32 s10, s7  }
0xe: {  	s18 =	sor.u32 $0x2000, s10;
	s14 =	sshrl.u32 s2, $0x3;
	s11 =	sshrl.u32 s0, $0x3  }
0xf: {  	s17 =	sshrl.u32 s7, $0x3;
	s7 =	sor.u32 s7, s18;
	s0 =	sadd.s32 s1, s11  }
0x10: {  	s31 =	sor.u32 s2, s17;
	s29 =	sadd.s32 s11, s12;
	[dreg:$0x9] =	wrdreg s0  }
0x11: {  	s17 =	smul.u32 $0x1800, s14;
	s30 =	sadd.s32 s11, s13;
	[dreg:$0xa] =	wrdreg s29  }
0x12: {  	s7 =	sshrl.u32 s7, $0x3;
	s15 =	sadd.s32 s11, s20;
	[dreg:$0xb] =	wrdreg s30  }
0x13: {  	s7 =	sadd.s32 s1, s7;
	[dreg:$0xc] =	wrdreg s15;
	s15 =	sadd.s32 $0x22A40, s25  }
0x14: {  	s3 =	sor.u32 $0x60, s31;
	[dreg:$0x11] =	wrdreg s7;
	s16 =	sadd.s32 s11, s15  }
0x15: {  	s0 =	sadd.s32 $0x23200, s25;
	s11 =	sadd.s32 s11, s6;
	[dreg:$0xd] =	wrdreg s16  }
0x16: {  	[dreg:$0xe] =	wrdreg s11;
	s11 =	sadd.s32 s1, s3;
	s16 =	sor.u32 $0x70, s31  }
0x17: {  	s17 =	sshrl.u32 s17, $0x3;
	[dreg:$0xf] =	wrdreg s11;
	s11 =	sadd.s32 s1, s16  }
0x18: {  	[dreg:$0x10] =	wrdreg s11;
	s11 =	sadd.s32 s0, s17  }
0x19: {  	s24 =	sadd.s32 $0x18000, s11;
	[smem:$0x7E7] =	sst s11  }
0x1a: {  	s25 =	sadd.s32 $0x30000, s11;
	[dreg:$0x12] =	wrdreg s24  }
0x1b: {  	s29 =	sadd.s32 $0x48000, s11;
	[dreg:$0x13] =	wrdreg s25  }
0x1c: {  	s30 =	sadd.s32 $0x60000, s11;
	[dreg:$0x14] =	wrdreg s29  }
0x1d: {  	s31 =	sadd.s32 $0x78000, s11;
	[dreg:$0x15] =	wrdreg s30  }
0x1e: {  	s3 =	sadd.s32 $0x90000, s11;
	[dreg:$0x16] =	wrdreg s31  }
0x1f: {  	s14 =	sadd.s32 $0xA8000, s11;
	[dreg:$0x17] =	wrdreg s3  }
0x20: {  	s16 =	sor.u32 $0x10, s2;
	[dreg:$0x18] =	wrdreg s14;
	s24 =	sadd.s32 $0xC0000, s11  }
0x21: {  	s17 =	sand.u32 $0x70, s16;
	s3 =	sadd.s32 $0x100, s8;
	[dreg:$0x19] =	wrdreg s24  }
0x22: {  	s10 =	sor.u32 s10, s17;
	s8 =	sadd.s32 $0x200, s8;
	[smem:$0x7E8] =	sst s3  }
0x23: {  	s10 =	sshrl.u32 s10, $0x3;
	s14 =	sadd.s32 $0x100, s19;
	[smem:$0x7E9] =	sst s8  }
0x24: {  	s29 =	sadd.s32 s1, s10;
	[smem:$0x7EA] =	sst s14  }
0x25: {  	s30 =	sadd.s32 s10, s12;
	[dreg:$0x1a] =	wrdreg s29  }
0x26: {  	s31 =	sadd.s32 s10, s13;
	[dreg:$0x1b] =	wrdreg s30  }
0x27: {  	s5 =	ssub.s32 $0x2, s5;
	s11 =	sadd.s32 s10, s20;
	[dreg:$0x1c] =	wrdreg s31  }
0x28: {  	s25 =	sshrl.u32 s5, $0x1;
	s12 =	sadd.s32 s10, s15;
	[dreg:$0x1d] =	wrdreg s11  }
0x29: {  	s13 =	sshrl.u32 s17, $0x3;
	s6 =	sadd.s32 s10, s6;
	[dreg:$0x1e] =	wrdreg s12  }
0x2a: {  	s5 =	ssub.s32 s5, s25;
	s2 =	sor.u32 s2, s13;
	[dreg:$0x1f] =	wrdreg s6  }
0x2b: {  	s29 =	sor.u32 s18, s17;
	s31 =	sadd.s32 $0x200, s19;
	s18 =	sadd.s32 $0x100, s22  }
0x2c: {  	s19 =	sadd.s32 $0x200, s22;
	s22 =	sadd.s32 $0x200, s21;
	[smem:$0x7ED] =	sst s31  }
0x2d: {  	s6 =	sshrl.u32 s29, $0x3;
	[smem:$0x7F7] =	sst s22;
	s29 =	sadd.s32 $0x200, s23  }
0x2e: {  	s15 =	sor.u32 $0x60, s2;
	s31 =	sadd.s32 $0x80, s26;
	[smem:$0x7FA] =	sst s29  }
0x2f: {  	s2 =	sor.u32 $0x70, s2;
	s24 =	sadd.s32 s1, s15;
	[smem:$0x7FD] =	sst s31  }
0x30: {  	s20 =	sshrl.u32 s16, $0x3;
	s2 =	sadd.s32 s1, s2;
	[smem:$0x7EB] =	sst s24  }
0x31: {  	s25 =	smul.u32 $0x1800, s20;
	s1 =	sadd.s32 s1, s6;
	[smem:$0x7EC] =	sst s2  }
0x32: {  	s15 =	sadd.s32 $0x100, s21;
	[smem:$0x7EE] =	sst s1  }
0x33: {  	s7 =	sshrl.u32 s25, $0x3;
	s25 =	sadd.s32 $0x100, s23;
	[smem:$0x7F4] =	sst s15  }
0x34: {  	s30 =	sadd.s32 s0, s7;
	[smem:$0x7F9] =	sst s25  }
0x35: {  	s3 =	sadd.s32 $0x18000, s30;
	[smem:$0x7F6] =	sst s30  }
0x36: {  	s8 =	sadd.s32 $0x30000, s30;
	[smem:$0x7EF] =	sst s3  }
0x37: {  	s11 =	sor.u32 $0x60000, s7;
	s10 =	sadd.s32 $0x48000, s30;
	[smem:$0x7F0] =	sst s8  }
0x38: {  	s12 =	sadd.s32 s0, s11;
	[smem:$0x7F1] =	sst s10  }
0x39: {  	s13 =	sadd.s32 $0x78000, s30;
	[smem:$0x7F2] =	sst s12  }
0x3a: {  	s14 =	sadd.s32 $0x90000, s30;
	[smem:$0x7F3] =	sst s13  }
0x3b: {  	s24 =	sor.u32 $0xC0000, s7;
	s20 =	sadd.s32 $0xA8000, s30;
	[smem:$0x7F5] =	sst s14  }
0x3c: {  	s28 =	simm.s32 $0x3;
	s0 =	sadd.s32 s0, s24;
	[smem:$0x7F8] =	sst s20  }
0x3d: {  	v2 =	vlaneseq.u32;
	s16 =	sadd.s32 $0x100, s4;
	s30 =	sadd.s32 $0x40, s26;
	[smem:$0x7FB] =	sst s0  }
0x3e: {  	vm0 =	vmmov $0xffff;
	v3 =	vshrl.u32 v2, $0x3;
	v0 =	vand.u32 $0x7, v2;
	s17 =	sadd.s32 $0x200, s4;
	s6 =	simm.s32 $0x2;
	[smem:$0x7FC] =	sst s30  }
0x3f: {  	v2 =	vor.u32 $0x8, v2;
	v1 =	vmul.u32 $0x8, v3;
	v3 =	vmul.u32 $0x2, v3;
	s20 =	smax.u32 s5, $0x1;
	s5 =	simm.s32 $0x1;
	s14 =	simm.s32 $0x12800  }
.LBB2_1:
0x40: {  	s8 =	rddreg [dreg:$0x9]  }
0x41: {  	[tilespmem:s9], [sflag:$0x3] =	stream.linear.gather [hbm4b:s8+s9], $0x10, $0x38;
	[tilespmem:$0x1B800] =	vst v63  }
0x42: {  	_ =	swait.ge [sflag:s28], $0x10  }
0x43: {  	[sflag:s28] =	ssyncset.done $0x0  }
0x44: {  	s0 =	simm.s32 $0x80;
	s29 =	rddreg [dreg:$0xa];
	[sflag:s28] =	ssyncadd.s32 $0xFFFFFFF0  }
0x45: {  	[tilespmem:s0], [sflag:$0x3] =	stream.linear.gather [hbm4b:s29+s9], $0x10, $0x38;
	[tilespmem:$0x1B800] =	vst v63  }
0x46: {  	_ =	swait.ge [sflag:s28], $0x10  }
0x47: {  	[sflag:s28] =	ssyncset.done $0x0  }
0x48: {  	s31 =	simm.s32 $0x100;
	s30 =	rddreg [dreg:$0xb];
	[sflag:s28] =	ssyncadd.s32 $0xFFFFFFF0  }
0x49: {  	[tilespmem:s31], [sflag:$0x3] =	stream.linear.gather [hbm4b:s30+s9], $0x10, $0x38;
	[tilespmem:$0x1B800] =	vst v63  }
0x4a: {  	_ =	swait.ge [sflag:s28], $0x10  }
0x4b: {  	[sflag:s28] =	ssyncset.done $0x0  }
0x4c: {  	s2 =	simm.s32 $0x180;
	s1 =	rddreg [dreg:$0xc];
	[sflag:s28] =	ssyncadd.s32 $0xFFFFFFF0  }
0x4d: {  	[tilespmem:s2], [sflag:$0x3] =	stream.linear.gather [hbm4b:s1+s9], $0x10, $0x38;
	[tilespmem:$0x1B800] =	vst v63  }
0x4e: {  	_ =	swait.ge [sflag:s28], $0x10  }
0x4f: {  	[sflag:s28] =	ssyncset.done $0x0  }
0x50: {  	s4 =	simm.s32 $0x200;
	s3 =	rddreg [dreg:$0xd];
	[sflag:s28] =	ssyncadd.s32 $0xFFFFFFF0  }
0x51: {  	[tilespmem:s4], [sflag:$0x3] =	stream.linear.gather [hbm4b:s3+s9], $0x10, $0x38;
	[tilespmem:$0x1B800] =	vst v63  }
0x52: {  	_ =	swait.ge [sflag:s28], $0x10  }
0x53: {  	[sflag:s28] =	ssyncset.done $0x0  }
0x54: {  	s10 =	simm.s32 $0x280;
	s7 =	rddreg [dreg:$0xe];
	[sflag:s28] =	ssyncadd.s32 $0xFFFFFFF0  }
0x55: {  	[tilespmem:s10], [sflag:$0x3] =	stream.linear.gather [hbm4b:s7+s9], $0x10, $0x38;
	[tilespmem:$0x1B800] =	vst v63  }
0x56: {  	_ =	swait.ge [sflag:s28], $0x10  }
0x57: {  	[sflag:s28] =	ssyncset.done $0x0  }
0x58: {  	s12 =	simm.s32 $0x300;
	s11 =	rddreg [dreg:$0xf];
	[sflag:s28] =	ssyncadd.s32 $0xFFFFFFF0  }
0x59: {  	[tilespmem:s12], [sflag:$0x3] =	stream.linear.gather [hbm4b:s11+s9], $0x10, $0x38;
	[tilespmem:$0x1B800] =	vst v63  }
0x5a: {  	_ =	swait.ge [sflag:s28], $0x10  }
0x5b: {  	[sflag:s28] =	ssyncset.done $0x0  }
0x5c: {  	s15 =	simm.s32 $0x380;
	s13 =	rddreg [dreg:$0x10];
	[sflag:s28] =	ssyncadd.s32 $0xFFFFFFF0  }
0x5d: {  	[tilespmem:s15], [sflag:$0x3] =	stream.linear.gather [hbm4b:s13+s9], $0x10, $0x38;
	[tilespmem:$0x1B800] =	vst v63  }
0x5e: {  	_ =	swait.ge [sflag:s28], $0x10  }
0x5f: {  	[sflag:s28] =	ssyncset.done $0x0  }
0x60: {  	s22 =	simm.s32 $0x400;
	s21 =	rddreg [dreg:$0x11];
	[sflag:s28] =	ssyncadd.s32 $0xFFFFFFF0  }
0x61: {  	[tilespmem:s22], [sflag:$0x3] =	stream.linear.gather [hbm4b:s21+s9], $0x10, $0x38;
	[tilespmem:$0x1B800] =	vst v63  }
0x62: {  	_ =	swait.ge [sflag:s28], $0x10  }
0x63: {  	[sflag:s28] =	ssyncset.done $0x0  }
0x64: {  	[sflag:s28] =	ssyncadd.s32 $0xFFFFFFF0  }
0x65: {  	v4 =	vld [tilespmem:$0x0];
	_ =	sdelay $0x4  }
0x66: {  	v5 =	vshrl.u32 v4, $0x3  }
0x67: {  	v5 =	vmul.u32 $0x30, v5  }
0x68: {  	v4 =	vand.u32 $0x7, v4  }
0x69: {  	v4 =	vor.u32 v4, v5  }
0x6a: {  	v5 =	vperm.xlane v4, v0;
	_ =	sdelay $0x1  }
0x6b: {  	v5 =	vadd.s32 v1, v5;
	_ =	sdelay $0x2  }
0x6c: {  	s12 =	sld [smem:$0x7E8]  }
0x6d: {  	s23 =	simm.s32 $0x800;
	s29 =	rddreg [dreg:$0x0];
	v4 =	vperm.xlane v4, v2  }
0x6e: {  	[tilespmem:s23], [sflag:$0x1] =	stream.indirect_vreg.gather [hbm4b:s29+s9], $0x80, v5, vm0, $0xb8;
	[tilespmem:$0x1B800] =	vst v63  }
0x6f: {  	s24 =	simm.s32 $0x1000;
	s13 =	sld [smem:$0x7E9];
	v4 =	vadd.s32 v1, v4  }
0x70: {  	[tilespmem:s24], [sflag:$0x1] =	stream.indirect_vreg.gather [hbm4b:s12+s9], $0x80, v5, vm0, $0xb8;
	[tilespmem:$0x1B800] =	vst v63  }
0x71: {  	s25 =	simm.s32 $0x1800  }
0x72: {  	[tilespmem:s25], [sflag:$0x1] =	stream.indirect_vreg.gather [hbm4b:s13+s9], $0x80, v5, vm0, $0xb8;
	[tilespmem:$0x1B800] =	vst v63  }
0x73: {  	s26 =	simm.s32 $0x2000  }
0x74: {  	[tilespmem:s26], [sflag:$0x1] =	stream.indirect_vreg.gather [hbm4b:s29+s9], $0x80, v4, vm0, $0xb8;
	[tilespmem:$0x1B800] =	vst v63  }
0x75: {  	s30 =	simm.s32 $0x2800  }
0x76: {  	[tilespmem:s30], [sflag:$0x1] =	stream.indirect_vreg.gather [hbm4b:s12+s9], $0x80, v4, vm0, $0xb8;
	[tilespmem:$0x1B800] =	vst v63  }
0x77: {  	s31 =	simm.s32 $0x3000  }
0x78: {  	[tilespmem:s31], [sflag:$0x1] =	stream.indirect_vreg.gather [hbm4b:s13+s9], $0x80, v4, vm0, $0xb8;
	[tilespmem:$0x1B800] =	vst v63  }
0x79: {  	v4 =	vld [tilespmem:$0x80];
	_ =	sdelay $0x4  }
0x7a: {  	v5 =	vshrl.u32 v4, $0x3  }
0x7b: {  	v5 =	vmul.u32 $0x30, v5  }
0x7c: {  	v4 =	vand.u32 $0x7, v4  }
0x7d: {  	v4 =	vor.u32 v4, v5  }
0x7e: {  	v5 =	vperm.xlane v4, v0;
	_ =	sdelay $0x1  }
0x7f: {  	v5 =	vadd.s32 v1, v5;
	_ =	sdelay $0x2  }
0x80: {  	s15 =	sld [smem:$0x7EA]  }
0x81: {  	s1 =	simm.s32 $0x3800;
	s2 =	rddreg [dreg:$0x1];
	v4 =	vperm.xlane v4, v2  }
0x82: {  	[tilespmem:s1], [sflag:$0x1] =	stream.indirect_vreg.gather [hbm4b:s2+s9], $0x80, v5, vm0, $0xb8;
	[tilespmem:$0x1B800] =	vst v63  }
0x83: {  	s3 =	simm.s32 $0x4000;
	v4 =	vadd.s32 v1, v4;
	s1 =	sld [smem:$0x7ED]  }
0x84: {  	[tilespmem:s3], [sflag:$0x1] =	stream.indirect_vreg.gather [hbm4b:s15+s9], $0x80, v5, vm0, $0xb8;
	[tilespmem:$0x1B800] =	vst v63  }
0x85: {  	s4 =	simm.s32 $0x4800  }
0x86: {  	[tilespmem:s4], [sflag:$0x1] =	stream.indirect_vreg.gather [hbm4b:s1+s9], $0x80, v5, vm0, $0xb8;
	[tilespmem:$0x1B800] =	vst v63  }
0x87: {  	s7 =	simm.s32 $0x5000  }
0x88: {  	[tilespmem:s7], [sflag:$0x1] =	stream.indirect_vreg.gather [hbm4b:s2+s9], $0x80, v4, vm0, $0xb8;
	[tilespmem:$0x1B800] =	vst v63  }
0x89: {  	s8 =	simm.s32 $0x5800  }
0x8a: {  	[tilespmem:s8], [sflag:$0x1] =	stream.indirect_vreg.gather [hbm4b:s15+s9], $0x80, v4, vm0, $0xb8;
	[tilespmem:$0x1B800] =	vst v63  }
0x8b: {  	s10 =	simm.s32 $0x6000  }
0x8c: {  	[tilespmem:s10], [sflag:$0x1] =	stream.indirect_vreg.gather [hbm4b:s1+s9], $0x80, v4, vm0, $0xb8;
	[tilespmem:$0x1B800] =	vst v63  }
0x8d: {  	v4 =	vld [tilespmem:$0x100];
	_ =	sdelay $0x4  }
0x8e: {  	v5 =	vshrl.u32 v4, $0x3  }
0x8f: {  	v5 =	vmul.u32 $0x30, v5  }
0x90: {  	v4 =	vand.u32 $0x7, v4  }
0x91: {  	v4 =	vor.u32 v4, v5  }
0x92: {  	v5 =	vperm.xlane v4, v0;
	_ =	sdelay $0x1  }
0x93: {  	v5 =	vadd.s32 v1, v5;
	_ =	sdelay $0x3  }
0x94: {  	s11 =	simm.s32 $0x6800;
	s4 =	rddreg [dreg:$0x2];
	v4 =	vperm.xlane v4, v2  }
0x95: {  	[tilespmem:s11], [sflag:$0x1] =	stream.indirect_vreg.gather [hbm4b:s4+s9], $0x80, v5, vm0, $0xb8;
	[tilespmem:$0x1B800] =	vst v63  }
0x96: {  	s21 =	simm.s32 $0x7000;
	v4 =	vadd.s32 v1, v4  }
0x97: {  	[tilespmem:s21], [sflag:$0x1] =	stream.indirect_vreg.gather [hbm4b:s16+s9], $0x80, v5, vm0, $0xb8;
	[tilespmem:$0x1B800] =	vst v63  }
0x98: {  	s22 =	simm.s32 $0x7800  }
0x99: {  	[tilespmem:s22], [sflag:$0x1] =	stream.indirect_vreg.gather [hbm4b:s17+s9], $0x80, v5, vm0, $0xb8;
	[tilespmem:$0x1B800] =	vst v63  }
0x9a: {  	s23 =	simm.s32 $0x8000  }
0x9b: {  	[tilespmem:s23], [sflag:$0x1] =	stream.indirect_vreg.gather [hbm4b:s4+s9], $0x80, v4, vm0, $0xb8;
	[tilespmem:$0x1B800] =	vst v63  }
0x9c: {  	s24 =	simm.s32 $0x8800  }
0x9d: {  	[tilespmem:s24], [sflag:$0x1] =	stream.indirect_vreg.gather [hbm4b:s16+s9], $0x80, v4, vm0, $0xb8;
	[tilespmem:$0x1B800] =	vst v63  }
0x9e: {  	s25 =	simm.s32 $0x9000  }
0x9f: {  	[tilespmem:s25], [sflag:$0x1] =	stream.indirect_vreg.gather [hbm4b:s17+s9], $0x80, v4, vm0, $0xb8;
	[tilespmem:$0x1B800] =	vst v63  }
0xa0: {  	v4 =	vld [tilespmem:$0x180];
	_ =	sdelay $0x4  }
0xa1: {  	v5 =	vshrl.u32 v4, $0x3  }
0xa2: {  	v5 =	vmul.u32 $0x30, v5  }
0xa3: {  	v4 =	vand.u32 $0x7, v4  }
0xa4: {  	v4 =	vor.u32 v4, v5  }
0xa5: {  	v5 =	vperm.xlane v4, v0;
	_ =	sdelay $0x1  }
0xa6: {  	v5 =	vadd.s32 v1, v5;
	_ =	sdelay $0x3  }
0xa7: {  	s0 =	rddreg [dreg:$0x3];
	s26 =	simm.s32 $0x9800;
	v4 =	vperm.xlane v4, v2  }
0xa8: {  	[tilespmem:s26], [sflag:$0x1] =	stream.indirect_vreg.gather [hbm4b:s0+s9], $0x80, v5, vm0, $0xb8;
	[tilespmem:$0x1B800] =	vst v63  }
0xa9: {  	s29 =	simm.s32 $0xA000;
	v4 =	vadd.s32 v1, v4  }
0xaa: {  	[tilespmem:s29], [sflag:$0x1] =	stream.indirect_vreg.gather [hbm4b:s18+s9], $0x80, v5, vm0, $0xb8;
	[tilespmem:$0x1B800] =	vst v63  }
0xab: {  	s30 =	simm.s32 $0xA800  }
0xac: {  	[tilespmem:s30], [sflag:$0x1] =	stream.indirect_vreg.gather [hbm4b:s19+s9], $0x80, v5, vm0, $0xb8;
	[tilespmem:$0x1B800] =	vst v63  }
0xad: {  	s31 =	simm.s32 $0xB000  }
0xae: {  	[tilespmem:s31], [sflag:$0x1] =	stream.indirect_vreg.gather [hbm4b:s0+s9], $0x80, v4, vm0, $0xb8;
	[tilespmem:$0x1B800] =	vst v63  }
0xaf: {  	s3 =	simm.s32 $0xB800  }
0xb0: {  	[tilespmem:s3], [sflag:$0x1] =	stream.indirect_vreg.gather [hbm4b:s18+s9], $0x80, v4, vm0, $0xb8;
	[tilespmem:$0x1B800] =	vst v63  }
0xb1: {  	s7 =	simm.s32 $0xC000  }
0xb2: {  	[tilespmem:s7], [sflag:$0x1] =	stream.indirect_vreg.gather [hbm4b:s19+s9], $0x80, v4, vm0, $0xb8;
	[tilespmem:$0x1B800] =	vst v63  }
0xb3: {  	v4 =	vld [tilespmem:$0x200];
	_ =	sdelay $0x4  }
0xb4: {  	v5 =	vshrl.u32 v4, $0x3  }
0xb5: {  	v5 =	vmul.u32 $0x30, v5  }
0xb6: {  	v4 =	vand.u32 $0x7, v4  }
0xb7: {  	v4 =	vor.u32 v4, v5  }
0xb8: {  	v5 =	vperm.xlane v4, v0;
	_ =	sdelay $0x1  }
0xb9: {  	v5 =	vadd.s32 v1, v5;
	_ =	sdelay $0x3  }
0xba: {  	s8 =	simm.s32 $0xC800;
	v4 =	vperm.xlane v4, v2  }
0xbb: {  	[tilespmem:s8], [sflag:$0x1] =	stream.indirect_vreg.gather [hbm4b:s4+s9], $0x80, v5, vm0, $0xb8;
	[tilespmem:$0x1B800] =	vst v63  }
0xbc: {  	s10 =	simm.s32 $0xD000;
	v4 =	vadd.s32 v1, v4  }
0xbd: {  	[tilespmem:s10], [sflag:$0x1] =	stream.indirect_vreg.gather [hbm4b:s16+s9], $0x80, v5, vm0, $0xb8;
	[tilespmem:$0x1B800] =	vst v63  }
0xbe: {  	s11 =	simm.s32 $0xD800  }
0xbf: {  	[tilespmem:s11], [sflag:$0x1] =	stream.indirect_vreg.gather [hbm4b:s17+s9], $0x80, v5, vm0, $0xb8;
	[tilespmem:$0x1B800] =	vst v63  }
0xc0: {  	s21 =	simm.s32 $0xE000  }
0xc1: {  	[tilespmem:s21], [sflag:$0x1] =	stream.indirect_vreg.gather [hbm4b:s4+s9], $0x80, v4, vm0, $0xb8;
	[tilespmem:$0x1B800] =	vst v63  }
0xc2: {  	s22 =	simm.s32 $0xE800  }
0xc3: {  	[tilespmem:s22], [sflag:$0x1] =	stream.indirect_vreg.gather [hbm4b:s16+s9], $0x80, v4, vm0, $0xb8;
	[tilespmem:$0x1B800] =	vst v63  }
0xc4: {  	s23 =	simm.s32 $0xF000  }
0xc5: {  	[tilespmem:s23], [sflag:$0x1] =	stream.indirect_vreg.gather [hbm4b:s17+s9], $0x80, v4, vm0, $0xb8;
	[tilespmem:$0x1B800] =	vst v63  }
0xc6: {  	v4 =	vld [tilespmem:$0x280];
	_ =	sdelay $0x4  }
0xc7: {  	v5 =	vshrl.u32 v4, $0x3  }
0xc8: {  	v5 =	vmul.u32 $0x30, v5  }
0xc9: {  	v4 =	vand.u32 $0x7, v4  }
0xca: {  	v4 =	vor.u32 v4, v5  }
0xcb: {  	v5 =	vperm.xlane v4, v0;
	_ =	sdelay $0x1  }
0xcc: {  	v5 =	vadd.s32 v1, v5;
	_ =	sdelay $0x3  }
0xcd: {  	s24 =	simm.s32 $0xF800;
	v4 =	vperm.xlane v4, v2  }
0xce: {  	[tilespmem:s24], [sflag:$0x1] =	stream.indirect_vreg.gather [hbm4b:s0+s9], $0x80, v5, vm0, $0xb8;
	[tilespmem:$0x1B800] =	vst v63  }
0xcf: {  	s25 =	simm.s32 $0x10000;
	v4 =	vadd.s32 v1, v4  }
0xd0: {  	[tilespmem:s25], [sflag:$0x1] =	stream.indirect_vreg.gather [hbm4b:s18+s9], $0x80, v5, vm0, $0xb8;
	[tilespmem:$0x1B800] =	vst v63  }
0xd1: {  	s26 =	simm.s32 $0x10800  }
0xd2: {  	[tilespmem:s26], [sflag:$0x1] =	stream.indirect_vreg.gather [hbm4b:s19+s9], $0x80, v5, vm0, $0xb8;
	[tilespmem:$0x1B800] =	vst v63  }
0xd3: {  	s29 =	simm.s32 $0x11000  }
0xd4: {  	[tilespmem:s29], [sflag:$0x1] =	stream.indirect_vreg.gather [hbm4b:s0+s9], $0x80, v4, vm0, $0xb8;
	[tilespmem:$0x1B800] =	vst v63  }
0xd5: {  	s30 =	simm.s32 $0x11800  }
0xd6: {  	[tilespmem:s30], [sflag:$0x1] =	stream.indirect_vreg.gather [hbm4b:s18+s9], $0x80, v4, vm0, $0xb8;
	[tilespmem:$0x1B800] =	vst v63  }
0xd7: {  	s31 =	simm.s32 $0x12000  }
0xd8: {  	[tilespmem:s31], [sflag:$0x1] =	stream.indirect_vreg.gather [hbm4b:s19+s9], $0x80, v4, vm0, $0xb8;
	[tilespmem:$0x1B800] =	vst v63  }
0xd9: {  	v4 =	vld [tilespmem:$0x300];
	_ =	sdelay $0x4  }
0xda: {  	v5 =	vshrl.u32 v4, $0x3  }
0xdb: {  	v5 =	vmul.u32 $0x30, v5  }
0xdc: {  	v4 =	vand.u32 $0x7, v4  }
0xdd: {  	v4 =	vor.u32 v4, v5  }
0xde: {  	v5 =	vperm.xlane v4, v0;
	_ =	sdelay $0x1  }
0xdf: {  	v5 =	vadd.s32 v1, v5;
	_ =	sdelay $0x2  }
0xe0: {  	s21 =	sld [smem:$0x7F4]  }
0xe1: {  	s3 =	simm.s32 $0x12800;
	s31 =	rddreg [dreg:$0x4];
	v4 =	vperm.xlane v4, v2  }
0xe2: {  	[tilespmem:s3], [sflag:$0x1] =	stream.indirect_vreg.gather [hbm4b:s31+s9], $0x80, v5, vm0, $0xb8;
	[tilespmem:$0x1B800] =	vst v63  }
0xe3: {  	s7 =	simm.s32 $0x13000;
	s22 =	sld [smem:$0x7F7];
	v4 =	vadd.s32 v1, v4  }
0xe4: {  	[tilespmem:s7], [sflag:$0x1] =	stream.indirect_vreg.gather [hbm4b:s21+s9], $0x80, v5, vm0, $0xb8;
	[tilespmem:$0x1B800] =	vst v63  }
0xe5: {  	s8 =	simm.s32 $0x13800  }
0xe6: {  	[tilespmem:s8], [sflag:$0x1] =	stream.indirect_vreg.gather [hbm4b:s22+s9], $0x80, v5, vm0, $0xb8;
	[tilespmem:$0x1B800] =	vst v63  }
0xe7: {  	s10 =	simm.s32 $0x14000  }
0xe8: {  	[tilespmem:s10], [sflag:$0x1] =	stream.indirect_vreg.gather [hbm4b:s31+s9], $0x80, v4, vm0, $0xb8;
	[tilespmem:$0x1B800] =	vst v63  }
0xe9: {  	s11 =	simm.s32 $0x14800  }
0xea: {  	[tilespmem:s11], [sflag:$0x1] =	stream.indirect_vreg.gather [hbm4b:s21+s9], $0x80, v4, vm0, $0xb8;
	[tilespmem:$0x1B800] =	vst v63  }
0xeb: {  	s23 =	simm.s32 $0x15000  }
0xec: {  	[tilespmem:s23], [sflag:$0x1] =	stream.indirect_vreg.gather [hbm4b:s22+s9], $0x80, v4, vm0, $0xb8;
	[tilespmem:$0x1B800] =	vst v63  }
0xed: {  	v4 =	vld [tilespmem:$0x380];
	_ =	sdelay $0x4  }
0xee: {  	v5 =	vshrl.u32 v4, $0x3  }
0xef: {  	v5 =	vmul.u32 $0x30, v5  }
0xf0: {  	v4 =	vand.u32 $0x7, v4  }
0xf1: {  	v4 =	vor.u32 v4, v5  }
0xf2: {  	v5 =	vperm.xlane v4, v0;
	_ =	sdelay $0x1  }
0xf3: {  	v5 =	vadd.s32 v1, v5;
	_ =	sdelay $0x2  }
0xf4: {  	s30 =	rddreg [dreg:$0x5]  }
0xf5: {  	s24 =	simm.s32 $0x15800;
	s23 =	sld [smem:$0x7F9];
	v4 =	vperm.xlane v4, v2  }
0xf6: {  	[tilespmem:s24], [sflag:$0x1] =	stream.indirect_vreg.gather [hbm4b:s30+s9], $0x80, v5, vm0, $0xb8;
	[tilespmem:$0x1B800] =	vst v63  }
0xf7: {  	s25 =	simm.s32 $0x16000;
	v4 =	vadd.s32 v1, v4;
	s24 =	sld [smem:$0x7FA]  }
0xf8: {  	[tilespmem:s25], [sflag:$0x1] =	stream.indirect_vreg.gather [hbm4b:s23+s9], $0x80, v5, vm0, $0xb8;
	[tilespmem:$0x1B800] =	vst v63  }
0xf9: {  	s26 =	simm.s32 $0x16800  }
0xfa: {  	[tilespmem:s26], [sflag:$0x1] =	stream.indirect_vreg.gather [hbm4b:s24+s9], $0x80, v5, vm0, $0xb8;
	[tilespmem:$0x1B800] =	vst v63  }
0xfb: {  	s29 =	simm.s32 $0x17000  }
0xfc: {  	[tilespmem:s29], [sflag:$0x1] =	stream.indirect_vreg.gather [hbm4b:s30+s9], $0x80, v4, vm0, $0xb8;
	[tilespmem:$0x1B800] =	vst v63  }
0xfd: {  	s3 =	simm.s32 $0x17800  }
0xfe: {  	[tilespmem:s3], [sflag:$0x1] =	stream.indirect_vreg.gather [hbm4b:s23+s9], $0x80, v4, vm0, $0xb8;
	[tilespmem:$0x1B800] =	vst v63  }
0xff: {  	s7 =	simm.s32 $0x18000  }
0x100: {  	[tilespmem:s7], [sflag:$0x1] =	stream.indirect_vreg.gather [hbm4b:s24+s9], $0x80, v4, vm0, $0xb8;
	[tilespmem:$0x1B800] =	vst v63  }
0x101: {  	v4 =	vld [tilespmem:$0x400];
	_ =	sdelay $0x4  }
0x102: {  	v5 =	vshrl.u32 v4, $0x1  }
0x103: {  	v5 =	vmul.u32 $0xC, v5  }
0x104: {  	v4 =	vand.u32 $0x1, v4  }
0x105: {  	v4 =	vor.u32 v4, v5  }
0x106: {  	v5 =	vperm.xlane v4, v0;
	_ =	sdelay $0x1  }
0x107: {  	v5 =	vadd.s32 v3, v5;
	_ =	sdelay $0x2  }
0x108: {  	s10 =	rddreg [dreg:$0x6]  }
0x109: {  	s8 =	simm.s32 $0x18800;
	s26 =	sld [smem:$0x7FC]  }
0x10a: {  	[tilespmem:s8], [sflag:$0x1] =	stream.indirect_vreg.gather [hbm4b:s10+s9], $0x80, v5, vm0, $0xb8;
	[tilespmem:$0x1B800] =	vst v63  }
0x10b: {  	s25 =	simm.s32 $0x19000;
	v4 =	vperm.xlane v4, v2  }
0x10c: {  	[tilespmem:s25], [sflag:$0x1] =	stream.indirect_vreg.gather [hbm4b:s26+s9], $0x80, v5, vm0, $0xb8;
	[tilespmem:$0x1B800] =	vst v63  }
0x10d: {  	v4 =	vadd.s32 v3, v4;
	s25 =	sld [smem:$0x7FD];
	_ =	sdelay $0x1  }
0x10e: {  	s29 =	simm.s32 $0x19800  }
0x10f: {  	[tilespmem:s29], [sflag:$0x1] =	stream.indirect_vreg.gather [hbm4b:s25+s9], $0x80, v5, vm0, $0xb8;
	[tilespmem:$0x1B800] =	vst v63  }
0x110: {  	s7 =	simm.s32 $0x1A000  }
0x111: {  	[tilespmem:s7], [sflag:$0x1] =	stream.indirect_vreg.gather [hbm4b:s10+s9], $0x80, v4, vm0, $0xb8;
	[tilespmem:$0x1B800] =	vst v63  }
0x112: {  	s8 =	simm.s32 $0x1A800  }
0x113: {  	[tilespmem:s8], [sflag:$0x1] =	stream.indirect_vreg.gather [hbm4b:s26+s9], $0x80, v4, vm0, $0xb8;
	[tilespmem:$0x1B800] =	vst v63  }
0x114: {  	s10 =	simm.s32 $0x1B000  }
0x115: {  	[tilespmem:s10], [sflag:$0x1] =	stream.indirect_vreg.gather [hbm4b:s25+s9], $0x80, v4, vm0, $0xb8;
	[tilespmem:$0x1B800] =	vst v63  }
0x116: {  	_ =	swait.ge [sflag:s5], $0x3000  }
0x117: {  	[sflag:s5] =	ssyncset.done $0x0  }
0x118: {  	[sflag:s5] =	ssyncadd.s32 $0xFFFFD000  }
0x119: {  	_ =	swait.ge [sflag:s5], $0x3000  }
0x11a: {  	[sflag:s5] =	ssyncset.done $0x0  }
0x11b: {  	[sflag:s5] =	ssyncadd.s32 $0xFFFFD000  }
0x11c: {  	_ =	swait.ge [sflag:s5], $0x3000  }
0x11d: {  	[sflag:s5] =	ssyncset.done $0x0  }
0x11e: {  	[sflag:s5] =	ssyncadd.s32 $0xFFFFD000  }
0x11f: {  	_ =	swait.ge [sflag:s5], $0x3000  }
0x120: {  	[sflag:s5] =	ssyncset.done $0x0  }
0x121: {  	[sflag:s5] =	ssyncadd.s32 $0xFFFFD000  }
0x122: {  	_ =	swait.ge [sflag:s5], $0x3000  }
0x123: {  	[sflag:s5] =	ssyncset.done $0x0  }
0x124: {  	[sflag:s5] =	ssyncadd.s32 $0xFFFFD000  }
0x125: {  	_ =	swait.ge [sflag:s5], $0x3000  }
0x126: {  	[sflag:s5] =	ssyncset.done $0x0  }
0x127: {  	[sflag:s5] =	ssyncadd.s32 $0xFFFFD000  }
0x128: {  	_ =	swait.ge [sflag:s5], $0x3000  }
0x129: {  	[sflag:s5] =	ssyncset.done $0x0  }
0x12a: {  	[sflag:s5] =	ssyncadd.s32 $0xFFFFD000  }
0x12b: {  	_ =	swait.ge [sflag:s5], $0x3000  }
0x12c: {  	[sflag:s5] =	ssyncset.done $0x0  }
0x12d: {  	[sflag:s5] =	ssyncadd.s32 $0xFFFFD000  }
0x12e: {  	_ =	swait.ge [sflag:s5], $0x3000  }
0x12f: {  	s7 =	sld [smem:$0x7E7]  }
0x130: {  	[sflag:s5] =	ssyncset.done $0x0  }
0x131: {  	s2 =	simm.s32 $0x800;
	[sflag:s5] =	ssyncadd.s32 $0xFFFFD000  }
0x132: {  	[hbm4b:s7+s9] =	stream.linear.scatter [tilespmem:s2], [sflag:$0x2], $0x3000, $0x38;
	[tilespmem:$0x1B800] =	vst v63  }
0x133: {  	s10 =	simm.s32 $0x3800;
	s29 =	rddreg [dreg:$0x12]  }
0x134: {  	[hbm4b:s29+s9] =	stream.linear.scatter [tilespmem:s10], [sflag:$0x2], $0x3000, $0x38;
	[tilespmem:$0x1B800] =	vst v63  }
0x135: {  	s7 =	rddreg [dreg:$0x13];
	s29 =	simm.s32 $0x6800  }
0x136: {  	[hbm4b:s7+s9] =	stream.linear.scatter [tilespmem:s29], [sflag:$0x2], $0x3000, $0x38;
	[tilespmem:$0x1B800] =	vst v63  }
0x137: {  	s8 =	rddreg [dreg:$0x14];
	s29 =	simm.s32 $0x9800  }
0x138: {  	[hbm4b:s8+s9] =	stream.linear.scatter [tilespmem:s29], [sflag:$0x2], $0x3000, $0x38;
	[tilespmem:$0x1B800] =	vst v63  }
0x139: {  	s7 =	rddreg [dreg:$0x15];
	s29 =	simm.s32 $0xC800  }
0x13a: {  	[hbm4b:s7+s9] =	stream.linear.scatter [tilespmem:s29], [sflag:$0x2], $0x3000, $0x38;
	[tilespmem:$0x1B800] =	vst v63  }
0x13b: {  	s8 =	rddreg [dreg:$0x16];
	s29 =	simm.s32 $0xF800  }
0x13c: {  	[hbm4b:s8+s9] =	stream.linear.scatter [tilespmem:s29], [sflag:$0x2], $0x3000, $0x38;
	[tilespmem:$0x1B800] =	vst v63  }
0x13d: {  	s7 =	rddreg [dreg:$0x17]  }
0x13e: {  	[hbm4b:s7+s9] =	stream.linear.scatter [tilespmem:s14], [sflag:$0x2], $0x3000, $0x38;
	[tilespmem:$0x1B800] =	vst v63  }
0x13f: {  	s11 =	simm.s32 $0x15800;
	s8 =	rddreg [dreg:$0x18]  }
0x140: {  	[hbm4b:s8+s9] =	stream.linear.scatter [tilespmem:s11], [sflag:$0x2], $0x3000, $0x38;
	[tilespmem:$0x1B800] =	vst v63  }
0x141: {  	s3 =	simm.s32 $0x18800;
	s29 =	rddreg [dreg:$0x19]  }
0x142: {  	[hbm4b:s29+s9] =	stream.linear.scatter [tilespmem:s3], [sflag:$0x2], $0x3000, $0x38;
	[tilespmem:$0x1B800] =	vst v63  }
0x143: {  	_ =	swait.ge [sflag:s6], $0x3000  }
0x144: {  	[sflag:s6] =	ssyncset.done $0x0  }
0x145: {  	[sflag:s6] =	ssyncadd.s32 $0xFFFFD000  }
0x146: {  	_ =	swait.ge [sflag:s6], $0x3000  }
0x147: {  	[sflag:s6] =	ssyncset.done $0x0  }
0x148: {  	[sflag:s6] =	ssyncadd.s32 $0xFFFFD000  }
0x149: {  	_ =	swait.ge [sflag:s6], $0x3000  }
0x14a: {  	[sflag:s6] =	ssyncset.done $0x0  }
0x14b: {  	[sflag:s6] =	ssyncadd.s32 $0xFFFFD000  }
0x14c: {  	_ =	swait.ge [sflag:s6], $0x3000  }
0x14d: {  	[sflag:s6] =	ssyncset.done $0x0  }
0x14e: {  	[sflag:s6] =	ssyncadd.s32 $0xFFFFD000  }
0x14f: {  	_ =	swait.ge [sflag:s6], $0x3000  }
0x150: {  	[sflag:s6] =	ssyncset.done $0x0  }
0x151: {  	[sflag:s6] =	ssyncadd.s32 $0xFFFFD000  }
0x152: {  	_ =	swait.ge [sflag:s6], $0x3000  }
0x153: {  	[sflag:s6] =	ssyncset.done $0x0  }
0x154: {  	[sflag:s6] =	ssyncadd.s32 $0xFFFFD000  }
0x155: {  	_ =	swait.ge [sflag:s6], $0x3000  }
0x156: {  	[sflag:s6] =	ssyncset.done $0x0  }
0x157: {  	[sflag:s6] =	ssyncadd.s32 $0xFFFFD000  }
0x158: {  	_ =	swait.ge [sflag:s6], $0x3000  }
0x159: {  	[sflag:s6] =	ssyncset.done $0x0  }
0x15a: {  	[sflag:s6] =	ssyncadd.s32 $0xFFFFD000  }
0x15b: {  	_ =	swait.ge [sflag:s6], $0x3000  }
0x15c: {  	[sflag:s6] =	ssyncset.done $0x0  }
0x15d: {  	s8 =	rddreg [dreg:$0x1a];
	[sflag:s6] =	ssyncadd.s32 $0xFFFFD000  }
0x15e: {  	[tilespmem:s9], [sflag:$0x3] =	stream.linear.gather [hbm4b:s8+s9], $0x10, $0x38;
	[tilespmem:$0x1B800] =	vst v63  }
0x15f: {  	_ =	swait.ge [sflag:s28], $0x10  }
0x160: {  	[sflag:s28] =	ssyncset.done $0x0  }
0x161: {  	s29 =	simm.s32 $0x80;
	s11 =	rddreg [dreg:$0x1b];
	[sflag:s28] =	ssyncadd.s32 $0xFFFFFFF0  }
0x162: {  	[tilespmem:s29], [sflag:$0x3] =	stream.linear.gather [hbm4b:s11+s9], $0x10, $0x38;
	[tilespmem:$0x1B800] =	vst v63  }
0x163: {  	_ =	swait.ge [sflag:s28], $0x10  }
0x164: {  	[sflag:s28] =	ssyncset.done $0x0  }
0x165: {  	s8 =	simm.s32 $0x100;
	s3 =	rddreg [dreg:$0x1c];
	[sflag:s28] =	ssyncadd.s32 $0xFFFFFFF0  }
0x166: {  	[tilespmem:s8], [sflag:$0x3] =	stream.linear.gather [hbm4b:s3+s9], $0x10, $0x38;
	[tilespmem:$0x1B800] =	vst v63  }
0x167: {  	_ =	swait.ge [sflag:s28], $0x10  }
0x168: {  	[sflag:s28] =	ssyncset.done $0x0  }
0x169: {  	s29 =	simm.s32 $0x180;
	s11 =	rddreg [dreg:$0x1d];
	[sflag:s28] =	ssyncadd.s32 $0xFFFFFFF0  }
0x16a: {  	[tilespmem:s29], [sflag:$0x3] =	stream.linear.gather [hbm4b:s11+s9], $0x10, $0x38;
	[tilespmem:$0x1B800] =	vst v63  }
0x16b: {  	_ =	swait.ge [sflag:s28], $0x10  }
0x16c: {  	[sflag:s28] =	ssyncset.done $0x0  }
0x16d: {  	s8 =	simm.s32 $0x200;
	s3 =	rddreg [dreg:$0x1e];
	[sflag:s28] =	ssyncadd.s32 $0xFFFFFFF0  }
0x16e: {  	[tilespmem:s8], [sflag:$0x3] =	stream.linear.gather [hbm4b:s3+s9], $0x10, $0x38;
	[tilespmem:$0x1B800] =	vst v63  }
0x16f: {  	_ =	swait.ge [sflag:s28], $0x10  }
0x170: {  	[sflag:s28] =	ssyncset.done $0x0  }
0x171: {  	s29 =	simm.s32 $0x280;
	s11 =	rddreg [dreg:$0x1f];
	[sflag:s28] =	ssyncadd.s32 $0xFFFFFFF0  }
0x172: {  	[tilespmem:s29], [sflag:$0x3] =	stream.linear.gather [hbm4b:s11+s9], $0x10, $0x38;
	[tilespmem:$0x1B800] =	vst v63  }
0x173: {  	_ =	swait.ge [sflag:s28], $0x10  }
0x174: {  	s3 =	sld [smem:$0x7EB]  }
0x175: {  	[sflag:s28] =	ssyncset.done $0x0  }
0x176: {  	s8 =	simm.s32 $0x300;
	[sflag:s28] =	ssyncadd.s32 $0xFFFFFFF0  }
0x177: {  	[tilespmem:s8], [sflag:$0x3] =	stream.linear.gather [hbm4b:s3+s9], $0x10, $0x38;
	[tilespmem:$0x1B800] =	vst v63  }
0x178: {  	_ =	swait.ge [sflag:s28], $0x10  }
0x179: {  	s11 =	sld [smem:$0x7EC]  }
0x17a: {  	[sflag:s28] =	ssyncset.done $0x0  }
0x17b: {  	s29 =	simm.s32 $0x380;
	[sflag:s28] =	ssyncadd.s32 $0xFFFFFFF0  }
0x17c: {  	[tilespmem:s29], [sflag:$0x3] =	stream.linear.gather [hbm4b:s11+s9], $0x10, $0x38;
	[tilespmem:$0x1B800] =	vst v63  }
0x17d: {  	_ =	swait.ge [sflag:s28], $0x10  }
0x17e: {  	s8 =	sld [smem:$0x7EE]  }
0x17f: {  	[sflag:s28] =	ssyncset.done $0x0  }
0x180: {  	s11 =	simm.s32 $0x400;
	[sflag:s28] =	ssyncadd.s32 $0xFFFFFFF0  }
0x181: {  	[tilespmem:s11], [sflag:$0x3] =	stream.linear.gather [hbm4b:s8+s9], $0x10, $0x38;
	[tilespmem:$0x1B800] =	vst v63  }
0x182: {  	_ =	swait.ge [sflag:s28], $0x10  }
0x183: {  	[sflag:s28] =	ssyncset.done $0x0  }
0x184: {  	[sflag:s28] =	ssyncadd.s32 $0xFFFFFFF0  }
0x185: {  	v4 =	vld [tilespmem:$0x0];
	_ =	sdelay $0x4  }
0x186: {  	v5 =	vshrl.u32 v4, $0x3  }
0x187: {  	v5 =	vmul.u32 $0x30, v5  }
0x188: {  	v4 =	vand.u32 $0x7, v4  }
0x189: {  	v4 =	vor.u32 v4, v5  }
0x18a: {  	v5 =	vperm.xlane v4, v0;
	_ =	sdelay $0x1  }
0x18b: {  	v5 =	vadd.s32 v1, v5;
	_ =	sdelay $0x3  }
0x18c: {  	s3 =	rddreg [dreg:$0x0];
	v4 =	vperm.xlane v4, v2  }
0x18d: {  	[tilespmem:s2], [sflag:$0x1] =	stream.indirect_vreg.gather [hbm4b:s3+s9], $0x80, v5, vm0, $0xb8;
	[tilespmem:$0x1B800] =	vst v63  }
0x18e: {  	s29 =	simm.s32 $0x1000;
	v4 =	vadd.s32 v1, v4  }
0x18f: {  	[tilespmem:s29], [sflag:$0x1] =	stream.indirect_vreg.gather [hbm4b:s12+s9], $0x80, v5, vm0, $0xb8;
	[tilespmem:$0x1B800] =	vst v63  }
0x190: {  	s7 =	simm.s32 $0x1800  }
0x191: {  	[tilespmem:s7], [sflag:$0x1] =	stream.indirect_vreg.gather [hbm4b:s13+s9], $0x80, v5, vm0, $0xb8;
	[tilespmem:$0x1B800] =	vst v63  }
0x192: {  	s11 =	simm.s32 $0x2000  }
0x193: {  	[tilespmem:s11], [sflag:$0x1] =	stream.indirect_vreg.gather [hbm4b:s3+s9], $0x80, v4, vm0, $0xb8;
	[tilespmem:$0x1B800] =	vst v63  }
0x194: {  	s29 =	simm.s32 $0x2800  }
0x195: {  	[tilespmem:s29], [sflag:$0x1] =	stream.indirect_vreg.gather [hbm4b:s12+s9], $0x80, v4, vm0, $0xb8;
	[tilespmem:$0x1B800] =	vst v63  }
0x196: {  	s3 =	simm.s32 $0x3000  }
0x197: {  	[tilespmem:s3], [sflag:$0x1] =	stream.indirect_vreg.gather [hbm4b:s13+s9], $0x80, v4, vm0, $0xb8;
	[tilespmem:$0x1B800] =	vst v63  }
0x198: {  	v4 =	vld [tilespmem:$0x80];
	_ =	sdelay $0x4  }
0x199: {  	v5 =	vshrl.u32 v4, $0x3  }
0x19a: {  	v5 =	vmul.u32 $0x30, v5  }
0x19b: {  	v4 =	vand.u32 $0x7, v4  }
0x19c: {  	v4 =	vor.u32 v4, v5  }
0x19d: {  	v5 =	vperm.xlane v4, v0;
	_ =	sdelay $0x1  }
0x19e: {  	v5 =	vadd.s32 v1, v5;
	_ =	sdelay $0x3  }
0x19f: {  	s7 =	rddreg [dreg:$0x1];
	v4 =	vperm.xlane v4, v2  }
0x1a0: {  	[tilespmem:s10], [sflag:$0x1] =	stream.indirect_vreg.gather [hbm4b:s7+s9], $0x80, v5, vm0, $0xb8;
	[tilespmem:$0x1B800] =	vst v63  }
0x1a1: {  	v4 =	vadd.s32 v1, v4;
	s10 =	simm.s32 $0x4000  }
0x1a2: {  	[tilespmem:s10], [sflag:$0x1] =	stream.indirect_vreg.gather [hbm4b:s15+s9], $0x80, v5, vm0, $0xb8;
	[tilespmem:$0x1B800] =	vst v63  }
0x1a3: {  	s11 =	simm.s32 $0x4800  }
0x1a4: {  	[tilespmem:s11], [sflag:$0x1] =	stream.indirect_vreg.gather [hbm4b:s1+s9], $0x80, v5, vm0, $0xb8;
	[tilespmem:$0x1B800] =	vst v63  }
0x1a5: {  	s13 =	simm.s32 $0x5000  }
0x1a6: {  	[tilespmem:s13], [sflag:$0x1] =	stream.indirect_vreg.gather [hbm4b:s7+s9], $0x80, v4, vm0, $0xb8;
	[tilespmem:$0x1B800] =	vst v63  }
0x1a7: {  	s29 =	simm.s32 $0x5800  }
0x1a8: {  	[tilespmem:s29], [sflag:$0x1] =	stream.indirect_vreg.gather [hbm4b:s15+s9], $0x80, v4, vm0, $0xb8;
	[tilespmem:$0x1B800] =	vst v63  }
0x1a9: {  	s3 =	simm.s32 $0x6000  }
0x1aa: {  	[tilespmem:s3], [sflag:$0x1] =	stream.indirect_vreg.gather [hbm4b:s1+s9], $0x80, v4, vm0, $0xb8;
	[tilespmem:$0x1B800] =	vst v63  }
0x1ab: {  	v4 =	vld [tilespmem:$0x100];
	_ =	sdelay $0x4  }
0x1ac: {  	v5 =	vshrl.u32 v4, $0x3  }
0x1ad: {  	v5 =	vmul.u32 $0x30, v5  }
0x1ae: {  	v4 =	vand.u32 $0x7, v4  }
0x1af: {  	v4 =	vor.u32 v4, v5  }
0x1b0: {  	v5 =	vperm.xlane v4, v0;
	_ =	sdelay $0x1  }
0x1b1: {  	v5 =	vadd.s32 v1, v5;
	_ =	sdelay $0x3  }
0x1b2: {  	s1 =	simm.s32 $0x6800;
	v4 =	vperm.xlane v4, v2  }
0x1b3: {  	[tilespmem:s1], [sflag:$0x1] =	stream.indirect_vreg.gather [hbm4b:s4+s9], $0x80, v5, vm0, $0xb8;
	[tilespmem:$0x1B800] =	vst v63  }
0x1b4: {  	s7 =	simm.s32 $0x7000;
	v4 =	vadd.s32 v1, v4  }
0x1b5: {  	[tilespmem:s7], [sflag:$0x1] =	stream.indirect_vreg.gather [hbm4b:s16+s9], $0x80, v5, vm0, $0xb8;
	[tilespmem:$0x1B800] =	vst v63  }
0x1b6: {  	s10 =	simm.s32 $0x7800  }
0x1b7: {  	[tilespmem:s10], [sflag:$0x1] =	stream.indirect_vreg.gather [hbm4b:s17+s9], $0x80, v5, vm0, $0xb8;
	[tilespmem:$0x1B800] =	vst v63  }
0x1b8: {  	s11 =	simm.s32 $0x8000  }
0x1b9: {  	[tilespmem:s11], [sflag:$0x1] =	stream.indirect_vreg.gather [hbm4b:s4+s9], $0x80, v4, vm0, $0xb8;
	[tilespmem:$0x1B800] =	vst v63  }
0x1ba: {  	s13 =	simm.s32 $0x8800  }
0x1bb: {  	[tilespmem:s13], [sflag:$0x1] =	stream.indirect_vreg.gather [hbm4b:s16+s9], $0x80, v4, vm0, $0xb8;
	[tilespmem:$0x1B800] =	vst v63  }
0x1bc: {  	s15 =	simm.s32 $0x9000  }
0x1bd: {  	[tilespmem:s15], [sflag:$0x1] =	stream.indirect_vreg.gather [hbm4b:s17+s9], $0x80, v4, vm0, $0xb8;
	[tilespmem:$0x1B800] =	vst v63  }
0x1be: {  	v4 =	vld [tilespmem:$0x180];
	_ =	sdelay $0x4  }
0x1bf: {  	v5 =	vshrl.u32 v4, $0x3  }
0x1c0: {  	v5 =	vmul.u32 $0x30, v5  }
0x1c1: {  	v4 =	vand.u32 $0x7, v4  }
0x1c2: {  	v4 =	vor.u32 v4, v5  }
0x1c3: {  	v5 =	vperm.xlane v4, v0;
	_ =	sdelay $0x1  }
0x1c4: {  	v5 =	vadd.s32 v1, v5;
	_ =	sdelay $0x3  }
0x1c5: {  	s10 =	simm.s32 $0x9800;
	v4 =	vperm.xlane v4, v2  }
0x1c6: {  	[tilespmem:s10], [sflag:$0x1] =	stream.indirect_vreg.gather [hbm4b:s0+s9], $0x80, v5, vm0, $0xb8;
	[tilespmem:$0x1B800] =	vst v63  }
0x1c7: {  	s29 =	simm.s32 $0xA000;
	v4 =	vadd.s32 v1, v4  }
0x1c8: {  	[tilespmem:s29], [sflag:$0x1] =	stream.indirect_vreg.gather [hbm4b:s18+s9], $0x80, v5, vm0, $0xb8;
	[tilespmem:$0x1B800] =	vst v63  }
0x1c9: {  	s3 =	simm.s32 $0xA800  }
0x1ca: {  	[tilespmem:s3], [sflag:$0x1] =	stream.indirect_vreg.gather [hbm4b:s19+s9], $0x80, v5, vm0, $0xb8;
	[tilespmem:$0x1B800] =	vst v63  }
0x1cb: {  	s7 =	simm.s32 $0xB000  }
0x1cc: {  	[tilespmem:s7], [sflag:$0x1] =	stream.indirect_vreg.gather [hbm4b:s0+s9], $0x80, v4, vm0, $0xb8;
	[tilespmem:$0x1B800] =	vst v63  }
0x1cd: {  	s11 =	simm.s32 $0xB800  }
0x1ce: {  	[tilespmem:s11], [sflag:$0x1] =	stream.indirect_vreg.gather [hbm4b:s18+s9], $0x80, v4, vm0, $0xb8;
	[tilespmem:$0x1B800] =	vst v63  }
0x1cf: {  	s13 =	simm.s32 $0xC000  }
0x1d0: {  	[tilespmem:s13], [sflag:$0x1] =	stream.indirect_vreg.gather [hbm4b:s19+s9], $0x80, v4, vm0, $0xb8;
	[tilespmem:$0x1B800] =	vst v63  }
0x1d1: {  	v4 =	vld [tilespmem:$0x200];
	_ =	sdelay $0x4  }
0x1d2: {  	v5 =	vshrl.u32 v4, $0x3  }
0x1d3: {  	v5 =	vmul.u32 $0x30, v5  }
0x1d4: {  	v4 =	vand.u32 $0x7, v4  }
0x1d5: {  	v4 =	vor.u32 v4, v5  }
0x1d6: {  	v5 =	vperm.xlane v4, v0;
	_ =	sdelay $0x1  }
0x1d7: {  	v5 =	vadd.s32 v1, v5;
	_ =	sdelay $0x3  }
0x1d8: {  	s11 =	simm.s32 $0xC800;
	v4 =	vperm.xlane v4, v2  }
0x1d9: {  	[tilespmem:s11], [sflag:$0x1] =	stream.indirect_vreg.gather [hbm4b:s4+s9], $0x80, v5, vm0, $0xb8;
	[tilespmem:$0x1B800] =	vst v63  }
0x1da: {  	s15 =	simm.s32 $0xD000;
	v4 =	vadd.s32 v1, v4  }
0x1db: {  	[tilespmem:s15], [sflag:$0x1] =	stream.indirect_vreg.gather [hbm4b:s16+s9], $0x80, v5, vm0, $0xb8;
	[tilespmem:$0x1B800] =	vst v63  }
0x1dc: {  	s29 =	simm.s32 $0xD800  }
0x1dd: {  	[tilespmem:s29], [sflag:$0x1] =	stream.indirect_vreg.gather [hbm4b:s17+s9], $0x80, v5, vm0, $0xb8;
	[tilespmem:$0x1B800] =	vst v63  }
0x1de: {  	s3 =	simm.s32 $0xE000  }
0x1df: {  	[tilespmem:s3], [sflag:$0x1] =	stream.indirect_vreg.gather [hbm4b:s4+s9], $0x80, v4, vm0, $0xb8;
	[tilespmem:$0x1B800] =	vst v63  }
0x1e0: {  	s4 =	simm.s32 $0xE800  }
0x1e1: {  	[tilespmem:s4], [sflag:$0x1] =	stream.indirect_vreg.gather [hbm4b:s16+s9], $0x80, v4, vm0, $0xb8;
	[tilespmem:$0x1B800] =	vst v63  }
0x1e2: {  	s7 =	simm.s32 $0xF000  }
0x1e3: {  	[tilespmem:s7], [sflag:$0x1] =	stream.indirect_vreg.gather [hbm4b:s17+s9], $0x80, v4, vm0, $0xb8;
	[tilespmem:$0x1B800] =	vst v63  }
0x1e4: {  	v4 =	vld [tilespmem:$0x280];
	_ =	sdelay $0x4  }
0x1e5: {  	v5 =	vshrl.u32 v4, $0x3  }
0x1e6: {  	v5 =	vmul.u32 $0x30, v5  }
0x1e7: {  	v4 =	vand.u32 $0x7, v4  }
0x1e8: {  	v4 =	vor.u32 v4, v5  }
0x1e9: {  	v5 =	vperm.xlane v4, v0;
	_ =	sdelay $0x1  }
0x1ea: {  	v5 =	vadd.s32 v1, v5;
	_ =	sdelay $0x3  }
0x1eb: {  	s4 =	simm.s32 $0xF800;
	v4 =	vperm.xlane v4, v2  }
0x1ec: {  	[tilespmem:s4], [sflag:$0x1] =	stream.indirect_vreg.gather [hbm4b:s0+s9], $0x80, v5, vm0, $0xb8;
	[tilespmem:$0x1B800] =	vst v63  }
0x1ed: {  	s13 =	simm.s32 $0x10000;
	v4 =	vadd.s32 v1, v4  }
0x1ee: {  	[tilespmem:s13], [sflag:$0x1] =	stream.indirect_vreg.gather [hbm4b:s18+s9], $0x80, v5, vm0, $0xb8;
	[tilespmem:$0x1B800] =	vst v63  }
0x1ef: {  	s15 =	simm.s32 $0x10800  }
0x1f0: {  	[tilespmem:s15], [sflag:$0x1] =	stream.indirect_vreg.gather [hbm4b:s19+s9], $0x80, v5, vm0, $0xb8;
	[tilespmem:$0x1B800] =	vst v63  }
0x1f1: {  	s29 =	simm.s32 $0x11000  }
0x1f2: {  	[tilespmem:s29], [sflag:$0x1] =	stream.indirect_vreg.gather [hbm4b:s0+s9], $0x80, v4, vm0, $0xb8;
	[tilespmem:$0x1B800] =	vst v63  }
0x1f3: {  	s3 =	simm.s32 $0x11800  }
0x1f4: {  	[tilespmem:s3], [sflag:$0x1] =	stream.indirect_vreg.gather [hbm4b:s18+s9], $0x80, v4, vm0, $0xb8;
	[tilespmem:$0x1B800] =	vst v63  }
0x1f5: {  	s7 =	simm.s32 $0x12000  }
0x1f6: {  	[tilespmem:s7], [sflag:$0x1] =	stream.indirect_vreg.gather [hbm4b:s19+s9], $0x80, v4, vm0, $0xb8;
	[tilespmem:$0x1B800] =	vst v63  }
0x1f7: {  	v4 =	vld [tilespmem:$0x300];
	_ =	sdelay $0x4  }
0x1f8: {  	v5 =	vshrl.u32 v4, $0x3  }
0x1f9: {  	v5 =	vmul.u32 $0x30, v5  }
0x1fa: {  	v4 =	vand.u32 $0x7, v4  }
0x1fb: {  	v4 =	vor.u32 v4, v5  }
0x1fc: {  	v5 =	vperm.xlane v4, v0;
	_ =	sdelay $0x1  }
0x1fd: {  	v5 =	vadd.s32 v1, v5;
	_ =	sdelay $0x3  }
0x1fe: {  	s0 =	simm.s32 $0x12800;
	v4 =	vperm.xlane v4, v2  }
0x1ff: {  	[tilespmem:s0], [sflag:$0x1] =	stream.indirect_vreg.gather [hbm4b:s31+s9], $0x80, v5, vm0, $0xb8;
	[tilespmem:$0x1B800] =	vst v63  }
0x200: {  	s13 =	simm.s32 $0x13000;
	v4 =	vadd.s32 v1, v4  }
0x201: {  	[tilespmem:s13], [sflag:$0x1] =	stream.indirect_vreg.gather [hbm4b:s21+s9], $0x80, v5, vm0, $0xb8;
	[tilespmem:$0x1B800] =	vst v63  }
0x202: {  	s15 =	simm.s32 $0x13800  }
0x203: {  	[tilespmem:s15], [sflag:$0x1] =	stream.indirect_vreg.gather [hbm4b:s22+s9], $0x80, v5, vm0, $0xb8;
	[tilespmem:$0x1B800] =	vst v63  }
0x204: {  	s29 =	simm.s32 $0x14000  }
0x205: {  	[tilespmem:s29], [sflag:$0x1] =	stream.indirect_vreg.gather [hbm4b:s31+s9], $0x80, v4, vm0, $0xb8;
	[tilespmem:$0x1B800] =	vst v63  }
0x206: {  	s31 =	simm.s32 $0x14800  }
0x207: {  	[tilespmem:s31], [sflag:$0x1] =	stream.indirect_vreg.gather [hbm4b:s21+s9], $0x80, v4, vm0, $0xb8;
	[tilespmem:$0x1B800] =	vst v63  }
0x208: {  	s3 =	simm.s32 $0x15000  }
0x209: {  	[tilespmem:s3], [sflag:$0x1] =	stream.indirect_vreg.gather [hbm4b:s22+s9], $0x80, v4, vm0, $0xb8;
	[tilespmem:$0x1B800] =	vst v63  }
0x20a: {  	v4 =	vld [tilespmem:$0x380];
	_ =	sdelay $0x4  }
0x20b: {  	v5 =	vshrl.u32 v4, $0x3  }
0x20c: {  	v5 =	vmul.u32 $0x30, v5  }
0x20d: {  	v4 =	vand.u32 $0x7, v4  }
0x20e: {  	v4 =	vor.u32 v4, v5  }
0x20f: {  	v5 =	vperm.xlane v4, v0;
	_ =	sdelay $0x1  }
0x210: {  	v5 =	vadd.s32 v1, v5;
	_ =	sdelay $0x3  }
0x211: {  	s13 =	simm.s32 $0x15800;
	v4 =	vperm.xlane v4, v2  }
0x212: {  	[tilespmem:s13], [sflag:$0x1] =	stream.indirect_vreg.gather [hbm4b:s30+s9], $0x80, v5, vm0, $0xb8;
	[tilespmem:$0x1B800] =	vst v63  }
0x213: {  	s7 =	simm.s32 $0x16000;
	v4 =	vadd.s32 v1, v4  }
0x214: {  	[tilespmem:s7], [sflag:$0x1] =	stream.indirect_vreg.gather [hbm4b:s23+s9], $0x80, v5, vm0, $0xb8;
	[tilespmem:$0x1B800] =	vst v63  }
0x215: {  	s15 =	simm.s32 $0x16800  }
0x216: {  	[tilespmem:s15], [sflag:$0x1] =	stream.indirect_vreg.gather [hbm4b:s24+s9], $0x80, v5, vm0, $0xb8;
	[tilespmem:$0x1B800] =	vst v63  }
0x217: {  	s21 =	simm.s32 $0x17000  }
0x218: {  	[tilespmem:s21], [sflag:$0x1] =	stream.indirect_vreg.gather [hbm4b:s30+s9], $0x80, v4, vm0, $0xb8;
	[tilespmem:$0x1B800] =	vst v63  }
0x219: {  	s22 =	simm.s32 $0x17800  }
0x21a: {  	[tilespmem:s22], [sflag:$0x1] =	stream.indirect_vreg.gather [hbm4b:s23+s9], $0x80, v4, vm0, $0xb8;
	[tilespmem:$0x1B800] =	vst v63  }
0x21b: {  	s23 =	simm.s32 $0x18000  }
0x21c: {  	[tilespmem:s23], [sflag:$0x1] =	stream.indirect_vreg.gather [hbm4b:s24+s9], $0x80, v4, vm0, $0xb8;
	[tilespmem:$0x1B800] =	vst v63  }
0x21d: {  	v4 =	vld [tilespmem:$0x400];
	_ =	sdelay $0x4  }
0x21e: {  	v5 =	vshrl.u32 v4, $0x1  }
0x21f: {  	v5 =	vmul.u32 $0xC, v5  }
0x220: {  	v4 =	vand.u32 $0x1, v4  }
0x221: {  	v4 =	vor.u32 v4, v5  }
0x222: {  	v5 =	vperm.xlane v4, v0;
	_ =	sdelay $0x1  }
0x223: {  	v5 =	vadd.s32 v3, v5;
	_ =	sdelay $0x3  }
0x224: {  	s3 =	simm.s32 $0x18800;
	s24 =	rddreg [dreg:$0x6];
	v4 =	vperm.xlane v4, v2  }
0x225: {  	[tilespmem:s3], [sflag:$0x1] =	stream.indirect_vreg.gather [hbm4b:s24+s9], $0x80, v5, vm0, $0xb8;
	[tilespmem:$0x1B800] =	vst v63  }
0x226: {  	s29 =	simm.s32 $0x19000;
	v4 =	vadd.s32 v3, v4  }
0x227: {  	[tilespmem:s29], [sflag:$0x1] =	stream.indirect_vreg.gather [hbm4b:s26+s9], $0x80, v5, vm0, $0xb8;
	[tilespmem:$0x1B800] =	vst v63  }
0x228: {  	s30 =	simm.s32 $0x19800  }
0x229: {  	[tilespmem:s30], [sflag:$0x1] =	stream.indirect_vreg.gather [hbm4b:s25+s9], $0x80, v5, vm0, $0xb8;
	[tilespmem:$0x1B800] =	vst v63  }
0x22a: {  	s31 =	simm.s32 $0x1A000  }
0x22b: {  	[tilespmem:s31], [sflag:$0x1] =	stream.indirect_vreg.gather [hbm4b:s24+s9], $0x80, v4, vm0, $0xb8;
	[tilespmem:$0x1B800] =	vst v63  }
0x22c: {  	s7 =	simm.s32 $0x1A800  }
0x22d: {  	[tilespmem:s7], [sflag:$0x1] =	stream.indirect_vreg.gather [hbm4b:s26+s9], $0x80, v4, vm0, $0xb8;
	[tilespmem:$0x1B800] =	vst v63  }
0x22e: {  	s15 =	simm.s32 $0x1B000  }
0x22f: {  	[tilespmem:s15], [sflag:$0x1] =	stream.indirect_vreg.gather [hbm4b:s25+s9], $0x80, v4, vm0, $0xb8;
	[tilespmem:$0x1B800] =	vst v63  }
0x230: {  	_ =	swait.ge [sflag:s5], $0x3000  }
0x231: {  	[sflag:s5] =	ssyncset.done $0x0  }
0x232: {  	[sflag:s5] =	ssyncadd.s32 $0xFFFFD000  }
0x233: {  	_ =	swait.ge [sflag:s5], $0x3000  }
0x234: {  	[sflag:s5] =	ssyncset.done $0x0  }
0x235: {  	[sflag:s5] =	ssyncadd.s32 $0xFFFFD000  }
0x236: {  	_ =	swait.ge [sflag:s5], $0x3000  }
0x237: {  	[sflag:s5] =	ssyncset.done $0x0  }
0x238: {  	[sflag:s5] =	ssyncadd.s32 $0xFFFFD000  }
0x239: {  	_ =	swait.ge [sflag:s5], $0x3000  }
0x23a: {  	[sflag:s5] =	ssyncset.done $0x0  }
0x23b: {  	[sflag:s5] =	ssyncadd.s32 $0xFFFFD000  }
0x23c: {  	_ =	swait.ge [sflag:s5], $0x3000  }
0x23d: {  	[sflag:s5] =	ssyncset.done $0x0  }
0x23e: {  	[sflag:s5] =	ssyncadd.s32 $0xFFFFD000  }
0x23f: {  	_ =	swait.ge [sflag:s5], $0x3000  }
0x240: {  	[sflag:s5] =	ssyncset.done $0x0  }
0x241: {  	[sflag:s5] =	ssyncadd.s32 $0xFFFFD000  }
0x242: {  	_ =	swait.ge [sflag:s5], $0x3000  }
0x243: {  	[sflag:s5] =	ssyncset.done $0x0  }
0x244: {  	[sflag:s5] =	ssyncadd.s32 $0xFFFFD000  }
0x245: {  	_ =	swait.ge [sflag:s5], $0x3000  }
0x246: {  	[sflag:s5] =	ssyncset.done $0x0  }
0x247: {  	[sflag:s5] =	ssyncadd.s32 $0xFFFFD000  }
0x248: {  	_ =	swait.ge [sflag:s5], $0x3000  }
0x249: {  	s22 =	sld [smem:$0x7F6]  }
0x24a: {  	[sflag:s5] =	ssyncset.done $0x0  }
0x24b: {  	s8 =	simm.s32 $0x800;
	s21 =	sld [smem:$0x7EF];
	[sflag:s5] =	ssyncadd.s32 $0xFFFFD000  }
0x24c: {  	[hbm4b:s22+s9] =	stream.linear.scatter [tilespmem:s8], [sflag:$0x2], $0x3000, $0x38;
	[tilespmem:$0x1B800] =	vst v63  }
0x24d: {  	s12 =	simm.s32 $0x3800;
	s23 =	sld [smem:$0x7F0]  }
0x24e: {  	[hbm4b:s21+s9] =	stream.linear.scatter [tilespmem:s12], [sflag:$0x2], $0x3000, $0x38;
	[tilespmem:$0x1B800] =	vst v63  }
0x24f: {  	s24 =	sld [smem:$0x7F1]  }
0x250: {  	[hbm4b:s23+s9] =	stream.linear.scatter [tilespmem:s1], [sflag:$0x2], $0x3000, $0x38;
	[tilespmem:$0x1B800] =	vst v63  }
0x251: {  	s25 =	sld [smem:$0x7F2]  }
0x252: {  	[hbm4b:s24+s9] =	stream.linear.scatter [tilespmem:s10], [sflag:$0x2], $0x3000, $0x38;
	[tilespmem:$0x1B800] =	vst v63  }
0x253: {  	s26 =	sld [smem:$0x7F3]  }
0x254: {  	[hbm4b:s25+s9] =	stream.linear.scatter [tilespmem:s11], [sflag:$0x2], $0x3000, $0x38;
	[tilespmem:$0x1B800] =	vst v63  }
0x255: {  	s29 =	sld [smem:$0x7F5]  }
0x256: {  	[hbm4b:s26+s9] =	stream.linear.scatter [tilespmem:s4], [sflag:$0x2], $0x3000, $0x38;
	[tilespmem:$0x1B800] =	vst v63  }
0x257: {  	s30 =	sld [smem:$0x7F8]  }
0x258: {  	[hbm4b:s29+s9] =	stream.linear.scatter [tilespmem:s0], [sflag:$0x2], $0x3000, $0x38;
	[tilespmem:$0x1B800] =	vst v63  }
0x259: {  	s31 =	sld [smem:$0x7FB]  }
0x25a: {  	[hbm4b:s30+s9] =	stream.linear.scatter [tilespmem:s13], [sflag:$0x2], $0x3000, $0x38;
	[tilespmem:$0x1B800] =	vst v63  }
0x25b: {  	_ = 	snop  }
0x25c: {  	[hbm4b:s31+s9] =	stream.linear.scatter [tilespmem:s3], [sflag:$0x2], $0x3000, $0x38;
	[tilespmem:$0x1B800] =	vst v63  }
0x25d: {  	_ =	swait.ge [sflag:s6], $0x3000  }
0x25e: {  	[sflag:s6] =	ssyncset.done $0x0  }
0x25f: {  	[sflag:s6] =	ssyncadd.s32 $0xFFFFD000  }
0x260: {  	_ =	swait.ge [sflag:s6], $0x3000  }
0x261: {  	[sflag:s6] =	ssyncset.done $0x0  }
0x262: {  	[sflag:s6] =	ssyncadd.s32 $0xFFFFD000  }
0x263: {  	_ =	swait.ge [sflag:s6], $0x3000  }
0x264: {  	[sflag:s6] =	ssyncset.done $0x0  }
0x265: {  	[sflag:s6] =	ssyncadd.s32 $0xFFFFD000  }
0x266: {  	_ =	swait.ge [sflag:s6], $0x3000  }
0x267: {  	[sflag:s6] =	ssyncset.done $0x0  }
0x268: {  	[sflag:s6] =	ssyncadd.s32 $0xFFFFD000  }
0x269: {  	_ =	swait.ge [sflag:s6], $0x3000  }
0x26a: {  	[sflag:s6] =	ssyncset.done $0x0  }
0x26b: {  	[sflag:s6] =	ssyncadd.s32 $0xFFFFD000  }
0x26c: {  	_ =	swait.ge [sflag:s6], $0x3000  }
0x26d: {  	[sflag:s6] =	ssyncset.done $0x0  }
0x26e: {  	[sflag:s6] =	ssyncadd.s32 $0xFFFFD000  }
0x26f: {  	_ =	swait.ge [sflag:s6], $0x3000  }
0x270: {  	[sflag:s6] =	ssyncset.done $0x0  }
0x271: {  	[sflag:s6] =	ssyncadd.s32 $0xFFFFD000  }
0x272: {  	p0 =	sne.s32 s20, $0x1;
	_ =	swait.ge [sflag:s6], $0x3000  }
.Ltmp0:
0x273: {  	[sflag:s6] =	ssyncset.done $0x0;
	(pc) =	sbr.rel @p0 .LBB2_1-.Ltmp0, $4  }
0x274: {  	[sflag:s6] =	ssyncadd.s32 $0xFFFFD000  }
0x275: {  	_ =	swait.ge [sflag:s6], $0x3000  }
0x276: {  	[sflag:s6] =	ssyncset.done $0x0  }
0x277: {  	s20 =	sadd.s32 $0xFFFFFFFF, s20;
	[sflag:s6] =	ssyncadd.s32 $0xFFFFD000  }
0x278: {  	_ =	sfence.sel $0x180000  }
0x279: {  	[bflag:$0x0] =	sbarrier.arrive $0xFFFF  }
0x27a: {  	_ =	strace $0x90000047  }
0x27b: {  	s0 =	stileid.u32;
	[bflag:$0x2] =	sbarrier.arrive $0xFFFF  }
0x27c: {  	p0 =	sne.s32 s0, $0x0;
	s0 =	rddreg [dreg:$0x8]  }
0x27d: {  	s0 =	sadd.s32 @!p0 $0x100000, s0  }
0x27e: {  	[sflag:s0] =	ssyncadd.tile.s32 @!p0 $0x1;
	_ =	shalt  }
.Lfunc_end2:
_tile_overlayer_lowered:
.L_overlay_start_2:
0x27f: {  	(tag) =	ssettag $0x2  }
0x280: {  	s0 =	rddreg [dreg:$0x0];
	s2 =	stileid.u32  }
0x281: {  	s1 =	rddreg [dreg:$0x1];
	p0 =	sne.s32 s2, $0x0  }
0x282: {  	s3 =	rddreg [dreg:$0x2];
	[bflag:$0x3] =	sbarrier.arrive $0xFFFF;
	s2 =	simm.s32 @!p0 $0x1C03  }
0x283: {  	[timem:s3], [sflag:s2] =	dma.local @!p0 [hbm:s0], s1  }
0x284: {  	s0 =	simm.s32 @!p0 $0x3  }
0x285: {  	_ =	swait.ge @!p0 [sflag:s0], s1  }
0x286: {  	s1 =	ssub.s32 @!p0 $0x0, s1;
	[sflag:s0] =	ssyncset.done @!p0 $0x0  }
0x287: {  	[sflag:s0] =	ssyncadd.s32 @!p0 s1  }
0x288: {  	[bflag:$0x3] =	sbarrier.arrive $0xFFFF  }
0x289: {  	_ =	shalt  }

</sc_bundles>
